<compile_context>
chip_gen: v7x
topology: tpu7x:2x2x1
jax: 0.10.2.dev20260603
libtpu: 0.0.44.dev20260713+nightly
codegen_flags: <defaults>
</compile_context>

<pallas_src>
import functools

import jax
import jax.numpy as jnp
from jax import lax
from jax.experimental import pallas as pl
from jax.experimental.pallas import tpu as pltpu
from jax.experimental.pallas import tpu_sc as plsc

_NC = 2
_NS = 16
_LANES = 16


def _make_sc_kernel(n, actions, emb, delta):
    nw = _NC * _NS
    nf = delta + 1
    nfp = _LANES
    et_n = emb // 8
    units = actions * et_n
    assert units % nw == 0
    upw = units // nw
    ntiles = n // 128
    assert n % 128 == 0
    nbv = n // _LANES
    na = (upw + et_n - 2) // et_n + 1

    mesh = plsc.VectorSubcoreMesh(core_axis_name="c", subcore_axis_name="s")

    @functools.partial(
        pl.kernel,
        out_type=jax.ShapeDtypeStruct((actions, et_n, ntiles, 8, 128),
                                      jnp.float32),
        mesh=mesh,
        compiler_params=pltpu.CompilerParams(
            needs_layout_passes=False, use_tc_tiling_on_sc=False
        ),
        scratch_types=[
            pltpu.VMEM((emb, na, nfp), jnp.float32),
            pltpu.VMEM((emb * na * nf * _LANES,), jnp.float32),
            pltpu.VMEM((n,), jnp.float32),
            pltpu.VMEM((n,), jnp.float32),
            pltpu.VMEM((ntiles, 8, 128), jnp.float32),
            pltpu.VMEM((ntiles, 8, 128), jnp.float32),
            pltpu.SemaphoreType.DMA,
            pltpu.SemaphoreType.DMA,
            pltpu.SemaphoreType.DMA,
            pltpu.SemaphoreType.DMA,
        ],
    )
    def sc_kernel(xt_in, btp_in, out5, tmp_v, table_v, xb0, xb1, st0, st1,
                  sem0, sem1, xsem0, xsem1):
        wid = lax.axis_index("s") * _NC + lax.axis_index("c")
        u0 = wid * upw
        a0 = jnp.minimum(u0 // et_n, actions - na)

        pltpu.sync_copy(btp_in.at[:, pl.ds(a0, na)], tmp_v)

        lanes = lax.iota(jnp.int32, 16)
        scale = jnp.full((16,), float(delta), jnp.float32)
        one = jnp.full((16,), 1.0, jnp.float32)

        @pl.loop(0, emb)
        def _expand(e):
            for al in range(na):
                v = tmp_v[e, al]
                base = ((e * na + al) * nf) * _LANES
                for f in range(nf):
                    bc = jnp.take(v, jnp.full((16,), f, jnp.int32))
                    table_v[pl.ds(base + f * _LANES, _LANES)] = bc

        def unit_of(h):
            u = u0 + h
            return u // et_n, u % et_n

        def xrow(h):
            a, _ = unit_of(jnp.minimum(h, upw - 1))
            return xt_in.at[a]

        def fill(h, xbuf, stage_v):
            a, et = unit_of(h)
            al = a - a0
            e0 = et * 8

            @plsc.parallel_loop(0, nbv, unroll=2)
            def _batch_loop(nb):
                xv = xbuf[pl.ds(nb * _LANES, _LANES)]
                t = xv * scale
                fl = t.astype(jnp.int32)
                fh = (t + one).astype(jnp.int32)
                wl = fh.astype(jnp.float32) - t
                wh = t - fl.astype(jnp.float32)
                flo = fl * _LANES + lanes
                fhi = fh * _LANES + lanes
                snt = nb // 8
                soff = (nb % 8) * _LANES
                los, his = [], []
                for ei in range(8):
                    base = jnp.full((16,), 0, jnp.int32) + (
                        ((e0 + ei) * na + al) * (nf * _LANES)
                    )
                    los.append(plsc.load_gather(table_v, [base + flo]))
                    his.append(plsc.load_gather(table_v, [base + fhi]))
                outs = [wl * lo + wh * hi for lo, hi in zip(los, his)]
                for ei in range(8):
                    stage_v[snt, ei, pl.ds(soff, _LANES)] = outs[ei]

        def out_slice(h):
            a, et = unit_of(h)
            return out5.at[a, et]

        def process(h, xbuf, xsem, stage_v, sem, drain):
            pltpu.make_async_copy(xrow(h), xbuf, xsem).wait()
            if drain:
                pltpu.make_async_copy(stage_v, out_slice(h), sem).wait()
            fill(h, xbuf, stage_v)
            pltpu.async_copy(stage_v, out_slice(h), sem)
            pltpu.async_copy(xrow(h + 2), xbuf, xsem)

        pltpu.async_copy(xrow(0), xb0, xsem0)
        pltpu.async_copy(xrow(1), xb1, xsem1)

        process(0, xb0, xsem0, st0, sem0, False)
        process(1, xb1, xsem1, st1, sem1, False)

        @pl.loop(2, upw - 1, step=2)
        def _unit_loop(h):
            process(h, xb0, xsem0, st0, sem0, True)
            process(h + 1, xb1, xsem1, st1, sem1, True)

        process(upw - 1, xb0, xsem0, st0, sem0, True)

        pltpu.make_async_copy(xrow(0), xb0, xsem0).wait()
        pltpu.make_async_copy(xrow(0), xb1, xsem1).wait()
        pltpu.make_async_copy(st0, out_slice(0), sem0).wait()
        pltpu.make_async_copy(st1, out_slice(0), sem1).wait()

    return sc_kernel


def kernel(x, b):
    n, actions = x.shape
    emb = b.shape[1]
    delta = (b.shape[0] // actions - 1) // 2
    nf = delta + 1
    xt = x.T
    btp = jnp.pad(
        b[delta * actions:(2 * delta + 1) * actions]
        .reshape(nf, actions, emb)
        .transpose(2, 1, 0),
        ((0, 0), (0, 0), (0, 16 - nf)),
    )
    sc = _make_sc_kernel(n, actions, emb, delta)
    h5 = sc(xt, btp)
    return h5.transpose(2, 4, 0, 1, 3).reshape(n, actions, emb)

# --- scband reference (transcript-rebuilt; emitter-appended) ---
"""Pipeline reference for scband-spline-embedding-35459249996008 (READ-ONLY COPY).

The authoritative reference and input builder live on the scoring server;
editing this copy changes nothing except your own understanding.
"""

import jax, jax.numpy as jnp
import numpy as np

ACTIONS = 100
EMB = 64
DELTA = 10
BATCH = 4096


def setup_inputs(seed: int = 0) -> dict:
    key = jax.random.key(seed)
    k1, k2 = jax.random.split(key)
    # x in [0, 1) so that floor(x*DELTA) in [0, DELTA-1] and floor(x*DELTA+1) <= DELTA,
    # keeping all embedding indices within [(0), (2*DELTA+1)*ACTIONS)
    x = jax.random.uniform(k1, (BATCH, ACTIONS), dtype=jnp.float32)
    b = jax.random.normal(k2, ((2 * DELTA + 1) * ACTIONS, EMB), dtype=jnp.float32)
    return {"x": x, "b": b}


def reference(x, b):
    actions, emb, delta = ACTIONS, EMB, DELTA
    n = x.shape[0]
    ind_offset = jnp.arange(actions, dtype=jnp.int32)[None, :]
    xl = jnp.floor(x * delta)
    xli = actions * (xl.astype(jnp.int32) + delta) + ind_offset
    xl = xl / delta
    xli = xli.reshape(-1)
    xh = jnp.floor(x * delta + 1)
    xhi = actions * (xh.astype(jnp.int32) + delta) + ind_offset
    xh = xh / delta
    xhi = xhi.reshape(-1)
    bl = jnp.take(b, xli, axis=0).reshape(n, actions, emb)
    bh = jnp.take(b, xhi, axis=0).reshape(n, actions, emb)
    dlt = 1.0 / delta
    xe = x[:, :, None]
    xle = xl[:, :, None]
    xhe = xh[:, :, None]
    h = bh / dlt * (xe - xle) + bl / dlt * (xhe - xe)
    return h

if __name__ == "__main__":
    import jax
    _d = setup_inputs()
    print(jax.jit(kernel)(*tuple(_d.values())))

</pallas_src>

<mosaic_0001>
#map = affine_map<(d0, d1) -> (0, 0)>
#map1 = affine_map<(d0, d1) -> (0, 0, 0)>
#map2 = affine_map<(d0, d1) -> (0, 0, 0, 0, 0)>
module attributes {stable_mosaic.version = 14 : i64} {
  func.func @sc_kernel(%arg0: i32, %arg1: i32, %arg2: memref<100x4096xf32, #tpu.memory_space<hbm>>, %arg3: memref<64x100x16xf32, #tpu.memory_space<hbm>>, %arg4: memref<100x8x32x8x128xf32, #tpu.memory_space<hbm>>, %arg5: memref<64x4x16xf32, #tpu.memory_space<vmem>>, %arg6: memref<45056xf32, #tpu.memory_space<vmem>>, %arg7: memref<4096xf32, #tpu.memory_space<vmem>>, %arg8: memref<4096xf32, #tpu.memory_space<vmem>>, %arg9: memref<32x8x128xf32, #tpu.memory_space<vmem>>, %arg10: memref<32x8x128xf32, #tpu.memory_space<vmem>>, %arg11: memref<!tpu.dma_semaphore, #tpu.memory_space<semaphore_mem>>, %arg12: memref<!tpu.dma_semaphore, #tpu.memory_space<semaphore_mem>>, %arg13: memref<!tpu.dma_semaphore, #tpu.memory_space<semaphore_mem>>, %arg14: memref<!tpu.dma_semaphore, #tpu.memory_space<semaphore_mem>>) attributes {dimension_semantics = [#tpu.dimension_semantics<core_parallel>, #tpu.dimension_semantics<subcore_parallel>], iteration_bounds = array<i64: 2, 16>, scalar_prefetch = 0 : i64, scratch_operands = 10 : i64, tpu.core_type = #tpu.core_type<sc_vector_subcore>, window_params = [{transform_indices = #map}, {transform_indices = #map1}, {transform_indices = #map2}]} {
    %mul3A = arith.constant 2 : i32
    %mul3A_0 = arith.muli %arg1, %mul3A : i32
    %add3A = arith.addi %mul3A_0, %arg0 : i32
    %mul3A_1 = arith.constant 25 : i32
    %mul3A_2 = arith.muli %add3A, %mul3A_1 : i32
    %jit3A = arith.constant 8 : i32
    %div3A = arith.divsi %mul3A_2, %jit3A : i32
    %sign3A = arith.constant 0 : i32
    %sign3A_3 = arith.cmpi sgt, %mul3A_2, %sign3A : i32
    %sign3A_4 = arith.extui %sign3A_3 : i1 to i32
    %sign3A_5 = arith.constant 0 : i32
    %sign3A_6 = arith.cmpi slt, %mul3A_2, %sign3A_5 : i32
    %sign3A_7 = arith.extui %sign3A_6 : i1 to i32
    %sign3A_8 = arith.subi %sign3A_4, %sign3A_7 : i32
    %sign3A_9 = arith.constant 0 : i32
    %sign3A_10 = arith.cmpi sgt, %jit3A, %sign3A_9 : i32
    %sign3A_11 = arith.extui %sign3A_10 : i1 to i32
    %sign3A_12 = arith.constant 0 : i32
    %sign3A_13 = arith.cmpi slt, %jit3A, %sign3A_12 : i32
    %sign3A_14 = arith.extui %sign3A_13 : i1 to i32
    %sign3A_15 = arith.subi %sign3A_11, %sign3A_14 : i32
    %ne3A = arith.cmpi ne, %sign3A_8, %sign3A_15 : i32
    %rem3A = arith.remsi %mul3A_2, %jit3A : i32
    %ne3A_16 = arith.constant 0 : i32
    %ne3A_17 = arith.cmpi ne, %rem3A, %ne3A_16 : i32
    %and3A = arith.andi %ne3A, %ne3A_17 : i1
    %sub3A = arith.constant 1 : i32
    %sub3A_18 = arith.subi %div3A, %sub3A : i32
    %select_n3A = arith.select %and3A, %sub3A_18, %div3A : i32
    %min3A = arith.constant 96 : i32
    %min3A_19 = arith.minsi %select_n3A, %min3A : i32
    "tpu.region"() ({
      %run_scoped3A = tpu.sem_alloc : memref<!tpu.dma_semaphore, #tpu.memory_space<semaphore_mem>>
      %dma_start3A_983 = arith.constant 0 : i32
      %dma_start3A_984 = arith.constant 0 : i32
      %dma_start3A_985 = tpu.memref_slice %arg3[%dma_start3A_983, %min3A_19, %dma_start3A_984] : memref<64x100x16xf32, #tpu.memory_space<hbm>> -> memref<64x4x16xf32, #tpu.memory_space<hbm>>
      %dma_start3A_986 = arith.constant 0 : i32
      %dma_start3A_987 = arith.constant 0 : i32
      %dma_start3A_988 = tpu.memref_slice %arg3[%dma_start3A_986, %min3A_19, %dma_start3A_987] : memref<64x100x16xf32, #tpu.memory_space<hbm>> -> memref<64x4x16xf32, #tpu.memory_space<hbm>>
      tpu.enqueue_dma source(%dma_start3A_988 : memref<64x4x16xf32, #tpu.memory_space<hbm>>) target(%arg5 : memref<64x4x16xf32, #tpu.memory_space<vmem>>) target_semaphore(%run_scoped3A : memref<!tpu.dma_semaphore, #tpu.memory_space<semaphore_mem>>)
      %dma_wait3A_989 = arith.constant 0 : i32
      %dma_wait3A_990 = arith.constant 0 : i32
      %dma_wait3A_991 = tpu.memref_slice %arg3[%dma_wait3A_989, %min3A_19, %dma_wait3A_990] : memref<64x100x16xf32, #tpu.memory_space<hbm>> -> memref<64x4x16xf32, #tpu.memory_space<hbm>>
      %dma_wait3A_992 = arith.constant 0 : i32
      %dma_wait3A_993 = arith.constant 0 : i32
      %dma_wait3A_994 = tpu.memref_slice %arg3[%dma_wait3A_992, %min3A_19, %dma_wait3A_993] : memref<64x100x16xf32, #tpu.memory_space<hbm>> -> memref<64x4x16xf32, #tpu.memory_space<hbm>>
      tpu.wait_dma2 semaphore(%run_scoped3A : memref<!tpu.dma_semaphore, #tpu.memory_space<semaphore_mem>>) src(%dma_wait3A_994 : memref<64x4x16xf32, #tpu.memory_space<hbm>>) dst(%arg5 : memref<64x4x16xf32, #tpu.memory_space<vmem>>)
      tpu.yield
    }) : () -> ()
    %iota3A = tpu.iota {dimensions = array<i32: 0>} : vector<16xi32>
    %broadcast_in_dim3A = arith.constant 1.000000e+01 : f32
    %broadcast_in_dim3A_20 = vector.broadcast %broadcast_in_dim3A : f32 to vector<16xf32>
    %broadcast_in_dim3A_21 = arith.constant 1.000000e+00 : f32
    %broadcast_in_dim3A_22 = vector.broadcast %broadcast_in_dim3A_21 : f32 to vector<16xf32>
    %scan3A = arith.constant 0 : i32
    %scan3A_23 = arith.constant 64 : i32
    %scan3A_24 = arith.addi %scan3A, %scan3A_23 : i32
    %scan3A_25 = arith.constant 1 : i32
    scf.for %scan3A_983 = %scan3A to %scan3A_24 step %scan3A_25  : i32 {
      %mul3A_984 = arith.constant 1 : i32
      %mul3A_985 = arith.muli %scan3A_983, %mul3A_984 : i32
      %add3A_986 = arith.constant 0 : i32
      %add3A_987 = arith.addi %add3A_986, %mul3A_985 : i32
      %get3A = arith.constant 0 : i32
      %get3A_988 = arith.index_cast %add3A_987 : i32 to index
      %get3A_989 = arith.index_cast %get3A : i32 to index
      %get3A_990 = arith.constant 0 : index
      %get3A_991 = tpu.vector_load %arg5[%get3A_988, %get3A_989, %get3A_990] {strides = array<i32>} : memref<64x4x16xf32, #tpu.memory_space<vmem>>, vector<16xf32>,
      %mul3A_992 = arith.constant 4 : i32
      %mul3A_993 = arith.muli %add3A_987, %mul3A_992 : i32
      %add3A_994 = arith.constant 0 : i32
      %add3A_995 = arith.addi %mul3A_993, %add3A_994 : i32
      %mul3A_996 = arith.constant 11 : i32
      %mul3A_997 = arith.muli %add3A_995, %mul3A_996 : i32
      %mul3A_998 = arith.constant 16 : i32
      %mul3A_999 = arith.muli %mul3A_997, %mul3A_998 : i32
      %broadcast_in_dim3A_1000 = arith.constant 0 : i32
      %broadcast_in_dim3A_1001 = vector.broadcast %broadcast_in_dim3A_1000 : i32 to vector<16xi32>
      %lt3A_1002 = arith.constant 0 : i32
      %lt3A_1003 = vector.broadcast %lt3A_1002 : i32 to vector<16xi32>
      %lt3A_1004 = arith.cmpi slt, %broadcast_in_dim3A_1001, %lt3A_1003 : vector<16xi32>
      %add3A_1005 = arith.constant 16 : i32
      %add3A_1006 = vector.broadcast %add3A_1005 : i32 to vector<16xi32>
      %add3A_1007 = arith.addi %broadcast_in_dim3A_1001, %add3A_1006 : vector<16xi32>
      %select_n3A_1008 = arith.select %lt3A_1004, %add3A_1007, %broadcast_in_dim3A_1001 : vector<16xi1>, vector<16xi32>
      %broadcast_in_dim3A_1009 = vector.shape_cast %select_n3A_1008 : vector<16xi32> to vector<16x1xi32>
      %gather3A = vector.shape_cast %broadcast_in_dim3A_1009 : vector<16x1xi32> to vector<16xi32>
      %gather3A_1010 = tpu.dynamic_gather %get3A_991[%gather3A] in [0] : vector<16xf32>, vector<16xi32> -> vector<16xf32>
      %add3A_1011 = arith.constant 0 : i32
      %add3A_1012 = arith.addi %mul3A_999, %add3A_1011 : i32
      %swap3A = arith.index_cast %add3A_1012 : i32 to index
      %swap3A_1013 = tpu.vector_load %arg6[%swap3A] {strides = array<i32>} : memref<45056xf32, #tpu.memory_space<vmem>>, vector<16xf32>,
      tpu.vector_store %arg6[%swap3A], %gather3A_1010 {strides = array<i32>} : memref<45056xf32, #tpu.memory_space<vmem>>, vector<16xf32>,
      %broadcast_in_dim3A_1014 = arith.constant 1 : i32
      %broadcast_in_dim3A_1015 = vector.broadcast %broadcast_in_dim3A_1014 : i32 to vector<16xi32>
      %lt3A_1016 = arith.constant 0 : i32
      %lt3A_1017 = vector.broadcast %lt3A_1016 : i32 to vector<16xi32>
      %lt3A_1018 = arith.cmpi slt, %broadcast_in_dim3A_1015, %lt3A_1017 : vector<16xi32>
      %add3A_1019 = arith.constant 16 : i32
      %add3A_1020 = vector.broadcast %add3A_1019 : i32 to vector<16xi32>
      %add3A_1021 = arith.addi %broadcast_in_dim3A_1015, %add3A_1020 : vector<16xi32>
      %select_n3A_1022 = arith.select %lt3A_1018, %add3A_1021, %broadcast_in_dim3A_1015 : vector<16xi1>, vector<16xi32>
      %broadcast_in_dim3A_1023 = vector.shape_cast %select_n3A_1022 : vector<16xi32> to vector<16x1xi32>
      %gather3A_1024 = vector.shape_cast %broadcast_in_dim3A_1023 : vector<16x1xi32> to vector<16xi32>
      %gather3A_1025 = tpu.dynamic_gather %get3A_991[%gather3A_1024] in [0] : vector<16xf32>, vector<16xi32> -> vector<16xf32>
      %add3A_1026 = arith.constant 16 : i32
      %add3A_1027 = arith.addi %mul3A_999, %add3A_1026 : i32
      %swap3A_1028 = arith.index_cast %add3A_1027 : i32 to index
      %swap3A_1029 = tpu.vector_load %arg6[%swap3A_1028] {strides = array<i32>} : memref<45056xf32, #tpu.memory_space<vmem>>, vector<16xf32>,
      tpu.vector_store %arg6[%swap3A_1028], %gather3A_1025 {strides = array<i32>} : memref<45056xf32, #tpu.memory_space<vmem>>, vector<16xf32>,
      %broadcast_in_dim3A_1030 = arith.constant 2 : i32
      %broadcast_in_dim3A_1031 = vector.broadcast %broadcast_in_dim3A_1030 : i32 to vector<16xi32>
      %lt3A_1032 = arith.constant 0 : i32
      %lt3A_1033 = vector.broadcast %lt3A_1032 : i32 to vector<16xi32>
      %lt3A_1034 = arith.cmpi slt, %broadcast_in_dim3A_1031, %lt3A_1033 : vector<16xi32>
      %add3A_1035 = arith.constant 16 : i32
      %add3A_1036 = vector.broadcast %add3A_1035 : i32 to vector<16xi32>
      %add3A_1037 = arith.addi %broadcast_in_dim3A_1031, %add3A_1036 : vector<16xi32>
      %select_n3A_1038 = arith.select %lt3A_1034, %add3A_1037, %broadcast_in_dim3A_1031 : vector<16xi1>, vector<16xi32>
      %broadcast_in_dim3A_1039 = vector.shape_cast %select_n3A_1038 : vector<16xi32> to vector<16x1xi32>
      %gather3A_1040 = vector.shape_cast %broadcast_in_dim3A_1039 : vector<16x1xi32> to vector<16xi32>
      %gather3A_1041 = tpu.dynamic_gather %get3A_991[%gather3A_1040] in [0] : vector<16xf32>, vector<16xi32> -> vector<16xf32>
      %add3A_1042 = arith.constant 32 : i32
      %add3A_1043 = arith.addi %mul3A_999, %add3A_1042 : i32
      %swap3A_1044 = arith.index_cast %add3A_1043 : i32 to index
      %swap3A_1045 = tpu.vector_load %arg6[%swap3A_1044] {strides = array<i32>} : memref<45056xf32, #tpu.memory_space<vmem>>, vector<16xf32>,
      tpu.vector_store %arg6[%swap3A_1044], %gather3A_1041 {strides = array<i32>} : memref<45056xf32, #tpu.memory_space<vmem>>, vector<16xf32>,
      %broadcast_in_dim3A_1046 = arith.constant 3 : i32
      %broadcast_in_dim3A_1047 = vector.broadcast %broadcast_in_dim3A_1046 : i32 to vector<16xi32>
      %lt3A_1048 = arith.constant 0 : i32
      %lt3A_1049 = vector.broadcast %lt3A_1048 : i32 to vector<16xi32>
      %lt3A_1050 = arith.cmpi slt, %broadcast_in_dim3A_1047, %lt3A_1049 : vector<16xi32>
      %add3A_1051 = arith.constant 16 : i32
      %add3A_1052 = vector.broadcast %add3A_1051 : i32 to vector<16xi32>
      %add3A_1053 = arith.addi %broadcast_in_dim3A_1047, %add3A_1052 : vector<16xi32>
      %select_n3A_1054 = arith.select %lt3A_1050, %add3A_1053, %broadcast_in_dim3A_1047 : vector<16xi1>, vector<16xi32>
      %broadcast_in_dim3A_1055 = vector.shape_cast %select_n3A_1054 : vector<16xi32> to vector<16x1xi32>
      %gather3A_1056 = vector.shape_cast %broadcast_in_dim3A_1055 : vector<16x1xi32> to vector<16xi32>
      %gather3A_1057 = tpu.dynamic_gather %get3A_991[%gather3A_1056] in [0] : vector<16xf32>, vector<16xi32> -> vector<16xf32>
      %add3A_1058 = arith.constant 48 : i32
      %add3A_1059 = arith.addi %mul3A_999, %add3A_1058 : i32
      %swap3A_1060 = arith.index_cast %add3A_1059 : i32 to index
      %swap3A_1061 = tpu.vector_load %arg6[%swap3A_1060] {strides = array<i32>} : memref<45056xf32, #tpu.memory_space<vmem>>, vector<16xf32>,
      tpu.vector_store %arg6[%swap3A_1060], %gather3A_1057 {strides = array<i32>} : memref<45056xf32, #tpu.memory_space<vmem>>, vector<16xf32>,
      %broadcast_in_dim3A_1062 = arith.constant 4 : i32
      %broadcast_in_dim3A_1063 = vector.broadcast %broadcast_in_dim3A_1062 : i32 to vector<16xi32>
      %lt3A_1064 = arith.constant 0 : i32
      %lt3A_1065 = vector.broadcast %lt3A_1064 : i32 to vector<16xi32>
      %lt3A_1066 = arith.cmpi slt, %broadcast_in_dim3A_1063, %lt3A_1065 : vector<16xi32>
      %add3A_1067 = arith.constant 16 : i32
      %add3A_1068 = vector.broadcast %add3A_1067 : i32 to vector<16xi32>
      %add3A_1069 = arith.addi %broadcast_in_dim3A_1063, %add3A_1068 : vector<16xi32>
      %select_n3A_1070 = arith.select %lt3A_1066, %add3A_1069, %broadcast_in_dim3A_1063 : vector<16xi1>, vector<16xi32>
      %broadcast_in_dim3A_1071 = vector.shape_cast %select_n3A_1070 : vector<16xi32> to vector<16x1xi32>
      %gather3A_1072 = vector.shape_cast %broadcast_in_dim3A_1071 : vector<16x1xi32> to vector<16xi32>
      %gather3A_1073 = tpu.dynamic_gather %get3A_991[%gather3A_1072] in [0] : vector<16xf32>, vector<16xi32> -> vector<16xf32>
      %add3A_1074 = arith.constant 64 : i32
      %add3A_1075 = arith.addi %mul3A_999, %add3A_1074 : i32
      %swap3A_1076 = arith.index_cast %add3A_1075 : i32 to index
      %swap3A_1077 = tpu.vector_load %arg6[%swap3A_1076] {strides = array<i32>} : memref<45056xf32, #tpu.memory_space<vmem>>, vector<16xf32>,
      tpu.vector_store %arg6[%swap3A_1076], %gather3A_1073 {strides = array<i32>} : memref<45056xf32, #tpu.memory_space<vmem>>, vector<16xf32>,
      %broadcast_in_dim3A_1078 = arith.constant 5 : i32
      %broadcast_in_dim3A_1079 = vector.broadcast %broadcast_in_dim3A_1078 : i32 to vector<16xi32>
      %lt3A_1080 = arith.constant 0 : i32
      %lt3A_1081 = vector.broadcast %lt3A_1080 : i32 to vector<16xi32>
      %lt3A_1082 = arith.cmpi slt, %broadcast_in_dim3A_1079, %lt3A_1081 : vector<16xi32>
      %add3A_1083 = arith.constant 16 : i32
      %add3A_1084 = vector.broadcast %add3A_1083 : i32 to vector<16xi32>
      %add3A_1085 = arith.addi %broadcast_in_dim3A_1079, %add3A_1084 : vector<16xi32>
      %select_n3A_1086 = arith.select %lt3A_1082, %add3A_1085, %broadcast_in_dim3A_1079 : vector<16xi1>, vector<16xi32>
      %broadcast_in_dim3A_1087 = vector.shape_cast %select_n3A_1086 : vector<16xi32> to vector<16x1xi32>
      %gather3A_1088 = vector.shape_cast %broadcast_in_dim3A_1087 : vector<16x1xi32> to vector<16xi32>
      %gather3A_1089 = tpu.dynamic_gather %get3A_991[%gather3A_1088] in [0] : vector<16xf32>, vector<16xi32> -> vector<16xf32>
      %add3A_1090 = arith.constant 80 : i32
      %add3A_1091 = arith.addi %mul3A_999, %add3A_1090 : i32
      %swap3A_1092 = arith.index_cast %add3A_1091 : i32 to index
      %swap3A_1093 = tpu.vector_load %arg6[%swap3A_1092] {strides = array<i32>} : memref<45056xf32, #tpu.memory_space<vmem>>, vector<16xf32>,
      tpu.vector_store %arg6[%swap3A_1092], %gather3A_1089 {strides = array<i32>} : memref<45056xf32, #tpu.memory_space<vmem>>, vector<16xf32>,
      %broadcast_in_dim3A_1094 = arith.constant 6 : i32
      %broadcast_in_dim3A_1095 = vector.broadcast %broadcast_in_dim3A_1094 : i32 to vector<16xi32>
      %lt3A_1096 = arith.constant 0 : i32
      %lt3A_1097 = vector.broadcast %lt3A_1096 : i32 to vector<16xi32>
      %lt3A_1098 = arith.cmpi slt, %broadcast_in_dim3A_1095, %lt3A_1097 : vector<16xi32>
      %add3A_1099 = arith.constant 16 : i32
      %add3A_1100 = vector.broadcast %add3A_1099 : i32 to vector<16xi32>
      %add3A_1101 = arith.addi %broadcast_in_dim3A_1095, %add3A_1100 : vector<16xi32>
      %select_n3A_1102 = arith.select %lt3A_1098, %add3A_1101, %broadcast_in_dim3A_1095 : vector<16xi1>, vector<16xi32>
      %broadcast_in_dim3A_1103 = vector.shape_cast %select_n3A_1102 : vector<16xi32> to vector<16x1xi32>
      %gather3A_1104 = vector.shape_cast %broadcast_in_dim3A_1103 : vector<16x1xi32> to vector<16xi32>
      %gather3A_1105 = tpu.dynamic_gather %get3A_991[%gather3A_1104] in [0] : vector<16xf32>, vector<16xi32> -> vector<16xf32>
      %add3A_1106 = arith.constant 96 : i32
      %add3A_1107 = arith.addi %mul3A_999, %add3A_1106 : i32
      %swap3A_1108 = arith.index_cast %add3A_1107 : i32 to index
      %swap3A_1109 = tpu.vector_load %arg6[%swap3A_1108] {strides = array<i32>} : memref<45056xf32, #tpu.memory_space<vmem>>, vector<16xf32>,
      tpu.vector_store %arg6[%swap3A_1108], %gather3A_1105 {strides = array<i32>} : memref<45056xf32, #tpu.memory_space<vmem>>, vector<16xf32>,
      %broadcast_in_dim3A_1110 = arith.constant 7 : i32
      %broadcast_in_dim3A_1111 = vector.broadcast %broadcast_in_dim3A_1110 : i32 to vector<16xi32>
      %lt3A_1112 = arith.constant 0 : i32
      %lt3A_1113 = vector.broadcast %lt3A_1112 : i32 to vector<16xi32>
      %lt3A_1114 = arith.cmpi slt, %broadcast_in_dim3A_1111, %lt3A_1113 : vector<16xi32>
      %add3A_1115 = arith.constant 16 : i32
      %add3A_1116 = vector.broadcast %add3A_1115 : i32 to vector<16xi32>
      %add3A_1117 = arith.addi %broadcast_in_dim3A_1111, %add3A_1116 : vector<16xi32>
      %select_n3A_1118 = arith.select %lt3A_1114, %add3A_1117, %broadcast_in_dim3A_1111 : vector<16xi1>, vector<16xi32>
      %broadcast_in_dim3A_1119 = vector.shape_cast %select_n3A_1118 : vector<16xi32> to vector<16x1xi32>
      %gather3A_1120 = vector.shape_cast %broadcast_in_dim3A_1119 : vector<16x1xi32> to vector<16xi32>
      %gather3A_1121 = tpu.dynamic_gather %get3A_991[%gather3A_1120] in [0] : vector<16xf32>, vector<16xi32> -> vector<16xf32>
      %add3A_1122 = arith.constant 112 : i32
      %add3A_1123 = arith.addi %mul3A_999, %add3A_1122 : i32
      %swap3A_1124 = arith.index_cast %add3A_1123 : i32 to index
      %swap3A_1125 = tpu.vector_load %arg6[%swap3A_1124] {strides = array<i32>} : memref<45056xf32, #tpu.memory_space<vmem>>, vector<16xf32>,
      tpu.vector_store %arg6[%swap3A_1124], %gather3A_1121 {strides = array<i32>} : memref<45056xf32, #tpu.memory_space<vmem>>, vector<16xf32>,
      %broadcast_in_dim3A_1126 = arith.constant 8 : i32
      %broadcast_in_dim3A_1127 = vector.broadcast %broadcast_in_dim3A_1126 : i32 to vector<16xi32>
      %lt3A_1128 = arith.constant 0 : i32
      %lt3A_1129 = vector.broadcast %lt3A_1128 : i32 to vector<16xi32>
      %lt3A_1130 = arith.cmpi slt, %broadcast_in_dim3A_1127, %lt3A_1129 : vector<16xi32>
      %add3A_1131 = arith.constant 16 : i32
      %add3A_1132 = vector.broadcast %add3A_1131 : i32 to vector<16xi32>
      %add3A_1133 = arith.addi %broadcast_in_dim3A_1127, %add3A_1132 : vector<16xi32>
      %select_n3A_1134 = arith.select %lt3A_1130, %add3A_1133, %broadcast_in_dim3A_1127 : vector<16xi1>, vector<16xi32>
      %broadcast_in_dim3A_1135 = vector.shape_cast %select_n3A_1134 : vector<16xi32> to vector<16x1xi32>
      %gather3A_1136 = vector.shape_cast %broadcast_in_dim3A_1135 : vector<16x1xi32> to vector<16xi32>
      %gather3A_1137 = tpu.dynamic_gather %get3A_991[%gather3A_1136] in [0] : vector<16xf32>, vector<16xi32> -> vector<16xf32>
      %add3A_1138 = arith.constant 128 : i32
      %add3A_1139 = arith.addi %mul3A_999, %add3A_1138 : i32
      %swap3A_1140 = arith.index_cast %add3A_1139 : i32 to index
      %swap3A_1141 = tpu.vector_load %arg6[%swap3A_1140] {strides = array<i32>} : memref<45056xf32, #tpu.memory_space<vmem>>, vector<16xf32>,
      tpu.vector_store %arg6[%swap3A_1140], %gather3A_1137 {strides = array<i32>} : memref<45056xf32, #tpu.memory_space<vmem>>, vector<16xf32>,
      %broadcast_in_dim3A_1142 = arith.constant 9 : i32
      %broadcast_in_dim3A_1143 = vector.broadcast %broadcast_in_dim3A_1142 : i32 to vector<16xi32>
      %lt3A_1144 = arith.constant 0 : i32
      %lt3A_1145 = vector.broadcast %lt3A_1144 : i32 to vector<16xi32>
      %lt3A_1146 = arith.cmpi slt, %broadcast_in_dim3A_1143, %lt3A_1145 : vector<16xi32>
      %add3A_1147 = arith.constant 16 : i32
      %add3A_1148 = vector.broadcast %add3A_1147 : i32 to vector<16xi32>
      %add3A_1149 = arith.addi %broadcast_in_dim3A_1143, %add3A_1148 : vector<16xi32>
      %select_n3A_1150 = arith.select %lt3A_1146, %add3A_1149, %broadcast_in_dim3A_1143 : vector<16xi1>, vector<16xi32>
      %broadcast_in_dim3A_1151 = vector.shape_cast %select_n3A_1150 : vector<16xi32> to vector<16x1xi32>
      %gather3A_1152 = vector.shape_cast %broadcast_in_dim3A_1151 : vector<16x1xi32> to vector<16xi32>
      %gather3A_1153 = tpu.dynamic_gather %get3A_991[%gather3A_1152] in [0] : vector<16xf32>, vector<16xi32> -> vector<16xf32>
      %add3A_1154 = arith.constant 144 : i32
      %add3A_1155 = arith.addi %mul3A_999, %add3A_1154 : i32
      %swap3A_1156 = arith.index_cast %add3A_1155 : i32 to index
      %swap3A_1157 = tpu.vector_load %arg6[%swap3A_1156] {strides = array<i32>} : memref<45056xf32, #tpu.memory_space<vmem>>, vector<16xf32>,
      tpu.vector_store %arg6[%swap3A_1156], %gather3A_1153 {strides = array<i32>} : memref<45056xf32, #tpu.memory_space<vmem>>, vector<16xf32>,
      %broadcast_in_dim3A_1158 = arith.constant 10 : i32
      %broadcast_in_dim3A_1159 = vector.broadcast %broadcast_in_dim3A_1158 : i32 to vector<16xi32>
      %lt3A_1160 = arith.constant 0 : i32
      %lt3A_1161 = vector.broadcast %lt3A_1160 : i32 to vector<16xi32>
      %lt3A_1162 = arith.cmpi slt, %broadcast_in_dim3A_1159, %lt3A_1161 : vector<16xi32>
      %add3A_1163 = arith.constant 16 : i32
      %add3A_1164 = vector.broadcast %add3A_1163 : i32 to vector<16xi32>
      %add3A_1165 = arith.addi %broadcast_in_dim3A_1159, %add3A_1164 : vector<16xi32>
      %select_n3A_1166 = arith.select %lt3A_1162, %add3A_1165, %broadcast_in_dim3A_1159 : vector<16xi1>, vector<16xi32>
      %broadcast_in_dim3A_1167 = vector.shape_cast %select_n3A_1166 : vector<16xi32> to vector<16x1xi32>
      %gather3A_1168 = vector.shape_cast %broadcast_in_dim3A_1167 : vector<16x1xi32> to vector<16xi32>
      %gather3A_1169 = tpu.dynamic_gather %get3A_991[%gather3A_1168] in [0] : vector<16xf32>, vector<16xi32> -> vector<16xf32>
      %add3A_1170 = arith.constant 160 : i32
      %add3A_1171 = arith.addi %mul3A_999, %add3A_1170 : i32
      %swap3A_1172 = arith.index_cast %add3A_1171 : i32 to index
      %swap3A_1173 = tpu.vector_load %arg6[%swap3A_1172] {strides = array<i32>} : memref<45056xf32, #tpu.memory_space<vmem>>, vector<16xf32>,
      tpu.vector_store %arg6[%swap3A_1172], %gather3A_1169 {strides = array<i32>} : memref<45056xf32, #tpu.memory_space<vmem>>, vector<16xf32>,
      %get3A_1174 = arith.constant 1 : i32
      %get3A_1175 = arith.index_cast %add3A_987 : i32 to index
      %get3A_1176 = arith.index_cast %get3A_1174 : i32 to index
      %get3A_1177 = arith.constant 0 : index
      %get3A_1178 = tpu.vector_load %arg5[%get3A_1175, %get3A_1176, %get3A_1177] {strides = array<i32>} : memref<64x4x16xf32, #tpu.memory_space<vmem>>, vector<16xf32>,
      %mul3A_1179 = arith.constant 4 : i32
      %mul3A_1180 = arith.muli %add3A_987, %mul3A_1179 : i32
      %add3A_1181 = arith.constant 1 : i32
      %add3A_1182 = arith.addi %mul3A_1180, %add3A_1181 : i32
      %mul3A_1183 = arith.constant 11 : i32
      %mul3A_1184 = arith.muli %add3A_1182, %mul3A_1183 : i32
      %mul3A_1185 = arith.constant 16 : i32
      %mul3A_1186 = arith.muli %mul3A_1184, %mul3A_1185 : i32
      %broadcast_in_dim3A_1187 = arith.constant 0 : i32
      %broadcast_in_dim3A_1188 = vector.broadcast %broadcast_in_dim3A_1187 : i32 to vector<16xi32>
      %lt3A_1189 = arith.constant 0 : i32
      %lt3A_1190 = vector.broadcast %lt3A_1189 : i32 to vector<16xi32>
      %lt3A_1191 = arith.cmpi slt, %broadcast_in_dim3A_1188, %lt3A_1190 : vector<16xi32>
      %add3A_1192 = arith.constant 16 : i32
      %add3A_1193 = vector.broadcast %add3A_1192 : i32 to vector<16xi32>
      %add3A_1194 = arith.addi %broadcast_in_dim3A_1188, %add3A_1193 : vector<16xi32>
      %select_n3A_1195 = arith.select %lt3A_1191, %add3A_1194, %broadcast_in_dim3A_1188 : vector<16xi1>, vector<16xi32>
      %broadcast_in_dim3A_1196 = vector.shape_cast %select_n3A_1195 : vector<16xi32> to vector<16x1xi32>
      %gather3A_1197 = vector.shape_cast %broadcast_in_dim3A_1196 : vector<16x1xi32> to vector<16xi32>
      %gather3A_1198 = tpu.dynamic_gather %get3A_1178[%gather3A_1197] in [0] : vector<16xf32>, vector<16xi32> -> vector<16xf32>
      %add3A_1199 = arith.constant 0 : i32
      %add3A_1200 = arith.addi %mul3A_1186, %add3A_1199 : i32
      %swap3A_1201 = arith.index_cast %add3A_1200 : i32 to index
      %swap3A_1202 = tpu.vector_load %arg6[%swap3A_1201] {strides = array<i32>} : memref<45056xf32, #tpu.memory_space<vmem>>, vector<16xf32>,
      tpu.vector_store %arg6[%swap3A_1201], %gather3A_1198 {strides = array<i32>} : memref<45056xf32, #tpu.memory_space<vmem>>, vector<16xf32>,
      %broadcast_in_dim3A_1203 = arith.constant 1 : i32
      %broadcast_in_dim3A_1204 = vector.broadcast %broadcast_in_dim3A_1203 : i32 to vector<16xi32>
      %lt3A_1205 = arith.constant 0 : i32
      %lt3A_1206 = vector.broadcast %lt3A_1205 : i32 to vector<16xi32>
      %lt3A_1207 = arith.cmpi slt, %broadcast_in_dim3A_1204, %lt3A_1206 : vector<16xi32>
      %add3A_1208 = arith.constant 16 : i32
      %add3A_1209 = vector.broadcast %add3A_1208 : i32 to vector<16xi32>
      %add3A_1210 = arith.addi %broadcast_in_dim3A_1204, %add3A_1209 : vector<16xi32>
      %select_n3A_1211 = arith.select %lt3A_1207, %add3A_1210, %broadcast_in_dim3A_1204 : vector<16xi1>, vector<16xi32>
      %broadcast_in_dim3A_1212 = vector.shape_cast %select_n3A_1211 : vector<16xi32> to vector<16x1xi32>
      %gather3A_1213 = vector.shape_cast %broadcast_in_dim3A_1212 : vector<16x1xi32> to vector<16xi32>
      %gather3A_1214 = tpu.dynamic_gather %get3A_1178[%gather3A_1213] in [0] : vector<16xf32>, vector<16xi32> -> vector<16xf32>
      %add3A_1215 = arith.constant 16 : i32
      %add3A_1216 = arith.addi %mul3A_1186, %add3A_1215 : i32
      %swap3A_1217 = arith.index_cast %add3A_1216 : i32 to index
      %swap3A_1218 = tpu.vector_load %arg6[%swap3A_1217] {strides = array<i32>} : memref<45056xf32, #tpu.memory_space<vmem>>, vector<16xf32>,
      tpu.vector_store %arg6[%swap3A_1217], %gather3A_1214 {strides = array<i32>} : memref<45056xf32, #tpu.memory_space<vmem>>, vector<16xf32>,
      %broadcast_in_dim3A_1219 = arith.constant 2 : i32
      %broadcast_in_dim3A_1220 = vector.broadcast %broadcast_in_dim3A_1219 : i32 to vector<16xi32>
      %lt3A_1221 = arith.constant 0 : i32
      %lt3A_1222 = vector.broadcast %lt3A_1221 : i32 to vector<16xi32>
      %lt3A_1223 = arith.cmpi slt, %broadcast_in_dim3A_1220, %lt3A_1222 : vector<16xi32>
      %add3A_1224 = arith.constant 16 : i32
      %add3A_1225 = vector.broadcast %add3A_1224 : i32 to vector<16xi32>
      %add3A_1226 = arith.addi %broadcast_in_dim3A_1220, %add3A_1225 : vector<16xi32>
      %select_n3A_1227 = arith.select %lt3A_1223, %add3A_1226, %broadcast_in_dim3A_1220 : vector<16xi1>, vector<16xi32>
      %broadcast_in_dim3A_1228 = vector.shape_cast %select_n3A_1227 : vector<16xi32> to vector<16x1xi32>
      %gather3A_1229 = vector.shape_cast %broadcast_in_dim3A_1228 : vector<16x1xi32> to vector<16xi32>
      %gather3A_1230 = tpu.dynamic_gather %get3A_1178[%gather3A_1229] in [0] : vector<16xf32>, vector<16xi32> -> vector<16xf32>
      %add3A_1231 = arith.constant 32 : i32
      %add3A_1232 = arith.addi %mul3A_1186, %add3A_1231 : i32
      %swap3A_1233 = arith.index_cast %add3A_1232 : i32 to index
      %swap3A_1234 = tpu.vector_load %arg6[%swap3A_1233] {strides = array<i32>} : memref<45056xf32, #tpu.memory_space<vmem>>, vector<16xf32>,
      tpu.vector_store %arg6[%swap3A_1233], %gather3A_1230 {strides = array<i32>} : memref<45056xf32, #tpu.memory_space<vmem>>, vector<16xf32>,
      %broadcast_in_dim3A_1235 = arith.constant 3 : i32
      %broadcast_in_dim3A_1236 = vector.broadcast %broadcast_in_dim3A_1235 : i32 to vector<16xi32>
      %lt3A_1237 = arith.constant 0 : i32
      %lt3A_1238 = vector.broadcast %lt3A_1237 : i32 to vector<16xi32>
      %lt3A_1239 = arith.cmpi slt, %broadcast_in_dim3A_1236, %lt3A_1238 : vector<16xi32>
      %add3A_1240 = arith.constant 16 : i32
      %add3A_1241 = vector.broadcast %add3A_1240 : i32 to vector<16xi32>
      %add3A_1242 = arith.addi %broadcast_in_dim3A_1236, %add3A_1241 : vector<16xi32>
      %select_n3A_1243 = arith.select %lt3A_1239, %add3A_1242, %broadcast_in_dim3A_1236 : vector<16xi1>, vector<16xi32>
      %broadcast_in_dim3A_1244 = vector.shape_cast %select_n3A_1243 : vector<16xi32> to vector<16x1xi32>
      %gather3A_1245 = vector.shape_cast %broadcast_in_dim3A_1244 : vector<16x1xi32> to vector<16xi32>
      %gather3A_1246 = tpu.dynamic_gather %get3A_1178[%gather3A_1245] in [0] : vector<16xf32>, vector<16xi32> -> vector<16xf32>
      %add3A_1247 = arith.constant 48 : i32
      %add3A_1248 = arith.addi %mul3A_1186, %add3A_1247 : i32
      %swap3A_1249 = arith.index_cast %add3A_1248 : i32 to index
      %swap3A_1250 = tpu.vector_load %arg6[%swap3A_1249] {strides = array<i32>} : memref<45056xf32, #tpu.memory_space<vmem>>, vector<16xf32>,
      tpu.vector_store %arg6[%swap3A_1249], %gather3A_1246 {strides = array<i32>} : memref<45056xf32, #tpu.memory_space<vmem>>, vector<16xf32>,
      %broadcast_in_dim3A_1251 = arith.constant 4 : i32
      %broadcast_in_dim3A_1252 = vector.broadcast %broadcast_in_dim3A_1251 : i32 to vector<16xi32>
      %lt3A_1253 = arith.constant 0 : i32
      %lt3A_1254 = vector.broadcast %lt3A_1253 : i32 to vector<16xi32>
      %lt3A_1255 = arith.cmpi slt, %broadcast_in_dim3A_1252, %lt3A_1254 : vector<16xi32>
      %add3A_1256 = arith.constant 16 : i32
      %add3A_1257 = vector.broadcast %add3A_1256 : i32 to vector<16xi32>
      %add3A_1258 = arith.addi %broadcast_in_dim3A_1252, %add3A_1257 : vector<16xi32>
      %select_n3A_1259 = arith.select %lt3A_1255, %add3A_1258, %broadcast_in_dim3A_1252 : vector<16xi1>, vector<16xi32>
      %broadcast_in_dim3A_1260 = vector.shape_cast %select_n3A_1259 : vector<16xi32> to vector<16x1xi32>
      %gather3A_1261 = vector.shape_cast %broadcast_in_dim3A_1260 : vector<16x1xi32> to vector<16xi32>
      %gather3A_1262 = tpu.dynamic_gather %get3A_1178[%gather3A_1261] in [0] : vector<16xf32>, vector<16xi32> -> vector<16xf32>
      %add3A_1263 = arith.constant 64 : i32
      %add3A_1264 = arith.addi %mul3A_1186, %add3A_1263 : i32
      %swap3A_1265 = arith.index_cast %add3A_1264 : i32 to index
      %swap3A_1266 = tpu.vector_load %arg6[%swap3A_1265] {strides = array<i32>} : memref<45056xf32, #tpu.memory_space<vmem>>, vector<16xf32>,
      tpu.vector_store %arg6[%swap3A_1265], %gather3A_1262 {strides = array<i32>} : memref<45056xf32, #tpu.memory_space<vmem>>, vector<16xf32>,
      %broadcast_in_dim3A_1267 = arith.constant 5 : i32
      %broadcast_in_dim3A_1268 = vector.broadcast %broadcast_in_dim3A_1267 : i32 to vector<16xi32>
      %lt3A_1269 = arith.constant 0 : i32
      %lt3A_1270 = vector.broadcast %lt3A_1269 : i32 to vector<16xi32>
      %lt3A_1271 = arith.cmpi slt, %broadcast_in_dim3A_1268, %lt3A_1270 : vector<16xi32>
      %add3A_1272 = arith.constant 16 : i32
      %add3A_1273 = vector.broadcast %add3A_1272 : i32 to vector<16xi32>
      %add3A_1274 = arith.addi %broadcast_in_dim3A_1268, %add3A_1273 : vector<16xi32>
      %select_n3A_1275 = arith.select %lt3A_1271, %add3A_1274, %broadcast_in_dim3A_1268 : vector<16xi1>, vector<16xi32>
      %broadcast_in_dim3A_1276 = vector.shape_cast %select_n3A_1275 : vector<16xi32> to vector<16x1xi32>
      %gather3A_1277 = vector.shape_cast %broadcast_in_dim3A_1276 : vector<16x1xi32> to vector<16xi32>
      %gather3A_1278 = tpu.dynamic_gather %get3A_1178[%gather3A_1277] in [0] : vector<16xf32>, vector<16xi32> -> vector<16xf32>
      %add3A_1279 = arith.constant 80 : i32
      %add3A_1280 = arith.addi %mul3A_1186, %add3A_1279 : i32
      %swap3A_1281 = arith.index_cast %add3A_1280 : i32 to index
      %swap3A_1282 = tpu.vector_load %arg6[%swap3A_1281] {strides = array<i32>} : memref<45056xf32, #tpu.memory_space<vmem>>, vector<16xf32>,
      tpu.vector_store %arg6[%swap3A_1281], %gather3A_1278 {strides = array<i32>} : memref<45056xf32, #tpu.memory_space<vmem>>, vector<16xf32>,
      %broadcast_in_dim3A_1283 = arith.constant 6 : i32
      %broadcast_in_dim3A_1284 = vector.broadcast %broadcast_in_dim3A_1283 : i32 to vector<16xi32>
      %lt3A_1285 = arith.constant 0 : i32
      %lt3A_1286 = vector.broadcast %lt3A_1285 : i32 to vector<16xi32>
      %lt3A_1287 = arith.cmpi slt, %broadcast_in_dim3A_1284, %lt3A_1286 : vector<16xi32>
      %add3A_1288 = arith.constant 16 : i32
      %add3A_1289 = vector.broadcast %add3A_1288 : i32 to vector<16xi32>
      %add3A_1290 = arith.addi %broadcast_in_dim3A_1284, %add3A_1289 : vector<16xi32>
      %select_n3A_1291 = arith.select %lt3A_1287, %add3A_1290, %broadcast_in_dim3A_1284 : vector<16xi1>, vector<16xi32>
      %broadcast_in_dim3A_1292 = vector.shape_cast %select_n3A_1291 : vector<16xi32> to vector<16x1xi32>
      %gather3A_1293 = vector.shape_cast %broadcast_in_dim3A_1292 : vector<16x1xi32> to vector<16xi32>
      %gather3A_1294 = tpu.dynamic_gather %get3A_1178[%gather3A_1293] in [0] : vector<16xf32>, vector<16xi32> -> vector<16xf32>
      %add3A_1295 = arith.constant 96 : i32
      %add3A_1296 = arith.addi %mul3A_1186, %add3A_1295 : i32
      %swap3A_1297 = arith.index_cast %add3A_1296 : i32 to index
      %swap3A_1298 = tpu.vector_load %arg6[%swap3A_1297] {strides = array<i32>} : memref<45056xf32, #tpu.memory_space<vmem>>, vector<16xf32>,
      tpu.vector_store %arg6[%swap3A_1297], %gather3A_1294 {strides = array<i32>} : memref<45056xf32, #tpu.memory_space<vmem>>, vector<16xf32>,
      %broadcast_in_dim3A_1299 = arith.constant 7 : i32
      %broadcast_in_dim3A_1300 = vector.broadcast %broadcast_in_dim3A_1299 : i32 to vector<16xi32>
      %lt3A_1301 = arith.constant 0 : i32
      %lt3A_1302 = vector.broadcast %lt3A_1301 : i32 to vector<16xi32>
      %lt3A_1303 = arith.cmpi slt, %broadcast_in_dim3A_1300, %lt3A_1302 : vector<16xi32>
      %add3A_1304 = arith.constant 16 : i32
      %add3A_1305 = vector.broadcast %add3A_1304 : i32 to vector<16xi32>
      %add3A_1306 = arith.addi %broadcast_in_dim3A_1300, %add3A_1305 : vector<16xi32>
      %select_n3A_1307 = arith.select %lt3A_1303, %add3A_1306, %broadcast_in_dim3A_1300 : vector<16xi1>, vector<16xi32>
      %broadcast_in_dim3A_1308 = vector.shape_cast %select_n3A_1307 : vector<16xi32> to vector<16x1xi32>
      %gather3A_1309 = vector.shape_cast %broadcast_in_dim3A_1308 : vector<16x1xi32> to vector<16xi32>
      %gather3A_1310 = tpu.dynamic_gather %get3A_1178[%gather3A_1309] in [0] : vector<16xf32>, vector<16xi32> -> vector<16xf32>
      %add3A_1311 = arith.constant 112 : i32
      %add3A_1312 = arith.addi %mul3A_1186, %add3A_1311 : i32
      %swap3A_1313 = arith.index_cast %add3A_1312 : i32 to index
      %swap3A_1314 = tpu.vector_load %arg6[%swap3A_1313] {strides = array<i32>} : memref<45056xf32, #tpu.memory_space<vmem>>, vector<16xf32>,
      tpu.vector_store %arg6[%swap3A_1313], %gather3A_1310 {strides = array<i32>} : memref<45056xf32, #tpu.memory_space<vmem>>, vector<16xf32>,
      %broadcast_in_dim3A_1315 = arith.constant 8 : i32
      %broadcast_in_dim3A_1316 = vector.broadcast %broadcast_in_dim3A_1315 : i32 to vector<16xi32>
      %lt3A_1317 = arith.constant 0 : i32
      %lt3A_1318 = vector.broadcast %lt3A_1317 : i32 to vector<16xi32>
      %lt3A_1319 = arith.cmpi slt, %broadcast_in_dim3A_1316, %lt3A_1318 : vector<16xi32>
      %add3A_1320 = arith.constant 16 : i32
      %add3A_1321 = vector.broadcast %add3A_1320 : i32 to vector<16xi32>
      %add3A_1322 = arith.addi %broadcast_in_dim3A_1316, %add3A_1321 : vector<16xi32>
      %select_n3A_1323 = arith.select %lt3A_1319, %add3A_1322, %broadcast_in_dim3A_1316 : vector<16xi1>, vector<16xi32>
      %broadcast_in_dim3A_1324 = vector.shape_cast %select_n3A_1323 : vector<16xi32> to vector<16x1xi32>
      %gather3A_1325 = vector.shape_cast %broadcast_in_dim3A_1324 : vector<16x1xi32> to vector<16xi32>
      %gather3A_1326 = tpu.dynamic_gather %get3A_1178[%gather3A_1325] in [0] : vector<16xf32>, vector<16xi32> -> vector<16xf32>
      %add3A_1327 = arith.constant 128 : i32
      %add3A_1328 = arith.addi %mul3A_1186, %add3A_1327 : i32
      %swap3A_1329 = arith.index_cast %add3A_1328 : i32 to index
      %swap3A_1330 = tpu.vector_load %arg6[%swap3A_1329] {strides = array<i32>} : memref<45056xf32, #tpu.memory_space<vmem>>, vector<16xf32>,
      tpu.vector_store %arg6[%swap3A_1329], %gather3A_1326 {strides = array<i32>} : memref<45056xf32, #tpu.memory_space<vmem>>, vector<16xf32>,
      %broadcast_in_dim3A_1331 = arith.constant 9 : i32
      %broadcast_in_dim3A_1332 = vector.broadcast %broadcast_in_dim3A_1331 : i32 to vector<16xi32>
      %lt3A_1333 = arith.constant 0 : i32
      %lt3A_1334 = vector.broadcast %lt3A_1333 : i32 to vector<16xi32>
      %lt3A_1335 = arith.cmpi slt, %broadcast_in_dim3A_1332, %lt3A_1334 : vector<16xi32>
      %add3A_1336 = arith.constant 16 : i32
      %add3A_1337 = vector.broadcast %add3A_1336 : i32 to vector<16xi32>
      %add3A_1338 = arith.addi %broadcast_in_dim3A_1332, %add3A_1337 : vector<16xi32>
      %select_n3A_1339 = arith.select %lt3A_1335, %add3A_1338, %broadcast_in_dim3A_1332 : vector<16xi1>, vector<16xi32>
      %broadcast_in_dim3A_1340 = vector.shape_cast %select_n3A_1339 : vector<16xi32> to vector<16x1xi32>
      %gather3A_1341 = vector.shape_cast %broadcast_in_dim3A_1340 : vector<16x1xi32> to vector<16xi32>
      %gather3A_1342 = tpu.dynamic_gather %get3A_1178[%gather3A_1341] in [0] : vector<16xf32>, vector<16xi32> -> vector<16xf32>
      %add3A_1343 = arith.constant 144 : i32
      %add3A_1344 = arith.addi %mul3A_1186, %add3A_1343 : i32
      %swap3A_1345 = arith.index_cast %add3A_1344 : i32 to index
      %swap3A_1346 = tpu.vector_load %arg6[%swap3A_1345] {strides = array<i32>} : memref<45056xf32, #tpu.memory_space<vmem>>, vector<16xf32>,
      tpu.vector_store %arg6[%swap3A_1345], %gather3A_1342 {strides = array<i32>} : memref<45056xf32, #tpu.memory_space<vmem>>, vector<16xf32>,
      %broadcast_in_dim3A_1347 = arith.constant 10 : i32
      %broadcast_in_dim3A_1348 = vector.broadcast %broadcast_in_dim3A_1347 : i32 to vector<16xi32>
      %lt3A_1349 = arith.constant 0 : i32
      %lt3A_1350 = vector.broadcast %lt3A_1349 : i32 to vector<16xi32>
      %lt3A_1351 = arith.cmpi slt, %broadcast_in_dim3A_1348, %lt3A_1350 : vector<16xi32>
      %add3A_1352 = arith.constant 16 : i32
      %add3A_1353 = vector.broadcast %add3A_1352 : i32 to vector<16xi32>
      %add3A_1354 = arith.addi %broadcast_in_dim3A_1348, %add3A_1353 : vector<16xi32>
      %select_n3A_1355 = arith.select %lt3A_1351, %add3A_1354, %broadcast_in_dim3A_1348 : vector<16xi1>, vector<16xi32>
      %broadcast_in_dim3A_1356 = vector.shape_cast %select_n3A_1355 : vector<16xi32> to vector<16x1xi32>
      %gather3A_1357 = vector.shape_cast %broadcast_in_dim3A_1356 : vector<16x1xi32> to vector<16xi32>
      %gather3A_1358 = tpu.dynamic_gather %get3A_1178[%gather3A_1357] in [0] : vector<16xf32>, vector<16xi32> -> vector<16xf32>
      %add3A_1359 = arith.constant 160 : i32
      %add3A_1360 = arith.addi %mul3A_1186, %add3A_1359 : i32
      %swap3A_1361 = arith.index_cast %add3A_1360 : i32 to index
      %swap3A_1362 = tpu.vector_load %arg6[%swap3A_1361] {strides = array<i32>} : memref<45056xf32, #tpu.memory_space<vmem>>, vector<16xf32>,
      tpu.vector_store %arg6[%swap3A_1361], %gather3A_1358 {strides = array<i32>} : memref<45056xf32, #tpu.memory_space<vmem>>, vector<16xf32>,
      %get3A_1363 = arith.constant 2 : i32
      %get3A_1364 = arith.index_cast %add3A_987 : i32 to index
      %get3A_1365 = arith.index_cast %get3A_1363 : i32 to index
      %get3A_1366 = arith.constant 0 : index
      %get3A_1367 = tpu.vector_load %arg5[%get3A_1364, %get3A_1365, %get3A_1366] {strides = array<i32>} : memref<64x4x16xf32, #tpu.memory_space<vmem>>, vector<16xf32>,
      %mul3A_1368 = arith.constant 4 : i32
      %mul3A_1369 = arith.muli %add3A_987, %mul3A_1368 : i32
      %add3A_1370 = arith.constant 2 : i32
      %add3A_1371 = arith.addi %mul3A_1369, %add3A_1370 : i32
      %mul3A_1372 = arith.constant 11 : i32
      %mul3A_1373 = arith.muli %add3A_1371, %mul3A_1372 : i32
      %mul3A_1374 = arith.constant 16 : i32
      %mul3A_1375 = arith.muli %mul3A_1373, %mul3A_1374 : i32
      %broadcast_in_dim3A_1376 = arith.constant 0 : i32
      %broadcast_in_dim3A_1377 = vector.broadcast %broadcast_in_dim3A_1376 : i32 to vector<16xi32>
      %lt3A_1378 = arith.constant 0 : i32
      %lt3A_1379 = vector.broadcast %lt3A_1378 : i32 to vector<16xi32>
      %lt3A_1380 = arith.cmpi slt, %broadcast_in_dim3A_1377, %lt3A_1379 : vector<16xi32>
      %add3A_1381 = arith.constant 16 : i32
      %add3A_1382 = vector.broadcast %add3A_1381 : i32 to vector<16xi32>
      %add3A_1383 = arith.addi %broadcast_in_dim3A_1377, %add3A_1382 : vector<16xi32>
      %select_n3A_1384 = arith.select %lt3A_1380, %add3A_1383, %broadcast_in_dim3A_1377 : vector<16xi1>, vector<16xi32>
      %broadcast_in_dim3A_1385 = vector.shape_cast %select_n3A_1384 : vector<16xi32> to vector<16x1xi32>
      %gather3A_1386 = vector.shape_cast %broadcast_in_dim3A_1385 : vector<16x1xi32> to vector<16xi32>
      %gather3A_1387 = tpu.dynamic_gather %get3A_1367[%gather3A_1386] in [0] : vector<16xf32>, vector<16xi32> -> vector<16xf32>
      %add3A_1388 = arith.constant 0 : i32
      %add3A_1389 = arith.addi %mul3A_1375, %add3A_1388 : i32
      %swap3A_1390 = arith.index_cast %add3A_1389 : i32 to index
      %swap3A_1391 = tpu.vector_load %arg6[%swap3A_1390] {strides = array<i32>} : memref<45056xf32, #tpu.memory_space<vmem>>, vector<16xf32>,
      tpu.vector_store %arg6[%swap3A_1390], %gather3A_1387 {strides = array<i32>} : memref<45056xf32, #tpu.memory_space<vmem>>, vector<16xf32>,
      %broadcast_in_dim3A_1392 = arith.constant 1 : i32
      %broadcast_in_dim3A_1393 = vector.broadcast %broadcast_in_dim3A_1392 : i32 to vector<16xi32>
      %lt3A_1394 = arith.constant 0 : i32
      %lt3A_1395 = vector.broadcast %lt3A_1394 : i32 to vector<16xi32>
      %lt3A_1396 = arith.cmpi slt, %broadcast_in_dim3A_1393, %lt3A_1395 : vector<16xi32>
      %add3A_1397 = arith.constant 16 : i32
      %add3A_1398 = vector.broadcast %add3A_1397 : i32 to vector<16xi32>
      %add3A_1399 = arith.addi %broadcast_in_dim3A_1393, %add3A_1398 : vector<16xi32>
      %select_n3A_1400 = arith.select %lt3A_1396, %add3A_1399, %broadcast_in_dim3A_1393 : vector<16xi1>, vector<16xi32>
      %broadcast_in_dim3A_1401 = vector.shape_cast %select_n3A_1400 : vector<16xi32> to vector<16x1xi32>
      %gather3A_1402 = vector.shape_cast %broadcast_in_dim3A_1401 : vector<16x1xi32> to vector<16xi32>
      %gather3A_1403 = tpu.dynamic_gather %get3A_1367[%gather3A_1402] in [0] : vector<16xf32>, vector<16xi32> -> vector<16xf32>
      %add3A_1404 = arith.constant 16 : i32
      %add3A_1405 = arith.addi %mul3A_1375, %add3A_1404 : i32
      %swap3A_1406 = arith.index_cast %add3A_1405 : i32 to index
      %swap3A_1407 = tpu.vector_load %arg6[%swap3A_1406] {strides = array<i32>} : memref<45056xf32, #tpu.memory_space<vmem>>, vector<16xf32>,
      tpu.vector_store %arg6[%swap3A_1406], %gather3A_1403 {strides = array<i32>} : memref<45056xf32, #tpu.memory_space<vmem>>, vector<16xf32>,
      %broadcast_in_dim3A_1408 = arith.constant 2 : i32
      %broadcast_in_dim3A_1409 = vector.broadcast %broadcast_in_dim3A_1408 : i32 to vector<16xi32>
      %lt3A_1410 = arith.constant 0 : i32
      %lt3A_1411 = vector.broadcast %lt3A_1410 : i32 to vector<16xi32>
      %lt3A_1412 = arith.cmpi slt, %broadcast_in_dim3A_1409, %lt3A_1411 : vector<16xi32>
      %add3A_1413 = arith.constant 16 : i32
      %add3A_1414 = vector.broadcast %add3A_1413 : i32 to vector<16xi32>
      %add3A_1415 = arith.addi %broadcast_in_dim3A_1409, %add3A_1414 : vector<16xi32>
      %select_n3A_1416 = arith.select %lt3A_1412, %add3A_1415, %broadcast_in_dim3A_1409 : vector<16xi1>, vector<16xi32>
      %broadcast_in_dim3A_1417 = vector.shape_cast %select_n3A_1416 : vector<16xi32> to vector<16x1xi32>
      %gather3A_1418 = vector.shape_cast %broadcast_in_dim3A_1417 : vector<16x1xi32> to vector<16xi32>
      %gather3A_1419 = tpu.dynamic_gather %get3A_1367[%gather3A_1418] in [0] : vector<16xf32>, vector<16xi32> -> vector<16xf32>
      %add3A_1420 = arith.constant 32 : i32
      %add3A_1421 = arith.addi %mul3A_1375, %add3A_1420 : i32
      %swap3A_1422 = arith.index_cast %add3A_1421 : i32 to index
      %swap3A_1423 = tpu.vector_load %arg6[%swap3A_1422] {strides = array<i32>} : memref<45056xf32, #tpu.memory_space<vmem>>, vector<16xf32>,
      tpu.vector_store %arg6[%swap3A_1422], %gather3A_1419 {strides = array<i32>} : memref<45056xf32, #tpu.memory_space<vmem>>, vector<16xf32>,
      %broadcast_in_dim3A_1424 = arith.constant 3 : i32
      %broadcast_in_dim3A_1425 = vector.broadcast %broadcast_in_dim3A_1424 : i32 to vector<16xi32>
      %lt3A_1426 = arith.constant 0 : i32
      %lt3A_1427 = vector.broadcast %lt3A_1426 : i32 to vector<16xi32>
      %lt3A_1428 = arith.cmpi slt, %broadcast_in_dim3A_1425, %lt3A_1427 : vector<16xi32>
      %add3A_1429 = arith.constant 16 : i32
      %add3A_1430 = vector.broadcast %add3A_1429 : i32 to vector<16xi32>
      %add3A_1431 = arith.addi %broadcast_in_dim3A_1425, %add3A_1430 : vector<16xi32>
      %select_n3A_1432 = arith.select %lt3A_1428, %add3A_1431, %broadcast_in_dim3A_1425 : vector<16xi1>, vector<16xi32>
      %broadcast_in_dim3A_1433 = vector.shape_cast %select_n3A_1432 : vector<16xi32> to vector<16x1xi32>
      %gather3A_1434 = vector.shape_cast %broadcast_in_dim3A_1433 : vector<16x1xi32> to vector<16xi32>
      %gather3A_1435 = tpu.dynamic_gather %get3A_1367[%gather3A_1434] in [0] : vector<16xf32>, vector<16xi32> -> vector<16xf32>
      %add3A_1436 = arith.constant 48 : i32
      %add3A_1437 = arith.addi %mul3A_1375, %add3A_1436 : i32
      %swap3A_1438 = arith.index_cast %add3A_1437 : i32 to index
      %swap3A_1439 = tpu.vector_load %arg6[%swap3A_1438] {strides = array<i32>} : memref<45056xf32, #tpu.memory_space<vmem>>, vector<16xf32>,
      tpu.vector_store %arg6[%swap3A_1438], %gather3A_1435 {strides = array<i32>} : memref<45056xf32, #tpu.memory_space<vmem>>, vector<16xf32>,
      %broadcast_in_dim3A_1440 = arith.constant 4 : i32
      %broadcast_in_dim3A_1441 = vector.broadcast %broadcast_in_dim3A_1440 : i32 to vector<16xi32>
      %lt3A_1442 = arith.constant 0 : i32
      %lt3A_1443 = vector.broadcast %lt3A_1442 : i32 to vector<16xi32>
      %lt3A_1444 = arith.cmpi slt, %broadcast_in_dim3A_1441, %lt3A_1443 : vector<16xi32>
      %add3A_1445 = arith.constant 16 : i32
      %add3A_1446 = vector.broadcast %add3A_1445 : i32 to vector<16xi32>
      %add3A_1447 = arith.addi %broadcast_in_dim3A_1441, %add3A_1446 : vector<16xi32>
      %select_n3A_1448 = arith.select %lt3A_1444, %add3A_1447, %broadcast_in_dim3A_1441 : vector<16xi1>, vector<16xi32>
      %broadcast_in_dim3A_1449 = vector.shape_cast %select_n3A_1448 : vector<16xi32> to vector<16x1xi32>
      %gather3A_1450 = vector.shape_cast %broadcast_in_dim3A_1449 : vector<16x1xi32> to vector<16xi32>
      %gather3A_1451 = tpu.dynamic_gather %get3A_1367[%gather3A_1450] in [0] : vector<16xf32>, vector<16xi32> -> vector<16xf32>
      %add3A_1452 = arith.constant 64 : i32
      %add3A_1453 = arith.addi %mul3A_1375, %add3A_1452 : i32
      %swap3A_1454 = arith.index_cast %add3A_1453 : i32 to index
      %swap3A_1455 = tpu.vector_load %arg6[%swap3A_1454] {strides = array<i32>} : memref<45056xf32, #tpu.memory_space<vmem>>, vector<16xf32>,
      tpu.vector_store %arg6[%swap3A_1454], %gather3A_1451 {strides = array<i32>} : memref<45056xf32, #tpu.memory_space<vmem>>, vector<16xf32>,
      %broadcast_in_dim3A_1456 = arith.constant 5 : i32
      %broadcast_in_dim3A_1457 = vector.broadcast %broadcast_in_dim3A_1456 : i32 to vector<16xi32>
      %lt3A_1458 = arith.constant 0 : i32
      %lt3A_1459 = vector.broadcast %lt3A_1458 : i32 to vector<16xi32>
      %lt3A_1460 = arith.cmpi slt, %broadcast_in_dim3A_1457, %lt3A_1459 : vector<16xi32>
      %add3A_1461 = arith.constant 16 : i32
      %add3A_1462 = vector.broadcast %add3A_1461 : i32 to vector<16xi32>
      %add3A_1463 = arith.addi %broadcast_in_dim3A_1457, %add3A_1462 : vector<16xi32>
      %select_n3A_1464 = arith.select %lt3A_1460, %add3A_1463, %broadcast_in_dim3A_1457 : vector<16xi1>, vector<16xi32>
      %broadcast_in_dim3A_1465 = vector.shape_cast %select_n3A_1464 : vector<16xi32> to vector<16x1xi32>
      %gather3A_1466 = vector.shape_cast %broadcast_in_dim3A_1465 : vector<16x1xi32> to vector<16xi32>
      %gather3A_1467 = tpu.dynamic_gather %get3A_1367[%gather3A_1466] in [0] : vector<16xf32>, vector<16xi32> -> vector<16xf32>
      %add3A_1468 = arith.constant 80 : i32
      %add3A_1469 = arith.addi %mul3A_1375, %add3A_1468 : i32
      %swap3A_1470 = arith.index_cast %add3A_1469 : i32 to index
      %swap3A_1471 = tpu.vector_load %arg6[%swap3A_1470] {strides = array<i32>} : memref<45056xf32, #tpu.memory_space<vmem>>, vector<16xf32>,
      tpu.vector_store %arg6[%swap3A_1470], %gather3A_1467 {strides = array<i32>} : memref<45056xf32, #tpu.memory_space<vmem>>, vector<16xf32>,
      %broadcast_in_dim3A_1472 = arith.constant 6 : i32
      %broadcast_in_dim3A_1473 = vector.broadcast %broadcast_in_dim3A_1472 : i32 to vector<16xi32>
      %lt3A_1474 = arith.constant 0 : i32
      %lt3A_1475 = vector.broadcast %lt3A_1474 : i32 to vector<16xi32>
      %lt3A_1476 = arith.cmpi slt, %broadcast_in_dim3A_1473, %lt3A_1475 : vector<16xi32>
      %add3A_1477 = arith.constant 16 : i32
      %add3A_1478 = vector.broadcast %add3A_1477 : i32 to vector<16xi32>
      %add3A_1479 = arith.addi %broadcast_in_dim3A_1473, %add3A_1478 : vector<16xi32>
      %select_n3A_1480 = arith.select %lt3A_1476, %add3A_1479, %broadcast_in_dim3A_1473 : vector<16xi1>, vector<16xi32>
      %broadcast_in_dim3A_1481 = vector.shape_cast %select_n3A_1480 : vector<16xi32> to vector<16x1xi32>
      %gather3A_1482 = vector.shape_cast %broadcast_in_dim3A_1481 : vector<16x1xi32> to vector<16xi32>
      %gather3A_1483 = tpu.dynamic_gather %get3A_1367[%gather3A_1482] in [0] : vector<16xf32>, vector<16xi32> -> vector<16xf32>
      %add3A_1484 = arith.constant 96 : i32
      %add3A_1485 = arith.addi %mul3A_1375, %add3A_1484 : i32
      %swap3A_1486 = arith.index_cast %add3A_1485 : i32 to index
      %swap3A_1487 = tpu.vector_load %arg6[%swap3A_1486] {strides = array<i32>} : memref<45056xf32, #tpu.memory_space<vmem>>, vector<16xf32>,
      tpu.vector_store %arg6[%swap3A_1486], %gather3A_1483 {strides = array<i32>} : memref<45056xf32, #tpu.memory_space<vmem>>, vector<16xf32>,
      %broadcast_in_dim3A_1488 = arith.constant 7 : i32
      %broadcast_in_dim3A_1489 = vector.broadcast %broadcast_in_dim3A_1488 : i32 to vector<16xi32>
      %lt3A_1490 = arith.constant 0 : i32
      %lt3A_1491 = vector.broadcast %lt3A_1490 : i32 to vector<16xi32>
      %lt3A_1492 = arith.cmpi slt, %broadcast_in_dim3A_1489, %lt3A_1491 : vector<16xi32>
      %add3A_1493 = arith.constant 16 : i32
      %add3A_1494 = vector.broadcast %add3A_1493 : i32 to vector<16xi32>
      %add3A_1495 = arith.addi %broadcast_in_dim3A_1489, %add3A_1494 : vector<16xi32>
      %select_n3A_1496 = arith.select %lt3A_1492, %add3A_1495, %broadcast_in_dim3A_1489 : vector<16xi1>, vector<16xi32>
      %broadcast_in_dim3A_1497 = vector.shape_cast %select_n3A_1496 : vector<16xi32> to vector<16x1xi32>
      %gather3A_1498 = vector.shape_cast %broadcast_in_dim3A_1497 : vector<16x1xi32> to vector<16xi32>
      %gather3A_1499 = tpu.dynamic_gather %get3A_1367[%gather3A_1498] in [0] : vector<16xf32>, vector<16xi32> -> vector<16xf32>
      %add3A_1500 = arith.constant 112 : i32
      %add3A_1501 = arith.addi %mul3A_1375, %add3A_1500 : i32
      %swap3A_1502 = arith.index_cast %add3A_1501 : i32 to index
      %swap3A_1503 = tpu.vector_load %arg6[%swap3A_1502] {strides = array<i32>} : memref<45056xf32, #tpu.memory_space<vmem>>, vector<16xf32>,
      tpu.vector_store %arg6[%swap3A_1502], %gather3A_1499 {strides = array<i32>} : memref<45056xf32, #tpu.memory_space<vmem>>, vector<16xf32>,
      %broadcast_in_dim3A_1504 = arith.constant 8 : i32
      %broadcast_in_dim3A_1505 = vector.broadcast %broadcast_in_dim3A_1504 : i32 to vector<16xi32>
      %lt3A_1506 = arith.constant 0 : i32
      %lt3A_1507 = vector.broadcast %lt3A_1506 : i32 to vector<16xi32>
      %lt3A_1508 = arith.cmpi slt, %broadcast_in_dim3A_1505, %lt3A_1507 : vector<16xi32>
      %add3A_1509 = arith.constant 16 : i32
      %add3A_1510 = vector.broadcast %add3A_1509 : i32 to vector<16xi32>
      %add3A_1511 = arith.addi %broadcast_in_dim3A_1505, %add3A_1510 : vector<16xi32>
      %select_n3A_1512 = arith.select %lt3A_1508, %add3A_1511, %broadcast_in_dim3A_1505 : vector<16xi1>, vector<16xi32>
      %broadcast_in_dim3A_1513 = vector.shape_cast %select_n3A_1512 : vector<16xi32> to vector<16x1xi32>
      %gather3A_1514 = vector.shape_cast %broadcast_in_dim3A_1513 : vector<16x1xi32> to vector<16xi32>
      %gather3A_1515 = tpu.dynamic_gather %get3A_1367[%gather3A_1514] in [0] : vector<16xf32>, vector<16xi32> -> vector<16xf32>
      %add3A_1516 = arith.constant 128 : i32
      %add3A_1517 = arith.addi %mul3A_1375, %add3A_1516 : i32
      %swap3A_1518 = arith.index_cast %add3A_1517 : i32 to index
      %swap3A_1519 = tpu.vector_load %arg6[%swap3A_1518] {strides = array<i32>} : memref<45056xf32, #tpu.memory_space<vmem>>, vector<16xf32>,
      tpu.vector_store %arg6[%swap3A_1518], %gather3A_1515 {strides = array<i32>} : memref<45056xf32, #tpu.memory_space<vmem>>, vector<16xf32>,
      %broadcast_in_dim3A_1520 = arith.constant 9 : i32
      %broadcast_in_dim3A_1521 = vector.broadcast %broadcast_in_dim3A_1520 : i32 to vector<16xi32>
      %lt3A_1522 = arith.constant 0 : i32
      %lt3A_1523 = vector.broadcast %lt3A_1522 : i32 to vector<16xi32>
      %lt3A_1524 = arith.cmpi slt, %broadcast_in_dim3A_1521, %lt3A_1523 : vector<16xi32>
      %add3A_1525 = arith.constant 16 : i32
      %add3A_1526 = vector.broadcast %add3A_1525 : i32 to vector<16xi32>
      %add3A_1527 = arith.addi %broadcast_in_dim3A_1521, %add3A_1526 : vector<16xi32>
      %select_n3A_1528 = arith.select %lt3A_1524, %add3A_1527, %broadcast_in_dim3A_1521 : vector<16xi1>, vector<16xi32>
      %broadcast_in_dim3A_1529 = vector.shape_cast %select_n3A_1528 : vector<16xi32> to vector<16x1xi32>
      %gather3A_1530 = vector.shape_cast %broadcast_in_dim3A_1529 : vector<16x1xi32> to vector<16xi32>
      %gather3A_1531 = tpu.dynamic_gather %get3A_1367[%gather3A_1530] in [0] : vector<16xf32>, vector<16xi32> -> vector<16xf32>
      %add3A_1532 = arith.constant 144 : i32
      %add3A_1533 = arith.addi %mul3A_1375, %add3A_1532 : i32
      %swap3A_1534 = arith.index_cast %add3A_1533 : i32 to index
      %swap3A_1535 = tpu.vector_load %arg6[%swap3A_1534] {strides = array<i32>} : memref<45056xf32, #tpu.memory_space<vmem>>, vector<16xf32>,
      tpu.vector_store %arg6[%swap3A_1534], %gather3A_1531 {strides = array<i32>} : memref<45056xf32, #tpu.memory_space<vmem>>, vector<16xf32>,
      %broadcast_in_dim3A_1536 = arith.constant 10 : i32
      %broadcast_in_dim3A_1537 = vector.broadcast %broadcast_in_dim3A_1536 : i32 to vector<16xi32>
      %lt3A_1538 = arith.constant 0 : i32
      %lt3A_1539 = vector.broadcast %lt3A_1538 : i32 to vector<16xi32>
      %lt3A_1540 = arith.cmpi slt, %broadcast_in_dim3A_1537, %lt3A_1539 : vector<16xi32>
      %add3A_1541 = arith.constant 16 : i32
      %add3A_1542 = vector.broadcast %add3A_1541 : i32 to vector<16xi32>
      %add3A_1543 = arith.addi %broadcast_in_dim3A_1537, %add3A_1542 : vector<16xi32>
      %select_n3A_1544 = arith.select %lt3A_1540, %add3A_1543, %broadcast_in_dim3A_1537 : vector<16xi1>, vector<16xi32>
      %broadcast_in_dim3A_1545 = vector.shape_cast %select_n3A_1544 : vector<16xi32> to vector<16x1xi32>
      %gather3A_1546 = vector.shape_cast %broadcast_in_dim3A_1545 : vector<16x1xi32> to vector<16xi32>
      %gather3A_1547 = tpu.dynamic_gather %get3A_1367[%gather3A_1546] in [0] : vector<16xf32>, vector<16xi32> -> vector<16xf32>
      %add3A_1548 = arith.constant 160 : i32
      %add3A_1549 = arith.addi %mul3A_1375, %add3A_1548 : i32
      %swap3A_1550 = arith.index_cast %add3A_1549 : i32 to index
      %swap3A_1551 = tpu.vector_load %arg6[%swap3A_1550] {strides = array<i32>} : memref<45056xf32, #tpu.memory_space<vmem>>, vector<16xf32>,
      tpu.vector_store %arg6[%swap3A_1550], %gather3A_1547 {strides = array<i32>} : memref<45056xf32, #tpu.memory_space<vmem>>, vector<16xf32>,
      %get3A_1552 = arith.constant 3 : i32
      %get3A_1553 = arith.index_cast %add3A_987 : i32 to index
      %get3A_1554 = arith.index_cast %get3A_1552 : i32 to index
      %get3A_1555 = arith.constant 0 : index
      %get3A_1556 = tpu.vector_load %arg5[%get3A_1553, %get3A_1554, %get3A_1555] {strides = array<i32>} : memref<64x4x16xf32, #tpu.memory_space<vmem>>, vector<16xf32>,
      %mul3A_1557 = arith.constant 4 : i32
      %mul3A_1558 = arith.muli %add3A_987, %mul3A_1557 : i32
      %add3A_1559 = arith.constant 3 : i32
      %add3A_1560 = arith.addi %mul3A_1558, %add3A_1559 : i32
      %mul3A_1561 = arith.constant 11 : i32
      %mul3A_1562 = arith.muli %add3A_1560, %mul3A_1561 : i32
      %mul3A_1563 = arith.constant 16 : i32
      %mul3A_1564 = arith.muli %mul3A_1562, %mul3A_1563 : i32
      %broadcast_in_dim3A_1565 = arith.constant 0 : i32
      %broadcast_in_dim3A_1566 = vector.broadcast %broadcast_in_dim3A_1565 : i32 to vector<16xi32>
      %lt3A_1567 = arith.constant 0 : i32
      %lt3A_1568 = vector.broadcast %lt3A_1567 : i32 to vector<16xi32>
      %lt3A_1569 = arith.cmpi slt, %broadcast_in_dim3A_1566, %lt3A_1568 : vector<16xi32>
      %add3A_1570 = arith.constant 16 : i32
      %add3A_1571 = vector.broadcast %add3A_1570 : i32 to vector<16xi32>
      %add3A_1572 = arith.addi %broadcast_in_dim3A_1566, %add3A_1571 : vector<16xi32>
      %select_n3A_1573 = arith.select %lt3A_1569, %add3A_1572, %broadcast_in_dim3A_1566 : vector<16xi1>, vector<16xi32>
      %broadcast_in_dim3A_1574 = vector.shape_cast %select_n3A_1573 : vector<16xi32> to vector<16x1xi32>
      %gather3A_1575 = vector.shape_cast %broadcast_in_dim3A_1574 : vector<16x1xi32> to vector<16xi32>
      %gather3A_1576 = tpu.dynamic_gather %get3A_1556[%gather3A_1575] in [0] : vector<16xf32>, vector<16xi32> -> vector<16xf32>
      %add3A_1577 = arith.constant 0 : i32
      %add3A_1578 = arith.addi %mul3A_1564, %add3A_1577 : i32
      %swap3A_1579 = arith.index_cast %add3A_1578 : i32 to index
      %swap3A_1580 = tpu.vector_load %arg6[%swap3A_1579] {strides = array<i32>} : memref<45056xf32, #tpu.memory_space<vmem>>, vector<16xf32>,
      tpu.vector_store %arg6[%swap3A_1579], %gather3A_1576 {strides = array<i32>} : memref<45056xf32, #tpu.memory_space<vmem>>, vector<16xf32>,
      %broadcast_in_dim3A_1581 = arith.constant 1 : i32
      %broadcast_in_dim3A_1582 = vector.broadcast %broadcast_in_dim3A_1581 : i32 to vector<16xi32>
      %lt3A_1583 = arith.constant 0 : i32
      %lt3A_1584 = vector.broadcast %lt3A_1583 : i32 to vector<16xi32>
      %lt3A_1585 = arith.cmpi slt, %broadcast_in_dim3A_1582, %lt3A_1584 : vector<16xi32>
      %add3A_1586 = arith.constant 16 : i32
      %add3A_1587 = vector.broadcast %add3A_1586 : i32 to vector<16xi32>
      %add3A_1588 = arith.addi %broadcast_in_dim3A_1582, %add3A_1587 : vector<16xi32>
      %select_n3A_1589 = arith.select %lt3A_1585, %add3A_1588, %broadcast_in_dim3A_1582 : vector<16xi1>, vector<16xi32>
      %broadcast_in_dim3A_1590 = vector.shape_cast %select_n3A_1589 : vector<16xi32> to vector<16x1xi32>
      %gather3A_1591 = vector.shape_cast %broadcast_in_dim3A_1590 : vector<16x1xi32> to vector<16xi32>
      %gather3A_1592 = tpu.dynamic_gather %get3A_1556[%gather3A_1591] in [0] : vector<16xf32>, vector<16xi32> -> vector<16xf32>
      %add3A_1593 = arith.constant 16 : i32
      %add3A_1594 = arith.addi %mul3A_1564, %add3A_1593 : i32
      %swap3A_1595 = arith.index_cast %add3A_1594 : i32 to index
      %swap3A_1596 = tpu.vector_load %arg6[%swap3A_1595] {strides = array<i32>} : memref<45056xf32, #tpu.memory_space<vmem>>, vector<16xf32>,
      tpu.vector_store %arg6[%swap3A_1595], %gather3A_1592 {strides = array<i32>} : memref<45056xf32, #tpu.memory_space<vmem>>, vector<16xf32>,
      %broadcast_in_dim3A_1597 = arith.constant 2 : i32
      %broadcast_in_dim3A_1598 = vector.broadcast %broadcast_in_dim3A_1597 : i32 to vector<16xi32>
      %lt3A_1599 = arith.constant 0 : i32
      %lt3A_1600 = vector.broadcast %lt3A_1599 : i32 to vector<16xi32>
      %lt3A_1601 = arith.cmpi slt, %broadcast_in_dim3A_1598, %lt3A_1600 : vector<16xi32>
      %add3A_1602 = arith.constant 16 : i32
      %add3A_1603 = vector.broadcast %add3A_1602 : i32 to vector<16xi32>
      %add3A_1604 = arith.addi %broadcast_in_dim3A_1598, %add3A_1603 : vector<16xi32>
      %select_n3A_1605 = arith.select %lt3A_1601, %add3A_1604, %broadcast_in_dim3A_1598 : vector<16xi1>, vector<16xi32>
      %broadcast_in_dim3A_1606 = vector.shape_cast %select_n3A_1605 : vector<16xi32> to vector<16x1xi32>
      %gather3A_1607 = vector.shape_cast %broadcast_in_dim3A_1606 : vector<16x1xi32> to vector<16xi32>
      %gather3A_1608 = tpu.dynamic_gather %get3A_1556[%gather3A_1607] in [0] : vector<16xf32>, vector<16xi32> -> vector<16xf32>
      %add3A_1609 = arith.constant 32 : i32
      %add3A_1610 = arith.addi %mul3A_1564, %add3A_1609 : i32
      %swap3A_1611 = arith.index_cast %add3A_1610 : i32 to index
      %swap3A_1612 = tpu.vector_load %arg6[%swap3A_1611] {strides = array<i32>} : memref<45056xf32, #tpu.memory_space<vmem>>, vector<16xf32>,
      tpu.vector_store %arg6[%swap3A_1611], %gather3A_1608 {strides = array<i32>} : memref<45056xf32, #tpu.memory_space<vmem>>, vector<16xf32>,
      %broadcast_in_dim3A_1613 = arith.constant 3 : i32
      %broadcast_in_dim3A_1614 = vector.broadcast %broadcast_in_dim3A_1613 : i32 to vector<16xi32>
      %lt3A_1615 = arith.constant 0 : i32
      %lt3A_1616 = vector.broadcast %lt3A_1615 : i32 to vector<16xi32>
      %lt3A_1617 = arith.cmpi slt, %broadcast_in_dim3A_1614, %lt3A_1616 : vector<16xi32>
      %add3A_1618 = arith.constant 16 : i32
      %add3A_1619 = vector.broadcast %add3A_1618 : i32 to vector<16xi32>
      %add3A_1620 = arith.addi %broadcast_in_dim3A_1614, %add3A_1619 : vector<16xi32>
      %select_n3A_1621 = arith.select %lt3A_1617, %add3A_1620, %broadcast_in_dim3A_1614 : vector<16xi1>, vector<16xi32>
      %broadcast_in_dim3A_1622 = vector.shape_cast %select_n3A_1621 : vector<16xi32> to vector<16x1xi32>
      %gather3A_1623 = vector.shape_cast %broadcast_in_dim3A_1622 : vector<16x1xi32> to vector<16xi32>
      %gather3A_1624 = tpu.dynamic_gather %get3A_1556[%gather3A_1623] in [0] : vector<16xf32>, vector<16xi32> -> vector<16xf32>
      %add3A_1625 = arith.constant 48 : i32
      %add3A_1626 = arith.addi %mul3A_1564, %add3A_1625 : i32
      %swap3A_1627 = arith.index_cast %add3A_1626 : i32 to index
      %swap3A_1628 = tpu.vector_load %arg6[%swap3A_1627] {strides = array<i32>} : memref<45056xf32, #tpu.memory_space<vmem>>, vector<16xf32>,
      tpu.vector_store %arg6[%swap3A_1627], %gather3A_1624 {strides = array<i32>} : memref<45056xf32, #tpu.memory_space<vmem>>, vector<16xf32>,
      %broadcast_in_dim3A_1629 = arith.constant 4 : i32
      %broadcast_in_dim3A_1630 = vector.broadcast %broadcast_in_dim3A_1629 : i32 to vector<16xi32>
      %lt3A_1631 = arith.constant 0 : i32
      %lt3A_1632 = vector.broadcast %lt3A_1631 : i32 to vector<16xi32>
      %lt3A_1633 = arith.cmpi slt, %broadcast_in_dim3A_1630, %lt3A_1632 : vector<16xi32>
      %add3A_1634 = arith.constant 16 : i32
      %add3A_1635 = vector.broadcast %add3A_1634 : i32 to vector<16xi32>
      %add3A_1636 = arith.addi %broadcast_in_dim3A_1630, %add3A_1635 : vector<16xi32>
      %select_n3A_1637 = arith.select %lt3A_1633, %add3A_1636, %broadcast_in_dim3A_1630 : vector<16xi1>, vector<16xi32>
      %broadcast_in_dim3A_1638 = vector.shape_cast %select_n3A_1637 : vector<16xi32> to vector<16x1xi32>
      %gather3A_1639 = vector.shape_cast %broadcast_in_dim3A_1638 : vector<16x1xi32> to vector<16xi32>
      %gather3A_1640 = tpu.dynamic_gather %get3A_1556[%gather3A_1639] in [0] : vector<16xf32>, vector<16xi32> -> vector<16xf32>
      %add3A_1641 = arith.constant 64 : i32
      %add3A_1642 = arith.addi %mul3A_1564, %add3A_1641 : i32
      %swap3A_1643 = arith.index_cast %add3A_1642 : i32 to index
      %swap3A_1644 = tpu.vector_load %arg6[%swap3A_1643] {strides = array<i32>} : memref<45056xf32, #tpu.memory_space<vmem>>, vector<16xf32>,
      tpu.vector_store %arg6[%swap3A_1643], %gather3A_1640 {strides = array<i32>} : memref<45056xf32, #tpu.memory_space<vmem>>, vector<16xf32>,
      %broadcast_in_dim3A_1645 = arith.constant 5 : i32
      %broadcast_in_dim3A_1646 = vector.broadcast %broadcast_in_dim3A_1645 : i32 to vector<16xi32>
      %lt3A_1647 = arith.constant 0 : i32
      %lt3A_1648 = vector.broadcast %lt3A_1647 : i32 to vector<16xi32>
      %lt3A_1649 = arith.cmpi slt, %broadcast_in_dim3A_1646, %lt3A_1648 : vector<16xi32>
      %add3A_1650 = arith.constant 16 : i32
      %add3A_1651 = vector.broadcast %add3A_1650 : i32 to vector<16xi32>
      %add3A_1652 = arith.addi %broadcast_in_dim3A_1646, %add3A_1651 : vector<16xi32>
      %select_n3A_1653 = arith.select %lt3A_1649, %add3A_1652, %broadcast_in_dim3A_1646 : vector<16xi1>, vector<16xi32>
      %broadcast_in_dim3A_1654 = vector.shape_cast %select_n3A_1653 : vector<16xi32> to vector<16x1xi32>
      %gather3A_1655 = vector.shape_cast %broadcast_in_dim3A_1654 : vector<16x1xi32> to vector<16xi32>
      %gather3A_1656 = tpu.dynamic_gather %get3A_1556[%gather3A_1655] in [0] : vector<16xf32>, vector<16xi32> -> vector<16xf32>
      %add3A_1657 = arith.constant 80 : i32
      %add3A_1658 = arith.addi %mul3A_1564, %add3A_1657 : i32
      %swap3A_1659 = arith.index_cast %add3A_1658 : i32 to index
      %swap3A_1660 = tpu.vector_load %arg6[%swap3A_1659] {strides = array<i32>} : memref<45056xf32, #tpu.memory_space<vmem>>, vector<16xf32>,
      tpu.vector_store %arg6[%swap3A_1659], %gather3A_1656 {strides = array<i32>} : memref<45056xf32, #tpu.memory_space<vmem>>, vector<16xf32>,
      %broadcast_in_dim3A_1661 = arith.constant 6 : i32
      %broadcast_in_dim3A_1662 = vector.broadcast %broadcast_in_dim3A_1661 : i32 to vector<16xi32>
      %lt3A_1663 = arith.constant 0 : i32
      %lt3A_1664 = vector.broadcast %lt3A_1663 : i32 to vector<16xi32>
      %lt3A_1665 = arith.cmpi slt, %broadcast_in_dim3A_1662, %lt3A_1664 : vector<16xi32>
      %add3A_1666 = arith.constant 16 : i32
      %add3A_1667 = vector.broadcast %add3A_1666 : i32 to vector<16xi32>
      %add3A_1668 = arith.addi %broadcast_in_dim3A_1662, %add3A_1667 : vector<16xi32>
      %select_n3A_1669 = arith.select %lt3A_1665, %add3A_1668, %broadcast_in_dim3A_1662 : vector<16xi1>, vector<16xi32>
      %broadcast_in_dim3A_1670 = vector.shape_cast %select_n3A_1669 : vector<16xi32> to vector<16x1xi32>
      %gather3A_1671 = vector.shape_cast %broadcast_in_dim3A_1670 : vector<16x1xi32> to vector<16xi32>
      %gather3A_1672 = tpu.dynamic_gather %get3A_1556[%gather3A_1671] in [0] : vector<16xf32>, vector<16xi32> -> vector<16xf32>
      %add3A_1673 = arith.constant 96 : i32
      %add3A_1674 = arith.addi %mul3A_1564, %add3A_1673 : i32
      %swap3A_1675 = arith.index_cast %add3A_1674 : i32 to index
      %swap3A_1676 = tpu.vector_load %arg6[%swap3A_1675] {strides = array<i32>} : memref<45056xf32, #tpu.memory_space<vmem>>, vector<16xf32>,
      tpu.vector_store %arg6[%swap3A_1675], %gather3A_1672 {strides = array<i32>} : memref<45056xf32, #tpu.memory_space<vmem>>, vector<16xf32>,
      %broadcast_in_dim3A_1677 = arith.constant 7 : i32
      %broadcast_in_dim3A_1678 = vector.broadcast %broadcast_in_dim3A_1677 : i32 to vector<16xi32>
      %lt3A_1679 = arith.constant 0 : i32
      %lt3A_1680 = vector.broadcast %lt3A_1679 : i32 to vector<16xi32>
      %lt3A_1681 = arith.cmpi slt, %broadcast_in_dim3A_1678, %lt3A_1680 : vector<16xi32>
      %add3A_1682 = arith.constant 16 : i32
      %add3A_1683 = vector.broadcast %add3A_1682 : i32 to vector<16xi32>
      %add3A_1684 = arith.addi %broadcast_in_dim3A_1678, %add3A_1683 : vector<16xi32>
      %select_n3A_1685 = arith.select %lt3A_1681, %add3A_1684, %broadcast_in_dim3A_1678 : vector<16xi1>, vector<16xi32>
      %broadcast_in_dim3A_1686 = vector.shape_cast %select_n3A_1685 : vector<16xi32> to vector<16x1xi32>
      %gather3A_1687 = vector.shape_cast %broadcast_in_dim3A_1686 : vector<16x1xi32> to vector<16xi32>
      %gather3A_1688 = tpu.dynamic_gather %get3A_1556[%gather3A_1687] in [0] : vector<16xf32>, vector<16xi32> -> vector<16xf32>
      %add3A_1689 = arith.constant 112 : i32
      %add3A_1690 = arith.addi %mul3A_1564, %add3A_1689 : i32
      %swap3A_1691 = arith.index_cast %add3A_1690 : i32 to index
      %swap3A_1692 = tpu.vector_load %arg6[%swap3A_1691] {strides = array<i32>} : memref<45056xf32, #tpu.memory_space<vmem>>, vector<16xf32>,
      tpu.vector_store %arg6[%swap3A_1691], %gather3A_1688 {strides = array<i32>} : memref<45056xf32, #tpu.memory_space<vmem>>, vector<16xf32>,
      %broadcast_in_dim3A_1693 = arith.constant 8 : i32
      %broadcast_in_dim3A_1694 = vector.broadcast %broadcast_in_dim3A_1693 : i32 to vector<16xi32>
      %lt3A_1695 = arith.constant 0 : i32
      %lt3A_1696 = vector.broadcast %lt3A_1695 : i32 to vector<16xi32>
      %lt3A_1697 = arith.cmpi slt, %broadcast_in_dim3A_1694, %lt3A_1696 : vector<16xi32>
      %add3A_1698 = arith.constant 16 : i32
      %add3A_1699 = vector.broadcast %add3A_1698 : i32 to vector<16xi32>
      %add3A_1700 = arith.addi %broadcast_in_dim3A_1694, %add3A_1699 : vector<16xi32>
      %select_n3A_1701 = arith.select %lt3A_1697, %add3A_1700, %broadcast_in_dim3A_1694 : vector<16xi1>, vector<16xi32>
      %broadcast_in_dim3A_1702 = vector.shape_cast %select_n3A_1701 : vector<16xi32> to vector<16x1xi32>
      %gather3A_1703 = vector.shape_cast %broadcast_in_dim3A_1702 : vector<16x1xi32> to vector<16xi32>
      %gather3A_1704 = tpu.dynamic_gather %get3A_1556[%gather3A_1703] in [0] : vector<16xf32>, vector<16xi32> -> vector<16xf32>
      %add3A_1705 = arith.constant 128 : i32
      %add3A_1706 = arith.addi %mul3A_1564, %add3A_1705 : i32
      %swap3A_1707 = arith.index_cast %add3A_1706 : i32 to index
      %swap3A_1708 = tpu.vector_load %arg6[%swap3A_1707] {strides = array<i32>} : memref<45056xf32, #tpu.memory_space<vmem>>, vector<16xf32>,
      tpu.vector_store %arg6[%swap3A_1707], %gather3A_1704 {strides = array<i32>} : memref<45056xf32, #tpu.memory_space<vmem>>, vector<16xf32>,
      %broadcast_in_dim3A_1709 = arith.constant 9 : i32
      %broadcast_in_dim3A_1710 = vector.broadcast %broadcast_in_dim3A_1709 : i32 to vector<16xi32>
      %lt3A_1711 = arith.constant 0 : i32
      %lt3A_1712 = vector.broadcast %lt3A_1711 : i32 to vector<16xi32>
      %lt3A_1713 = arith.cmpi slt, %broadcast_in_dim3A_1710, %lt3A_1712 : vector<16xi32>
      %add3A_1714 = arith.constant 16 : i32
      %add3A_1715 = vector.broadcast %add3A_1714 : i32 to vector<16xi32>
      %add3A_1716 = arith.addi %broadcast_in_dim3A_1710, %add3A_1715 : vector<16xi32>
      %select_n3A_1717 = arith.select %lt3A_1713, %add3A_1716, %broadcast_in_dim3A_1710 : vector<16xi1>, vector<16xi32>
      %broadcast_in_dim3A_1718 = vector.shape_cast %select_n3A_1717 : vector<16xi32> to vector<16x1xi32>
      %gather3A_1719 = vector.shape_cast %broadcast_in_dim3A_1718 : vector<16x1xi32> to vector<16xi32>
      %gather3A_1720 = tpu.dynamic_gather %get3A_1556[%gather3A_1719] in [0] : vector<16xf32>, vector<16xi32> -> vector<16xf32>
      %add3A_1721 = arith.constant 144 : i32
      %add3A_1722 = arith.addi %mul3A_1564, %add3A_1721 : i32
      %swap3A_1723 = arith.index_cast %add3A_1722 : i32 to index
      %swap3A_1724 = tpu.vector_load %arg6[%swap3A_1723] {strides = array<i32>} : memref<45056xf32, #tpu.memory_space<vmem>>, vector<16xf32>,
      tpu.vector_store %arg6[%swap3A_1723], %gather3A_1720 {strides = array<i32>} : memref<45056xf32, #tpu.memory_space<vmem>>, vector<16xf32>,
      %broadcast_in_dim3A_1725 = arith.constant 10 : i32
      %broadcast_in_dim3A_1726 = vector.broadcast %broadcast_in_dim3A_1725 : i32 to vector<16xi32>
      %lt3A_1727 = arith.constant 0 : i32
      %lt3A_1728 = vector.broadcast %lt3A_1727 : i32 to vector<16xi32>
      %lt3A_1729 = arith.cmpi slt, %broadcast_in_dim3A_1726, %lt3A_1728 : vector<16xi32>
      %add3A_1730 = arith.constant 16 : i32
      %add3A_1731 = vector.broadcast %add3A_1730 : i32 to vector<16xi32>
      %add3A_1732 = arith.addi %broadcast_in_dim3A_1726, %add3A_1731 : vector<16xi32>
      %select_n3A_1733 = arith.select %lt3A_1729, %add3A_1732, %broadcast_in_dim3A_1726 : vector<16xi1>, vector<16xi32>
      %broadcast_in_dim3A_1734 = vector.shape_cast %select_n3A_1733 : vector<16xi32> to vector<16x1xi32>
      %gather3A_1735 = vector.shape_cast %broadcast_in_dim3A_1734 : vector<16x1xi32> to vector<16xi32>
      %gather3A_1736 = tpu.dynamic_gather %get3A_1556[%gather3A_1735] in [0] : vector<16xf32>, vector<16xi32> -> vector<16xf32>
      %add3A_1737 = arith.constant 160 : i32
      %add3A_1738 = arith.addi %mul3A_1564, %add3A_1737 : i32
      %swap3A_1739 = arith.index_cast %add3A_1738 : i32 to index
      %swap3A_1740 = tpu.vector_load %arg6[%swap3A_1739] {strides = array<i32>} : memref<45056xf32, #tpu.memory_space<vmem>>, vector<16xf32>,
      tpu.vector_store %arg6[%swap3A_1739], %gather3A_1736 {strides = array<i32>} : memref<45056xf32, #tpu.memory_space<vmem>>, vector<16xf32>,
    }
    %scan3A_26 = arith.constant 64 : i32
    %min3A_27 = arith.constant 0 : i32
    %min3A_28 = arith.constant 24 : i32
    %min3A_29 = arith.minsi %min3A_27, %min3A_28 : i32
    %add3A_30 = arith.addi %mul3A_2, %min3A_29 : i32
    %jit3A_31 = arith.constant 8 : i32
    %div3A_32 = arith.divsi %add3A_30, %jit3A_31 : i32
    %sign3A_33 = arith.constant 0 : i32
    %sign3A_34 = arith.cmpi sgt, %add3A_30, %sign3A_33 : i32
    %sign3A_35 = arith.extui %sign3A_34 : i1 to i32
    %sign3A_36 = arith.constant 0 : i32
    %sign3A_37 = arith.cmpi slt, %add3A_30, %sign3A_36 : i32
    %sign3A_38 = arith.extui %sign3A_37 : i1 to i32
    %sign3A_39 = arith.subi %sign3A_35, %sign3A_38 : i32
    %sign3A_40 = arith.constant 0 : i32
    %sign3A_41 = arith.cmpi sgt, %jit3A_31, %sign3A_40 : i32
    %sign3A_42 = arith.extui %sign3A_41 : i1 to i32
    %sign3A_43 = arith.constant 0 : i32
    %sign3A_44 = arith.cmpi slt, %jit3A_31, %sign3A_43 : i32
    %sign3A_45 = arith.extui %sign3A_44 : i1 to i32
    %sign3A_46 = arith.subi %sign3A_42, %sign3A_45 : i32
    %ne3A_47 = arith.cmpi ne, %sign3A_39, %sign3A_46 : i32
    %rem3A_48 = arith.remsi %add3A_30, %jit3A_31 : i32
    %ne3A_49 = arith.constant 0 : i32
    %ne3A_50 = arith.cmpi ne, %rem3A_48, %ne3A_49 : i32
    %and3A_51 = arith.andi %ne3A_47, %ne3A_50 : i1
    %sub3A_52 = arith.constant 1 : i32
    %sub3A_53 = arith.subi %div3A_32, %sub3A_52 : i32
    %select_n3A_54 = arith.select %and3A_51, %sub3A_53, %div3A_32 : i32
    %jit3A_55 = arith.constant 8 : i32
    %eq3A = arith.constant 0 : i32
    %eq3A_56 = arith.cmpi eq, %jit3A_55, %eq3A : i32
    %jit3A_57 = arith.constant 1 : i32
    %select_n3A_58 = arith.select %eq3A_56, %jit3A_57, %jit3A_55 : i32
    %rem3A_59 = arith.remsi %add3A_30, %select_n3A_58 : i32
    %ne3A_60 = arith.constant 0 : i32
    %ne3A_61 = arith.cmpi ne, %rem3A_59, %ne3A_60 : i32
    %lt3A = arith.constant 0 : i32
    %lt3A_62 = arith.cmpi slt, %rem3A_59, %lt3A : i32
    %lt3A_63 = arith.constant 0 : i32
    %lt3A_64 = arith.cmpi slt, %select_n3A_58, %lt3A_63 : i32
    %ne3A_65 = arith.xori %lt3A_62, %lt3A_64 : i1
    %and3A_66 = arith.andi %ne3A_65, %ne3A_61 : i1
    %add3A_67 = arith.addi %rem3A_59, %select_n3A_58 : i32
    %select_n3A_68 = arith.select %and3A_66, %add3A_67, %rem3A_59 : i32
    %dma_start3A = arith.constant 0 : i32
    %dma_start3A_69 = tpu.memref_slice %arg2[%select_n3A_54, %dma_start3A] : memref<100x4096xf32, #tpu.memory_space<hbm>> -> memref<1x4096xf32, #tpu.memory_space<hbm>>
    %dma_start3A_70 = tpu.memref_squeeze %dma_start3A_69 : memref<1x4096xf32, #tpu.memory_space<hbm>> -> memref<4096xf32, #tpu.memory_space<hbm>>
    %dma_start3A_71 = arith.constant 0 : i32
    %dma_start3A_72 = tpu.memref_slice %arg2[%select_n3A_54, %dma_start3A_71] : memref<100x4096xf32, #tpu.memory_space<hbm>> -> memref<1x4096xf32, #tpu.memory_space<hbm>>
    %dma_start3A_73 = tpu.memref_squeeze %dma_start3A_72 : memref<1x4096xf32, #tpu.memory_space<hbm>> -> memref<4096xf32, #tpu.memory_space<hbm>>
    tpu.enqueue_dma source(%dma_start3A_73 : memref<4096xf32, #tpu.memory_space<hbm>>) target(%arg7 : memref<4096xf32, #tpu.memory_space<vmem>>) target_semaphore(%arg13 : memref<!tpu.dma_semaphore, #tpu.memory_space<semaphore_mem>>)
    %min3A_74 = arith.constant 1 : i32
    %min3A_75 = arith.constant 24 : i32
    %min3A_76 = arith.minsi %min3A_74, %min3A_75 : i32
    %add3A_77 = arith.addi %mul3A_2, %min3A_76 : i32
    %jit3A_78 = arith.constant 8 : i32
    %div3A_79 = arith.divsi %add3A_77, %jit3A_78 : i32
    %sign3A_80 = arith.constant 0 : i32
    %sign3A_81 = arith.cmpi sgt, %add3A_77, %sign3A_80 : i32
    %sign3A_82 = arith.extui %sign3A_81 : i1 to i32
    %sign3A_83 = arith.constant 0 : i32
    %sign3A_84 = arith.cmpi slt, %add3A_77, %sign3A_83 : i32
    %sign3A_85 = arith.extui %sign3A_84 : i1 to i32
    %sign3A_86 = arith.subi %sign3A_82, %sign3A_85 : i32
    %sign3A_87 = arith.constant 0 : i32
    %sign3A_88 = arith.cmpi sgt, %jit3A_78, %sign3A_87 : i32
    %sign3A_89 = arith.extui %sign3A_88 : i1 to i32
    %sign3A_90 = arith.constant 0 : i32
    %sign3A_91 = arith.cmpi slt, %jit3A_78, %sign3A_90 : i32
    %sign3A_92 = arith.extui %sign3A_91 : i1 to i32
    %sign3A_93 = arith.subi %sign3A_89, %sign3A_92 : i32
    %ne3A_94 = arith.cmpi ne, %sign3A_86, %sign3A_93 : i32
    %rem3A_95 = arith.remsi %add3A_77, %jit3A_78 : i32
    %ne3A_96 = arith.constant 0 : i32
    %ne3A_97 = arith.cmpi ne, %rem3A_95, %ne3A_96 : i32
    %and3A_98 = arith.andi %ne3A_94, %ne3A_97 : i1
    %sub3A_99 = arith.constant 1 : i32
    %sub3A_100 = arith.subi %div3A_79, %sub3A_99 : i32
    %select_n3A_101 = arith.select %and3A_98, %sub3A_100, %div3A_79 : i32
    %jit3A_102 = arith.constant 8 : i32
    %eq3A_103 = arith.constant 0 : i32
    %eq3A_104 = arith.cmpi eq, %jit3A_102, %eq3A_103 : i32
    %jit3A_105 = arith.constant 1 : i32
    %select_n3A_106 = arith.select %eq3A_104, %jit3A_105, %jit3A_102 : i32
    %rem3A_107 = arith.remsi %add3A_77, %select_n3A_106 : i32
    %ne3A_108 = arith.constant 0 : i32
    %ne3A_109 = arith.cmpi ne, %rem3A_107, %ne3A_108 : i32
    %lt3A_110 = arith.constant 0 : i32
    %lt3A_111 = arith.cmpi slt, %rem3A_107, %lt3A_110 : i32
    %lt3A_112 = arith.constant 0 : i32
    %lt3A_113 = arith.cmpi slt, %select_n3A_106, %lt3A_112 : i32
    %ne3A_114 = arith.xori %lt3A_111, %lt3A_113 : i1
    %and3A_115 = arith.andi %ne3A_114, %ne3A_109 : i1
    %add3A_116 = arith.addi %rem3A_107, %select_n3A_106 : i32
    %select_n3A_117 = arith.select %and3A_115, %add3A_116, %rem3A_107 : i32
    %dma_start3A_118 = arith.constant 0 : i32
    %dma_start3A_119 = tpu.memref_slice %arg2[%select_n3A_101, %dma_start3A_118] : memref<100x4096xf32, #tpu.memory_space<hbm>> -> memref<1x4096xf32, #tpu.memory_space<hbm>>
    %dma_start3A_120 = tpu.memref_squeeze %dma_start3A_119 : memref<1x4096xf32, #tpu.memory_space<hbm>> -> memref<4096xf32, #tpu.memory_space<hbm>>
    %dma_start3A_121 = arith.constant 0 : i32
    %dma_start3A_122 = tpu.memref_slice %arg2[%select_n3A_101, %dma_start3A_121] : memref<100x4096xf32, #tpu.memory_space<hbm>> -> memref<1x4096xf32, #tpu.memory_space<hbm>>
    %dma_start3A_123 = tpu.memref_squeeze %dma_start3A_122 : memref<1x4096xf32, #tpu.memory_space<hbm>> -> memref<4096xf32, #tpu.memory_space<hbm>>
    tpu.enqueue_dma source(%dma_start3A_123 : memref<4096xf32, #tpu.memory_space<hbm>>) target(%arg8 : memref<4096xf32, #tpu.memory_space<vmem>>) target_semaphore(%arg14 : memref<!tpu.dma_semaphore, #tpu.memory_space<semaphore_mem>>)
    %min3A_124 = arith.constant 0 : i32
    %min3A_125 = arith.constant 24 : i32
    %min3A_126 = arith.minsi %min3A_124, %min3A_125 : i32
    %add3A_127 = arith.addi %mul3A_2, %min3A_126 : i32
    %jit3A_128 = arith.constant 8 : i32
    %div3A_129 = arith.divsi %add3A_127, %jit3A_128 : i32
    %sign3A_130 = arith.constant 0 : i32
    %sign3A_131 = arith.cmpi sgt, %add3A_127, %sign3A_130 : i32
    %sign3A_132 = arith.extui %sign3A_131 : i1 to i32
    %sign3A_133 = arith.constant 0 : i32
    %sign3A_134 = arith.cmpi slt, %add3A_127, %sign3A_133 : i32
    %sign3A_135 = arith.extui %sign3A_134 : i1 to i32
    %sign3A_136 = arith.subi %sign3A_132, %sign3A_135 : i32
    %sign3A_137 = arith.constant 0 : i32
    %sign3A_138 = arith.cmpi sgt, %jit3A_128, %sign3A_137 : i32
    %sign3A_139 = arith.extui %sign3A_138 : i1 to i32
    %sign3A_140 = arith.constant 0 : i32
    %sign3A_141 = arith.cmpi slt, %jit3A_128, %sign3A_140 : i32
    %sign3A_142 = arith.extui %sign3A_141 : i1 to i32
    %sign3A_143 = arith.subi %sign3A_139, %sign3A_142 : i32
    %ne3A_144 = arith.cmpi ne, %sign3A_136, %sign3A_143 : i32
    %rem3A_145 = arith.remsi %add3A_127, %jit3A_128 : i32
    %ne3A_146 = arith.constant 0 : i32
    %ne3A_147 = arith.cmpi ne, %rem3A_145, %ne3A_146 : i32
    %and3A_148 = arith.andi %ne3A_144, %ne3A_147 : i1
    %sub3A_149 = arith.constant 1 : i32
    %sub3A_150 = arith.subi %div3A_129, %sub3A_149 : i32
    %select_n3A_151 = arith.select %and3A_148, %sub3A_150, %div3A_129 : i32
    %jit3A_152 = arith.constant 8 : i32
    %eq3A_153 = arith.constant 0 : i32
    %eq3A_154 = arith.cmpi eq, %jit3A_152, %eq3A_153 : i32
    %jit3A_155 = arith.constant 1 : i32
    %select_n3A_156 = arith.select %eq3A_154, %jit3A_155, %jit3A_152 : i32
    %rem3A_157 = arith.remsi %add3A_127, %select_n3A_156 : i32
    %ne3A_158 = arith.constant 0 : i32
    %ne3A_159 = arith.cmpi ne, %rem3A_157, %ne3A_158 : i32
    %lt3A_160 = arith.constant 0 : i32
    %lt3A_161 = arith.cmpi slt, %rem3A_157, %lt3A_160 : i32
    %lt3A_162 = arith.constant 0 : i32
    %lt3A_163 = arith.cmpi slt, %select_n3A_156, %lt3A_162 : i32
    %ne3A_164 = arith.xori %lt3A_161, %lt3A_163 : i1
    %and3A_165 = arith.andi %ne3A_164, %ne3A_159 : i1
    %add3A_166 = arith.addi %rem3A_157, %select_n3A_156 : i32
    %select_n3A_167 = arith.select %and3A_165, %add3A_166, %rem3A_157 : i32
    %dma_wait3A = arith.constant 0 : i32
    %dma_wait3A_168 = tpu.memref_slice %arg2[%select_n3A_151, %dma_wait3A] : memref<100x4096xf32, #tpu.memory_space<hbm>> -> memref<1x4096xf32, #tpu.memory_space<hbm>>
    %dma_wait3A_169 = tpu.memref_squeeze %dma_wait3A_168 : memref<1x4096xf32, #tpu.memory_space<hbm>> -> memref<4096xf32, #tpu.memory_space<hbm>>
    %dma_wait3A_170 = arith.constant 0 : i32
    %dma_wait3A_171 = tpu.memref_slice %arg2[%select_n3A_151, %dma_wait3A_170] : memref<100x4096xf32, #tpu.memory_space<hbm>> -> memref<1x4096xf32, #tpu.memory_space<hbm>>
    %dma_wait3A_172 = tpu.memref_squeeze %dma_wait3A_171 : memref<1x4096xf32, #tpu.memory_space<hbm>> -> memref<4096xf32, #tpu.memory_space<hbm>>
    tpu.wait_dma2 semaphore(%arg13 : memref<!tpu.dma_semaphore, #tpu.memory_space<semaphore_mem>>) src(%dma_wait3A_172 : memref<4096xf32, #tpu.memory_space<hbm>>) dst(%arg7 : memref<4096xf32, #tpu.memory_space<vmem>>)
    %add3A_173 = arith.constant 0 : i32
    %add3A_174 = arith.addi %mul3A_2, %add3A_173 : i32
    %jit3A_175 = arith.constant 8 : i32
    %div3A_176 = arith.divsi %add3A_174, %jit3A_175 : i32
    %sign3A_177 = arith.constant 0 : i32
    %sign3A_178 = arith.cmpi sgt, %add3A_174, %sign3A_177 : i32
    %sign3A_179 = arith.extui %sign3A_178 : i1 to i32
    %sign3A_180 = arith.constant 0 : i32
    %sign3A_181 = arith.cmpi slt, %add3A_174, %sign3A_180 : i32
    %sign3A_182 = arith.extui %sign3A_181 : i1 to i32
    %sign3A_183 = arith.subi %sign3A_179, %sign3A_182 : i32
    %sign3A_184 = arith.constant 0 : i32
    %sign3A_185 = arith.cmpi sgt, %jit3A_175, %sign3A_184 : i32
    %sign3A_186 = arith.extui %sign3A_185 : i1 to i32
    %sign3A_187 = arith.constant 0 : i32
    %sign3A_188 = arith.cmpi slt, %jit3A_175, %sign3A_187 : i32
    %sign3A_189 = arith.extui %sign3A_188 : i1 to i32
    %sign3A_190 = arith.subi %sign3A_186, %sign3A_189 : i32
    %ne3A_191 = arith.cmpi ne, %sign3A_183, %sign3A_190 : i32
    %rem3A_192 = arith.remsi %add3A_174, %jit3A_175 : i32
    %ne3A_193 = arith.constant 0 : i32
    %ne3A_194 = arith.cmpi ne, %rem3A_192, %ne3A_193 : i32
    %and3A_195 = arith.andi %ne3A_191, %ne3A_194 : i1
    %sub3A_196 = arith.constant 1 : i32
    %sub3A_197 = arith.subi %div3A_176, %sub3A_196 : i32
    %select_n3A_198 = arith.select %and3A_195, %sub3A_197, %div3A_176 : i32
    %jit3A_199 = arith.constant 8 : i32
    %eq3A_200 = arith.constant 0 : i32
    %eq3A_201 = arith.cmpi eq, %jit3A_199, %eq3A_200 : i32
    %jit3A_202 = arith.constant 1 : i32
    %select_n3A_203 = arith.select %eq3A_201, %jit3A_202, %jit3A_199 : i32
    %rem3A_204 = arith.remsi %add3A_174, %select_n3A_203 : i32
    %ne3A_205 = arith.constant 0 : i32
    %ne3A_206 = arith.cmpi ne, %rem3A_204, %ne3A_205 : i32
    %lt3A_207 = arith.constant 0 : i32
    %lt3A_208 = arith.cmpi slt, %rem3A_204, %lt3A_207 : i32
    %lt3A_209 = arith.constant 0 : i32
    %lt3A_210 = arith.cmpi slt, %select_n3A_203, %lt3A_209 : i32
    %ne3A_211 = arith.xori %lt3A_208, %lt3A_210 : i1
    %and3A_212 = arith.andi %ne3A_211, %ne3A_206 : i1
    %add3A_213 = arith.addi %rem3A_204, %select_n3A_203 : i32
    %select_n3A_214 = arith.select %and3A_212, %add3A_213, %rem3A_204 : i32
    %sub3A_215 = arith.subi %select_n3A_198, %min3A_19 : i32
    %mul3A_216 = arith.constant 8 : i32
    %mul3A_217 = arith.muli %select_n3A_214, %mul3A_216 : i32
    %parallel_loop3A = arith.constant 0 : i32
    %parallel_loop3A_218 = arith.constant 256 : i32
    %parallel_loop3A_219 = arith.constant 1 : i32
    scf.for %parallel_loop3A_983 = %parallel_loop3A to %parallel_loop3A_218 step %parallel_loop3A_219  : i32 {
      %parallel_loop3A_984 = arith.constant 16 : i32
      %parallel_loop3A_985 = arith.muli %parallel_loop3A_983, %parallel_loop3A_984 : i32
      %parallel_loop3A_986 = arith.index_cast %parallel_loop3A_985 : i32 to index
      %parallel_loop3A_987 = tpu.vector_load %arg7[%parallel_loop3A_986] {strides = array<i32>} : memref<4096xf32, #tpu.memory_space<vmem>>, vector<16xf32>,
      %parallel_loop3A_988 = arith.mulf %parallel_loop3A_987, %broadcast_in_dim3A_20 : vector<16xf32>
      %parallel_loop3A_989 = arith.fptosi %parallel_loop3A_988 : vector<16xf32> to vector<16xi32>
      %parallel_loop3A_990 = arith.addf %parallel_loop3A_988, %broadcast_in_dim3A_22 : vector<16xf32>
      %parallel_loop3A_991 = arith.fptosi %parallel_loop3A_990 : vector<16xf32> to vector<16xi32>
      %parallel_loop3A_992 = arith.sitofp %parallel_loop3A_991 : vector<16xi32> to vector<16xf32>
      %parallel_loop3A_993 = arith.subf %parallel_loop3A_992, %parallel_loop3A_988 : vector<16xf32>
      %parallel_loop3A_994 = arith.sitofp %parallel_loop3A_989 : vector<16xi32> to vector<16xf32>
      %parallel_loop3A_995 = arith.subf %parallel_loop3A_988, %parallel_loop3A_994 : vector<16xf32>
      %parallel_loop3A_996 = arith.constant 16 : i32
      %parallel_loop3A_997 = vector.broadcast %parallel_loop3A_996 : i32 to vector<16xi32>
      %parallel_loop3A_998 = arith.muli %parallel_loop3A_989, %parallel_loop3A_997 : vector<16xi32>
      %parallel_loop3A_999 = arith.addi %parallel_loop3A_998, %iota3A : vector<16xi32>
      %parallel_loop3A_1000 = arith.constant 16 : i32
      %parallel_loop3A_1001 = vector.broadcast %parallel_loop3A_1000 : i32 to vector<16xi32>
      %parallel_loop3A_1002 = arith.muli %parallel_loop3A_991, %parallel_loop3A_1001 : vector<16xi32>
      %parallel_loop3A_1003 = arith.addi %parallel_loop3A_1002, %iota3A : vector<16xi32>
      %parallel_loop3A_1004 = arith.constant 8 : i32
      %parallel_loop3A_1005 = arith.divsi %parallel_loop3A_983, %parallel_loop3A_1004 : i32
      %parallel_loop3A_1006 = arith.constant 0 : i32
      %parallel_loop3A_1007 = arith.cmpi sgt, %parallel_loop3A_983, %parallel_loop3A_1006 : i32
      %parallel_loop3A_1008 = arith.extui %parallel_loop3A_1007 : i1 to i32
      %parallel_loop3A_1009 = arith.constant 0 : i32
      %parallel_loop3A_1010 = arith.cmpi slt, %parallel_loop3A_983, %parallel_loop3A_1009 : i32
      %parallel_loop3A_1011 = arith.extui %parallel_loop3A_1010 : i1 to i32
      %parallel_loop3A_1012 = arith.subi %parallel_loop3A_1008, %parallel_loop3A_1011 : i32
      %parallel_loop3A_1013 = arith.constant 0 : i32
      %parallel_loop3A_1014 = arith.cmpi sgt, %parallel_loop3A_1004, %parallel_loop3A_1013 : i32
      %parallel_loop3A_1015 = arith.extui %parallel_loop3A_1014 : i1 to i32
      %parallel_loop3A_1016 = arith.constant 0 : i32
      %parallel_loop3A_1017 = arith.cmpi slt, %parallel_loop3A_1004, %parallel_loop3A_1016 : i32
      %parallel_loop3A_1018 = arith.extui %parallel_loop3A_1017 : i1 to i32
      %parallel_loop3A_1019 = arith.subi %parallel_loop3A_1015, %parallel_loop3A_1018 : i32
      %parallel_loop3A_1020 = arith.cmpi ne, %parallel_loop3A_1012, %parallel_loop3A_1019 : i32
      %parallel_loop3A_1021 = arith.remsi %parallel_loop3A_983, %parallel_loop3A_1004 : i32
      %parallel_loop3A_1022 = arith.constant 0 : i32
      %parallel_loop3A_1023 = arith.cmpi ne, %parallel_loop3A_1021, %parallel_loop3A_1022 : i32
      %parallel_loop3A_1024 = arith.andi %parallel_loop3A_1020, %parallel_loop3A_1023 : i1
      %parallel_loop3A_1025 = arith.constant 1 : i32
      %parallel_loop3A_1026 = arith.subi %parallel_loop3A_1005, %parallel_loop3A_1025 : i32
      %parallel_loop3A_1027 = arith.select %parallel_loop3A_1024, %parallel_loop3A_1026, %parallel_loop3A_1005 : i32
      %parallel_loop3A_1028 = arith.constant 8 : i32
      %parallel_loop3A_1029 = arith.constant 0 : i32
      %parallel_loop3A_1030 = arith.cmpi eq, %parallel_loop3A_1028, %parallel_loop3A_1029 : i32
      %parallel_loop3A_1031 = arith.constant 1 : i32
      %parallel_loop3A_1032 = arith.select %parallel_loop3A_1030, %parallel_loop3A_1031, %parallel_loop3A_1028 : i32
      %parallel_loop3A_1033 = arith.remsi %parallel_loop3A_983, %parallel_loop3A_1032 : i32
      %parallel_loop3A_1034 = arith.constant 0 : i32
      %parallel_loop3A_1035 = arith.cmpi ne, %parallel_loop3A_1033, %parallel_loop3A_1034 : i32
      %parallel_loop3A_1036 = arith.constant 0 : i32
      %parallel_loop3A_1037 = arith.cmpi slt, %parallel_loop3A_1033, %parallel_loop3A_1036 : i32
      %parallel_loop3A_1038 = arith.constant 0 : i32
      %parallel_loop3A_1039 = arith.cmpi slt, %parallel_loop3A_1032, %parallel_loop3A_1038 : i32
      %parallel_loop3A_1040 = arith.xori %parallel_loop3A_1037, %parallel_loop3A_1039 : i1
      %parallel_loop3A_1041 = arith.andi %parallel_loop3A_1040, %parallel_loop3A_1035 : i1
      %parallel_loop3A_1042 = arith.addi %parallel_loop3A_1033, %parallel_loop3A_1032 : i32
      %parallel_loop3A_1043 = arith.select %parallel_loop3A_1041, %parallel_loop3A_1042, %parallel_loop3A_1033 : i32
      %parallel_loop3A_1044 = arith.constant 16 : i32
      %parallel_loop3A_1045 = arith.muli %parallel_loop3A_1043, %parallel_loop3A_1044 : i32
      %parallel_loop3A_1046 = arith.constant 0 : i32
      %parallel_loop3A_1047 = vector.broadcast %parallel_loop3A_1046 : i32 to vector<16xi32>
      %parallel_loop3A_1048 = arith.constant 0 : i32
      %parallel_loop3A_1049 = arith.addi %mul3A_217, %parallel_loop3A_1048 : i32
      %parallel_loop3A_1050 = arith.constant 4 : i32
      %parallel_loop3A_1051 = arith.muli %parallel_loop3A_1049, %parallel_loop3A_1050 : i32
      %parallel_loop3A_1052 = arith.addi %parallel_loop3A_1051, %sub3A_215 : i32
      %parallel_loop3A_1053 = arith.constant 176 : i32
      %parallel_loop3A_1054 = arith.muli %parallel_loop3A_1052, %parallel_loop3A_1053 : i32
      %parallel_loop3A_1055 = vector.broadcast %parallel_loop3A_1054 : i32 to vector<16xi32>
      %parallel_loop3A_1056 = arith.addi %parallel_loop3A_1047, %parallel_loop3A_1055 : vector<16xi32>
      %parallel_loop3A_1057 = arith.addi %parallel_loop3A_1056, %parallel_loop3A_999 : vector<16xi32>
      %parallel_loop3A_1058 = tpu.vector_load_idx %arg6[%parallel_loop3A_1057] : memref<45056xf32, #tpu.memory_space<vmem>>[vector<16xi32>], vector<16xf32>,
      %parallel_loop3A_1059 = arith.addi %parallel_loop3A_1056, %parallel_loop3A_1003 : vector<16xi32>
      %parallel_loop3A_1060 = tpu.vector_load_idx %arg6[%parallel_loop3A_1059] : memref<45056xf32, #tpu.memory_space<vmem>>[vector<16xi32>], vector<16xf32>,
      %parallel_loop3A_1061 = arith.constant 0 : i32
      %parallel_loop3A_1062 = vector.broadcast %parallel_loop3A_1061 : i32 to vector<16xi32>
      %parallel_loop3A_1063 = arith.constant 1 : i32
      %parallel_loop3A_1064 = arith.addi %mul3A_217, %parallel_loop3A_1063 : i32
      %parallel_loop3A_1065 = arith.constant 4 : i32
      %parallel_loop3A_1066 = arith.muli %parallel_loop3A_1064, %parallel_loop3A_1065 : i32
      %parallel_loop3A_1067 = arith.addi %parallel_loop3A_1066, %sub3A_215 : i32
      %parallel_loop3A_1068 = arith.constant 176 : i32
      %parallel_loop3A_1069 = arith.muli %parallel_loop3A_1067, %parallel_loop3A_1068 : i32
      %parallel_loop3A_1070 = vector.broadcast %parallel_loop3A_1069 : i32 to vector<16xi32>
      %parallel_loop3A_1071 = arith.addi %parallel_loop3A_1062, %parallel_loop3A_1070 : vector<16xi32>
      %parallel_loop3A_1072 = arith.addi %parallel_loop3A_1071, %parallel_loop3A_999 : vector<16xi32>
      %parallel_loop3A_1073 = tpu.vector_load_idx %arg6[%parallel_loop3A_1072] : memref<45056xf32, #tpu.memory_space<vmem>>[vector<16xi32>], vector<16xf32>,
      %parallel_loop3A_1074 = arith.addi %parallel_loop3A_1071, %parallel_loop3A_1003 : vector<16xi32>
      %parallel_loop3A_1075 = tpu.vector_load_idx %arg6[%parallel_loop3A_1074] : memref<45056xf32, #tpu.memory_space<vmem>>[vector<16xi32>], vector<16xf32>,
      %parallel_loop3A_1076 = arith.constant 0 : i32
      %parallel_loop3A_1077 = vector.broadcast %parallel_loop3A_1076 : i32 to vector<16xi32>
      %parallel_loop3A_1078 = arith.constant 2 : i32
      %parallel_loop3A_1079 = arith.addi %mul3A_217, %parallel_loop3A_1078 : i32
      %parallel_loop3A_1080 = arith.constant 4 : i32
      %parallel_loop3A_1081 = arith.muli %parallel_loop3A_1079, %parallel_loop3A_1080 : i32
      %parallel_loop3A_1082 = arith.addi %parallel_loop3A_1081, %sub3A_215 : i32
      %parallel_loop3A_1083 = arith.constant 176 : i32
      %parallel_loop3A_1084 = arith.muli %parallel_loop3A_1082, %parallel_loop3A_1083 : i32
      %parallel_loop3A_1085 = vector.broadcast %parallel_loop3A_1084 : i32 to vector<16xi32>
      %parallel_loop3A_1086 = arith.addi %parallel_loop3A_1077, %parallel_loop3A_1085 : vector<16xi32>
      %parallel_loop3A_1087 = arith.addi %parallel_loop3A_1086, %parallel_loop3A_999 : vector<16xi32>
      %parallel_loop3A_1088 = tpu.vector_load_idx %arg6[%parallel_loop3A_1087] : memref<45056xf32, #tpu.memory_space<vmem>>[vector<16xi32>], vector<16xf32>,
      %parallel_loop3A_1089 = arith.addi %parallel_loop3A_1086, %parallel_loop3A_1003 : vector<16xi32>
      %parallel_loop3A_1090 = tpu.vector_load_idx %arg6[%parallel_loop3A_1089] : memref<45056xf32, #tpu.memory_space<vmem>>[vector<16xi32>], vector<16xf32>,
      %parallel_loop3A_1091 = arith.constant 0 : i32
      %parallel_loop3A_1092 = vector.broadcast %parallel_loop3A_1091 : i32 to vector<16xi32>
      %parallel_loop3A_1093 = arith.constant 3 : i32
      %parallel_loop3A_1094 = arith.addi %mul3A_217, %parallel_loop3A_1093 : i32
      %parallel_loop3A_1095 = arith.constant 4 : i32
      %parallel_loop3A_1096 = arith.muli %parallel_loop3A_1094, %parallel_loop3A_1095 : i32
      %parallel_loop3A_1097 = arith.addi %parallel_loop3A_1096, %sub3A_215 : i32
      %parallel_loop3A_1098 = arith.constant 176 : i32
      %parallel_loop3A_1099 = arith.muli %parallel_loop3A_1097, %parallel_loop3A_1098 : i32
      %parallel_loop3A_1100 = vector.broadcast %parallel_loop3A_1099 : i32 to vector<16xi32>
      %parallel_loop3A_1101 = arith.addi %parallel_loop3A_1092, %parallel_loop3A_1100 : vector<16xi32>
      %parallel_loop3A_1102 = arith.addi %parallel_loop3A_1101, %parallel_loop3A_999 : vector<16xi32>
      %parallel_loop3A_1103 = tpu.vector_load_idx %arg6[%parallel_loop3A_1102] : memref<45056xf32, #tpu.memory_space<vmem>>[vector<16xi32>], vector<16xf32>,
      %parallel_loop3A_1104 = arith.addi %parallel_loop3A_1101, %parallel_loop3A_1003 : vector<16xi32>
      %parallel_loop3A_1105 = tpu.vector_load_idx %arg6[%parallel_loop3A_1104] : memref<45056xf32, #tpu.memory_space<vmem>>[vector<16xi32>], vector<16xf32>,
      %parallel_loop3A_1106 = arith.constant 0 : i32
      %parallel_loop3A_1107 = vector.broadcast %parallel_loop3A_1106 : i32 to vector<16xi32>
      %parallel_loop3A_1108 = arith.constant 4 : i32
      %parallel_loop3A_1109 = arith.addi %mul3A_217, %parallel_loop3A_1108 : i32
      %parallel_loop3A_1110 = arith.constant 4 : i32
      %parallel_loop3A_1111 = arith.muli %parallel_loop3A_1109, %parallel_loop3A_1110 : i32
      %parallel_loop3A_1112 = arith.addi %parallel_loop3A_1111, %sub3A_215 : i32
      %parallel_loop3A_1113 = arith.constant 176 : i32
      %parallel_loop3A_1114 = arith.muli %parallel_loop3A_1112, %parallel_loop3A_1113 : i32
      %parallel_loop3A_1115 = vector.broadcast %parallel_loop3A_1114 : i32 to vector<16xi32>
      %parallel_loop3A_1116 = arith.addi %parallel_loop3A_1107, %parallel_loop3A_1115 : vector<16xi32>
      %parallel_loop3A_1117 = arith.addi %parallel_loop3A_1116, %parallel_loop3A_999 : vector<16xi32>
      %parallel_loop3A_1118 = tpu.vector_load_idx %arg6[%parallel_loop3A_1117] : memref<45056xf32, #tpu.memory_space<vmem>>[vector<16xi32>], vector<16xf32>,
      %parallel_loop3A_1119 = arith.addi %parallel_loop3A_1116, %parallel_loop3A_1003 : vector<16xi32>
      %parallel_loop3A_1120 = tpu.vector_load_idx %arg6[%parallel_loop3A_1119] : memref<45056xf32, #tpu.memory_space<vmem>>[vector<16xi32>], vector<16xf32>,
      %parallel_loop3A_1121 = arith.constant 0 : i32
      %parallel_loop3A_1122 = vector.broadcast %parallel_loop3A_1121 : i32 to vector<16xi32>
      %parallel_loop3A_1123 = arith.constant 5 : i32
      %parallel_loop3A_1124 = arith.addi %mul3A_217, %parallel_loop3A_1123 : i32
      %parallel_loop3A_1125 = arith.constant 4 : i32
      %parallel_loop3A_1126 = arith.muli %parallel_loop3A_1124, %parallel_loop3A_1125 : i32
      %parallel_loop3A_1127 = arith.addi %parallel_loop3A_1126, %sub3A_215 : i32
      %parallel_loop3A_1128 = arith.constant 176 : i32
      %parallel_loop3A_1129 = arith.muli %parallel_loop3A_1127, %parallel_loop3A_1128 : i32
      %parallel_loop3A_1130 = vector.broadcast %parallel_loop3A_1129 : i32 to vector<16xi32>
      %parallel_loop3A_1131 = arith.addi %parallel_loop3A_1122, %parallel_loop3A_1130 : vector<16xi32>
      %parallel_loop3A_1132 = arith.addi %parallel_loop3A_1131, %parallel_loop3A_999 : vector<16xi32>
      %parallel_loop3A_1133 = tpu.vector_load_idx %arg6[%parallel_loop3A_1132] : memref<45056xf32, #tpu.memory_space<vmem>>[vector<16xi32>], vector<16xf32>,
      %parallel_loop3A_1134 = arith.addi %parallel_loop3A_1131, %parallel_loop3A_1003 : vector<16xi32>
      %parallel_loop3A_1135 = tpu.vector_load_idx %arg6[%parallel_loop3A_1134] : memref<45056xf32, #tpu.memory_space<vmem>>[vector<16xi32>], vector<16xf32>,
      %parallel_loop3A_1136 = arith.constant 0 : i32
      %parallel_loop3A_1137 = vector.broadcast %parallel_loop3A_1136 : i32 to vector<16xi32>
      %parallel_loop3A_1138 = arith.constant 6 : i32
      %parallel_loop3A_1139 = arith.addi %mul3A_217, %parallel_loop3A_1138 : i32
      %parallel_loop3A_1140 = arith.constant 4 : i32
      %parallel_loop3A_1141 = arith.muli %parallel_loop3A_1139, %parallel_loop3A_1140 : i32
      %parallel_loop3A_1142 = arith.addi %parallel_loop3A_1141, %sub3A_215 : i32
      %parallel_loop3A_1143 = arith.constant 176 : i32
      %parallel_loop3A_1144 = arith.muli %parallel_loop3A_1142, %parallel_loop3A_1143 : i32
      %parallel_loop3A_1145 = vector.broadcast %parallel_loop3A_1144 : i32 to vector<16xi32>
      %parallel_loop3A_1146 = arith.addi %parallel_loop3A_1137, %parallel_loop3A_1145 : vector<16xi32>
      %parallel_loop3A_1147 = arith.addi %parallel_loop3A_1146, %parallel_loop3A_999 : vector<16xi32>
      %parallel_loop3A_1148 = tpu.vector_load_idx %arg6[%parallel_loop3A_1147] : memref<45056xf32, #tpu.memory_space<vmem>>[vector<16xi32>], vector<16xf32>,
      %parallel_loop3A_1149 = arith.addi %parallel_loop3A_1146, %parallel_loop3A_1003 : vector<16xi32>
      %parallel_loop3A_1150 = tpu.vector_load_idx %arg6[%parallel_loop3A_1149] : memref<45056xf32, #tpu.memory_space<vmem>>[vector<16xi32>], vector<16xf32>,
      %parallel_loop3A_1151 = arith.constant 0 : i32
      %parallel_loop3A_1152 = vector.broadcast %parallel_loop3A_1151 : i32 to vector<16xi32>
      %parallel_loop3A_1153 = arith.constant 7 : i32
      %parallel_loop3A_1154 = arith.addi %mul3A_217, %parallel_loop3A_1153 : i32
      %parallel_loop3A_1155 = arith.constant 4 : i32
      %parallel_loop3A_1156 = arith.muli %parallel_loop3A_1154, %parallel_loop3A_1155 : i32
      %parallel_loop3A_1157 = arith.addi %parallel_loop3A_1156, %sub3A_215 : i32
      %parallel_loop3A_1158 = arith.constant 176 : i32
      %parallel_loop3A_1159 = arith.muli %parallel_loop3A_1157, %parallel_loop3A_1158 : i32
      %parallel_loop3A_1160 = vector.broadcast %parallel_loop3A_1159 : i32 to vector<16xi32>
      %parallel_loop3A_1161 = arith.addi %parallel_loop3A_1152, %parallel_loop3A_1160 : vector<16xi32>
      %parallel_loop3A_1162 = arith.addi %parallel_loop3A_1161, %parallel_loop3A_999 : vector<16xi32>
      %parallel_loop3A_1163 = tpu.vector_load_idx %arg6[%parallel_loop3A_1162] : memref<45056xf32, #tpu.memory_space<vmem>>[vector<16xi32>], vector<16xf32>,
      %parallel_loop3A_1164 = arith.addi %parallel_loop3A_1161, %parallel_loop3A_1003 : vector<16xi32>
      %parallel_loop3A_1165 = tpu.vector_load_idx %arg6[%parallel_loop3A_1164] : memref<45056xf32, #tpu.memory_space<vmem>>[vector<16xi32>], vector<16xf32>,
      %parallel_loop3A_1166 = arith.mulf %parallel_loop3A_993, %parallel_loop3A_1058 : vector<16xf32>
      %parallel_loop3A_1167 = arith.mulf %parallel_loop3A_995, %parallel_loop3A_1060 : vector<16xf32>
      %parallel_loop3A_1168 = arith.addf %parallel_loop3A_1166, %parallel_loop3A_1167 : vector<16xf32>
      %parallel_loop3A_1169 = arith.mulf %parallel_loop3A_993, %parallel_loop3A_1073 : vector<16xf32>
      %parallel_loop3A_1170 = arith.mulf %parallel_loop3A_995, %parallel_loop3A_1075 : vector<16xf32>
      %parallel_loop3A_1171 = arith.addf %parallel_loop3A_1169, %parallel_loop3A_1170 : vector<16xf32>
      %parallel_loop3A_1172 = arith.mulf %parallel_loop3A_993, %parallel_loop3A_1088 : vector<16xf32>
      %parallel_loop3A_1173 = arith.mulf %parallel_loop3A_995, %parallel_loop3A_1090 : vector<16xf32>
      %parallel_loop3A_1174 = arith.addf %parallel_loop3A_1172, %parallel_loop3A_1173 : vector<16xf32>
      %parallel_loop3A_1175 = arith.mulf %parallel_loop3A_993, %parallel_loop3A_1103 : vector<16xf32>
      %parallel_loop3A_1176 = arith.mulf %parallel_loop3A_995, %parallel_loop3A_1105 : vector<16xf32>
      %parallel_loop3A_1177 = arith.addf %parallel_loop3A_1175, %parallel_loop3A_1176 : vector<16xf32>
      %parallel_loop3A_1178 = arith.mulf %parallel_loop3A_993, %parallel_loop3A_1118 : vector<16xf32>
      %parallel_loop3A_1179 = arith.mulf %parallel_loop3A_995, %parallel_loop3A_1120 : vector<16xf32>
      %parallel_loop3A_1180 = arith.addf %parallel_loop3A_1178, %parallel_loop3A_1179 : vector<16xf32>
      %parallel_loop3A_1181 = arith.mulf %parallel_loop3A_993, %parallel_loop3A_1133 : vector<16xf32>
      %parallel_loop3A_1182 = arith.mulf %parallel_loop3A_995, %parallel_loop3A_1135 : vector<16xf32>
      %parallel_loop3A_1183 = arith.addf %parallel_loop3A_1181, %parallel_loop3A_1182 : vector<16xf32>
      %parallel_loop3A_1184 = arith.mulf %parallel_loop3A_993, %parallel_loop3A_1148 : vector<16xf32>
      %parallel_loop3A_1185 = arith.mulf %parallel_loop3A_995, %parallel_loop3A_1150 : vector<16xf32>
      %parallel_loop3A_1186 = arith.addf %parallel_loop3A_1184, %parallel_loop3A_1185 : vector<16xf32>
      %parallel_loop3A_1187 = arith.mulf %parallel_loop3A_993, %parallel_loop3A_1163 : vector<16xf32>
      %parallel_loop3A_1188 = arith.mulf %parallel_loop3A_995, %parallel_loop3A_1165 : vector<16xf32>
      %parallel_loop3A_1189 = arith.addf %parallel_loop3A_1187, %parallel_loop3A_1188 : vector<16xf32>
      %parallel_loop3A_1190 = arith.constant 0 : i32
      %parallel_loop3A_1191 = arith.index_cast %parallel_loop3A_1027 : i32 to index
      %parallel_loop3A_1192 = arith.index_cast %parallel_loop3A_1190 : i32 to index
      %parallel_loop3A_1193 = arith.index_cast %parallel_loop3A_1045 : i32 to index
      %parallel_loop3A_1194 = tpu.vector_load %arg9[%parallel_loop3A_1191, %parallel_loop3A_1192, %parallel_loop3A_1193] {strides = array<i32>} : memref<32x8x128xf32, #tpu.memory_space<vmem>>, vector<16xf32>,
      tpu.vector_store %arg9[%parallel_loop3A_1191, %parallel_loop3A_1192, %parallel_loop3A_1193], %parallel_loop3A_1168 {strides = array<i32>} : memref<32x8x128xf32, #tpu.memory_space<vmem>>, vector<16xf32>,
      %parallel_loop3A_1195 = arith.constant 1 : i32
      %parallel_loop3A_1196 = arith.index_cast %parallel_loop3A_1027 : i32 to index
      %parallel_loop3A_1197 = arith.index_cast %parallel_loop3A_1195 : i32 to index
      %parallel_loop3A_1198 = arith.index_cast %parallel_loop3A_1045 : i32 to index
      %parallel_loop3A_1199 = tpu.vector_load %arg9[%parallel_loop3A_1196, %parallel_loop3A_1197, %parallel_loop3A_1198] {strides = array<i32>} : memref<32x8x128xf32, #tpu.memory_space<vmem>>, vector<16xf32>,
      tpu.vector_store %arg9[%parallel_loop3A_1196, %parallel_loop3A_1197, %parallel_loop3A_1198], %parallel_loop3A_1171 {strides = array<i32>} : memref<32x8x128xf32, #tpu.memory_space<vmem>>, vector<16xf32>,
      %parallel_loop3A_1200 = arith.constant 2 : i32
      %parallel_loop3A_1201 = arith.index_cast %parallel_loop3A_1027 : i32 to index
      %parallel_loop3A_1202 = arith.index_cast %parallel_loop3A_1200 : i32 to index
      %parallel_loop3A_1203 = arith.index_cast %parallel_loop3A_1045 : i32 to index
      %parallel_loop3A_1204 = tpu.vector_load %arg9[%parallel_loop3A_1201, %parallel_loop3A_1202, %parallel_loop3A_1203] {strides = array<i32>} : memref<32x8x128xf32, #tpu.memory_space<vmem>>, vector<16xf32>,
      tpu.vector_store %arg9[%parallel_loop3A_1201, %parallel_loop3A_1202, %parallel_loop3A_1203], %parallel_loop3A_1174 {strides = array<i32>} : memref<32x8x128xf32, #tpu.memory_space<vmem>>, vector<16xf32>,
      %parallel_loop3A_1205 = arith.constant 3 : i32
      %parallel_loop3A_1206 = arith.index_cast %parallel_loop3A_1027 : i32 to index
      %parallel_loop3A_1207 = arith.index_cast %parallel_loop3A_1205 : i32 to index
      %parallel_loop3A_1208 = arith.index_cast %parallel_loop3A_1045 : i32 to index
      %parallel_loop3A_1209 = tpu.vector_load %arg9[%parallel_loop3A_1206, %parallel_loop3A_1207, %parallel_loop3A_1208] {strides = array<i32>} : memref<32x8x128xf32, #tpu.memory_space<vmem>>, vector<16xf32>,
      tpu.vector_store %arg9[%parallel_loop3A_1206, %parallel_loop3A_1207, %parallel_loop3A_1208], %parallel_loop3A_1177 {strides = array<i32>} : memref<32x8x128xf32, #tpu.memory_space<vmem>>, vector<16xf32>,
      %parallel_loop3A_1210 = arith.constant 4 : i32
      %parallel_loop3A_1211 = arith.index_cast %parallel_loop3A_1027 : i32 to index
      %parallel_loop3A_1212 = arith.index_cast %parallel_loop3A_1210 : i32 to index
      %parallel_loop3A_1213 = arith.index_cast %parallel_loop3A_1045 : i32 to index
      %parallel_loop3A_1214 = tpu.vector_load %arg9[%parallel_loop3A_1211, %parallel_loop3A_1212, %parallel_loop3A_1213] {strides = array<i32>} : memref<32x8x128xf32, #tpu.memory_space<vmem>>, vector<16xf32>,
      tpu.vector_store %arg9[%parallel_loop3A_1211, %parallel_loop3A_1212, %parallel_loop3A_1213], %parallel_loop3A_1180 {strides = array<i32>} : memref<32x8x128xf32, #tpu.memory_space<vmem>>, vector<16xf32>,
      %parallel_loop3A_1215 = arith.constant 5 : i32
      %parallel_loop3A_1216 = arith.index_cast %parallel_loop3A_1027 : i32 to index
      %parallel_loop3A_1217 = arith.index_cast %parallel_loop3A_1215 : i32 to index
      %parallel_loop3A_1218 = arith.index_cast %parallel_loop3A_1045 : i32 to index
      %parallel_loop3A_1219 = tpu.vector_load %arg9[%parallel_loop3A_1216, %parallel_loop3A_1217, %parallel_loop3A_1218] {strides = array<i32>} : memref<32x8x128xf32, #tpu.memory_space<vmem>>, vector<16xf32>,
      tpu.vector_store %arg9[%parallel_loop3A_1216, %parallel_loop3A_1217, %parallel_loop3A_1218], %parallel_loop3A_1183 {strides = array<i32>} : memref<32x8x128xf32, #tpu.memory_space<vmem>>, vector<16xf32>,
      %parallel_loop3A_1220 = arith.constant 6 : i32
      %parallel_loop3A_1221 = arith.index_cast %parallel_loop3A_1027 : i32 to index
      %parallel_loop3A_1222 = arith.index_cast %parallel_loop3A_1220 : i32 to index
      %parallel_loop3A_1223 = arith.index_cast %parallel_loop3A_1045 : i32 to index
      %parallel_loop3A_1224 = tpu.vector_load %arg9[%parallel_loop3A_1221, %parallel_loop3A_1222, %parallel_loop3A_1223] {strides = array<i32>} : memref<32x8x128xf32, #tpu.memory_space<vmem>>, vector<16xf32>,
      tpu.vector_store %arg9[%parallel_loop3A_1221, %parallel_loop3A_1222, %parallel_loop3A_1223], %parallel_loop3A_1186 {strides = array<i32>} : memref<32x8x128xf32, #tpu.memory_space<vmem>>, vector<16xf32>,
      %parallel_loop3A_1225 = arith.constant 7 : i32
      %parallel_loop3A_1226 = arith.index_cast %parallel_loop3A_1027 : i32 to index
      %parallel_loop3A_1227 = arith.index_cast %parallel_loop3A_1225 : i32 to index
      %parallel_loop3A_1228 = arith.index_cast %parallel_loop3A_1045 : i32 to index
      %parallel_loop3A_1229 = tpu.vector_load %arg9[%parallel_loop3A_1226, %parallel_loop3A_1227, %parallel_loop3A_1228] {strides = array<i32>} : memref<32x8x128xf32, #tpu.memory_space<vmem>>, vector<16xf32>,
      tpu.vector_store %arg9[%parallel_loop3A_1226, %parallel_loop3A_1227, %parallel_loop3A_1228], %parallel_loop3A_1189 {strides = array<i32>} : memref<32x8x128xf32, #tpu.memory_space<vmem>>, vector<16xf32>,
    } {sc.loop_unroll_factor = 2 : i64, sc.parallel_access}
    %add3A_220 = arith.constant 0 : i32
    %add3A_221 = arith.addi %mul3A_2, %add3A_220 : i32
    %jit3A_222 = arith.constant 8 : i32
    %div3A_223 = arith.divsi %add3A_221, %jit3A_222 : i32
    %sign3A_224 = arith.constant 0 : i32
    %sign3A_225 = arith.cmpi sgt, %add3A_221, %sign3A_224 : i32
    %sign3A_226 = arith.extui %sign3A_225 : i1 to i32
    %sign3A_227 = arith.constant 0 : i32
    %sign3A_228 = arith.cmpi slt, %add3A_221, %sign3A_227 : i32
    %sign3A_229 = arith.extui %sign3A_228 : i1 to i32
    %sign3A_230 = arith.subi %sign3A_226, %sign3A_229 : i32
    %sign3A_231 = arith.constant 0 : i32
    %sign3A_232 = arith.cmpi sgt, %jit3A_222, %sign3A_231 : i32
    %sign3A_233 = arith.extui %sign3A_232 : i1 to i32
    %sign3A_234 = arith.constant 0 : i32
    %sign3A_235 = arith.cmpi slt, %jit3A_222, %sign3A_234 : i32
    %sign3A_236 = arith.extui %sign3A_235 : i1 to i32
    %sign3A_237 = arith.subi %sign3A_233, %sign3A_236 : i32
    %ne3A_238 = arith.cmpi ne, %sign3A_230, %sign3A_237 : i32
    %rem3A_239 = arith.remsi %add3A_221, %jit3A_222 : i32
    %ne3A_240 = arith.constant 0 : i32
    %ne3A_241 = arith.cmpi ne, %rem3A_239, %ne3A_240 : i32
    %and3A_242 = arith.andi %ne3A_238, %ne3A_241 : i1
    %sub3A_243 = arith.constant 1 : i32
    %sub3A_244 = arith.subi %div3A_223, %sub3A_243 : i32
    %select_n3A_245 = arith.select %and3A_242, %sub3A_244, %div3A_223 : i32
    %jit3A_246 = arith.constant 8 : i32
    %eq3A_247 = arith.constant 0 : i32
    %eq3A_248 = arith.cmpi eq, %jit3A_246, %eq3A_247 : i32
    %jit3A_249 = arith.constant 1 : i32
    %select_n3A_250 = arith.select %eq3A_248, %jit3A_249, %jit3A_246 : i32
    %rem3A_251 = arith.remsi %add3A_221, %select_n3A_250 : i32
    %ne3A_252 = arith.constant 0 : i32
    %ne3A_253 = arith.cmpi ne, %rem3A_251, %ne3A_252 : i32
    %lt3A_254 = arith.constant 0 : i32
    %lt3A_255 = arith.cmpi slt, %rem3A_251, %lt3A_254 : i32
    %lt3A_256 = arith.constant 0 : i32
    %lt3A_257 = arith.cmpi slt, %select_n3A_250, %lt3A_256 : i32
    %ne3A_258 = arith.xori %lt3A_255, %lt3A_257 : i1
    %and3A_259 = arith.andi %ne3A_258, %ne3A_253 : i1
    %add3A_260 = arith.addi %rem3A_251, %select_n3A_250 : i32
    %select_n3A_261 = arith.select %and3A_259, %add3A_260, %rem3A_251 : i32
    %dma_start3A_262 = arith.constant 0 : i32
    %dma_start3A_263 = arith.constant 0 : i32
    %dma_start3A_264 = arith.constant 0 : i32
    %dma_start3A_265 = tpu.memref_slice %arg4[%select_n3A_245, %select_n3A_261, %dma_start3A_262, %dma_start3A_263, %dma_start3A_264] : memref<100x8x32x8x128xf32, #tpu.memory_space<hbm>> -> memref<1x1x32x8x128xf32, #tpu.memory_space<hbm>>
    %dma_start3A_266 = tpu.memref_squeeze %dma_start3A_265 : memref<1x1x32x8x128xf32, #tpu.memory_space<hbm>> -> memref<32x8x128xf32, #tpu.memory_space<hbm>>
    %dma_start3A_267 = arith.constant 0 : i32
    %dma_start3A_268 = arith.constant 0 : i32
    %dma_start3A_269 = arith.constant 0 : i32
    %dma_start3A_270 = tpu.memref_slice %arg4[%select_n3A_245, %select_n3A_261, %dma_start3A_267, %dma_start3A_268, %dma_start3A_269] : memref<100x8x32x8x128xf32, #tpu.memory_space<hbm>> -> memref<1x1x32x8x128xf32, #tpu.memory_space<hbm>>
    %dma_start3A_271 = tpu.memref_squeeze %dma_start3A_270 : memref<1x1x32x8x128xf32, #tpu.memory_space<hbm>> -> memref<32x8x128xf32, #tpu.memory_space<hbm>>
    tpu.enqueue_dma source(%arg9 : memref<32x8x128xf32, #tpu.memory_space<vmem>>) target(%dma_start3A_271 : memref<32x8x128xf32, #tpu.memory_space<hbm>>) target_semaphore(%arg11 : memref<!tpu.dma_semaphore, #tpu.memory_space<semaphore_mem>>)
    %min3A_272 = arith.constant 2 : i32
    %min3A_273 = arith.constant 24 : i32
    %min3A_274 = arith.minsi %min3A_272, %min3A_273 : i32
    %add3A_275 = arith.addi %mul3A_2, %min3A_274 : i32
    %jit3A_276 = arith.constant 8 : i32
    %div3A_277 = arith.divsi %add3A_275, %jit3A_276 : i32
    %sign3A_278 = arith.constant 0 : i32
    %sign3A_279 = arith.cmpi sgt, %add3A_275, %sign3A_278 : i32
    %sign3A_280 = arith.extui %sign3A_279 : i1 to i32
    %sign3A_281 = arith.constant 0 : i32
    %sign3A_282 = arith.cmpi slt, %add3A_275, %sign3A_281 : i32
    %sign3A_283 = arith.extui %sign3A_282 : i1 to i32
    %sign3A_284 = arith.subi %sign3A_280, %sign3A_283 : i32
    %sign3A_285 = arith.constant 0 : i32
    %sign3A_286 = arith.cmpi sgt, %jit3A_276, %sign3A_285 : i32
    %sign3A_287 = arith.extui %sign3A_286 : i1 to i32
    %sign3A_288 = arith.constant 0 : i32
    %sign3A_289 = arith.cmpi slt, %jit3A_276, %sign3A_288 : i32
    %sign3A_290 = arith.extui %sign3A_289 : i1 to i32
    %sign3A_291 = arith.subi %sign3A_287, %sign3A_290 : i32
    %ne3A_292 = arith.cmpi ne, %sign3A_284, %sign3A_291 : i32
    %rem3A_293 = arith.remsi %add3A_275, %jit3A_276 : i32
    %ne3A_294 = arith.constant 0 : i32
    %ne3A_295 = arith.cmpi ne, %rem3A_293, %ne3A_294 : i32
    %and3A_296 = arith.andi %ne3A_292, %ne3A_295 : i1
    %sub3A_297 = arith.constant 1 : i32
    %sub3A_298 = arith.subi %div3A_277, %sub3A_297 : i32
    %select_n3A_299 = arith.select %and3A_296, %sub3A_298, %div3A_277 : i32
    %jit3A_300 = arith.constant 8 : i32
    %eq3A_301 = arith.constant 0 : i32
    %eq3A_302 = arith.cmpi eq, %jit3A_300, %eq3A_301 : i32
    %jit3A_303 = arith.constant 1 : i32
    %select_n3A_304 = arith.select %eq3A_302, %jit3A_303, %jit3A_300 : i32
    %rem3A_305 = arith.remsi %add3A_275, %select_n3A_304 : i32
    %ne3A_306 = arith.constant 0 : i32
    %ne3A_307 = arith.cmpi ne, %rem3A_305, %ne3A_306 : i32
    %lt3A_308 = arith.constant 0 : i32
    %lt3A_309 = arith.cmpi slt, %rem3A_305, %lt3A_308 : i32
    %lt3A_310 = arith.constant 0 : i32
    %lt3A_311 = arith.cmpi slt, %select_n3A_304, %lt3A_310 : i32
    %ne3A_312 = arith.xori %lt3A_309, %lt3A_311 : i1
    %and3A_313 = arith.andi %ne3A_312, %ne3A_307 : i1
    %add3A_314 = arith.addi %rem3A_305, %select_n3A_304 : i32
    %select_n3A_315 = arith.select %and3A_313, %add3A_314, %rem3A_305 : i32
    %dma_start3A_316 = arith.constant 0 : i32
    %dma_start3A_317 = tpu.memref_slice %arg2[%select_n3A_299, %dma_start3A_316] : memref<100x4096xf32, #tpu.memory_space<hbm>> -> memref<1x4096xf32, #tpu.memory_space<hbm>>
    %dma_start3A_318 = tpu.memref_squeeze %dma_start3A_317 : memref<1x4096xf32, #tpu.memory_space<hbm>> -> memref<4096xf32, #tpu.memory_space<hbm>>
    %dma_start3A_319 = arith.constant 0 : i32
    %dma_start3A_320 = tpu.memref_slice %arg2[%select_n3A_299, %dma_start3A_319] : memref<100x4096xf32, #tpu.memory_space<hbm>> -> memref<1x4096xf32, #tpu.memory_space<hbm>>
    %dma_start3A_321 = tpu.memref_squeeze %dma_start3A_320 : memref<1x4096xf32, #tpu.memory_space<hbm>> -> memref<4096xf32, #tpu.memory_space<hbm>>
    tpu.enqueue_dma source(%dma_start3A_321 : memref<4096xf32, #tpu.memory_space<hbm>>) target(%arg7 : memref<4096xf32, #tpu.memory_space<vmem>>) target_semaphore(%arg13 : memref<!tpu.dma_semaphore, #tpu.memory_space<semaphore_mem>>)
    %min3A_322 = arith.constant 1 : i32
    %min3A_323 = arith.constant 24 : i32
    %min3A_324 = arith.minsi %min3A_322, %min3A_323 : i32
    %add3A_325 = arith.addi %mul3A_2, %min3A_324 : i32
    %jit3A_326 = arith.constant 8 : i32
    %div3A_327 = arith.divsi %add3A_325, %jit3A_326 : i32
    %sign3A_328 = arith.constant 0 : i32
    %sign3A_329 = arith.cmpi sgt, %add3A_325, %sign3A_328 : i32
    %sign3A_330 = arith.extui %sign3A_329 : i1 to i32
    %sign3A_331 = arith.constant 0 : i32
    %sign3A_332 = arith.cmpi slt, %add3A_325, %sign3A_331 : i32
    %sign3A_333 = arith.extui %sign3A_332 : i1 to i32
    %sign3A_334 = arith.subi %sign3A_330, %sign3A_333 : i32
    %sign3A_335 = arith.constant 0 : i32
    %sign3A_336 = arith.cmpi sgt, %jit3A_326, %sign3A_335 : i32
    %sign3A_337 = arith.extui %sign3A_336 : i1 to i32
    %sign3A_338 = arith.constant 0 : i32
    %sign3A_339 = arith.cmpi slt, %jit3A_326, %sign3A_338 : i32
    %sign3A_340 = arith.extui %sign3A_339 : i1 to i32
    %sign3A_341 = arith.subi %sign3A_337, %sign3A_340 : i32
    %ne3A_342 = arith.cmpi ne, %sign3A_334, %sign3A_341 : i32
    %rem3A_343 = arith.remsi %add3A_325, %jit3A_326 : i32
    %ne3A_344 = arith.constant 0 : i32
    %ne3A_345 = arith.cmpi ne, %rem3A_343, %ne3A_344 : i32
    %and3A_346 = arith.andi %ne3A_342, %ne3A_345 : i1
    %sub3A_347 = arith.constant 1 : i32
    %sub3A_348 = arith.subi %div3A_327, %sub3A_347 : i32
    %select_n3A_349 = arith.select %and3A_346, %sub3A_348, %div3A_327 : i32
    %jit3A_350 = arith.constant 8 : i32
    %eq3A_351 = arith.constant 0 : i32
    %eq3A_352 = arith.cmpi eq, %jit3A_350, %eq3A_351 : i32
    %jit3A_353 = arith.constant 1 : i32
    %select_n3A_354 = arith.select %eq3A_352, %jit3A_353, %jit3A_350 : i32
    %rem3A_355 = arith.remsi %add3A_325, %select_n3A_354 : i32
    %ne3A_356 = arith.constant 0 : i32
    %ne3A_357 = arith.cmpi ne, %rem3A_355, %ne3A_356 : i32
    %lt3A_358 = arith.constant 0 : i32
    %lt3A_359 = arith.cmpi slt, %rem3A_355, %lt3A_358 : i32
    %lt3A_360 = arith.constant 0 : i32
    %lt3A_361 = arith.cmpi slt, %select_n3A_354, %lt3A_360 : i32
    %ne3A_362 = arith.xori %lt3A_359, %lt3A_361 : i1
    %and3A_363 = arith.andi %ne3A_362, %ne3A_357 : i1
    %add3A_364 = arith.addi %rem3A_355, %select_n3A_354 : i32
    %select_n3A_365 = arith.select %and3A_363, %add3A_364, %rem3A_355 : i32
    %dma_wait3A_366 = arith.constant 0 : i32
    %dma_wait3A_367 = tpu.memref_slice %arg2[%select_n3A_349, %dma_wait3A_366] : memref<100x4096xf32, #tpu.memory_space<hbm>> -> memref<1x4096xf32, #tpu.memory_space<hbm>>
    %dma_wait3A_368 = tpu.memref_squeeze %dma_wait3A_367 : memref<1x4096xf32, #tpu.memory_space<hbm>> -> memref<4096xf32, #tpu.memory_space<hbm>>
    %dma_wait3A_369 = arith.constant 0 : i32
    %dma_wait3A_370 = tpu.memref_slice %arg2[%select_n3A_349, %dma_wait3A_369] : memref<100x4096xf32, #tpu.memory_space<hbm>> -> memref<1x4096xf32, #tpu.memory_space<hbm>>
    %dma_wait3A_371 = tpu.memref_squeeze %dma_wait3A_370 : memref<1x4096xf32, #tpu.memory_space<hbm>> -> memref<4096xf32, #tpu.memory_space<hbm>>
    tpu.wait_dma2 semaphore(%arg14 : memref<!tpu.dma_semaphore, #tpu.memory_space<semaphore_mem>>) src(%dma_wait3A_371 : memref<4096xf32, #tpu.memory_space<hbm>>) dst(%arg8 : memref<4096xf32, #tpu.memory_space<vmem>>)
    %add3A_372 = arith.constant 1 : i32
    %add3A_373 = arith.addi %mul3A_2, %add3A_372 : i32
    %jit3A_374 = arith.constant 8 : i32
    %div3A_375 = arith.divsi %add3A_373, %jit3A_374 : i32
    %sign3A_376 = arith.constant 0 : i32
    %sign3A_377 = arith.cmpi sgt, %add3A_373, %sign3A_376 : i32
    %sign3A_378 = arith.extui %sign3A_377 : i1 to i32
    %sign3A_379 = arith.constant 0 : i32
    %sign3A_380 = arith.cmpi slt, %add3A_373, %sign3A_379 : i32
    %sign3A_381 = arith.extui %sign3A_380 : i1 to i32
    %sign3A_382 = arith.subi %sign3A_378, %sign3A_381 : i32
    %sign3A_383 = arith.constant 0 : i32
    %sign3A_384 = arith.cmpi sgt, %jit3A_374, %sign3A_383 : i32
    %sign3A_385 = arith.extui %sign3A_384 : i1 to i32
    %sign3A_386 = arith.constant 0 : i32
    %sign3A_387 = arith.cmpi slt, %jit3A_374, %sign3A_386 : i32
    %sign3A_388 = arith.extui %sign3A_387 : i1 to i32
    %sign3A_389 = arith.subi %sign3A_385, %sign3A_388 : i32
    %ne3A_390 = arith.cmpi ne, %sign3A_382, %sign3A_389 : i32
    %rem3A_391 = arith.remsi %add3A_373, %jit3A_374 : i32
    %ne3A_392 = arith.constant 0 : i32
    %ne3A_393 = arith.cmpi ne, %rem3A_391, %ne3A_392 : i32
    %and3A_394 = arith.andi %ne3A_390, %ne3A_393 : i1
    %sub3A_395 = arith.constant 1 : i32
    %sub3A_396 = arith.subi %div3A_375, %sub3A_395 : i32
    %select_n3A_397 = arith.select %and3A_394, %sub3A_396, %div3A_375 : i32
    %jit3A_398 = arith.constant 8 : i32
    %eq3A_399 = arith.constant 0 : i32
    %eq3A_400 = arith.cmpi eq, %jit3A_398, %eq3A_399 : i32
    %jit3A_401 = arith.constant 1 : i32
    %select_n3A_402 = arith.select %eq3A_400, %jit3A_401, %jit3A_398 : i32
    %rem3A_403 = arith.remsi %add3A_373, %select_n3A_402 : i32
    %ne3A_404 = arith.constant 0 : i32
    %ne3A_405 = arith.cmpi ne, %rem3A_403, %ne3A_404 : i32
    %lt3A_406 = arith.constant 0 : i32
    %lt3A_407 = arith.cmpi slt, %rem3A_403, %lt3A_406 : i32
    %lt3A_408 = arith.constant 0 : i32
    %lt3A_409 = arith.cmpi slt, %select_n3A_402, %lt3A_408 : i32
    %ne3A_410 = arith.xori %lt3A_407, %lt3A_409 : i1
    %and3A_411 = arith.andi %ne3A_410, %ne3A_405 : i1
    %add3A_412 = arith.addi %rem3A_403, %select_n3A_402 : i32
    %select_n3A_413 = arith.select %and3A_411, %add3A_412, %rem3A_403 : i32
    %sub3A_414 = arith.subi %select_n3A_397, %min3A_19 : i32
    %mul3A_415 = arith.constant 8 : i32
    %mul3A_416 = arith.muli %select_n3A_413, %mul3A_415 : i32
    %parallel_loop3A_417 = arith.constant 0 : i32
    %parallel_loop3A_418 = arith.constant 256 : i32
    %parallel_loop3A_419 = arith.constant 1 : i32
    scf.for %parallel_loop3A_983 = %parallel_loop3A_417 to %parallel_loop3A_418 step %parallel_loop3A_419  : i32 {
      %parallel_loop3A_984 = arith.constant 16 : i32
      %parallel_loop3A_985 = arith.muli %parallel_loop3A_983, %parallel_loop3A_984 : i32
      %parallel_loop3A_986 = arith.index_cast %parallel_loop3A_985 : i32 to index
      %parallel_loop3A_987 = tpu.vector_load %arg8[%parallel_loop3A_986] {strides = array<i32>} : memref<4096xf32, #tpu.memory_space<vmem>>, vector<16xf32>,
      %parallel_loop3A_988 = arith.mulf %parallel_loop3A_987, %broadcast_in_dim3A_20 : vector<16xf32>
      %parallel_loop3A_989 = arith.fptosi %parallel_loop3A_988 : vector<16xf32> to vector<16xi32>
      %parallel_loop3A_990 = arith.addf %parallel_loop3A_988, %broadcast_in_dim3A_22 : vector<16xf32>
      %parallel_loop3A_991 = arith.fptosi %parallel_loop3A_990 : vector<16xf32> to vector<16xi32>
      %parallel_loop3A_992 = arith.sitofp %parallel_loop3A_991 : vector<16xi32> to vector<16xf32>
      %parallel_loop3A_993 = arith.subf %parallel_loop3A_992, %parallel_loop3A_988 : vector<16xf32>
      %parallel_loop3A_994 = arith.sitofp %parallel_loop3A_989 : vector<16xi32> to vector<16xf32>
      %parallel_loop3A_995 = arith.subf %parallel_loop3A_988, %parallel_loop3A_994 : vector<16xf32>
      %parallel_loop3A_996 = arith.constant 16 : i32
      %parallel_loop3A_997 = vector.broadcast %parallel_loop3A_996 : i32 to vector<16xi32>
      %parallel_loop3A_998 = arith.muli %parallel_loop3A_989, %parallel_loop3A_997 : vector<16xi32>
      %parallel_loop3A_999 = arith.addi %parallel_loop3A_998, %iota3A : vector<16xi32>
      %parallel_loop3A_1000 = arith.constant 16 : i32
      %parallel_loop3A_1001 = vector.broadcast %parallel_loop3A_1000 : i32 to vector<16xi32>
      %parallel_loop3A_1002 = arith.muli %parallel_loop3A_991, %parallel_loop3A_1001 : vector<16xi32>
      %parallel_loop3A_1003 = arith.addi %parallel_loop3A_1002, %iota3A : vector<16xi32>
      %parallel_loop3A_1004 = arith.constant 8 : i32
      %parallel_loop3A_1005 = arith.divsi %parallel_loop3A_983, %parallel_loop3A_1004 : i32
      %parallel_loop3A_1006 = arith.constant 0 : i32
      %parallel_loop3A_1007 = arith.cmpi sgt, %parallel_loop3A_983, %parallel_loop3A_1006 : i32
      %parallel_loop3A_1008 = arith.extui %parallel_loop3A_1007 : i1 to i32
      %parallel_loop3A_1009 = arith.constant 0 : i32
      %parallel_loop3A_1010 = arith.cmpi slt, %parallel_loop3A_983, %parallel_loop3A_1009 : i32
      %parallel_loop3A_1011 = arith.extui %parallel_loop3A_1010 : i1 to i32
      %parallel_loop3A_1012 = arith.subi %parallel_loop3A_1008, %parallel_loop3A_1011 : i32
      %parallel_loop3A_1013 = arith.constant 0 : i32
      %parallel_loop3A_1014 = arith.cmpi sgt, %parallel_loop3A_1004, %parallel_loop3A_1013 : i32
      %parallel_loop3A_1015 = arith.extui %parallel_loop3A_1014 : i1 to i32
      %parallel_loop3A_1016 = arith.constant 0 : i32
      %parallel_loop3A_1017 = arith.cmpi slt, %parallel_loop3A_1004, %parallel_loop3A_1016 : i32
      %parallel_loop3A_1018 = arith.extui %parallel_loop3A_1017 : i1 to i32
      %parallel_loop3A_1019 = arith.subi %parallel_loop3A_1015, %parallel_loop3A_1018 : i32
      %parallel_loop3A_1020 = arith.cmpi ne, %parallel_loop3A_1012, %parallel_loop3A_1019 : i32
      %parallel_loop3A_1021 = arith.remsi %parallel_loop3A_983, %parallel_loop3A_1004 : i32
      %parallel_loop3A_1022 = arith.constant 0 : i32
      %parallel_loop3A_1023 = arith.cmpi ne, %parallel_loop3A_1021, %parallel_loop3A_1022 : i32
      %parallel_loop3A_1024 = arith.andi %parallel_loop3A_1020, %parallel_loop3A_1023 : i1
      %parallel_loop3A_1025 = arith.constant 1 : i32
      %parallel_loop3A_1026 = arith.subi %parallel_loop3A_1005, %parallel_loop3A_1025 : i32
      %parallel_loop3A_1027 = arith.select %parallel_loop3A_1024, %parallel_loop3A_1026, %parallel_loop3A_1005 : i32
      %parallel_loop3A_1028 = arith.constant 8 : i32
      %parallel_loop3A_1029 = arith.constant 0 : i32
      %parallel_loop3A_1030 = arith.cmpi eq, %parallel_loop3A_1028, %parallel_loop3A_1029 : i32
      %parallel_loop3A_1031 = arith.constant 1 : i32
      %parallel_loop3A_1032 = arith.select %parallel_loop3A_1030, %parallel_loop3A_1031, %parallel_loop3A_1028 : i32
      %parallel_loop3A_1033 = arith.remsi %parallel_loop3A_983, %parallel_loop3A_1032 : i32
      %parallel_loop3A_1034 = arith.constant 0 : i32
      %parallel_loop3A_1035 = arith.cmpi ne, %parallel_loop3A_1033, %parallel_loop3A_1034 : i32
      %parallel_loop3A_1036 = arith.constant 0 : i32
      %parallel_loop3A_1037 = arith.cmpi slt, %parallel_loop3A_1033, %parallel_loop3A_1036 : i32
      %parallel_loop3A_1038 = arith.constant 0 : i32
      %parallel_loop3A_1039 = arith.cmpi slt, %parallel_loop3A_1032, %parallel_loop3A_1038 : i32
      %parallel_loop3A_1040 = arith.xori %parallel_loop3A_1037, %parallel_loop3A_1039 : i1
      %parallel_loop3A_1041 = arith.andi %parallel_loop3A_1040, %parallel_loop3A_1035 : i1
      %parallel_loop3A_1042 = arith.addi %parallel_loop3A_1033, %parallel_loop3A_1032 : i32
      %parallel_loop3A_1043 = arith.select %parallel_loop3A_1041, %parallel_loop3A_1042, %parallel_loop3A_1033 : i32
      %parallel_loop3A_1044 = arith.constant 16 : i32
      %parallel_loop3A_1045 = arith.muli %parallel_loop3A_1043, %parallel_loop3A_1044 : i32
      %parallel_loop3A_1046 = arith.constant 0 : i32
      %parallel_loop3A_1047 = vector.broadcast %parallel_loop3A_1046 : i32 to vector<16xi32>
      %parallel_loop3A_1048 = arith.constant 0 : i32
      %parallel_loop3A_1049 = arith.addi %mul3A_416, %parallel_loop3A_1048 : i32
      %parallel_loop3A_1050 = arith.constant 4 : i32
      %parallel_loop3A_1051 = arith.muli %parallel_loop3A_1049, %parallel_loop3A_1050 : i32
      %parallel_loop3A_1052 = arith.addi %parallel_loop3A_1051, %sub3A_414 : i32
      %parallel_loop3A_1053 = arith.constant 176 : i32
      %parallel_loop3A_1054 = arith.muli %parallel_loop3A_1052, %parallel_loop3A_1053 : i32
      %parallel_loop3A_1055 = vector.broadcast %parallel_loop3A_1054 : i32 to vector<16xi32>
      %parallel_loop3A_1056 = arith.addi %parallel_loop3A_1047, %parallel_loop3A_1055 : vector<16xi32>
      %parallel_loop3A_1057 = arith.addi %parallel_loop3A_1056, %parallel_loop3A_999 : vector<16xi32>
      %parallel_loop3A_1058 = tpu.vector_load_idx %arg6[%parallel_loop3A_1057] : memref<45056xf32, #tpu.memory_space<vmem>>[vector<16xi32>], vector<16xf32>,
      %parallel_loop3A_1059 = arith.addi %parallel_loop3A_1056, %parallel_loop3A_1003 : vector<16xi32>
      %parallel_loop3A_1060 = tpu.vector_load_idx %arg6[%parallel_loop3A_1059] : memref<45056xf32, #tpu.memory_space<vmem>>[vector<16xi32>], vector<16xf32>,
      %parallel_loop3A_1061 = arith.constant 0 : i32
      %parallel_loop3A_1062 = vector.broadcast %parallel_loop3A_1061 : i32 to vector<16xi32>
      %parallel_loop3A_1063 = arith.constant 1 : i32
      %parallel_loop3A_1064 = arith.addi %mul3A_416, %parallel_loop3A_1063 : i32
      %parallel_loop3A_1065 = arith.constant 4 : i32
      %parallel_loop3A_1066 = arith.muli %parallel_loop3A_1064, %parallel_loop3A_1065 : i32
      %parallel_loop3A_1067 = arith.addi %parallel_loop3A_1066, %sub3A_414 : i32
      %parallel_loop3A_1068 = arith.constant 176 : i32
      %parallel_loop3A_1069 = arith.muli %parallel_loop3A_1067, %parallel_loop3A_1068 : i32
      %parallel_loop3A_1070 = vector.broadcast %parallel_loop3A_1069 : i32 to vector<16xi32>
      %parallel_loop3A_1071 = arith.addi %parallel_loop3A_1062, %parallel_loop3A_1070 : vector<16xi32>
      %parallel_loop3A_1072 = arith.addi %parallel_loop3A_1071, %parallel_loop3A_999 : vector<16xi32>
      %parallel_loop3A_1073 = tpu.vector_load_idx %arg6[%parallel_loop3A_1072] : memref<45056xf32, #tpu.memory_space<vmem>>[vector<16xi32>], vector<16xf32>,
      %parallel_loop3A_1074 = arith.addi %parallel_loop3A_1071, %parallel_loop3A_1003 : vector<16xi32>
      %parallel_loop3A_1075 = tpu.vector_load_idx %arg6[%parallel_loop3A_1074] : memref<45056xf32, #tpu.memory_space<vmem>>[vector<16xi32>], vector<16xf32>,
      %parallel_loop3A_1076 = arith.constant 0 : i32
      %parallel_loop3A_1077 = vector.broadcast %parallel_loop3A_1076 : i32 to vector<16xi32>
      %parallel_loop3A_1078 = arith.constant 2 : i32
      %parallel_loop3A_1079 = arith.addi %mul3A_416, %parallel_loop3A_1078 : i32
      %parallel_loop3A_1080 = arith.constant 4 : i32
      %parallel_loop3A_1081 = arith.muli %parallel_loop3A_1079, %parallel_loop3A_1080 : i32
      %parallel_loop3A_1082 = arith.addi %parallel_loop3A_1081, %sub3A_414 : i32
      %parallel_loop3A_1083 = arith.constant 176 : i32
      %parallel_loop3A_1084 = arith.muli %parallel_loop3A_1082, %parallel_loop3A_1083 : i32
      %parallel_loop3A_1085 = vector.broadcast %parallel_loop3A_1084 : i32 to vector<16xi32>
      %parallel_loop3A_1086 = arith.addi %parallel_loop3A_1077, %parallel_loop3A_1085 : vector<16xi32>
      %parallel_loop3A_1087 = arith.addi %parallel_loop3A_1086, %parallel_loop3A_999 : vector<16xi32>
      %parallel_loop3A_1088 = tpu.vector_load_idx %arg6[%parallel_loop3A_1087] : memref<45056xf32, #tpu.memory_space<vmem>>[vector<16xi32>], vector<16xf32>,
      %parallel_loop3A_1089 = arith.addi %parallel_loop3A_1086, %parallel_loop3A_1003 : vector<16xi32>
      %parallel_loop3A_1090 = tpu.vector_load_idx %arg6[%parallel_loop3A_1089] : memref<45056xf32, #tpu.memory_space<vmem>>[vector<16xi32>], vector<16xf32>,
      %parallel_loop3A_1091 = arith.constant 0 : i32
      %parallel_loop3A_1092 = vector.broadcast %parallel_loop3A_1091 : i32 to vector<16xi32>
      %parallel_loop3A_1093 = arith.constant 3 : i32
      %parallel_loop3A_1094 = arith.addi %mul3A_416, %parallel_loop3A_1093 : i32
      %parallel_loop3A_1095 = arith.constant 4 : i32
      %parallel_loop3A_1096 = arith.muli %parallel_loop3A_1094, %parallel_loop3A_1095 : i32
      %parallel_loop3A_1097 = arith.addi %parallel_loop3A_1096, %sub3A_414 : i32
      %parallel_loop3A_1098 = arith.constant 176 : i32
      %parallel_loop3A_1099 = arith.muli %parallel_loop3A_1097, %parallel_loop3A_1098 : i32
      %parallel_loop3A_1100 = vector.broadcast %parallel_loop3A_1099 : i32 to vector<16xi32>
      %parallel_loop3A_1101 = arith.addi %parallel_loop3A_1092, %parallel_loop3A_1100 : vector<16xi32>
      %parallel_loop3A_1102 = arith.addi %parallel_loop3A_1101, %parallel_loop3A_999 : vector<16xi32>
      %parallel_loop3A_1103 = tpu.vector_load_idx %arg6[%parallel_loop3A_1102] : memref<45056xf32, #tpu.memory_space<vmem>>[vector<16xi32>], vector<16xf32>,
      %parallel_loop3A_1104 = arith.addi %parallel_loop3A_1101, %parallel_loop3A_1003 : vector<16xi32>
      %parallel_loop3A_1105 = tpu.vector_load_idx %arg6[%parallel_loop3A_1104] : memref<45056xf32, #tpu.memory_space<vmem>>[vector<16xi32>], vector<16xf32>,
      %parallel_loop3A_1106 = arith.constant 0 : i32
      %parallel_loop3A_1107 = vector.broadcast %parallel_loop3A_1106 : i32 to vector<16xi32>
      %parallel_loop3A_1108 = arith.constant 4 : i32
      %parallel_loop3A_1109 = arith.addi %mul3A_416, %parallel_loop3A_1108 : i32
      %parallel_loop3A_1110 = arith.constant 4 : i32
      %parallel_loop3A_1111 = arith.muli %parallel_loop3A_1109, %parallel_loop3A_1110 : i32
      %parallel_loop3A_1112 = arith.addi %parallel_loop3A_1111, %sub3A_414 : i32
      %parallel_loop3A_1113 = arith.constant 176 : i32
      %parallel_loop3A_1114 = arith.muli %parallel_loop3A_1112, %parallel_loop3A_1113 : i32
      %parallel_loop3A_1115 = vector.broadcast %parallel_loop3A_1114 : i32 to vector<16xi32>
      %parallel_loop3A_1116 = arith.addi %parallel_loop3A_1107, %parallel_loop3A_1115 : vector<16xi32>
      %parallel_loop3A_1117 = arith.addi %parallel_loop3A_1116, %parallel_loop3A_999 : vector<16xi32>
      %parallel_loop3A_1118 = tpu.vector_load_idx %arg6[%parallel_loop3A_1117] : memref<45056xf32, #tpu.memory_space<vmem>>[vector<16xi32>], vector<16xf32>,
      %parallel_loop3A_1119 = arith.addi %parallel_loop3A_1116, %parallel_loop3A_1003 : vector<16xi32>
      %parallel_loop3A_1120 = tpu.vector_load_idx %arg6[%parallel_loop3A_1119] : memref<45056xf32, #tpu.memory_space<vmem>>[vector<16xi32>], vector<16xf32>,
      %parallel_loop3A_1121 = arith.constant 0 : i32
      %parallel_loop3A_1122 = vector.broadcast %parallel_loop3A_1121 : i32 to vector<16xi32>
      %parallel_loop3A_1123 = arith.constant 5 : i32
      %parallel_loop3A_1124 = arith.addi %mul3A_416, %parallel_loop3A_1123 : i32
      %parallel_loop3A_1125 = arith.constant 4 : i32
      %parallel_loop3A_1126 = arith.muli %parallel_loop3A_1124, %parallel_loop3A_1125 : i32
      %parallel_loop3A_1127 = arith.addi %parallel_loop3A_1126, %sub3A_414 : i32
      %parallel_loop3A_1128 = arith.constant 176 : i32
      %parallel_loop3A_1129 = arith.muli %parallel_loop3A_1127, %parallel_loop3A_1128 : i32
      %parallel_loop3A_1130 = vector.broadcast %parallel_loop3A_1129 : i32 to vector<16xi32>
      %parallel_loop3A_1131 = arith.addi %parallel_loop3A_1122, %parallel_loop3A_1130 : vector<16xi32>
      %parallel_loop3A_1132 = arith.addi %parallel_loop3A_1131, %parallel_loop3A_999 : vector<16xi32>
      %parallel_loop3A_1133 = tpu.vector_load_idx %arg6[%parallel_loop3A_1132] : memref<45056xf32, #tpu.memory_space<vmem>>[vector<16xi32>], vector<16xf32>,
      %parallel_loop3A_1134 = arith.addi %parallel_loop3A_1131, %parallel_loop3A_1003 : vector<16xi32>
      %parallel_loop3A_1135 = tpu.vector_load_idx %arg6[%parallel_loop3A_1134] : memref<45056xf32, #tpu.memory_space<vmem>>[vector<16xi32>], vector<16xf32>,
      %parallel_loop3A_1136 = arith.constant 0 : i32
      %parallel_loop3A_1137 = vector.broadcast %parallel_loop3A_1136 : i32 to vector<16xi32>
      %parallel_loop3A_1138 = arith.constant 6 : i32
      %parallel_loop3A_1139 = arith.addi %mul3A_416, %parallel_loop3A_1138 : i32
      %parallel_loop3A_1140 = arith.constant 4 : i32
      %parallel_loop3A_1141 = arith.muli %parallel_loop3A_1139, %parallel_loop3A_1140 : i32
      %parallel_loop3A_1142 = arith.addi %parallel_loop3A_1141, %sub3A_414 : i32
      %parallel_loop3A_1143 = arith.constant 176 : i32
      %parallel_loop3A_1144 = arith.muli %parallel_loop3A_1142, %parallel_loop3A_1143 : i32
      %parallel_loop3A_1145 = vector.broadcast %parallel_loop3A_1144 : i32 to vector<16xi32>
      %parallel_loop3A_1146 = arith.addi %parallel_loop3A_1137, %parallel_loop3A_1145 : vector<16xi32>
      %parallel_loop3A_1147 = arith.addi %parallel_loop3A_1146, %parallel_loop3A_999 : vector<16xi32>
      %parallel_loop3A_1148 = tpu.vector_load_idx %arg6[%parallel_loop3A_1147] : memref<45056xf32, #tpu.memory_space<vmem>>[vector<16xi32>], vector<16xf32>,
      %parallel_loop3A_1149 = arith.addi %parallel_loop3A_1146, %parallel_loop3A_1003 : vector<16xi32>
      %parallel_loop3A_1150 = tpu.vector_load_idx %arg6[%parallel_loop3A_1149] : memref<45056xf32, #tpu.memory_space<vmem>>[vector<16xi32>], vector<16xf32>,
      %parallel_loop3A_1151 = arith.constant 0 : i32
      %parallel_loop3A_1152 = vector.broadcast %parallel_loop3A_1151 : i32 to vector<16xi32>
      %parallel_loop3A_1153 = arith.constant 7 : i32
      %parallel_loop3A_1154 = arith.addi %mul3A_416, %parallel_loop3A_1153 : i32
      %parallel_loop3A_1155 = arith.constant 4 : i32
      %parallel_loop3A_1156 = arith.muli %parallel_loop3A_1154, %parallel_loop3A_1155 : i32
      %parallel_loop3A_1157 = arith.addi %parallel_loop3A_1156, %sub3A_414 : i32
      %parallel_loop3A_1158 = arith.constant 176 : i32
      %parallel_loop3A_1159 = arith.muli %parallel_loop3A_1157, %parallel_loop3A_1158 : i32
      %parallel_loop3A_1160 = vector.broadcast %parallel_loop3A_1159 : i32 to vector<16xi32>
      %parallel_loop3A_1161 = arith.addi %parallel_loop3A_1152, %parallel_loop3A_1160 : vector<16xi32>
      %parallel_loop3A_1162 = arith.addi %parallel_loop3A_1161, %parallel_loop3A_999 : vector<16xi32>
      %parallel_loop3A_1163 = tpu.vector_load_idx %arg6[%parallel_loop3A_1162] : memref<45056xf32, #tpu.memory_space<vmem>>[vector<16xi32>], vector<16xf32>,
      %parallel_loop3A_1164 = arith.addi %parallel_loop3A_1161, %parallel_loop3A_1003 : vector<16xi32>
      %parallel_loop3A_1165 = tpu.vector_load_idx %arg6[%parallel_loop3A_1164] : memref<45056xf32, #tpu.memory_space<vmem>>[vector<16xi32>], vector<16xf32>,
      %parallel_loop3A_1166 = arith.mulf %parallel_loop3A_993, %parallel_loop3A_1058 : vector<16xf32>
      %parallel_loop3A_1167 = arith.mulf %parallel_loop3A_995, %parallel_loop3A_1060 : vector<16xf32>
      %parallel_loop3A_1168 = arith.addf %parallel_loop3A_1166, %parallel_loop3A_1167 : vector<16xf32>
      %parallel_loop3A_1169 = arith.mulf %parallel_loop3A_993, %parallel_loop3A_1073 : vector<16xf32>
      %parallel_loop3A_1170 = arith.mulf %parallel_loop3A_995, %parallel_loop3A_1075 : vector<16xf32>
      %parallel_loop3A_1171 = arith.addf %parallel_loop3A_1169, %parallel_loop3A_1170 : vector<16xf32>
      %parallel_loop3A_1172 = arith.mulf %parallel_loop3A_993, %parallel_loop3A_1088 : vector<16xf32>
      %parallel_loop3A_1173 = arith.mulf %parallel_loop3A_995, %parallel_loop3A_1090 : vector<16xf32>
      %parallel_loop3A_1174 = arith.addf %parallel_loop3A_1172, %parallel_loop3A_1173 : vector<16xf32>
      %parallel_loop3A_1175 = arith.mulf %parallel_loop3A_993, %parallel_loop3A_1103 : vector<16xf32>
      %parallel_loop3A_1176 = arith.mulf %parallel_loop3A_995, %parallel_loop3A_1105 : vector<16xf32>
      %parallel_loop3A_1177 = arith.addf %parallel_loop3A_1175, %parallel_loop3A_1176 : vector<16xf32>
      %parallel_loop3A_1178 = arith.mulf %parallel_loop3A_993, %parallel_loop3A_1118 : vector<16xf32>
      %parallel_loop3A_1179 = arith.mulf %parallel_loop3A_995, %parallel_loop3A_1120 : vector<16xf32>
      %parallel_loop3A_1180 = arith.addf %parallel_loop3A_1178, %parallel_loop3A_1179 : vector<16xf32>
      %parallel_loop3A_1181 = arith.mulf %parallel_loop3A_993, %parallel_loop3A_1133 : vector<16xf32>
      %parallel_loop3A_1182 = arith.mulf %parallel_loop3A_995, %parallel_loop3A_1135 : vector<16xf32>
      %parallel_loop3A_1183 = arith.addf %parallel_loop3A_1181, %parallel_loop3A_1182 : vector<16xf32>
      %parallel_loop3A_1184 = arith.mulf %parallel_loop3A_993, %parallel_loop3A_1148 : vector<16xf32>
      %parallel_loop3A_1185 = arith.mulf %parallel_loop3A_995, %parallel_loop3A_1150 : vector<16xf32>
      %parallel_loop3A_1186 = arith.addf %parallel_loop3A_1184, %parallel_loop3A_1185 : vector<16xf32>
      %parallel_loop3A_1187 = arith.mulf %parallel_loop3A_993, %parallel_loop3A_1163 : vector<16xf32>
      %parallel_loop3A_1188 = arith.mulf %parallel_loop3A_995, %parallel_loop3A_1165 : vector<16xf32>
      %parallel_loop3A_1189 = arith.addf %parallel_loop3A_1187, %parallel_loop3A_1188 : vector<16xf32>
      %parallel_loop3A_1190 = arith.constant 0 : i32
      %parallel_loop3A_1191 = arith.index_cast %parallel_loop3A_1027 : i32 to index
      %parallel_loop3A_1192 = arith.index_cast %parallel_loop3A_1190 : i32 to index
      %parallel_loop3A_1193 = arith.index_cast %parallel_loop3A_1045 : i32 to index
      %parallel_loop3A_1194 = tpu.vector_load %arg10[%parallel_loop3A_1191, %parallel_loop3A_1192, %parallel_loop3A_1193] {strides = array<i32>} : memref<32x8x128xf32, #tpu.memory_space<vmem>>, vector<16xf32>,
      tpu.vector_store %arg10[%parallel_loop3A_1191, %parallel_loop3A_1192, %parallel_loop3A_1193], %parallel_loop3A_1168 {strides = array<i32>} : memref<32x8x128xf32, #tpu.memory_space<vmem>>, vector<16xf32>,
      %parallel_loop3A_1195 = arith.constant 1 : i32
      %parallel_loop3A_1196 = arith.index_cast %parallel_loop3A_1027 : i32 to index
      %parallel_loop3A_1197 = arith.index_cast %parallel_loop3A_1195 : i32 to index
      %parallel_loop3A_1198 = arith.index_cast %parallel_loop3A_1045 : i32 to index
      %parallel_loop3A_1199 = tpu.vector_load %arg10[%parallel_loop3A_1196, %parallel_loop3A_1197, %parallel_loop3A_1198] {strides = array<i32>} : memref<32x8x128xf32, #tpu.memory_space<vmem>>, vector<16xf32>,
      tpu.vector_store %arg10[%parallel_loop3A_1196, %parallel_loop3A_1197, %parallel_loop3A_1198], %parallel_loop3A_1171 {strides = array<i32>} : memref<32x8x128xf32, #tpu.memory_space<vmem>>, vector<16xf32>,
      %parallel_loop3A_1200 = arith.constant 2 : i32
      %parallel_loop3A_1201 = arith.index_cast %parallel_loop3A_1027 : i32 to index
      %parallel_loop3A_1202 = arith.index_cast %parallel_loop3A_1200 : i32 to index
      %parallel_loop3A_1203 = arith.index_cast %parallel_loop3A_1045 : i32 to index
      %parallel_loop3A_1204 = tpu.vector_load %arg10[%parallel_loop3A_1201, %parallel_loop3A_1202, %parallel_loop3A_1203] {strides = array<i32>} : memref<32x8x128xf32, #tpu.memory_space<vmem>>, vector<16xf32>,
      tpu.vector_store %arg10[%parallel_loop3A_1201, %parallel_loop3A_1202, %parallel_loop3A_1203], %parallel_loop3A_1174 {strides = array<i32>} : memref<32x8x128xf32, #tpu.memory_space<vmem>>, vector<16xf32>,
      %parallel_loop3A_1205 = arith.constant 3 : i32
      %parallel_loop3A_1206 = arith.index_cast %parallel_loop3A_1027 : i32 to index
      %parallel_loop3A_1207 = arith.index_cast %parallel_loop3A_1205 : i32 to index
      %parallel_loop3A_1208 = arith.index_cast %parallel_loop3A_1045 : i32 to index
      %parallel_loop3A_1209 = tpu.vector_load %arg10[%parallel_loop3A_1206, %parallel_loop3A_1207, %parallel_loop3A_1208] {strides = array<i32>} : memref<32x8x128xf32, #tpu.memory_space<vmem>>, vector<16xf32>,
      tpu.vector_store %arg10[%parallel_loop3A_1206, %parallel_loop3A_1207, %parallel_loop3A_1208], %parallel_loop3A_1177 {strides = array<i32>} : memref<32x8x128xf32, #tpu.memory_space<vmem>>, vector<16xf32>,
      %parallel_loop3A_1210 = arith.constant 4 : i32
      %parallel_loop3A_1211 = arith.index_cast %parallel_loop3A_1027 : i32 to index
      %parallel_loop3A_1212 = arith.index_cast %parallel_loop3A_1210 : i32 to index
      %parallel_loop3A_1213 = arith.index_cast %parallel_loop3A_1045 : i32 to index
      %parallel_loop3A_1214 = tpu.vector_load %arg10[%parallel_loop3A_1211, %parallel_loop3A_1212, %parallel_loop3A_1213] {strides = array<i32>} : memref<32x8x128xf32, #tpu.memory_space<vmem>>, vector<16xf32>,
      tpu.vector_store %arg10[%parallel_loop3A_1211, %parallel_loop3A_1212, %parallel_loop3A_1213], %parallel_loop3A_1180 {strides = array<i32>} : memref<32x8x128xf32, #tpu.memory_space<vmem>>, vector<16xf32>,
      %parallel_loop3A_1215 = arith.constant 5 : i32
      %parallel_loop3A_1216 = arith.index_cast %parallel_loop3A_1027 : i32 to index
      %parallel_loop3A_1217 = arith.index_cast %parallel_loop3A_1215 : i32 to index
      %parallel_loop3A_1218 = arith.index_cast %parallel_loop3A_1045 : i32 to index
      %parallel_loop3A_1219 = tpu.vector_load %arg10[%parallel_loop3A_1216, %parallel_loop3A_1217, %parallel_loop3A_1218] {strides = array<i32>} : memref<32x8x128xf32, #tpu.memory_space<vmem>>, vector<16xf32>,
      tpu.vector_store %arg10[%parallel_loop3A_1216, %parallel_loop3A_1217, %parallel_loop3A_1218], %parallel_loop3A_1183 {strides = array<i32>} : memref<32x8x128xf32, #tpu.memory_space<vmem>>, vector<16xf32>,
      %parallel_loop3A_1220 = arith.constant 6 : i32
      %parallel_loop3A_1221 = arith.index_cast %parallel_loop3A_1027 : i32 to index
      %parallel_loop3A_1222 = arith.index_cast %parallel_loop3A_1220 : i32 to index
      %parallel_loop3A_1223 = arith.index_cast %parallel_loop3A_1045 : i32 to index
      %parallel_loop3A_1224 = tpu.vector_load %arg10[%parallel_loop3A_1221, %parallel_loop3A_1222, %parallel_loop3A_1223] {strides = array<i32>} : memref<32x8x128xf32, #tpu.memory_space<vmem>>, vector<16xf32>,
      tpu.vector_store %arg10[%parallel_loop3A_1221, %parallel_loop3A_1222, %parallel_loop3A_1223], %parallel_loop3A_1186 {strides = array<i32>} : memref<32x8x128xf32, #tpu.memory_space<vmem>>, vector<16xf32>,
      %parallel_loop3A_1225 = arith.constant 7 : i32
      %parallel_loop3A_1226 = arith.index_cast %parallel_loop3A_1027 : i32 to index
      %parallel_loop3A_1227 = arith.index_cast %parallel_loop3A_1225 : i32 to index
      %parallel_loop3A_1228 = arith.index_cast %parallel_loop3A_1045 : i32 to index
      %parallel_loop3A_1229 = tpu.vector_load %arg10[%parallel_loop3A_1226, %parallel_loop3A_1227, %parallel_loop3A_1228] {strides = array<i32>} : memref<32x8x128xf32, #tpu.memory_space<vmem>>, vector<16xf32>,
      tpu.vector_store %arg10[%parallel_loop3A_1226, %parallel_loop3A_1227, %parallel_loop3A_1228], %parallel_loop3A_1189 {strides = array<i32>} : memref<32x8x128xf32, #tpu.memory_space<vmem>>, vector<16xf32>,
    } {sc.loop_unroll_factor = 2 : i64, sc.parallel_access}
    %add3A_420 = arith.constant 1 : i32
    %add3A_421 = arith.addi %mul3A_2, %add3A_420 : i32
    %jit3A_422 = arith.constant 8 : i32
    %div3A_423 = arith.divsi %add3A_421, %jit3A_422 : i32
    %sign3A_424 = arith.constant 0 : i32
    %sign3A_425 = arith.cmpi sgt, %add3A_421, %sign3A_424 : i32
    %sign3A_426 = arith.extui %sign3A_425 : i1 to i32
    %sign3A_427 = arith.constant 0 : i32
    %sign3A_428 = arith.cmpi slt, %add3A_421, %sign3A_427 : i32
    %sign3A_429 = arith.extui %sign3A_428 : i1 to i32
    %sign3A_430 = arith.subi %sign3A_426, %sign3A_429 : i32
    %sign3A_431 = arith.constant 0 : i32
    %sign3A_432 = arith.cmpi sgt, %jit3A_422, %sign3A_431 : i32
    %sign3A_433 = arith.extui %sign3A_432 : i1 to i32
    %sign3A_434 = arith.constant 0 : i32
    %sign3A_435 = arith.cmpi slt, %jit3A_422, %sign3A_434 : i32
    %sign3A_436 = arith.extui %sign3A_435 : i1 to i32
    %sign3A_437 = arith.subi %sign3A_433, %sign3A_436 : i32
    %ne3A_438 = arith.cmpi ne, %sign3A_430, %sign3A_437 : i32
    %rem3A_439 = arith.remsi %add3A_421, %jit3A_422 : i32
    %ne3A_440 = arith.constant 0 : i32
    %ne3A_441 = arith.cmpi ne, %rem3A_439, %ne3A_440 : i32
    %and3A_442 = arith.andi %ne3A_438, %ne3A_441 : i1
    %sub3A_443 = arith.constant 1 : i32
    %sub3A_444 = arith.subi %div3A_423, %sub3A_443 : i32
    %select_n3A_445 = arith.select %and3A_442, %sub3A_444, %div3A_423 : i32
    %jit3A_446 = arith.constant 8 : i32
    %eq3A_447 = arith.constant 0 : i32
    %eq3A_448 = arith.cmpi eq, %jit3A_446, %eq3A_447 : i32
    %jit3A_449 = arith.constant 1 : i32
    %select_n3A_450 = arith.select %eq3A_448, %jit3A_449, %jit3A_446 : i32
    %rem3A_451 = arith.remsi %add3A_421, %select_n3A_450 : i32
    %ne3A_452 = arith.constant 0 : i32
    %ne3A_453 = arith.cmpi ne, %rem3A_451, %ne3A_452 : i32
    %lt3A_454 = arith.constant 0 : i32
    %lt3A_455 = arith.cmpi slt, %rem3A_451, %lt3A_454 : i32
    %lt3A_456 = arith.constant 0 : i32
    %lt3A_457 = arith.cmpi slt, %select_n3A_450, %lt3A_456 : i32
    %ne3A_458 = arith.xori %lt3A_455, %lt3A_457 : i1
    %and3A_459 = arith.andi %ne3A_458, %ne3A_453 : i1
    %add3A_460 = arith.addi %rem3A_451, %select_n3A_450 : i32
    %select_n3A_461 = arith.select %and3A_459, %add3A_460, %rem3A_451 : i32
    %dma_start3A_462 = arith.constant 0 : i32
    %dma_start3A_463 = arith.constant 0 : i32
    %dma_start3A_464 = arith.constant 0 : i32
    %dma_start3A_465 = tpu.memref_slice %arg4[%select_n3A_445, %select_n3A_461, %dma_start3A_462, %dma_start3A_463, %dma_start3A_464] : memref<100x8x32x8x128xf32, #tpu.memory_space<hbm>> -> memref<1x1x32x8x128xf32, #tpu.memory_space<hbm>>
    %dma_start3A_466 = tpu.memref_squeeze %dma_start3A_465 : memref<1x1x32x8x128xf32, #tpu.memory_space<hbm>> -> memref<32x8x128xf32, #tpu.memory_space<hbm>>
    %dma_start3A_467 = arith.constant 0 : i32
    %dma_start3A_468 = arith.constant 0 : i32
    %dma_start3A_469 = arith.constant 0 : i32
    %dma_start3A_470 = tpu.memref_slice %arg4[%select_n3A_445, %select_n3A_461, %dma_start3A_467, %dma_start3A_468, %dma_start3A_469] : memref<100x8x32x8x128xf32, #tpu.memory_space<hbm>> -> memref<1x1x32x8x128xf32, #tpu.memory_space<hbm>>
    %dma_start3A_471 = tpu.memref_squeeze %dma_start3A_470 : memref<1x1x32x8x128xf32, #tpu.memory_space<hbm>> -> memref<32x8x128xf32, #tpu.memory_space<hbm>>
    tpu.enqueue_dma source(%arg10 : memref<32x8x128xf32, #tpu.memory_space<vmem>>) target(%dma_start3A_471 : memref<32x8x128xf32, #tpu.memory_space<hbm>>) target_semaphore(%arg12 : memref<!tpu.dma_semaphore, #tpu.memory_space<semaphore_mem>>)
    %min3A_472 = arith.constant 3 : i32
    %min3A_473 = arith.constant 24 : i32
    %min3A_474 = arith.minsi %min3A_472, %min3A_473 : i32
    %add3A_475 = arith.addi %mul3A_2, %min3A_474 : i32
    %jit3A_476 = arith.constant 8 : i32
    %div3A_477 = arith.divsi %add3A_475, %jit3A_476 : i32
    %sign3A_478 = arith.constant 0 : i32
    %sign3A_479 = arith.cmpi sgt, %add3A_475, %sign3A_478 : i32
    %sign3A_480 = arith.extui %sign3A_479 : i1 to i32
    %sign3A_481 = arith.constant 0 : i32
    %sign3A_482 = arith.cmpi slt, %add3A_475, %sign3A_481 : i32
    %sign3A_483 = arith.extui %sign3A_482 : i1 to i32
    %sign3A_484 = arith.subi %sign3A_480, %sign3A_483 : i32
    %sign3A_485 = arith.constant 0 : i32
    %sign3A_486 = arith.cmpi sgt, %jit3A_476, %sign3A_485 : i32
    %sign3A_487 = arith.extui %sign3A_486 : i1 to i32
    %sign3A_488 = arith.constant 0 : i32
    %sign3A_489 = arith.cmpi slt, %jit3A_476, %sign3A_488 : i32
    %sign3A_490 = arith.extui %sign3A_489 : i1 to i32
    %sign3A_491 = arith.subi %sign3A_487, %sign3A_490 : i32
    %ne3A_492 = arith.cmpi ne, %sign3A_484, %sign3A_491 : i32
    %rem3A_493 = arith.remsi %add3A_475, %jit3A_476 : i32
    %ne3A_494 = arith.constant 0 : i32
    %ne3A_495 = arith.cmpi ne, %rem3A_493, %ne3A_494 : i32
    %and3A_496 = arith.andi %ne3A_492, %ne3A_495 : i1
    %sub3A_497 = arith.constant 1 : i32
    %sub3A_498 = arith.subi %div3A_477, %sub3A_497 : i32
    %select_n3A_499 = arith.select %and3A_496, %sub3A_498, %div3A_477 : i32
    %jit3A_500 = arith.constant 8 : i32
    %eq3A_501 = arith.constant 0 : i32
    %eq3A_502 = arith.cmpi eq, %jit3A_500, %eq3A_501 : i32
    %jit3A_503 = arith.constant 1 : i32
    %select_n3A_504 = arith.select %eq3A_502, %jit3A_503, %jit3A_500 : i32
    %rem3A_505 = arith.remsi %add3A_475, %select_n3A_504 : i32
    %ne3A_506 = arith.constant 0 : i32
    %ne3A_507 = arith.cmpi ne, %rem3A_505, %ne3A_506 : i32
    %lt3A_508 = arith.constant 0 : i32
    %lt3A_509 = arith.cmpi slt, %rem3A_505, %lt3A_508 : i32
    %lt3A_510 = arith.constant 0 : i32
    %lt3A_511 = arith.cmpi slt, %select_n3A_504, %lt3A_510 : i32
    %ne3A_512 = arith.xori %lt3A_509, %lt3A_511 : i1
    %and3A_513 = arith.andi %ne3A_512, %ne3A_507 : i1
    %add3A_514 = arith.addi %rem3A_505, %select_n3A_504 : i32
    %select_n3A_515 = arith.select %and3A_513, %add3A_514, %rem3A_505 : i32
    %dma_start3A_516 = arith.constant 0 : i32
    %dma_start3A_517 = tpu.memref_slice %arg2[%select_n3A_499, %dma_start3A_516] : memref<100x4096xf32, #tpu.memory_space<hbm>> -> memref<1x4096xf32, #tpu.memory_space<hbm>>
    %dma_start3A_518 = tpu.memref_squeeze %dma_start3A_517 : memref<1x4096xf32, #tpu.memory_space<hbm>> -> memref<4096xf32, #tpu.memory_space<hbm>>
    %dma_start3A_519 = arith.constant 0 : i32
    %dma_start3A_520 = tpu.memref_slice %arg2[%select_n3A_499, %dma_start3A_519] : memref<100x4096xf32, #tpu.memory_space<hbm>> -> memref<1x4096xf32, #tpu.memory_space<hbm>>
    %dma_start3A_521 = tpu.memref_squeeze %dma_start3A_520 : memref<1x4096xf32, #tpu.memory_space<hbm>> -> memref<4096xf32, #tpu.memory_space<hbm>>
    tpu.enqueue_dma source(%dma_start3A_521 : memref<4096xf32, #tpu.memory_space<hbm>>) target(%arg8 : memref<4096xf32, #tpu.memory_space<vmem>>) target_semaphore(%arg14 : memref<!tpu.dma_semaphore, #tpu.memory_space<semaphore_mem>>)
    %scan3A_522 = arith.constant 0 : i32
    %scan3A_523 = arith.constant 11 : i32
    %scan3A_524 = arith.addi %scan3A_522, %scan3A_523 : i32
    %scan3A_525 = arith.constant 1 : i32
    scf.for %scan3A_983 = %scan3A_522 to %scan3A_524 step %scan3A_525  : i32 {
      %mul3A_984 = arith.constant 2 : i32
      %mul3A_985 = arith.muli %scan3A_983, %mul3A_984 : i32
      %add3A_986 = arith.constant 2 : i32
      %add3A_987 = arith.addi %add3A_986, %mul3A_985 : i32
      %min3A_988 = arith.constant 24 : i32
      %min3A_989 = arith.minsi %add3A_987, %min3A_988 : i32
      %add3A_990 = arith.addi %mul3A_2, %min3A_989 : i32
      %jit3A_991 = arith.constant 8 : i32
      %div3A_992 = arith.divsi %add3A_990, %jit3A_991 : i32
      %sign3A_993 = arith.constant 0 : i32
      %sign3A_994 = arith.cmpi sgt, %add3A_990, %sign3A_993 : i32
      %sign3A_995 = arith.extui %sign3A_994 : i1 to i32
      %sign3A_996 = arith.constant 0 : i32
      %sign3A_997 = arith.cmpi slt, %add3A_990, %sign3A_996 : i32
      %sign3A_998 = arith.extui %sign3A_997 : i1 to i32
      %sign3A_999 = arith.subi %sign3A_995, %sign3A_998 : i32
      %sign3A_1000 = arith.constant 0 : i32
      %sign3A_1001 = arith.cmpi sgt, %jit3A_991, %sign3A_1000 : i32
      %sign3A_1002 = arith.extui %sign3A_1001 : i1 to i32
      %sign3A_1003 = arith.constant 0 : i32
      %sign3A_1004 = arith.cmpi slt, %jit3A_991, %sign3A_1003 : i32
      %sign3A_1005 = arith.extui %sign3A_1004 : i1 to i32
      %sign3A_1006 = arith.subi %sign3A_1002, %sign3A_1005 : i32
      %ne3A_1007 = arith.cmpi ne, %sign3A_999, %sign3A_1006 : i32
      %rem3A_1008 = arith.remsi %add3A_990, %jit3A_991 : i32
      %ne3A_1009 = arith.constant 0 : i32
      %ne3A_1010 = arith.cmpi ne, %rem3A_1008, %ne3A_1009 : i32
      %and3A_1011 = arith.andi %ne3A_1007, %ne3A_1010 : i1
      %sub3A_1012 = arith.constant 1 : i32
      %sub3A_1013 = arith.subi %div3A_992, %sub3A_1012 : i32
      %select_n3A_1014 = arith.select %and3A_1011, %sub3A_1013, %div3A_992 : i32
      %jit3A_1015 = arith.constant 8 : i32
      %eq3A_1016 = arith.constant 0 : i32
      %eq3A_1017 = arith.cmpi eq, %jit3A_1015, %eq3A_1016 : i32
      %jit3A_1018 = arith.constant 1 : i32
      %select_n3A_1019 = arith.select %eq3A_1017, %jit3A_1018, %jit3A_1015 : i32
      %rem3A_1020 = arith.remsi %add3A_990, %select_n3A_1019 : i32
      %ne3A_1021 = arith.constant 0 : i32
      %ne3A_1022 = arith.cmpi ne, %rem3A_1020, %ne3A_1021 : i32
      %lt3A_1023 = arith.constant 0 : i32
      %lt3A_1024 = arith.cmpi slt, %rem3A_1020, %lt3A_1023 : i32
      %lt3A_1025 = arith.constant 0 : i32
      %lt3A_1026 = arith.cmpi slt, %select_n3A_1019, %lt3A_1025 : i32
      %ne3A_1027 = arith.xori %lt3A_1024, %lt3A_1026 : i1
      %and3A_1028 = arith.andi %ne3A_1027, %ne3A_1022 : i1
      %add3A_1029 = arith.addi %rem3A_1020, %select_n3A_1019 : i32
      %select_n3A_1030 = arith.select %and3A_1028, %add3A_1029, %rem3A_1020 : i32
      %dma_wait3A_1031 = arith.constant 0 : i32
      %dma_wait3A_1032 = tpu.memref_slice %arg2[%select_n3A_1014, %dma_wait3A_1031] : memref<100x4096xf32, #tpu.memory_space<hbm>> -> memref<1x4096xf32, #tpu.memory_space<hbm>>
      %dma_wait3A_1033 = tpu.memref_squeeze %dma_wait3A_1032 : memref<1x4096xf32, #tpu.memory_space<hbm>> -> memref<4096xf32, #tpu.memory_space<hbm>>
      %dma_wait3A_1034 = arith.constant 0 : i32
      %dma_wait3A_1035 = tpu.memref_slice %arg2[%select_n3A_1014, %dma_wait3A_1034] : memref<100x4096xf32, #tpu.memory_space<hbm>> -> memref<1x4096xf32, #tpu.memory_space<hbm>>
      %dma_wait3A_1036 = tpu.memref_squeeze %dma_wait3A_1035 : memref<1x4096xf32, #tpu.memory_space<hbm>> -> memref<4096xf32, #tpu.memory_space<hbm>>
      tpu.wait_dma2 semaphore(%arg13 : memref<!tpu.dma_semaphore, #tpu.memory_space<semaphore_mem>>) src(%dma_wait3A_1036 : memref<4096xf32, #tpu.memory_space<hbm>>) dst(%arg7 : memref<4096xf32, #tpu.memory_space<vmem>>)
      %add3A_1037 = arith.addi %mul3A_2, %add3A_987 : i32
      %jit3A_1038 = arith.constant 8 : i32
      %div3A_1039 = arith.divsi %add3A_1037, %jit3A_1038 : i32
      %sign3A_1040 = arith.constant 0 : i32
      %sign3A_1041 = arith.cmpi sgt, %add3A_1037, %sign3A_1040 : i32
      %sign3A_1042 = arith.extui %sign3A_1041 : i1 to i32
      %sign3A_1043 = arith.constant 0 : i32
      %sign3A_1044 = arith.cmpi slt, %add3A_1037, %sign3A_1043 : i32
      %sign3A_1045 = arith.extui %sign3A_1044 : i1 to i32
      %sign3A_1046 = arith.subi %sign3A_1042, %sign3A_1045 : i32
      %sign3A_1047 = arith.constant 0 : i32
      %sign3A_1048 = arith.cmpi sgt, %jit3A_1038, %sign3A_1047 : i32
      %sign3A_1049 = arith.extui %sign3A_1048 : i1 to i32
      %sign3A_1050 = arith.constant 0 : i32
      %sign3A_1051 = arith.cmpi slt, %jit3A_1038, %sign3A_1050 : i32
      %sign3A_1052 = arith.extui %sign3A_1051 : i1 to i32
      %sign3A_1053 = arith.subi %sign3A_1049, %sign3A_1052 : i32
      %ne3A_1054 = arith.cmpi ne, %sign3A_1046, %sign3A_1053 : i32
      %rem3A_1055 = arith.remsi %add3A_1037, %jit3A_1038 : i32
      %ne3A_1056 = arith.constant 0 : i32
      %ne3A_1057 = arith.cmpi ne, %rem3A_1055, %ne3A_1056 : i32
      %and3A_1058 = arith.andi %ne3A_1054, %ne3A_1057 : i1
      %sub3A_1059 = arith.constant 1 : i32
      %sub3A_1060 = arith.subi %div3A_1039, %sub3A_1059 : i32
      %select_n3A_1061 = arith.select %and3A_1058, %sub3A_1060, %div3A_1039 : i32
      %jit3A_1062 = arith.constant 8 : i32
      %eq3A_1063 = arith.constant 0 : i32
      %eq3A_1064 = arith.cmpi eq, %jit3A_1062, %eq3A_1063 : i32
      %jit3A_1065 = arith.constant 1 : i32
      %select_n3A_1066 = arith.select %eq3A_1064, %jit3A_1065, %jit3A_1062 : i32
      %rem3A_1067 = arith.remsi %add3A_1037, %select_n3A_1066 : i32
      %ne3A_1068 = arith.constant 0 : i32
      %ne3A_1069 = arith.cmpi ne, %rem3A_1067, %ne3A_1068 : i32
      %lt3A_1070 = arith.constant 0 : i32
      %lt3A_1071 = arith.cmpi slt, %rem3A_1067, %lt3A_1070 : i32
      %lt3A_1072 = arith.constant 0 : i32
      %lt3A_1073 = arith.cmpi slt, %select_n3A_1066, %lt3A_1072 : i32
      %ne3A_1074 = arith.xori %lt3A_1071, %lt3A_1073 : i1
      %and3A_1075 = arith.andi %ne3A_1074, %ne3A_1069 : i1
      %add3A_1076 = arith.addi %rem3A_1067, %select_n3A_1066 : i32
      %select_n3A_1077 = arith.select %and3A_1075, %add3A_1076, %rem3A_1067 : i32
      %dma_wait3A_1078 = arith.constant 0 : i32
      %dma_wait3A_1079 = arith.constant 0 : i32
      %dma_wait3A_1080 = arith.constant 0 : i32
      %dma_wait3A_1081 = tpu.memref_slice %arg4[%select_n3A_1061, %select_n3A_1077, %dma_wait3A_1078, %dma_wait3A_1079, %dma_wait3A_1080] : memref<100x8x32x8x128xf32, #tpu.memory_space<hbm>> -> memref<1x1x32x8x128xf32, #tpu.memory_space<hbm>>
      %dma_wait3A_1082 = tpu.memref_squeeze %dma_wait3A_1081 : memref<1x1x32x8x128xf32, #tpu.memory_space<hbm>> -> memref<32x8x128xf32, #tpu.memory_space<hbm>>
      %dma_wait3A_1083 = arith.constant 0 : i32
      %dma_wait3A_1084 = arith.constant 0 : i32
      %dma_wait3A_1085 = arith.constant 0 : i32
      %dma_wait3A_1086 = tpu.memref_slice %arg4[%select_n3A_1061, %select_n3A_1077, %dma_wait3A_1083, %dma_wait3A_1084, %dma_wait3A_1085] : memref<100x8x32x8x128xf32, #tpu.memory_space<hbm>> -> memref<1x1x32x8x128xf32, #tpu.memory_space<hbm>>
      %dma_wait3A_1087 = tpu.memref_squeeze %dma_wait3A_1086 : memref<1x1x32x8x128xf32, #tpu.memory_space<hbm>> -> memref<32x8x128xf32, #tpu.memory_space<hbm>>
      tpu.wait_dma2 semaphore(%arg11 : memref<!tpu.dma_semaphore, #tpu.memory_space<semaphore_mem>>) src(%arg9 : memref<32x8x128xf32, #tpu.memory_space<vmem>>) dst(%dma_wait3A_1087 : memref<32x8x128xf32, #tpu.memory_space<hbm>>)
      %add3A_1088 = arith.addi %mul3A_2, %add3A_987 : i32
      %jit3A_1089 = arith.constant 8 : i32
      %div3A_1090 = arith.divsi %add3A_1088, %jit3A_1089 : i32
      %sign3A_1091 = arith.constant 0 : i32
      %sign3A_1092 = arith.cmpi sgt, %add3A_1088, %sign3A_1091 : i32
      %sign3A_1093 = arith.extui %sign3A_1092 : i1 to i32
      %sign3A_1094 = arith.constant 0 : i32
      %sign3A_1095 = arith.cmpi slt, %add3A_1088, %sign3A_1094 : i32
      %sign3A_1096 = arith.extui %sign3A_1095 : i1 to i32
      %sign3A_1097 = arith.subi %sign3A_1093, %sign3A_1096 : i32
      %sign3A_1098 = arith.constant 0 : i32
      %sign3A_1099 = arith.cmpi sgt, %jit3A_1089, %sign3A_1098 : i32
      %sign3A_1100 = arith.extui %sign3A_1099 : i1 to i32
      %sign3A_1101 = arith.constant 0 : i32
      %sign3A_1102 = arith.cmpi slt, %jit3A_1089, %sign3A_1101 : i32
      %sign3A_1103 = arith.extui %sign3A_1102 : i1 to i32
      %sign3A_1104 = arith.subi %sign3A_1100, %sign3A_1103 : i32
      %ne3A_1105 = arith.cmpi ne, %sign3A_1097, %sign3A_1104 : i32
      %rem3A_1106 = arith.remsi %add3A_1088, %jit3A_1089 : i32
      %ne3A_1107 = arith.constant 0 : i32
      %ne3A_1108 = arith.cmpi ne, %rem3A_1106, %ne3A_1107 : i32
      %and3A_1109 = arith.andi %ne3A_1105, %ne3A_1108 : i1
      %sub3A_1110 = arith.constant 1 : i32
      %sub3A_1111 = arith.subi %div3A_1090, %sub3A_1110 : i32
      %select_n3A_1112 = arith.select %and3A_1109, %sub3A_1111, %div3A_1090 : i32
      %jit3A_1113 = arith.constant 8 : i32
      %eq3A_1114 = arith.constant 0 : i32
      %eq3A_1115 = arith.cmpi eq, %jit3A_1113, %eq3A_1114 : i32
      %jit3A_1116 = arith.constant 1 : i32
      %select_n3A_1117 = arith.select %eq3A_1115, %jit3A_1116, %jit3A_1113 : i32
      %rem3A_1118 = arith.remsi %add3A_1088, %select_n3A_1117 : i32
      %ne3A_1119 = arith.constant 0 : i32
      %ne3A_1120 = arith.cmpi ne, %rem3A_1118, %ne3A_1119 : i32
      %lt3A_1121 = arith.constant 0 : i32
      %lt3A_1122 = arith.cmpi slt, %rem3A_1118, %lt3A_1121 : i32
      %lt3A_1123 = arith.constant 0 : i32
      %lt3A_1124 = arith.cmpi slt, %select_n3A_1117, %lt3A_1123 : i32
      %ne3A_1125 = arith.xori %lt3A_1122, %lt3A_1124 : i1
      %and3A_1126 = arith.andi %ne3A_1125, %ne3A_1120 : i1
      %add3A_1127 = arith.addi %rem3A_1118, %select_n3A_1117 : i32
      %select_n3A_1128 = arith.select %and3A_1126, %add3A_1127, %rem3A_1118 : i32
      %sub3A_1129 = arith.subi %select_n3A_1112, %min3A_19 : i32
      %mul3A_1130 = arith.constant 8 : i32
      %mul3A_1131 = arith.muli %select_n3A_1128, %mul3A_1130 : i32
      %parallel_loop3A_1132 = arith.constant 0 : i32
      %parallel_loop3A_1133 = arith.constant 256 : i32
      %parallel_loop3A_1134 = arith.constant 1 : i32
      scf.for %parallel_loop3A_1488 = %parallel_loop3A_1132 to %parallel_loop3A_1133 step %parallel_loop3A_1134  : i32 {
        %parallel_loop3A_1489 = arith.constant 16 : i32
        %parallel_loop3A_1490 = arith.muli %parallel_loop3A_1488, %parallel_loop3A_1489 : i32
        %parallel_loop3A_1491 = arith.index_cast %parallel_loop3A_1490 : i32 to index
        %parallel_loop3A_1492 = tpu.vector_load %arg7[%parallel_loop3A_1491] {strides = array<i32>} : memref<4096xf32, #tpu.memory_space<vmem>>, vector<16xf32>,
        %parallel_loop3A_1493 = arith.mulf %parallel_loop3A_1492, %broadcast_in_dim3A_20 : vector<16xf32>
        %parallel_loop3A_1494 = arith.fptosi %parallel_loop3A_1493 : vector<16xf32> to vector<16xi32>
        %parallel_loop3A_1495 = arith.addf %parallel_loop3A_1493, %broadcast_in_dim3A_22 : vector<16xf32>
        %parallel_loop3A_1496 = arith.fptosi %parallel_loop3A_1495 : vector<16xf32> to vector<16xi32>
        %parallel_loop3A_1497 = arith.sitofp %parallel_loop3A_1496 : vector<16xi32> to vector<16xf32>
        %parallel_loop3A_1498 = arith.subf %parallel_loop3A_1497, %parallel_loop3A_1493 : vector<16xf32>
        %parallel_loop3A_1499 = arith.sitofp %parallel_loop3A_1494 : vector<16xi32> to vector<16xf32>
        %parallel_loop3A_1500 = arith.subf %parallel_loop3A_1493, %parallel_loop3A_1499 : vector<16xf32>
        %parallel_loop3A_1501 = arith.constant 16 : i32
        %parallel_loop3A_1502 = vector.broadcast %parallel_loop3A_1501 : i32 to vector<16xi32>
        %parallel_loop3A_1503 = arith.muli %parallel_loop3A_1494, %parallel_loop3A_1502 : vector<16xi32>
        %parallel_loop3A_1504 = arith.addi %parallel_loop3A_1503, %iota3A : vector<16xi32>
        %parallel_loop3A_1505 = arith.constant 16 : i32
        %parallel_loop3A_1506 = vector.broadcast %parallel_loop3A_1505 : i32 to vector<16xi32>
        %parallel_loop3A_1507 = arith.muli %parallel_loop3A_1496, %parallel_loop3A_1506 : vector<16xi32>
        %parallel_loop3A_1508 = arith.addi %parallel_loop3A_1507, %iota3A : vector<16xi32>
        %parallel_loop3A_1509 = arith.constant 8 : i32
        %parallel_loop3A_1510 = arith.divsi %parallel_loop3A_1488, %parallel_loop3A_1509 : i32
        %parallel_loop3A_1511 = arith.constant 0 : i32
        %parallel_loop3A_1512 = arith.cmpi sgt, %parallel_loop3A_1488, %parallel_loop3A_1511 : i32
        %parallel_loop3A_1513 = arith.extui %parallel_loop3A_1512 : i1 to i32
        %parallel_loop3A_1514 = arith.constant 0 : i32
        %parallel_loop3A_1515 = arith.cmpi slt, %parallel_loop3A_1488, %parallel_loop3A_1514 : i32
        %parallel_loop3A_1516 = arith.extui %parallel_loop3A_1515 : i1 to i32
        %parallel_loop3A_1517 = arith.subi %parallel_loop3A_1513, %parallel_loop3A_1516 : i32
        %parallel_loop3A_1518 = arith.constant 0 : i32
        %parallel_loop3A_1519 = arith.cmpi sgt, %parallel_loop3A_1509, %parallel_loop3A_1518 : i32
        %parallel_loop3A_1520 = arith.extui %parallel_loop3A_1519 : i1 to i32
        %parallel_loop3A_1521 = arith.constant 0 : i32
        %parallel_loop3A_1522 = arith.cmpi slt, %parallel_loop3A_1509, %parallel_loop3A_1521 : i32
        %parallel_loop3A_1523 = arith.extui %parallel_loop3A_1522 : i1 to i32
        %parallel_loop3A_1524 = arith.subi %parallel_loop3A_1520, %parallel_loop3A_1523 : i32
        %parallel_loop3A_1525 = arith.cmpi ne, %parallel_loop3A_1517, %parallel_loop3A_1524 : i32
        %parallel_loop3A_1526 = arith.remsi %parallel_loop3A_1488, %parallel_loop3A_1509 : i32
        %parallel_loop3A_1527 = arith.constant 0 : i32
        %parallel_loop3A_1528 = arith.cmpi ne, %parallel_loop3A_1526, %parallel_loop3A_1527 : i32
        %parallel_loop3A_1529 = arith.andi %parallel_loop3A_1525, %parallel_loop3A_1528 : i1
        %parallel_loop3A_1530 = arith.constant 1 : i32
        %parallel_loop3A_1531 = arith.subi %parallel_loop3A_1510, %parallel_loop3A_1530 : i32
        %parallel_loop3A_1532 = arith.select %parallel_loop3A_1529, %parallel_loop3A_1531, %parallel_loop3A_1510 : i32
        %parallel_loop3A_1533 = arith.constant 8 : i32
        %parallel_loop3A_1534 = arith.constant 0 : i32
        %parallel_loop3A_1535 = arith.cmpi eq, %parallel_loop3A_1533, %parallel_loop3A_1534 : i32
        %parallel_loop3A_1536 = arith.constant 1 : i32
        %parallel_loop3A_1537 = arith.select %parallel_loop3A_1535, %parallel_loop3A_1536, %parallel_loop3A_1533 : i32
        %parallel_loop3A_1538 = arith.remsi %parallel_loop3A_1488, %parallel_loop3A_1537 : i32
        %parallel_loop3A_1539 = arith.constant 0 : i32
        %parallel_loop3A_1540 = arith.cmpi ne, %parallel_loop3A_1538, %parallel_loop3A_1539 : i32
        %parallel_loop3A_1541 = arith.constant 0 : i32
        %parallel_loop3A_1542 = arith.cmpi slt, %parallel_loop3A_1538, %parallel_loop3A_1541 : i32
        %parallel_loop3A_1543 = arith.constant 0 : i32
        %parallel_loop3A_1544 = arith.cmpi slt, %parallel_loop3A_1537, %parallel_loop3A_1543 : i32
        %parallel_loop3A_1545 = arith.xori %parallel_loop3A_1542, %parallel_loop3A_1544 : i1
        %parallel_loop3A_1546 = arith.andi %parallel_loop3A_1545, %parallel_loop3A_1540 : i1
        %parallel_loop3A_1547 = arith.addi %parallel_loop3A_1538, %parallel_loop3A_1537 : i32
        %parallel_loop3A_1548 = arith.select %parallel_loop3A_1546, %parallel_loop3A_1547, %parallel_loop3A_1538 : i32
        %parallel_loop3A_1549 = arith.constant 16 : i32
        %parallel_loop3A_1550 = arith.muli %parallel_loop3A_1548, %parallel_loop3A_1549 : i32
        %parallel_loop3A_1551 = arith.constant 0 : i32
        %parallel_loop3A_1552 = vector.broadcast %parallel_loop3A_1551 : i32 to vector<16xi32>
        %parallel_loop3A_1553 = arith.constant 0 : i32
        %parallel_loop3A_1554 = arith.addi %mul3A_1131, %parallel_loop3A_1553 : i32
        %parallel_loop3A_1555 = arith.constant 4 : i32
        %parallel_loop3A_1556 = arith.muli %parallel_loop3A_1554, %parallel_loop3A_1555 : i32
        %parallel_loop3A_1557 = arith.addi %parallel_loop3A_1556, %sub3A_1129 : i32
        %parallel_loop3A_1558 = arith.constant 176 : i32
        %parallel_loop3A_1559 = arith.muli %parallel_loop3A_1557, %parallel_loop3A_1558 : i32
        %parallel_loop3A_1560 = vector.broadcast %parallel_loop3A_1559 : i32 to vector<16xi32>
        %parallel_loop3A_1561 = arith.addi %parallel_loop3A_1552, %parallel_loop3A_1560 : vector<16xi32>
        %parallel_loop3A_1562 = arith.addi %parallel_loop3A_1561, %parallel_loop3A_1504 : vector<16xi32>
        %parallel_loop3A_1563 = tpu.vector_load_idx %arg6[%parallel_loop3A_1562] : memref<45056xf32, #tpu.memory_space<vmem>>[vector<16xi32>], vector<16xf32>,
        %parallel_loop3A_1564 = arith.addi %parallel_loop3A_1561, %parallel_loop3A_1508 : vector<16xi32>
        %parallel_loop3A_1565 = tpu.vector_load_idx %arg6[%parallel_loop3A_1564] : memref<45056xf32, #tpu.memory_space<vmem>>[vector<16xi32>], vector<16xf32>,
        %parallel_loop3A_1566 = arith.constant 0 : i32
        %parallel_loop3A_1567 = vector.broadcast %parallel_loop3A_1566 : i32 to vector<16xi32>
        %parallel_loop3A_1568 = arith.constant 1 : i32
        %parallel_loop3A_1569 = arith.addi %mul3A_1131, %parallel_loop3A_1568 : i32
        %parallel_loop3A_1570 = arith.constant 4 : i32
        %parallel_loop3A_1571 = arith.muli %parallel_loop3A_1569, %parallel_loop3A_1570 : i32
        %parallel_loop3A_1572 = arith.addi %parallel_loop3A_1571, %sub3A_1129 : i32
        %parallel_loop3A_1573 = arith.constant 176 : i32
        %parallel_loop3A_1574 = arith.muli %parallel_loop3A_1572, %parallel_loop3A_1573 : i32
        %parallel_loop3A_1575 = vector.broadcast %parallel_loop3A_1574 : i32 to vector<16xi32>
        %parallel_loop3A_1576 = arith.addi %parallel_loop3A_1567, %parallel_loop3A_1575 : vector<16xi32>
        %parallel_loop3A_1577 = arith.addi %parallel_loop3A_1576, %parallel_loop3A_1504 : vector<16xi32>
        %parallel_loop3A_1578 = tpu.vector_load_idx %arg6[%parallel_loop3A_1577] : memref<45056xf32, #tpu.memory_space<vmem>>[vector<16xi32>], vector<16xf32>,
        %parallel_loop3A_1579 = arith.addi %parallel_loop3A_1576, %parallel_loop3A_1508 : vector<16xi32>
        %parallel_loop3A_1580 = tpu.vector_load_idx %arg6[%parallel_loop3A_1579] : memref<45056xf32, #tpu.memory_space<vmem>>[vector<16xi32>], vector<16xf32>,
        %parallel_loop3A_1581 = arith.constant 0 : i32
        %parallel_loop3A_1582 = vector.broadcast %parallel_loop3A_1581 : i32 to vector<16xi32>
        %parallel_loop3A_1583 = arith.constant 2 : i32
        %parallel_loop3A_1584 = arith.addi %mul3A_1131, %parallel_loop3A_1583 : i32
        %parallel_loop3A_1585 = arith.constant 4 : i32
        %parallel_loop3A_1586 = arith.muli %parallel_loop3A_1584, %parallel_loop3A_1585 : i32
        %parallel_loop3A_1587 = arith.addi %parallel_loop3A_1586, %sub3A_1129 : i32
        %parallel_loop3A_1588 = arith.constant 176 : i32
        %parallel_loop3A_1589 = arith.muli %parallel_loop3A_1587, %parallel_loop3A_1588 : i32
        %parallel_loop3A_1590 = vector.broadcast %parallel_loop3A_1589 : i32 to vector<16xi32>
        %parallel_loop3A_1591 = arith.addi %parallel_loop3A_1582, %parallel_loop3A_1590 : vector<16xi32>
        %parallel_loop3A_1592 = arith.addi %parallel_loop3A_1591, %parallel_loop3A_1504 : vector<16xi32>
        %parallel_loop3A_1593 = tpu.vector_load_idx %arg6[%parallel_loop3A_1592] : memref<45056xf32, #tpu.memory_space<vmem>>[vector<16xi32>], vector<16xf32>,
        %parallel_loop3A_1594 = arith.addi %parallel_loop3A_1591, %parallel_loop3A_1508 : vector<16xi32>
        %parallel_loop3A_1595 = tpu.vector_load_idx %arg6[%parallel_loop3A_1594] : memref<45056xf32, #tpu.memory_space<vmem>>[vector<16xi32>], vector<16xf32>,
        %parallel_loop3A_1596 = arith.constant 0 : i32
        %parallel_loop3A_1597 = vector.broadcast %parallel_loop3A_1596 : i32 to vector<16xi32>
        %parallel_loop3A_1598 = arith.constant 3 : i32
        %parallel_loop3A_1599 = arith.addi %mul3A_1131, %parallel_loop3A_1598 : i32
        %parallel_loop3A_1600 = arith.constant 4 : i32
        %parallel_loop3A_1601 = arith.muli %parallel_loop3A_1599, %parallel_loop3A_1600 : i32
        %parallel_loop3A_1602 = arith.addi %parallel_loop3A_1601, %sub3A_1129 : i32
        %parallel_loop3A_1603 = arith.constant 176 : i32
        %parallel_loop3A_1604 = arith.muli %parallel_loop3A_1602, %parallel_loop3A_1603 : i32
        %parallel_loop3A_1605 = vector.broadcast %parallel_loop3A_1604 : i32 to vector<16xi32>
        %parallel_loop3A_1606 = arith.addi %parallel_loop3A_1597, %parallel_loop3A_1605 : vector<16xi32>
        %parallel_loop3A_1607 = arith.addi %parallel_loop3A_1606, %parallel_loop3A_1504 : vector<16xi32>
        %parallel_loop3A_1608 = tpu.vector_load_idx %arg6[%parallel_loop3A_1607] : memref<45056xf32, #tpu.memory_space<vmem>>[vector<16xi32>], vector<16xf32>,
        %parallel_loop3A_1609 = arith.addi %parallel_loop3A_1606, %parallel_loop3A_1508 : vector<16xi32>
        %parallel_loop3A_1610 = tpu.vector_load_idx %arg6[%parallel_loop3A_1609] : memref<45056xf32, #tpu.memory_space<vmem>>[vector<16xi32>], vector<16xf32>,
        %parallel_loop3A_1611 = arith.constant 0 : i32
        %parallel_loop3A_1612 = vector.broadcast %parallel_loop3A_1611 : i32 to vector<16xi32>
        %parallel_loop3A_1613 = arith.constant 4 : i32
        %parallel_loop3A_1614 = arith.addi %mul3A_1131, %parallel_loop3A_1613 : i32
        %parallel_loop3A_1615 = arith.constant 4 : i32
        %parallel_loop3A_1616 = arith.muli %parallel_loop3A_1614, %parallel_loop3A_1615 : i32
        %parallel_loop3A_1617 = arith.addi %parallel_loop3A_1616, %sub3A_1129 : i32
        %parallel_loop3A_1618 = arith.constant 176 : i32
        %parallel_loop3A_1619 = arith.muli %parallel_loop3A_1617, %parallel_loop3A_1618 : i32
        %parallel_loop3A_1620 = vector.broadcast %parallel_loop3A_1619 : i32 to vector<16xi32>
        %parallel_loop3A_1621 = arith.addi %parallel_loop3A_1612, %parallel_loop3A_1620 : vector<16xi32>
        %parallel_loop3A_1622 = arith.addi %parallel_loop3A_1621, %parallel_loop3A_1504 : vector<16xi32>
        %parallel_loop3A_1623 = tpu.vector_load_idx %arg6[%parallel_loop3A_1622] : memref<45056xf32, #tpu.memory_space<vmem>>[vector<16xi32>], vector<16xf32>,
        %parallel_loop3A_1624 = arith.addi %parallel_loop3A_1621, %parallel_loop3A_1508 : vector<16xi32>
        %parallel_loop3A_1625 = tpu.vector_load_idx %arg6[%parallel_loop3A_1624] : memref<45056xf32, #tpu.memory_space<vmem>>[vector<16xi32>], vector<16xf32>,
        %parallel_loop3A_1626 = arith.constant 0 : i32
        %parallel_loop3A_1627 = vector.broadcast %parallel_loop3A_1626 : i32 to vector<16xi32>
        %parallel_loop3A_1628 = arith.constant 5 : i32
        %parallel_loop3A_1629 = arith.addi %mul3A_1131, %parallel_loop3A_1628 : i32
        %parallel_loop3A_1630 = arith.constant 4 : i32
        %parallel_loop3A_1631 = arith.muli %parallel_loop3A_1629, %parallel_loop3A_1630 : i32
        %parallel_loop3A_1632 = arith.addi %parallel_loop3A_1631, %sub3A_1129 : i32
        %parallel_loop3A_1633 = arith.constant 176 : i32
        %parallel_loop3A_1634 = arith.muli %parallel_loop3A_1632, %parallel_loop3A_1633 : i32
        %parallel_loop3A_1635 = vector.broadcast %parallel_loop3A_1634 : i32 to vector<16xi32>
        %parallel_loop3A_1636 = arith.addi %parallel_loop3A_1627, %parallel_loop3A_1635 : vector<16xi32>
        %parallel_loop3A_1637 = arith.addi %parallel_loop3A_1636, %parallel_loop3A_1504 : vector<16xi32>
        %parallel_loop3A_1638 = tpu.vector_load_idx %arg6[%parallel_loop3A_1637] : memref<45056xf32, #tpu.memory_space<vmem>>[vector<16xi32>], vector<16xf32>,
        %parallel_loop3A_1639 = arith.addi %parallel_loop3A_1636, %parallel_loop3A_1508 : vector<16xi32>
        %parallel_loop3A_1640 = tpu.vector_load_idx %arg6[%parallel_loop3A_1639] : memref<45056xf32, #tpu.memory_space<vmem>>[vector<16xi32>], vector<16xf32>,
        %parallel_loop3A_1641 = arith.constant 0 : i32
        %parallel_loop3A_1642 = vector.broadcast %parallel_loop3A_1641 : i32 to vector<16xi32>
        %parallel_loop3A_1643 = arith.constant 6 : i32
        %parallel_loop3A_1644 = arith.addi %mul3A_1131, %parallel_loop3A_1643 : i32
        %parallel_loop3A_1645 = arith.constant 4 : i32
        %parallel_loop3A_1646 = arith.muli %parallel_loop3A_1644, %parallel_loop3A_1645 : i32
        %parallel_loop3A_1647 = arith.addi %parallel_loop3A_1646, %sub3A_1129 : i32
        %parallel_loop3A_1648 = arith.constant 176 : i32
        %parallel_loop3A_1649 = arith.muli %parallel_loop3A_1647, %parallel_loop3A_1648 : i32
        %parallel_loop3A_1650 = vector.broadcast %parallel_loop3A_1649 : i32 to vector<16xi32>
        %parallel_loop3A_1651 = arith.addi %parallel_loop3A_1642, %parallel_loop3A_1650 : vector<16xi32>
        %parallel_loop3A_1652 = arith.addi %parallel_loop3A_1651, %parallel_loop3A_1504 : vector<16xi32>
        %parallel_loop3A_1653 = tpu.vector_load_idx %arg6[%parallel_loop3A_1652] : memref<45056xf32, #tpu.memory_space<vmem>>[vector<16xi32>], vector<16xf32>,
        %parallel_loop3A_1654 = arith.addi %parallel_loop3A_1651, %parallel_loop3A_1508 : vector<16xi32>
        %parallel_loop3A_1655 = tpu.vector_load_idx %arg6[%parallel_loop3A_1654] : memref<45056xf32, #tpu.memory_space<vmem>>[vector<16xi32>], vector<16xf32>,
        %parallel_loop3A_1656 = arith.constant 0 : i32
        %parallel_loop3A_1657 = vector.broadcast %parallel_loop3A_1656 : i32 to vector<16xi32>
        %parallel_loop3A_1658 = arith.constant 7 : i32
        %parallel_loop3A_1659 = arith.addi %mul3A_1131, %parallel_loop3A_1658 : i32
        %parallel_loop3A_1660 = arith.constant 4 : i32
        %parallel_loop3A_1661 = arith.muli %parallel_loop3A_1659, %parallel_loop3A_1660 : i32
        %parallel_loop3A_1662 = arith.addi %parallel_loop3A_1661, %sub3A_1129 : i32
        %parallel_loop3A_1663 = arith.constant 176 : i32
        %parallel_loop3A_1664 = arith.muli %parallel_loop3A_1662, %parallel_loop3A_1663 : i32
        %parallel_loop3A_1665 = vector.broadcast %parallel_loop3A_1664 : i32 to vector<16xi32>
        %parallel_loop3A_1666 = arith.addi %parallel_loop3A_1657, %parallel_loop3A_1665 : vector<16xi32>
        %parallel_loop3A_1667 = arith.addi %parallel_loop3A_1666, %parallel_loop3A_1504 : vector<16xi32>
        %parallel_loop3A_1668 = tpu.vector_load_idx %arg6[%parallel_loop3A_1667] : memref<45056xf32, #tpu.memory_space<vmem>>[vector<16xi32>], vector<16xf32>,
        %parallel_loop3A_1669 = arith.addi %parallel_loop3A_1666, %parallel_loop3A_1508 : vector<16xi32>
        %parallel_loop3A_1670 = tpu.vector_load_idx %arg6[%parallel_loop3A_1669] : memref<45056xf32, #tpu.memory_space<vmem>>[vector<16xi32>], vector<16xf32>,
        %parallel_loop3A_1671 = arith.mulf %parallel_loop3A_1498, %parallel_loop3A_1563 : vector<16xf32>
        %parallel_loop3A_1672 = arith.mulf %parallel_loop3A_1500, %parallel_loop3A_1565 : vector<16xf32>
        %parallel_loop3A_1673 = arith.addf %parallel_loop3A_1671, %parallel_loop3A_1672 : vector<16xf32>
        %parallel_loop3A_1674 = arith.mulf %parallel_loop3A_1498, %parallel_loop3A_1578 : vector<16xf32>
        %parallel_loop3A_1675 = arith.mulf %parallel_loop3A_1500, %parallel_loop3A_1580 : vector<16xf32>
        %parallel_loop3A_1676 = arith.addf %parallel_loop3A_1674, %parallel_loop3A_1675 : vector<16xf32>
        %parallel_loop3A_1677 = arith.mulf %parallel_loop3A_1498, %parallel_loop3A_1593 : vector<16xf32>
        %parallel_loop3A_1678 = arith.mulf %parallel_loop3A_1500, %parallel_loop3A_1595 : vector<16xf32>
        %parallel_loop3A_1679 = arith.addf %parallel_loop3A_1677, %parallel_loop3A_1678 : vector<16xf32>
        %parallel_loop3A_1680 = arith.mulf %parallel_loop3A_1498, %parallel_loop3A_1608 : vector<16xf32>
        %parallel_loop3A_1681 = arith.mulf %parallel_loop3A_1500, %parallel_loop3A_1610 : vector<16xf32>
        %parallel_loop3A_1682 = arith.addf %parallel_loop3A_1680, %parallel_loop3A_1681 : vector<16xf32>
        %parallel_loop3A_1683 = arith.mulf %parallel_loop3A_1498, %parallel_loop3A_1623 : vector<16xf32>
        %parallel_loop3A_1684 = arith.mulf %parallel_loop3A_1500, %parallel_loop3A_1625 : vector<16xf32>
        %parallel_loop3A_1685 = arith.addf %parallel_loop3A_1683, %parallel_loop3A_1684 : vector<16xf32>
        %parallel_loop3A_1686 = arith.mulf %parallel_loop3A_1498, %parallel_loop3A_1638 : vector<16xf32>
        %parallel_loop3A_1687 = arith.mulf %parallel_loop3A_1500, %parallel_loop3A_1640 : vector<16xf32>
        %parallel_loop3A_1688 = arith.addf %parallel_loop3A_1686, %parallel_loop3A_1687 : vector<16xf32>
        %parallel_loop3A_1689 = arith.mulf %parallel_loop3A_1498, %parallel_loop3A_1653 : vector<16xf32>
        %parallel_loop3A_1690 = arith.mulf %parallel_loop3A_1500, %parallel_loop3A_1655 : vector<16xf32>
        %parallel_loop3A_1691 = arith.addf %parallel_loop3A_1689, %parallel_loop3A_1690 : vector<16xf32>
        %parallel_loop3A_1692 = arith.mulf %parallel_loop3A_1498, %parallel_loop3A_1668 : vector<16xf32>
        %parallel_loop3A_1693 = arith.mulf %parallel_loop3A_1500, %parallel_loop3A_1670 : vector<16xf32>
        %parallel_loop3A_1694 = arith.addf %parallel_loop3A_1692, %parallel_loop3A_1693 : vector<16xf32>
        %parallel_loop3A_1695 = arith.constant 0 : i32
        %parallel_loop3A_1696 = arith.index_cast %parallel_loop3A_1532 : i32 to index
        %parallel_loop3A_1697 = arith.index_cast %parallel_loop3A_1695 : i32 to index
        %parallel_loop3A_1698 = arith.index_cast %parallel_loop3A_1550 : i32 to index
        %parallel_loop3A_1699 = tpu.vector_load %arg9[%parallel_loop3A_1696, %parallel_loop3A_1697, %parallel_loop3A_1698] {strides = array<i32>} : memref<32x8x128xf32, #tpu.memory_space<vmem>>, vector<16xf32>,
        tpu.vector_store %arg9[%parallel_loop3A_1696, %parallel_loop3A_1697, %parallel_loop3A_1698], %parallel_loop3A_1673 {strides = array<i32>} : memref<32x8x128xf32, #tpu.memory_space<vmem>>, vector<16xf32>,
        %parallel_loop3A_1700 = arith.constant 1 : i32
        %parallel_loop3A_1701 = arith.index_cast %parallel_loop3A_1532 : i32 to index
        %parallel_loop3A_1702 = arith.index_cast %parallel_loop3A_1700 : i32 to index
        %parallel_loop3A_1703 = arith.index_cast %parallel_loop3A_1550 : i32 to index
        %parallel_loop3A_1704 = tpu.vector_load %arg9[%parallel_loop3A_1701, %parallel_loop3A_1702, %parallel_loop3A_1703] {strides = array<i32>} : memref<32x8x128xf32, #tpu.memory_space<vmem>>, vector<16xf32>,
        tpu.vector_store %arg9[%parallel_loop3A_1701, %parallel_loop3A_1702, %parallel_loop3A_1703], %parallel_loop3A_1676 {strides = array<i32>} : memref<32x8x128xf32, #tpu.memory_space<vmem>>, vector<16xf32>,
        %parallel_loop3A_1705 = arith.constant 2 : i32
        %parallel_loop3A_1706 = arith.index_cast %parallel_loop3A_1532 : i32 to index
        %parallel_loop3A_1707 = arith.index_cast %parallel_loop3A_1705 : i32 to index
        %parallel_loop3A_1708 = arith.index_cast %parallel_loop3A_1550 : i32 to index
        %parallel_loop3A_1709 = tpu.vector_load %arg9[%parallel_loop3A_1706, %parallel_loop3A_1707, %parallel_loop3A_1708] {strides = array<i32>} : memref<32x8x128xf32, #tpu.memory_space<vmem>>, vector<16xf32>,
        tpu.vector_store %arg9[%parallel_loop3A_1706, %parallel_loop3A_1707, %parallel_loop3A_1708], %parallel_loop3A_1679 {strides = array<i32>} : memref<32x8x128xf32, #tpu.memory_space<vmem>>, vector<16xf32>,
        %parallel_loop3A_1710 = arith.constant 3 : i32
        %parallel_loop3A_1711 = arith.index_cast %parallel_loop3A_1532 : i32 to index
        %parallel_loop3A_1712 = arith.index_cast %parallel_loop3A_1710 : i32 to index
        %parallel_loop3A_1713 = arith.index_cast %parallel_loop3A_1550 : i32 to index
        %parallel_loop3A_1714 = tpu.vector_load %arg9[%parallel_loop3A_1711, %parallel_loop3A_1712, %parallel_loop3A_1713] {strides = array<i32>} : memref<32x8x128xf32, #tpu.memory_space<vmem>>, vector<16xf32>,
        tpu.vector_store %arg9[%parallel_loop3A_1711, %parallel_loop3A_1712, %parallel_loop3A_1713], %parallel_loop3A_1682 {strides = array<i32>} : memref<32x8x128xf32, #tpu.memory_space<vmem>>, vector<16xf32>,
        %parallel_loop3A_1715 = arith.constant 4 : i32
        %parallel_loop3A_1716 = arith.index_cast %parallel_loop3A_1532 : i32 to index
        %parallel_loop3A_1717 = arith.index_cast %parallel_loop3A_1715 : i32 to index
        %parallel_loop3A_1718 = arith.index_cast %parallel_loop3A_1550 : i32 to index
        %parallel_loop3A_1719 = tpu.vector_load %arg9[%parallel_loop3A_1716, %parallel_loop3A_1717, %parallel_loop3A_1718] {strides = array<i32>} : memref<32x8x128xf32, #tpu.memory_space<vmem>>, vector<16xf32>,
        tpu.vector_store %arg9[%parallel_loop3A_1716, %parallel_loop3A_1717, %parallel_loop3A_1718], %parallel_loop3A_1685 {strides = array<i32>} : memref<32x8x128xf32, #tpu.memory_space<vmem>>, vector<16xf32>,
        %parallel_loop3A_1720 = arith.constant 5 : i32
        %parallel_loop3A_1721 = arith.index_cast %parallel_loop3A_1532 : i32 to index
        %parallel_loop3A_1722 = arith.index_cast %parallel_loop3A_1720 : i32 to index
        %parallel_loop3A_1723 = arith.index_cast %parallel_loop3A_1550 : i32 to index
        %parallel_loop3A_1724 = tpu.vector_load %arg9[%parallel_loop3A_1721, %parallel_loop3A_1722, %parallel_loop3A_1723] {strides = array<i32>} : memref<32x8x128xf32, #tpu.memory_space<vmem>>, vector<16xf32>,
        tpu.vector_store %arg9[%parallel_loop3A_1721, %parallel_loop3A_1722, %parallel_loop3A_1723], %parallel_loop3A_1688 {strides = array<i32>} : memref<32x8x128xf32, #tpu.memory_space<vmem>>, vector<16xf32>,
        %parallel_loop3A_1725 = arith.constant 6 : i32
        %parallel_loop3A_1726 = arith.index_cast %parallel_loop3A_1532 : i32 to index
        %parallel_loop3A_1727 = arith.index_cast %parallel_loop3A_1725 : i32 to index
        %parallel_loop3A_1728 = arith.index_cast %parallel_loop3A_1550 : i32 to index
        %parallel_loop3A_1729 = tpu.vector_load %arg9[%parallel_loop3A_1726, %parallel_loop3A_1727, %parallel_loop3A_1728] {strides = array<i32>} : memref<32x8x128xf32, #tpu.memory_space<vmem>>, vector<16xf32>,
        tpu.vector_store %arg9[%parallel_loop3A_1726, %parallel_loop3A_1727, %parallel_loop3A_1728], %parallel_loop3A_1691 {strides = array<i32>} : memref<32x8x128xf32, #tpu.memory_space<vmem>>, vector<16xf32>,
        %parallel_loop3A_1730 = arith.constant 7 : i32
        %parallel_loop3A_1731 = arith.index_cast %parallel_loop3A_1532 : i32 to index
        %parallel_loop3A_1732 = arith.index_cast %parallel_loop3A_1730 : i32 to index
        %parallel_loop3A_1733 = arith.index_cast %parallel_loop3A_1550 : i32 to index
        %parallel_loop3A_1734 = tpu.vector_load %arg9[%parallel_loop3A_1731, %parallel_loop3A_1732, %parallel_loop3A_1733] {strides = array<i32>} : memref<32x8x128xf32, #tpu.memory_space<vmem>>, vector<16xf32>,
        tpu.vector_store %arg9[%parallel_loop3A_1731, %parallel_loop3A_1732, %parallel_loop3A_1733], %parallel_loop3A_1694 {strides = array<i32>} : memref<32x8x128xf32, #tpu.memory_space<vmem>>, vector<16xf32>,
      } {sc.loop_unroll_factor = 2 : i64, sc.parallel_access}
      %add3A_1135 = arith.addi %mul3A_2, %add3A_987 : i32
      %jit3A_1136 = arith.constant 8 : i32
      %div3A_1137 = arith.divsi %add3A_1135, %jit3A_1136 : i32
      %sign3A_1138 = arith.constant 0 : i32
      %sign3A_1139 = arith.cmpi sgt, %add3A_1135, %sign3A_1138 : i32
      %sign3A_1140 = arith.extui %sign3A_1139 : i1 to i32
      %sign3A_1141 = arith.constant 0 : i32
      %sign3A_1142 = arith.cmpi slt, %add3A_1135, %sign3A_1141 : i32
      %sign3A_1143 = arith.extui %sign3A_1142 : i1 to i32
      %sign3A_1144 = arith.subi %sign3A_1140, %sign3A_1143 : i32
      %sign3A_1145 = arith.constant 0 : i32
      %sign3A_1146 = arith.cmpi sgt, %jit3A_1136, %sign3A_1145 : i32
      %sign3A_1147 = arith.extui %sign3A_1146 : i1 to i32
      %sign3A_1148 = arith.constant 0 : i32
      %sign3A_1149 = arith.cmpi slt, %jit3A_1136, %sign3A_1148 : i32
      %sign3A_1150 = arith.extui %sign3A_1149 : i1 to i32
      %sign3A_1151 = arith.subi %sign3A_1147, %sign3A_1150 : i32
      %ne3A_1152 = arith.cmpi ne, %sign3A_1144, %sign3A_1151 : i32
      %rem3A_1153 = arith.remsi %add3A_1135, %jit3A_1136 : i32
      %ne3A_1154 = arith.constant 0 : i32
      %ne3A_1155 = arith.cmpi ne, %rem3A_1153, %ne3A_1154 : i32
      %and3A_1156 = arith.andi %ne3A_1152, %ne3A_1155 : i1
      %sub3A_1157 = arith.constant 1 : i32
      %sub3A_1158 = arith.subi %div3A_1137, %sub3A_1157 : i32
      %select_n3A_1159 = arith.select %and3A_1156, %sub3A_1158, %div3A_1137 : i32
      %jit3A_1160 = arith.constant 8 : i32
      %eq3A_1161 = arith.constant 0 : i32
      %eq3A_1162 = arith.cmpi eq, %jit3A_1160, %eq3A_1161 : i32
      %jit3A_1163 = arith.constant 1 : i32
      %select_n3A_1164 = arith.select %eq3A_1162, %jit3A_1163, %jit3A_1160 : i32
      %rem3A_1165 = arith.remsi %add3A_1135, %select_n3A_1164 : i32
      %ne3A_1166 = arith.constant 0 : i32
      %ne3A_1167 = arith.cmpi ne, %rem3A_1165, %ne3A_1166 : i32
      %lt3A_1168 = arith.constant 0 : i32
      %lt3A_1169 = arith.cmpi slt, %rem3A_1165, %lt3A_1168 : i32
      %lt3A_1170 = arith.constant 0 : i32
      %lt3A_1171 = arith.cmpi slt, %select_n3A_1164, %lt3A_1170 : i32
      %ne3A_1172 = arith.xori %lt3A_1169, %lt3A_1171 : i1
      %and3A_1173 = arith.andi %ne3A_1172, %ne3A_1167 : i1
      %add3A_1174 = arith.addi %rem3A_1165, %select_n3A_1164 : i32
      %select_n3A_1175 = arith.select %and3A_1173, %add3A_1174, %rem3A_1165 : i32
      %dma_start3A_1176 = arith.constant 0 : i32
      %dma_start3A_1177 = arith.constant 0 : i32
      %dma_start3A_1178 = arith.constant 0 : i32
      %dma_start3A_1179 = tpu.memref_slice %arg4[%select_n3A_1159, %select_n3A_1175, %dma_start3A_1176, %dma_start3A_1177, %dma_start3A_1178] : memref<100x8x32x8x128xf32, #tpu.memory_space<hbm>> -> memref<1x1x32x8x128xf32, #tpu.memory_space<hbm>>
      %dma_start3A_1180 = tpu.memref_squeeze %dma_start3A_1179 : memref<1x1x32x8x128xf32, #tpu.memory_space<hbm>> -> memref<32x8x128xf32, #tpu.memory_space<hbm>>
      %dma_start3A_1181 = arith.constant 0 : i32
      %dma_start3A_1182 = arith.constant 0 : i32
      %dma_start3A_1183 = arith.constant 0 : i32
      %dma_start3A_1184 = tpu.memref_slice %arg4[%select_n3A_1159, %select_n3A_1175, %dma_start3A_1181, %dma_start3A_1182, %dma_start3A_1183] : memref<100x8x32x8x128xf32, #tpu.memory_space<hbm>> -> memref<1x1x32x8x128xf32, #tpu.memory_space<hbm>>
      %dma_start3A_1185 = tpu.memref_squeeze %dma_start3A_1184 : memref<1x1x32x8x128xf32, #tpu.memory_space<hbm>> -> memref<32x8x128xf32, #tpu.memory_space<hbm>>
      tpu.enqueue_dma source(%arg9 : memref<32x8x128xf32, #tpu.memory_space<vmem>>) target(%dma_start3A_1185 : memref<32x8x128xf32, #tpu.memory_space<hbm>>) target_semaphore(%arg11 : memref<!tpu.dma_semaphore, #tpu.memory_space<semaphore_mem>>)
      %add3A_1186 = arith.constant 2 : i32
      %add3A_1187 = arith.addi %add3A_987, %add3A_1186 : i32
      %min3A_1188 = arith.constant 24 : i32
      %min3A_1189 = arith.minsi %add3A_1187, %min3A_1188 : i32
      %add3A_1190 = arith.addi %mul3A_2, %min3A_1189 : i32
      %jit3A_1191 = arith.constant 8 : i32
      %div3A_1192 = arith.divsi %add3A_1190, %jit3A_1191 : i32
      %sign3A_1193 = arith.constant 0 : i32
      %sign3A_1194 = arith.cmpi sgt, %add3A_1190, %sign3A_1193 : i32
      %sign3A_1195 = arith.extui %sign3A_1194 : i1 to i32
      %sign3A_1196 = arith.constant 0 : i32
      %sign3A_1197 = arith.cmpi slt, %add3A_1190, %sign3A_1196 : i32
      %sign3A_1198 = arith.extui %sign3A_1197 : i1 to i32
      %sign3A_1199 = arith.subi %sign3A_1195, %sign3A_1198 : i32
      %sign3A_1200 = arith.constant 0 : i32
      %sign3A_1201 = arith.cmpi sgt, %jit3A_1191, %sign3A_1200 : i32
      %sign3A_1202 = arith.extui %sign3A_1201 : i1 to i32
      %sign3A_1203 = arith.constant 0 : i32
      %sign3A_1204 = arith.cmpi slt, %jit3A_1191, %sign3A_1203 : i32
      %sign3A_1205 = arith.extui %sign3A_1204 : i1 to i32
      %sign3A_1206 = arith.subi %sign3A_1202, %sign3A_1205 : i32
      %ne3A_1207 = arith.cmpi ne, %sign3A_1199, %sign3A_1206 : i32
      %rem3A_1208 = arith.remsi %add3A_1190, %jit3A_1191 : i32
      %ne3A_1209 = arith.constant 0 : i32
      %ne3A_1210 = arith.cmpi ne, %rem3A_1208, %ne3A_1209 : i32
      %and3A_1211 = arith.andi %ne3A_1207, %ne3A_1210 : i1
      %sub3A_1212 = arith.constant 1 : i32
      %sub3A_1213 = arith.subi %div3A_1192, %sub3A_1212 : i32
      %select_n3A_1214 = arith.select %and3A_1211, %sub3A_1213, %div3A_1192 : i32
      %jit3A_1215 = arith.constant 8 : i32
      %eq3A_1216 = arith.constant 0 : i32
      %eq3A_1217 = arith.cmpi eq, %jit3A_1215, %eq3A_1216 : i32
      %jit3A_1218 = arith.constant 1 : i32
      %select_n3A_1219 = arith.select %eq3A_1217, %jit3A_1218, %jit3A_1215 : i32
      %rem3A_1220 = arith.remsi %add3A_1190, %select_n3A_1219 : i32
      %ne3A_1221 = arith.constant 0 : i32
      %ne3A_1222 = arith.cmpi ne, %rem3A_1220, %ne3A_1221 : i32
      %lt3A_1223 = arith.constant 0 : i32
      %lt3A_1224 = arith.cmpi slt, %rem3A_1220, %lt3A_1223 : i32
      %lt3A_1225 = arith.constant 0 : i32
      %lt3A_1226 = arith.cmpi slt, %select_n3A_1219, %lt3A_1225 : i32
      %ne3A_1227 = arith.xori %lt3A_1224, %lt3A_1226 : i1
      %and3A_1228 = arith.andi %ne3A_1227, %ne3A_1222 : i1
      %add3A_1229 = arith.addi %rem3A_1220, %select_n3A_1219 : i32
      %select_n3A_1230 = arith.select %and3A_1228, %add3A_1229, %rem3A_1220 : i32
      %dma_start3A_1231 = arith.constant 0 : i32
      %dma_start3A_1232 = tpu.memref_slice %arg2[%select_n3A_1214, %dma_start3A_1231] : memref<100x4096xf32, #tpu.memory_space<hbm>> -> memref<1x4096xf32, #tpu.memory_space<hbm>>
      %dma_start3A_1233 = tpu.memref_squeeze %dma_start3A_1232 : memref<1x4096xf32, #tpu.memory_space<hbm>> -> memref<4096xf32, #tpu.memory_space<hbm>>
      %dma_start3A_1234 = arith.constant 0 : i32
      %dma_start3A_1235 = tpu.memref_slice %arg2[%select_n3A_1214, %dma_start3A_1234] : memref<100x4096xf32, #tpu.memory_space<hbm>> -> memref<1x4096xf32, #tpu.memory_space<hbm>>
      %dma_start3A_1236 = tpu.memref_squeeze %dma_start3A_1235 : memref<1x4096xf32, #tpu.memory_space<hbm>> -> memref<4096xf32, #tpu.memory_space<hbm>>
      tpu.enqueue_dma source(%dma_start3A_1236 : memref<4096xf32, #tpu.memory_space<hbm>>) target(%arg7 : memref<4096xf32, #tpu.memory_space<vmem>>) target_semaphore(%arg13 : memref<!tpu.dma_semaphore, #tpu.memory_space<semaphore_mem>>)
      %add3A_1237 = arith.constant 1 : i32
      %add3A_1238 = arith.addi %add3A_987, %add3A_1237 : i32
      %min3A_1239 = arith.constant 24 : i32
      %min3A_1240 = arith.minsi %add3A_1238, %min3A_1239 : i32
      %add3A_1241 = arith.addi %mul3A_2, %min3A_1240 : i32
      %jit3A_1242 = arith.constant 8 : i32
      %div3A_1243 = arith.divsi %add3A_1241, %jit3A_1242 : i32
      %sign3A_1244 = arith.constant 0 : i32
      %sign3A_1245 = arith.cmpi sgt, %add3A_1241, %sign3A_1244 : i32
      %sign3A_1246 = arith.extui %sign3A_1245 : i1 to i32
      %sign3A_1247 = arith.constant 0 : i32
      %sign3A_1248 = arith.cmpi slt, %add3A_1241, %sign3A_1247 : i32
      %sign3A_1249 = arith.extui %sign3A_1248 : i1 to i32
      %sign3A_1250 = arith.subi %sign3A_1246, %sign3A_1249 : i32
      %sign3A_1251 = arith.constant 0 : i32
      %sign3A_1252 = arith.cmpi sgt, %jit3A_1242, %sign3A_1251 : i32
      %sign3A_1253 = arith.extui %sign3A_1252 : i1 to i32
      %sign3A_1254 = arith.constant 0 : i32
      %sign3A_1255 = arith.cmpi slt, %jit3A_1242, %sign3A_1254 : i32
      %sign3A_1256 = arith.extui %sign3A_1255 : i1 to i32
      %sign3A_1257 = arith.subi %sign3A_1253, %sign3A_1256 : i32
      %ne3A_1258 = arith.cmpi ne, %sign3A_1250, %sign3A_1257 : i32
      %rem3A_1259 = arith.remsi %add3A_1241, %jit3A_1242 : i32
      %ne3A_1260 = arith.constant 0 : i32
      %ne3A_1261 = arith.cmpi ne, %rem3A_1259, %ne3A_1260 : i32
      %and3A_1262 = arith.andi %ne3A_1258, %ne3A_1261 : i1
      %sub3A_1263 = arith.constant 1 : i32
      %sub3A_1264 = arith.subi %div3A_1243, %sub3A_1263 : i32
      %select_n3A_1265 = arith.select %and3A_1262, %sub3A_1264, %div3A_1243 : i32
      %jit3A_1266 = arith.constant 8 : i32
      %eq3A_1267 = arith.constant 0 : i32
      %eq3A_1268 = arith.cmpi eq, %jit3A_1266, %eq3A_1267 : i32
      %jit3A_1269 = arith.constant 1 : i32
      %select_n3A_1270 = arith.select %eq3A_1268, %jit3A_1269, %jit3A_1266 : i32
      %rem3A_1271 = arith.remsi %add3A_1241, %select_n3A_1270 : i32
      %ne3A_1272 = arith.constant 0 : i32
      %ne3A_1273 = arith.cmpi ne, %rem3A_1271, %ne3A_1272 : i32
      %lt3A_1274 = arith.constant 0 : i32
      %lt3A_1275 = arith.cmpi slt, %rem3A_1271, %lt3A_1274 : i32
      %lt3A_1276 = arith.constant 0 : i32
      %lt3A_1277 = arith.cmpi slt, %select_n3A_1270, %lt3A_1276 : i32
      %ne3A_1278 = arith.xori %lt3A_1275, %lt3A_1277 : i1
      %and3A_1279 = arith.andi %ne3A_1278, %ne3A_1273 : i1
      %add3A_1280 = arith.addi %rem3A_1271, %select_n3A_1270 : i32
      %select_n3A_1281 = arith.select %and3A_1279, %add3A_1280, %rem3A_1271 : i32
      %dma_wait3A_1282 = arith.constant 0 : i32
      %dma_wait3A_1283 = tpu.memref_slice %arg2[%select_n3A_1265, %dma_wait3A_1282] : memref<100x4096xf32, #tpu.memory_space<hbm>> -> memref<1x4096xf32, #tpu.memory_space<hbm>>
      %dma_wait3A_1284 = tpu.memref_squeeze %dma_wait3A_1283 : memref<1x4096xf32, #tpu.memory_space<hbm>> -> memref<4096xf32, #tpu.memory_space<hbm>>
      %dma_wait3A_1285 = arith.constant 0 : i32
      %dma_wait3A_1286 = tpu.memref_slice %arg2[%select_n3A_1265, %dma_wait3A_1285] : memref<100x4096xf32, #tpu.memory_space<hbm>> -> memref<1x4096xf32, #tpu.memory_space<hbm>>
      %dma_wait3A_1287 = tpu.memref_squeeze %dma_wait3A_1286 : memref<1x4096xf32, #tpu.memory_space<hbm>> -> memref<4096xf32, #tpu.memory_space<hbm>>
      tpu.wait_dma2 semaphore(%arg14 : memref<!tpu.dma_semaphore, #tpu.memory_space<semaphore_mem>>) src(%dma_wait3A_1287 : memref<4096xf32, #tpu.memory_space<hbm>>) dst(%arg8 : memref<4096xf32, #tpu.memory_space<vmem>>)
      %add3A_1288 = arith.addi %mul3A_2, %add3A_1238 : i32
      %jit3A_1289 = arith.constant 8 : i32
      %div3A_1290 = arith.divsi %add3A_1288, %jit3A_1289 : i32
      %sign3A_1291 = arith.constant 0 : i32
      %sign3A_1292 = arith.cmpi sgt, %add3A_1288, %sign3A_1291 : i32
      %sign3A_1293 = arith.extui %sign3A_1292 : i1 to i32
      %sign3A_1294 = arith.constant 0 : i32
      %sign3A_1295 = arith.cmpi slt, %add3A_1288, %sign3A_1294 : i32
      %sign3A_1296 = arith.extui %sign3A_1295 : i1 to i32
      %sign3A_1297 = arith.subi %sign3A_1293, %sign3A_1296 : i32
      %sign3A_1298 = arith.constant 0 : i32
      %sign3A_1299 = arith.cmpi sgt, %jit3A_1289, %sign3A_1298 : i32
      %sign3A_1300 = arith.extui %sign3A_1299 : i1 to i32
      %sign3A_1301 = arith.constant 0 : i32
      %sign3A_1302 = arith.cmpi slt, %jit3A_1289, %sign3A_1301 : i32
      %sign3A_1303 = arith.extui %sign3A_1302 : i1 to i32
      %sign3A_1304 = arith.subi %sign3A_1300, %sign3A_1303 : i32
      %ne3A_1305 = arith.cmpi ne, %sign3A_1297, %sign3A_1304 : i32
      %rem3A_1306 = arith.remsi %add3A_1288, %jit3A_1289 : i32
      %ne3A_1307 = arith.constant 0 : i32
      %ne3A_1308 = arith.cmpi ne, %rem3A_1306, %ne3A_1307 : i32
      %and3A_1309 = arith.andi %ne3A_1305, %ne3A_1308 : i1
      %sub3A_1310 = arith.constant 1 : i32
      %sub3A_1311 = arith.subi %div3A_1290, %sub3A_1310 : i32
      %select_n3A_1312 = arith.select %and3A_1309, %sub3A_1311, %div3A_1290 : i32
      %jit3A_1313 = arith.constant 8 : i32
      %eq3A_1314 = arith.constant 0 : i32
      %eq3A_1315 = arith.cmpi eq, %jit3A_1313, %eq3A_1314 : i32
      %jit3A_1316 = arith.constant 1 : i32
      %select_n3A_1317 = arith.select %eq3A_1315, %jit3A_1316, %jit3A_1313 : i32
      %rem3A_1318 = arith.remsi %add3A_1288, %select_n3A_1317 : i32
      %ne3A_1319 = arith.constant 0 : i32
      %ne3A_1320 = arith.cmpi ne, %rem3A_1318, %ne3A_1319 : i32
      %lt3A_1321 = arith.constant 0 : i32
      %lt3A_1322 = arith.cmpi slt, %rem3A_1318, %lt3A_1321 : i32
      %lt3A_1323 = arith.constant 0 : i32
      %lt3A_1324 = arith.cmpi slt, %select_n3A_1317, %lt3A_1323 : i32
      %ne3A_1325 = arith.xori %lt3A_1322, %lt3A_1324 : i1
      %and3A_1326 = arith.andi %ne3A_1325, %ne3A_1320 : i1
      %add3A_1327 = arith.addi %rem3A_1318, %select_n3A_1317 : i32
      %select_n3A_1328 = arith.select %and3A_1326, %add3A_1327, %rem3A_1318 : i32
      %dma_wait3A_1329 = arith.constant 0 : i32
      %dma_wait3A_1330 = arith.constant 0 : i32
      %dma_wait3A_1331 = arith.constant 0 : i32
      %dma_wait3A_1332 = tpu.memref_slice %arg4[%select_n3A_1312, %select_n3A_1328, %dma_wait3A_1329, %dma_wait3A_1330, %dma_wait3A_1331] : memref<100x8x32x8x128xf32, #tpu.memory_space<hbm>> -> memref<1x1x32x8x128xf32, #tpu.memory_space<hbm>>
      %dma_wait3A_1333 = tpu.memref_squeeze %dma_wait3A_1332 : memref<1x1x32x8x128xf32, #tpu.memory_space<hbm>> -> memref<32x8x128xf32, #tpu.memory_space<hbm>>
      %dma_wait3A_1334 = arith.constant 0 : i32
      %dma_wait3A_1335 = arith.constant 0 : i32
      %dma_wait3A_1336 = arith.constant 0 : i32
      %dma_wait3A_1337 = tpu.memref_slice %arg4[%select_n3A_1312, %select_n3A_1328, %dma_wait3A_1334, %dma_wait3A_1335, %dma_wait3A_1336] : memref<100x8x32x8x128xf32, #tpu.memory_space<hbm>> -> memref<1x1x32x8x128xf32, #tpu.memory_space<hbm>>
      %dma_wait3A_1338 = tpu.memref_squeeze %dma_wait3A_1337 : memref<1x1x32x8x128xf32, #tpu.memory_space<hbm>> -> memref<32x8x128xf32, #tpu.memory_space<hbm>>
      tpu.wait_dma2 semaphore(%arg12 : memref<!tpu.dma_semaphore, #tpu.memory_space<semaphore_mem>>) src(%arg10 : memref<32x8x128xf32, #tpu.memory_space<vmem>>) dst(%dma_wait3A_1338 : memref<32x8x128xf32, #tpu.memory_space<hbm>>)
      %add3A_1339 = arith.addi %mul3A_2, %add3A_1238 : i32
      %jit3A_1340 = arith.constant 8 : i32
      %div3A_1341 = arith.divsi %add3A_1339, %jit3A_1340 : i32
      %sign3A_1342 = arith.constant 0 : i32
      %sign3A_1343 = arith.cmpi sgt, %add3A_1339, %sign3A_1342 : i32
      %sign3A_1344 = arith.extui %sign3A_1343 : i1 to i32
      %sign3A_1345 = arith.constant 0 : i32
      %sign3A_1346 = arith.cmpi slt, %add3A_1339, %sign3A_1345 : i32
      %sign3A_1347 = arith.extui %sign3A_1346 : i1 to i32
      %sign3A_1348 = arith.subi %sign3A_1344, %sign3A_1347 : i32
      %sign3A_1349 = arith.constant 0 : i32
      %sign3A_1350 = arith.cmpi sgt, %jit3A_1340, %sign3A_1349 : i32
      %sign3A_1351 = arith.extui %sign3A_1350 : i1 to i32
      %sign3A_1352 = arith.constant 0 : i32
      %sign3A_1353 = arith.cmpi slt, %jit3A_1340, %sign3A_1352 : i32
      %sign3A_1354 = arith.extui %sign3A_1353 : i1 to i32
      %sign3A_1355 = arith.subi %sign3A_1351, %sign3A_1354 : i32
      %ne3A_1356 = arith.cmpi ne, %sign3A_1348, %sign3A_1355 : i32
      %rem3A_1357 = arith.remsi %add3A_1339, %jit3A_1340 : i32
      %ne3A_1358 = arith.constant 0 : i32
      %ne3A_1359 = arith.cmpi ne, %rem3A_1357, %ne3A_1358 : i32
      %and3A_1360 = arith.andi %ne3A_1356, %ne3A_1359 : i1
      %sub3A_1361 = arith.constant 1 : i32
      %sub3A_1362 = arith.subi %div3A_1341, %sub3A_1361 : i32
      %select_n3A_1363 = arith.select %and3A_1360, %sub3A_1362, %div3A_1341 : i32
      %jit3A_1364 = arith.constant 8 : i32
      %eq3A_1365 = arith.constant 0 : i32
      %eq3A_1366 = arith.cmpi eq, %jit3A_1364, %eq3A_1365 : i32
      %jit3A_1367 = arith.constant 1 : i32
      %select_n3A_1368 = arith.select %eq3A_1366, %jit3A_1367, %jit3A_1364 : i32
      %rem3A_1369 = arith.remsi %add3A_1339, %select_n3A_1368 : i32
      %ne3A_1370 = arith.constant 0 : i32
      %ne3A_1371 = arith.cmpi ne, %rem3A_1369, %ne3A_1370 : i32
      %lt3A_1372 = arith.constant 0 : i32
      %lt3A_1373 = arith.cmpi slt, %rem3A_1369, %lt3A_1372 : i32
      %lt3A_1374 = arith.constant 0 : i32
      %lt3A_1375 = arith.cmpi slt, %select_n3A_1368, %lt3A_1374 : i32
      %ne3A_1376 = arith.xori %lt3A_1373, %lt3A_1375 : i1
      %and3A_1377 = arith.andi %ne3A_1376, %ne3A_1371 : i1
      %add3A_1378 = arith.addi %rem3A_1369, %select_n3A_1368 : i32
      %select_n3A_1379 = arith.select %and3A_1377, %add3A_1378, %rem3A_1369 : i32
      %sub3A_1380 = arith.subi %select_n3A_1363, %min3A_19 : i32
      %mul3A_1381 = arith.constant 8 : i32
      %mul3A_1382 = arith.muli %select_n3A_1379, %mul3A_1381 : i32
      %parallel_loop3A_1383 = arith.constant 0 : i32
      %parallel_loop3A_1384 = arith.constant 256 : i32
      %parallel_loop3A_1385 = arith.constant 1 : i32
      scf.for %parallel_loop3A_1488 = %parallel_loop3A_1383 to %parallel_loop3A_1384 step %parallel_loop3A_1385  : i32 {
        %parallel_loop3A_1489 = arith.constant 16 : i32
        %parallel_loop3A_1490 = arith.muli %parallel_loop3A_1488, %parallel_loop3A_1489 : i32
        %parallel_loop3A_1491 = arith.index_cast %parallel_loop3A_1490 : i32 to index
        %parallel_loop3A_1492 = tpu.vector_load %arg8[%parallel_loop3A_1491] {strides = array<i32>} : memref<4096xf32, #tpu.memory_space<vmem>>, vector<16xf32>,
        %parallel_loop3A_1493 = arith.mulf %parallel_loop3A_1492, %broadcast_in_dim3A_20 : vector<16xf32>
        %parallel_loop3A_1494 = arith.fptosi %parallel_loop3A_1493 : vector<16xf32> to vector<16xi32>
        %parallel_loop3A_1495 = arith.addf %parallel_loop3A_1493, %broadcast_in_dim3A_22 : vector<16xf32>
        %parallel_loop3A_1496 = arith.fptosi %parallel_loop3A_1495 : vector<16xf32> to vector<16xi32>
        %parallel_loop3A_1497 = arith.sitofp %parallel_loop3A_1496 : vector<16xi32> to vector<16xf32>
        %parallel_loop3A_1498 = arith.subf %parallel_loop3A_1497, %parallel_loop3A_1493 : vector<16xf32>
        %parallel_loop3A_1499 = arith.sitofp %parallel_loop3A_1494 : vector<16xi32> to vector<16xf32>
        %parallel_loop3A_1500 = arith.subf %parallel_loop3A_1493, %parallel_loop3A_1499 : vector<16xf32>
        %parallel_loop3A_1501 = arith.constant 16 : i32
        %parallel_loop3A_1502 = vector.broadcast %parallel_loop3A_1501 : i32 to vector<16xi32>
        %parallel_loop3A_1503 = arith.muli %parallel_loop3A_1494, %parallel_loop3A_1502 : vector<16xi32>
        %parallel_loop3A_1504 = arith.addi %parallel_loop3A_1503, %iota3A : vector<16xi32>
        %parallel_loop3A_1505 = arith.constant 16 : i32
        %parallel_loop3A_1506 = vector.broadcast %parallel_loop3A_1505 : i32 to vector<16xi32>
        %parallel_loop3A_1507 = arith.muli %parallel_loop3A_1496, %parallel_loop3A_1506 : vector<16xi32>
        %parallel_loop3A_1508 = arith.addi %parallel_loop3A_1507, %iota3A : vector<16xi32>
        %parallel_loop3A_1509 = arith.constant 8 : i32
        %parallel_loop3A_1510 = arith.divsi %parallel_loop3A_1488, %parallel_loop3A_1509 : i32
        %parallel_loop3A_1511 = arith.constant 0 : i32
        %parallel_loop3A_1512 = arith.cmpi sgt, %parallel_loop3A_1488, %parallel_loop3A_1511 : i32
        %parallel_loop3A_1513 = arith.extui %parallel_loop3A_1512 : i1 to i32
        %parallel_loop3A_1514 = arith.constant 0 : i32
        %parallel_loop3A_1515 = arith.cmpi slt, %parallel_loop3A_1488, %parallel_loop3A_1514 : i32
        %parallel_loop3A_1516 = arith.extui %parallel_loop3A_1515 : i1 to i32
        %parallel_loop3A_1517 = arith.subi %parallel_loop3A_1513, %parallel_loop3A_1516 : i32
        %parallel_loop3A_1518 = arith.constant 0 : i32
        %parallel_loop3A_1519 = arith.cmpi sgt, %parallel_loop3A_1509, %parallel_loop3A_1518 : i32
        %parallel_loop3A_1520 = arith.extui %parallel_loop3A_1519 : i1 to i32
        %parallel_loop3A_1521 = arith.constant 0 : i32
        %parallel_loop3A_1522 = arith.cmpi slt, %parallel_loop3A_1509, %parallel_loop3A_1521 : i32
        %parallel_loop3A_1523 = arith.extui %parallel_loop3A_1522 : i1 to i32
        %parallel_loop3A_1524 = arith.subi %parallel_loop3A_1520, %parallel_loop3A_1523 : i32
        %parallel_loop3A_1525 = arith.cmpi ne, %parallel_loop3A_1517, %parallel_loop3A_1524 : i32
        %parallel_loop3A_1526 = arith.remsi %parallel_loop3A_1488, %parallel_loop3A_1509 : i32
        %parallel_loop3A_1527 = arith.constant 0 : i32
        %parallel_loop3A_1528 = arith.cmpi ne, %parallel_loop3A_1526, %parallel_loop3A_1527 : i32
        %parallel_loop3A_1529 = arith.andi %parallel_loop3A_1525, %parallel_loop3A_1528 : i1
        %parallel_loop3A_1530 = arith.constant 1 : i32
        %parallel_loop3A_1531 = arith.subi %parallel_loop3A_1510, %parallel_loop3A_1530 : i32
        %parallel_loop3A_1532 = arith.select %parallel_loop3A_1529, %parallel_loop3A_1531, %parallel_loop3A_1510 : i32
        %parallel_loop3A_1533 = arith.constant 8 : i32
        %parallel_loop3A_1534 = arith.constant 0 : i32
        %parallel_loop3A_1535 = arith.cmpi eq, %parallel_loop3A_1533, %parallel_loop3A_1534 : i32
        %parallel_loop3A_1536 = arith.constant 1 : i32
        %parallel_loop3A_1537 = arith.select %parallel_loop3A_1535, %parallel_loop3A_1536, %parallel_loop3A_1533 : i32
        %parallel_loop3A_1538 = arith.remsi %parallel_loop3A_1488, %parallel_loop3A_1537 : i32
        %parallel_loop3A_1539 = arith.constant 0 : i32
        %parallel_loop3A_1540 = arith.cmpi ne, %parallel_loop3A_1538, %parallel_loop3A_1539 : i32
        %parallel_loop3A_1541 = arith.constant 0 : i32
        %parallel_loop3A_1542 = arith.cmpi slt, %parallel_loop3A_1538, %parallel_loop3A_1541 : i32
        %parallel_loop3A_1543 = arith.constant 0 : i32
        %parallel_loop3A_1544 = arith.cmpi slt, %parallel_loop3A_1537, %parallel_loop3A_1543 : i32
        %parallel_loop3A_1545 = arith.xori %parallel_loop3A_1542, %parallel_loop3A_1544 : i1
        %parallel_loop3A_1546 = arith.andi %parallel_loop3A_1545, %parallel_loop3A_1540 : i1
        %parallel_loop3A_1547 = arith.addi %parallel_loop3A_1538, %parallel_loop3A_1537 : i32
        %parallel_loop3A_1548 = arith.select %parallel_loop3A_1546, %parallel_loop3A_1547, %parallel_loop3A_1538 : i32
        %parallel_loop3A_1549 = arith.constant 16 : i32
        %parallel_loop3A_1550 = arith.muli %parallel_loop3A_1548, %parallel_loop3A_1549 : i32
        %parallel_loop3A_1551 = arith.constant 0 : i32
        %parallel_loop3A_1552 = vector.broadcast %parallel_loop3A_1551 : i32 to vector<16xi32>
        %parallel_loop3A_1553 = arith.constant 0 : i32
        %parallel_loop3A_1554 = arith.addi %mul3A_1382, %parallel_loop3A_1553 : i32
        %parallel_loop3A_1555 = arith.constant 4 : i32
        %parallel_loop3A_1556 = arith.muli %parallel_loop3A_1554, %parallel_loop3A_1555 : i32
        %parallel_loop3A_1557 = arith.addi %parallel_loop3A_1556, %sub3A_1380 : i32
        %parallel_loop3A_1558 = arith.constant 176 : i32
        %parallel_loop3A_1559 = arith.muli %parallel_loop3A_1557, %parallel_loop3A_1558 : i32
        %parallel_loop3A_1560 = vector.broadcast %parallel_loop3A_1559 : i32 to vector<16xi32>
        %parallel_loop3A_1561 = arith.addi %parallel_loop3A_1552, %parallel_loop3A_1560 : vector<16xi32>
        %parallel_loop3A_1562 = arith.addi %parallel_loop3A_1561, %parallel_loop3A_1504 : vector<16xi32>
        %parallel_loop3A_1563 = tpu.vector_load_idx %arg6[%parallel_loop3A_1562] : memref<45056xf32, #tpu.memory_space<vmem>>[vector<16xi32>], vector<16xf32>,
        %parallel_loop3A_1564 = arith.addi %parallel_loop3A_1561, %parallel_loop3A_1508 : vector<16xi32>
        %parallel_loop3A_1565 = tpu.vector_load_idx %arg6[%parallel_loop3A_1564] : memref<45056xf32, #tpu.memory_space<vmem>>[vector<16xi32>], vector<16xf32>,
        %parallel_loop3A_1566 = arith.constant 0 : i32
        %parallel_loop3A_1567 = vector.broadcast %parallel_loop3A_1566 : i32 to vector<16xi32>
        %parallel_loop3A_1568 = arith.constant 1 : i32
        %parallel_loop3A_1569 = arith.addi %mul3A_1382, %parallel_loop3A_1568 : i32
        %parallel_loop3A_1570 = arith.constant 4 : i32
        %parallel_loop3A_1571 = arith.muli %parallel_loop3A_1569, %parallel_loop3A_1570 : i32
        %parallel_loop3A_1572 = arith.addi %parallel_loop3A_1571, %sub3A_1380 : i32
        %parallel_loop3A_1573 = arith.constant 176 : i32
        %parallel_loop3A_1574 = arith.muli %parallel_loop3A_1572, %parallel_loop3A_1573 : i32
        %parallel_loop3A_1575 = vector.broadcast %parallel_loop3A_1574 : i32 to vector<16xi32>
        %parallel_loop3A_1576 = arith.addi %parallel_loop3A_1567, %parallel_loop3A_1575 : vector<16xi32>
        %parallel_loop3A_1577 = arith.addi %parallel_loop3A_1576, %parallel_loop3A_1504 : vector<16xi32>
        %parallel_loop3A_1578 = tpu.vector_load_idx %arg6[%parallel_loop3A_1577] : memref<45056xf32, #tpu.memory_space<vmem>>[vector<16xi32>], vector<16xf32>,
        %parallel_loop3A_1579 = arith.addi %parallel_loop3A_1576, %parallel_loop3A_1508 : vector<16xi32>
        %parallel_loop3A_1580 = tpu.vector_load_idx %arg6[%parallel_loop3A_1579] : memref<45056xf32, #tpu.memory_space<vmem>>[vector<16xi32>], vector<16xf32>,
        %parallel_loop3A_1581 = arith.constant 0 : i32
        %parallel_loop3A_1582 = vector.broadcast %parallel_loop3A_1581 : i32 to vector<16xi32>
        %parallel_loop3A_1583 = arith.constant 2 : i32
        %parallel_loop3A_1584 = arith.addi %mul3A_1382, %parallel_loop3A_1583 : i32
        %parallel_loop3A_1585 = arith.constant 4 : i32
        %parallel_loop3A_1586 = arith.muli %parallel_loop3A_1584, %parallel_loop3A_1585 : i32
        %parallel_loop3A_1587 = arith.addi %parallel_loop3A_1586, %sub3A_1380 : i32
        %parallel_loop3A_1588 = arith.constant 176 : i32
        %parallel_loop3A_1589 = arith.muli %parallel_loop3A_1587, %parallel_loop3A_1588 : i32
        %parallel_loop3A_1590 = vector.broadcast %parallel_loop3A_1589 : i32 to vector<16xi32>
        %parallel_loop3A_1591 = arith.addi %parallel_loop3A_1582, %parallel_loop3A_1590 : vector<16xi32>
        %parallel_loop3A_1592 = arith.addi %parallel_loop3A_1591, %parallel_loop3A_1504 : vector<16xi32>
        %parallel_loop3A_1593 = tpu.vector_load_idx %arg6[%parallel_loop3A_1592] : memref<45056xf32, #tpu.memory_space<vmem>>[vector<16xi32>], vector<16xf32>,
        %parallel_loop3A_1594 = arith.addi %parallel_loop3A_1591, %parallel_loop3A_1508 : vector<16xi32>
        %parallel_loop3A_1595 = tpu.vector_load_idx %arg6[%parallel_loop3A_1594] : memref<45056xf32, #tpu.memory_space<vmem>>[vector<16xi32>], vector<16xf32>,
        %parallel_loop3A_1596 = arith.constant 0 : i32
        %parallel_loop3A_1597 = vector.broadcast %parallel_loop3A_1596 : i32 to vector<16xi32>
        %parallel_loop3A_1598 = arith.constant 3 : i32
        %parallel_loop3A_1599 = arith.addi %mul3A_1382, %parallel_loop3A_1598 : i32
        %parallel_loop3A_1600 = arith.constant 4 : i32
        %parallel_loop3A_1601 = arith.muli %parallel_loop3A_1599, %parallel_loop3A_1600 : i32
        %parallel_loop3A_1602 = arith.addi %parallel_loop3A_1601, %sub3A_1380 : i32
        %parallel_loop3A_1603 = arith.constant 176 : i32
        %parallel_loop3A_1604 = arith.muli %parallel_loop3A_1602, %parallel_loop3A_1603 : i32
        %parallel_loop3A_1605 = vector.broadcast %parallel_loop3A_1604 : i32 to vector<16xi32>
        %parallel_loop3A_1606 = arith.addi %parallel_loop3A_1597, %parallel_loop3A_1605 : vector<16xi32>
        %parallel_loop3A_1607 = arith.addi %parallel_loop3A_1606, %parallel_loop3A_1504 : vector<16xi32>
        %parallel_loop3A_1608 = tpu.vector_load_idx %arg6[%parallel_loop3A_1607] : memref<45056xf32, #tpu.memory_space<vmem>>[vector<16xi32>], vector<16xf32>,
        %parallel_loop3A_1609 = arith.addi %parallel_loop3A_1606, %parallel_loop3A_1508 : vector<16xi32>
        %parallel_loop3A_1610 = tpu.vector_load_idx %arg6[%parallel_loop3A_1609] : memref<45056xf32, #tpu.memory_space<vmem>>[vector<16xi32>], vector<16xf32>,
        %parallel_loop3A_1611 = arith.constant 0 : i32
        %parallel_loop3A_1612 = vector.broadcast %parallel_loop3A_1611 : i32 to vector<16xi32>
        %parallel_loop3A_1613 = arith.constant 4 : i32
        %parallel_loop3A_1614 = arith.addi %mul3A_1382, %parallel_loop3A_1613 : i32
        %parallel_loop3A_1615 = arith.constant 4 : i32
        %parallel_loop3A_1616 = arith.muli %parallel_loop3A_1614, %parallel_loop3A_1615 : i32
        %parallel_loop3A_1617 = arith.addi %parallel_loop3A_1616, %sub3A_1380 : i32
        %parallel_loop3A_1618 = arith.constant 176 : i32
        %parallel_loop3A_1619 = arith.muli %parallel_loop3A_1617, %parallel_loop3A_1618 : i32
        %parallel_loop3A_1620 = vector.broadcast %parallel_loop3A_1619 : i32 to vector<16xi32>
        %parallel_loop3A_1621 = arith.addi %parallel_loop3A_1612, %parallel_loop3A_1620 : vector<16xi32>
        %parallel_loop3A_1622 = arith.addi %parallel_loop3A_1621, %parallel_loop3A_1504 : vector<16xi32>
        %parallel_loop3A_1623 = tpu.vector_load_idx %arg6[%parallel_loop3A_1622] : memref<45056xf32, #tpu.memory_space<vmem>>[vector<16xi32>], vector<16xf32>,
        %parallel_loop3A_1624 = arith.addi %parallel_loop3A_1621, %parallel_loop3A_1508 : vector<16xi32>
        %parallel_loop3A_1625 = tpu.vector_load_idx %arg6[%parallel_loop3A_1624] : memref<45056xf32, #tpu.memory_space<vmem>>[vector<16xi32>], vector<16xf32>,
        %parallel_loop3A_1626 = arith.constant 0 : i32
        %parallel_loop3A_1627 = vector.broadcast %parallel_loop3A_1626 : i32 to vector<16xi32>
        %parallel_loop3A_1628 = arith.constant 5 : i32
        %parallel_loop3A_1629 = arith.addi %mul3A_1382, %parallel_loop3A_1628 : i32
        %parallel_loop3A_1630 = arith.constant 4 : i32
        %parallel_loop3A_1631 = arith.muli %parallel_loop3A_1629, %parallel_loop3A_1630 : i32
        %parallel_loop3A_1632 = arith.addi %parallel_loop3A_1631, %sub3A_1380 : i32
        %parallel_loop3A_1633 = arith.constant 176 : i32
        %parallel_loop3A_1634 = arith.muli %parallel_loop3A_1632, %parallel_loop3A_1633 : i32
        %parallel_loop3A_1635 = vector.broadcast %parallel_loop3A_1634 : i32 to vector<16xi32>
        %parallel_loop3A_1636 = arith.addi %parallel_loop3A_1627, %parallel_loop3A_1635 : vector<16xi32>
        %parallel_loop3A_1637 = arith.addi %parallel_loop3A_1636, %parallel_loop3A_1504 : vector<16xi32>
        %parallel_loop3A_1638 = tpu.vector_load_idx %arg6[%parallel_loop3A_1637] : memref<45056xf32, #tpu.memory_space<vmem>>[vector<16xi32>], vector<16xf32>,
        %parallel_loop3A_1639 = arith.addi %parallel_loop3A_1636, %parallel_loop3A_1508 : vector<16xi32>
        %parallel_loop3A_1640 = tpu.vector_load_idx %arg6[%parallel_loop3A_1639] : memref<45056xf32, #tpu.memory_space<vmem>>[vector<16xi32>], vector<16xf32>,
        %parallel_loop3A_1641 = arith.constant 0 : i32
        %parallel_loop3A_1642 = vector.broadcast %parallel_loop3A_1641 : i32 to vector<16xi32>
        %parallel_loop3A_1643 = arith.constant 6 : i32
        %parallel_loop3A_1644 = arith.addi %mul3A_1382, %parallel_loop3A_1643 : i32
        %parallel_loop3A_1645 = arith.constant 4 : i32
        %parallel_loop3A_1646 = arith.muli %parallel_loop3A_1644, %parallel_loop3A_1645 : i32
        %parallel_loop3A_1647 = arith.addi %parallel_loop3A_1646, %sub3A_1380 : i32
        %parallel_loop3A_1648 = arith.constant 176 : i32
        %parallel_loop3A_1649 = arith.muli %parallel_loop3A_1647, %parallel_loop3A_1648 : i32
        %parallel_loop3A_1650 = vector.broadcast %parallel_loop3A_1649 : i32 to vector<16xi32>
        %parallel_loop3A_1651 = arith.addi %parallel_loop3A_1642, %parallel_loop3A_1650 : vector<16xi32>
        %parallel_loop3A_1652 = arith.addi %parallel_loop3A_1651, %parallel_loop3A_1504 : vector<16xi32>
        %parallel_loop3A_1653 = tpu.vector_load_idx %arg6[%parallel_loop3A_1652] : memref<45056xf32, #tpu.memory_space<vmem>>[vector<16xi32>], vector<16xf32>,
        %parallel_loop3A_1654 = arith.addi %parallel_loop3A_1651, %parallel_loop3A_1508 : vector<16xi32>
        %parallel_loop3A_1655 = tpu.vector_load_idx %arg6[%parallel_loop3A_1654] : memref<45056xf32, #tpu.memory_space<vmem>>[vector<16xi32>], vector<16xf32>,
        %parallel_loop3A_1656 = arith.constant 0 : i32
        %parallel_loop3A_1657 = vector.broadcast %parallel_loop3A_1656 : i32 to vector<16xi32>
        %parallel_loop3A_1658 = arith.constant 7 : i32
        %parallel_loop3A_1659 = arith.addi %mul3A_1382, %parallel_loop3A_1658 : i32
        %parallel_loop3A_1660 = arith.constant 4 : i32
        %parallel_loop3A_1661 = arith.muli %parallel_loop3A_1659, %parallel_loop3A_1660 : i32
        %parallel_loop3A_1662 = arith.addi %parallel_loop3A_1661, %sub3A_1380 : i32
        %parallel_loop3A_1663 = arith.constant 176 : i32
        %parallel_loop3A_1664 = arith.muli %parallel_loop3A_1662, %parallel_loop3A_1663 : i32
        %parallel_loop3A_1665 = vector.broadcast %parallel_loop3A_1664 : i32 to vector<16xi32>
        %parallel_loop3A_1666 = arith.addi %parallel_loop3A_1657, %parallel_loop3A_1665 : vector<16xi32>
        %parallel_loop3A_1667 = arith.addi %parallel_loop3A_1666, %parallel_loop3A_1504 : vector<16xi32>
        %parallel_loop3A_1668 = tpu.vector_load_idx %arg6[%parallel_loop3A_1667] : memref<45056xf32, #tpu.memory_space<vmem>>[vector<16xi32>], vector<16xf32>,
        %parallel_loop3A_1669 = arith.addi %parallel_loop3A_1666, %parallel_loop3A_1508 : vector<16xi32>
        %parallel_loop3A_1670 = tpu.vector_load_idx %arg6[%parallel_loop3A_1669] : memref<45056xf32, #tpu.memory_space<vmem>>[vector<16xi32>], vector<16xf32>,
        %parallel_loop3A_1671 = arith.mulf %parallel_loop3A_1498, %parallel_loop3A_1563 : vector<16xf32>
        %parallel_loop3A_1672 = arith.mulf %parallel_loop3A_1500, %parallel_loop3A_1565 : vector<16xf32>
        %parallel_loop3A_1673 = arith.addf %parallel_loop3A_1671, %parallel_loop3A_1672 : vector<16xf32>
        %parallel_loop3A_1674 = arith.mulf %parallel_loop3A_1498, %parallel_loop3A_1578 : vector<16xf32>
        %parallel_loop3A_1675 = arith.mulf %parallel_loop3A_1500, %parallel_loop3A_1580 : vector<16xf32>
        %parallel_loop3A_1676 = arith.addf %parallel_loop3A_1674, %parallel_loop3A_1675 : vector<16xf32>
        %parallel_loop3A_1677 = arith.mulf %parallel_loop3A_1498, %parallel_loop3A_1593 : vector<16xf32>
        %parallel_loop3A_1678 = arith.mulf %parallel_loop3A_1500, %parallel_loop3A_1595 : vector<16xf32>
        %parallel_loop3A_1679 = arith.addf %parallel_loop3A_1677, %parallel_loop3A_1678 : vector<16xf32>
        %parallel_loop3A_1680 = arith.mulf %parallel_loop3A_1498, %parallel_loop3A_1608 : vector<16xf32>
        %parallel_loop3A_1681 = arith.mulf %parallel_loop3A_1500, %parallel_loop3A_1610 : vector<16xf32>
        %parallel_loop3A_1682 = arith.addf %parallel_loop3A_1680, %parallel_loop3A_1681 : vector<16xf32>
        %parallel_loop3A_1683 = arith.mulf %parallel_loop3A_1498, %parallel_loop3A_1623 : vector<16xf32>
        %parallel_loop3A_1684 = arith.mulf %parallel_loop3A_1500, %parallel_loop3A_1625 : vector<16xf32>
        %parallel_loop3A_1685 = arith.addf %parallel_loop3A_1683, %parallel_loop3A_1684 : vector<16xf32>
        %parallel_loop3A_1686 = arith.mulf %parallel_loop3A_1498, %parallel_loop3A_1638 : vector<16xf32>
        %parallel_loop3A_1687 = arith.mulf %parallel_loop3A_1500, %parallel_loop3A_1640 : vector<16xf32>
        %parallel_loop3A_1688 = arith.addf %parallel_loop3A_1686, %parallel_loop3A_1687 : vector<16xf32>
        %parallel_loop3A_1689 = arith.mulf %parallel_loop3A_1498, %parallel_loop3A_1653 : vector<16xf32>
        %parallel_loop3A_1690 = arith.mulf %parallel_loop3A_1500, %parallel_loop3A_1655 : vector<16xf32>
        %parallel_loop3A_1691 = arith.addf %parallel_loop3A_1689, %parallel_loop3A_1690 : vector<16xf32>
        %parallel_loop3A_1692 = arith.mulf %parallel_loop3A_1498, %parallel_loop3A_1668 : vector<16xf32>
        %parallel_loop3A_1693 = arith.mulf %parallel_loop3A_1500, %parallel_loop3A_1670 : vector<16xf32>
        %parallel_loop3A_1694 = arith.addf %parallel_loop3A_1692, %parallel_loop3A_1693 : vector<16xf32>
        %parallel_loop3A_1695 = arith.constant 0 : i32
        %parallel_loop3A_1696 = arith.index_cast %parallel_loop3A_1532 : i32 to index
        %parallel_loop3A_1697 = arith.index_cast %parallel_loop3A_1695 : i32 to index
        %parallel_loop3A_1698 = arith.index_cast %parallel_loop3A_1550 : i32 to index
        %parallel_loop3A_1699 = tpu.vector_load %arg10[%parallel_loop3A_1696, %parallel_loop3A_1697, %parallel_loop3A_1698] {strides = array<i32>} : memref<32x8x128xf32, #tpu.memory_space<vmem>>, vector<16xf32>,
        tpu.vector_store %arg10[%parallel_loop3A_1696, %parallel_loop3A_1697, %parallel_loop3A_1698], %parallel_loop3A_1673 {strides = array<i32>} : memref<32x8x128xf32, #tpu.memory_space<vmem>>, vector<16xf32>,
        %parallel_loop3A_1700 = arith.constant 1 : i32
        %parallel_loop3A_1701 = arith.index_cast %parallel_loop3A_1532 : i32 to index
        %parallel_loop3A_1702 = arith.index_cast %parallel_loop3A_1700 : i32 to index
        %parallel_loop3A_1703 = arith.index_cast %parallel_loop3A_1550 : i32 to index
        %parallel_loop3A_1704 = tpu.vector_load %arg10[%parallel_loop3A_1701, %parallel_loop3A_1702, %parallel_loop3A_1703] {strides = array<i32>} : memref<32x8x128xf32, #tpu.memory_space<vmem>>, vector<16xf32>,
        tpu.vector_store %arg10[%parallel_loop3A_1701, %parallel_loop3A_1702, %parallel_loop3A_1703], %parallel_loop3A_1676 {strides = array<i32>} : memref<32x8x128xf32, #tpu.memory_space<vmem>>, vector<16xf32>,
        %parallel_loop3A_1705 = arith.constant 2 : i32
        %parallel_loop3A_1706 = arith.index_cast %parallel_loop3A_1532 : i32 to index
        %parallel_loop3A_1707 = arith.index_cast %parallel_loop3A_1705 : i32 to index
        %parallel_loop3A_1708 = arith.index_cast %parallel_loop3A_1550 : i32 to index
        %parallel_loop3A_1709 = tpu.vector_load %arg10[%parallel_loop3A_1706, %parallel_loop3A_1707, %parallel_loop3A_1708] {strides = array<i32>} : memref<32x8x128xf32, #tpu.memory_space<vmem>>, vector<16xf32>,
        tpu.vector_store %arg10[%parallel_loop3A_1706, %parallel_loop3A_1707, %parallel_loop3A_1708], %parallel_loop3A_1679 {strides = array<i32>} : memref<32x8x128xf32, #tpu.memory_space<vmem>>, vector<16xf32>,
        %parallel_loop3A_1710 = arith.constant 3 : i32
        %parallel_loop3A_1711 = arith.index_cast %parallel_loop3A_1532 : i32 to index
        %parallel_loop3A_1712 = arith.index_cast %parallel_loop3A_1710 : i32 to index
        %parallel_loop3A_1713 = arith.index_cast %parallel_loop3A_1550 : i32 to index
        %parallel_loop3A_1714 = tpu.vector_load %arg10[%parallel_loop3A_1711, %parallel_loop3A_1712, %parallel_loop3A_1713] {strides = array<i32>} : memref<32x8x128xf32, #tpu.memory_space<vmem>>, vector<16xf32>,
        tpu.vector_store %arg10[%parallel_loop3A_1711, %parallel_loop3A_1712, %parallel_loop3A_1713], %parallel_loop3A_1682 {strides = array<i32>} : memref<32x8x128xf32, #tpu.memory_space<vmem>>, vector<16xf32>,
        %parallel_loop3A_1715 = arith.constant 4 : i32
        %parallel_loop3A_1716 = arith.index_cast %parallel_loop3A_1532 : i32 to index
        %parallel_loop3A_1717 = arith.index_cast %parallel_loop3A_1715 : i32 to index
        %parallel_loop3A_1718 = arith.index_cast %parallel_loop3A_1550 : i32 to index
        %parallel_loop3A_1719 = tpu.vector_load %arg10[%parallel_loop3A_1716, %parallel_loop3A_1717, %parallel_loop3A_1718] {strides = array<i32>} : memref<32x8x128xf32, #tpu.memory_space<vmem>>, vector<16xf32>,
        tpu.vector_store %arg10[%parallel_loop3A_1716, %parallel_loop3A_1717, %parallel_loop3A_1718], %parallel_loop3A_1685 {strides = array<i32>} : memref<32x8x128xf32, #tpu.memory_space<vmem>>, vector<16xf32>,
        %parallel_loop3A_1720 = arith.constant 5 : i32
        %parallel_loop3A_1721 = arith.index_cast %parallel_loop3A_1532 : i32 to index
        %parallel_loop3A_1722 = arith.index_cast %parallel_loop3A_1720 : i32 to index
        %parallel_loop3A_1723 = arith.index_cast %parallel_loop3A_1550 : i32 to index
        %parallel_loop3A_1724 = tpu.vector_load %arg10[%parallel_loop3A_1721, %parallel_loop3A_1722, %parallel_loop3A_1723] {strides = array<i32>} : memref<32x8x128xf32, #tpu.memory_space<vmem>>, vector<16xf32>,
        tpu.vector_store %arg10[%parallel_loop3A_1721, %parallel_loop3A_1722, %parallel_loop3A_1723], %parallel_loop3A_1688 {strides = array<i32>} : memref<32x8x128xf32, #tpu.memory_space<vmem>>, vector<16xf32>,
        %parallel_loop3A_1725 = arith.constant 6 : i32
        %parallel_loop3A_1726 = arith.index_cast %parallel_loop3A_1532 : i32 to index
        %parallel_loop3A_1727 = arith.index_cast %parallel_loop3A_1725 : i32 to index
        %parallel_loop3A_1728 = arith.index_cast %parallel_loop3A_1550 : i32 to index
        %parallel_loop3A_1729 = tpu.vector_load %arg10[%parallel_loop3A_1726, %parallel_loop3A_1727, %parallel_loop3A_1728] {strides = array<i32>} : memref<32x8x128xf32, #tpu.memory_space<vmem>>, vector<16xf32>,
        tpu.vector_store %arg10[%parallel_loop3A_1726, %parallel_loop3A_1727, %parallel_loop3A_1728], %parallel_loop3A_1691 {strides = array<i32>} : memref<32x8x128xf32, #tpu.memory_space<vmem>>, vector<16xf32>,
        %parallel_loop3A_1730 = arith.constant 7 : i32
        %parallel_loop3A_1731 = arith.index_cast %parallel_loop3A_1532 : i32 to index
        %parallel_loop3A_1732 = arith.index_cast %parallel_loop3A_1730 : i32 to index
        %parallel_loop3A_1733 = arith.index_cast %parallel_loop3A_1550 : i32 to index
        %parallel_loop3A_1734 = tpu.vector_load %arg10[%parallel_loop3A_1731, %parallel_loop3A_1732, %parallel_loop3A_1733] {strides = array<i32>} : memref<32x8x128xf32, #tpu.memory_space<vmem>>, vector<16xf32>,
        tpu.vector_store %arg10[%parallel_loop3A_1731, %parallel_loop3A_1732, %parallel_loop3A_1733], %parallel_loop3A_1694 {strides = array<i32>} : memref<32x8x128xf32, #tpu.memory_space<vmem>>, vector<16xf32>,
      } {sc.loop_unroll_factor = 2 : i64, sc.parallel_access}
      %add3A_1386 = arith.addi %mul3A_2, %add3A_1238 : i32
      %jit3A_1387 = arith.constant 8 : i32
      %div3A_1388 = arith.divsi %add3A_1386, %jit3A_1387 : i32
      %sign3A_1389 = arith.constant 0 : i32
      %sign3A_1390 = arith.cmpi sgt, %add3A_1386, %sign3A_1389 : i32
      %sign3A_1391 = arith.extui %sign3A_1390 : i1 to i32
      %sign3A_1392 = arith.constant 0 : i32
      %sign3A_1393 = arith.cmpi slt, %add3A_1386, %sign3A_1392 : i32
      %sign3A_1394 = arith.extui %sign3A_1393 : i1 to i32
      %sign3A_1395 = arith.subi %sign3A_1391, %sign3A_1394 : i32
      %sign3A_1396 = arith.constant 0 : i32
      %sign3A_1397 = arith.cmpi sgt, %jit3A_1387, %sign3A_1396 : i32
      %sign3A_1398 = arith.extui %sign3A_1397 : i1 to i32
      %sign3A_1399 = arith.constant 0 : i32
      %sign3A_1400 = arith.cmpi slt, %jit3A_1387, %sign3A_1399 : i32
      %sign3A_1401 = arith.extui %sign3A_1400 : i1 to i32
      %sign3A_1402 = arith.subi %sign3A_1398, %sign3A_1401 : i32
      %ne3A_1403 = arith.cmpi ne, %sign3A_1395, %sign3A_1402 : i32
      %rem3A_1404 = arith.remsi %add3A_1386, %jit3A_1387 : i32
      %ne3A_1405 = arith.constant 0 : i32
      %ne3A_1406 = arith.cmpi ne, %rem3A_1404, %ne3A_1405 : i32
      %and3A_1407 = arith.andi %ne3A_1403, %ne3A_1406 : i1
      %sub3A_1408 = arith.constant 1 : i32
      %sub3A_1409 = arith.subi %div3A_1388, %sub3A_1408 : i32
      %select_n3A_1410 = arith.select %and3A_1407, %sub3A_1409, %div3A_1388 : i32
      %jit3A_1411 = arith.constant 8 : i32
      %eq3A_1412 = arith.constant 0 : i32
      %eq3A_1413 = arith.cmpi eq, %jit3A_1411, %eq3A_1412 : i32
      %jit3A_1414 = arith.constant 1 : i32
      %select_n3A_1415 = arith.select %eq3A_1413, %jit3A_1414, %jit3A_1411 : i32
      %rem3A_1416 = arith.remsi %add3A_1386, %select_n3A_1415 : i32
      %ne3A_1417 = arith.constant 0 : i32
      %ne3A_1418 = arith.cmpi ne, %rem3A_1416, %ne3A_1417 : i32
      %lt3A_1419 = arith.constant 0 : i32
      %lt3A_1420 = arith.cmpi slt, %rem3A_1416, %lt3A_1419 : i32
      %lt3A_1421 = arith.constant 0 : i32
      %lt3A_1422 = arith.cmpi slt, %select_n3A_1415, %lt3A_1421 : i32
      %ne3A_1423 = arith.xori %lt3A_1420, %lt3A_1422 : i1
      %and3A_1424 = arith.andi %ne3A_1423, %ne3A_1418 : i1
      %add3A_1425 = arith.addi %rem3A_1416, %select_n3A_1415 : i32
      %select_n3A_1426 = arith.select %and3A_1424, %add3A_1425, %rem3A_1416 : i32
      %dma_start3A_1427 = arith.constant 0 : i32
      %dma_start3A_1428 = arith.constant 0 : i32
      %dma_start3A_1429 = arith.constant 0 : i32
      %dma_start3A_1430 = tpu.memref_slice %arg4[%select_n3A_1410, %select_n3A_1426, %dma_start3A_1427, %dma_start3A_1428, %dma_start3A_1429] : memref<100x8x32x8x128xf32, #tpu.memory_space<hbm>> -> memref<1x1x32x8x128xf32, #tpu.memory_space<hbm>>
      %dma_start3A_1431 = tpu.memref_squeeze %dma_start3A_1430 : memref<1x1x32x8x128xf32, #tpu.memory_space<hbm>> -> memref<32x8x128xf32, #tpu.memory_space<hbm>>
      %dma_start3A_1432 = arith.constant 0 : i32
      %dma_start3A_1433 = arith.constant 0 : i32
      %dma_start3A_1434 = arith.constant 0 : i32
      %dma_start3A_1435 = tpu.memref_slice %arg4[%select_n3A_1410, %select_n3A_1426, %dma_start3A_1432, %dma_start3A_1433, %dma_start3A_1434] : memref<100x8x32x8x128xf32, #tpu.memory_space<hbm>> -> memref<1x1x32x8x128xf32, #tpu.memory_space<hbm>>
      %dma_start3A_1436 = tpu.memref_squeeze %dma_start3A_1435 : memref<1x1x32x8x128xf32, #tpu.memory_space<hbm>> -> memref<32x8x128xf32, #tpu.memory_space<hbm>>
      tpu.enqueue_dma source(%arg10 : memref<32x8x128xf32, #tpu.memory_space<vmem>>) target(%dma_start3A_1436 : memref<32x8x128xf32, #tpu.memory_space<hbm>>) target_semaphore(%arg12 : memref<!tpu.dma_semaphore, #tpu.memory_space<semaphore_mem>>)
      %add3A_1437 = arith.constant 2 : i32
      %add3A_1438 = arith.addi %add3A_1238, %add3A_1437 : i32
      %min3A_1439 = arith.constant 24 : i32
      %min3A_1440 = arith.minsi %add3A_1438, %min3A_1439 : i32
      %add3A_1441 = arith.addi %mul3A_2, %min3A_1440 : i32
      %jit3A_1442 = arith.constant 8 : i32
      %div3A_1443 = arith.divsi %add3A_1441, %jit3A_1442 : i32
      %sign3A_1444 = arith.constant 0 : i32
      %sign3A_1445 = arith.cmpi sgt, %add3A_1441, %sign3A_1444 : i32
      %sign3A_1446 = arith.extui %sign3A_1445 : i1 to i32
      %sign3A_1447 = arith.constant 0 : i32
      %sign3A_1448 = arith.cmpi slt, %add3A_1441, %sign3A_1447 : i32
      %sign3A_1449 = arith.extui %sign3A_1448 : i1 to i32
      %sign3A_1450 = arith.subi %sign3A_1446, %sign3A_1449 : i32
      %sign3A_1451 = arith.constant 0 : i32
      %sign3A_1452 = arith.cmpi sgt, %jit3A_1442, %sign3A_1451 : i32
      %sign3A_1453 = arith.extui %sign3A_1452 : i1 to i32
      %sign3A_1454 = arith.constant 0 : i32
      %sign3A_1455 = arith.cmpi slt, %jit3A_1442, %sign3A_1454 : i32
      %sign3A_1456 = arith.extui %sign3A_1455 : i1 to i32
      %sign3A_1457 = arith.subi %sign3A_1453, %sign3A_1456 : i32
      %ne3A_1458 = arith.cmpi ne, %sign3A_1450, %sign3A_1457 : i32
      %rem3A_1459 = arith.remsi %add3A_1441, %jit3A_1442 : i32
      %ne3A_1460 = arith.constant 0 : i32
      %ne3A_1461 = arith.cmpi ne, %rem3A_1459, %ne3A_1460 : i32
      %and3A_1462 = arith.andi %ne3A_1458, %ne3A_1461 : i1
      %sub3A_1463 = arith.constant 1 : i32
      %sub3A_1464 = arith.subi %div3A_1443, %sub3A_1463 : i32
      %select_n3A_1465 = arith.select %and3A_1462, %sub3A_1464, %div3A_1443 : i32
      %jit3A_1466 = arith.constant 8 : i32
      %eq3A_1467 = arith.constant 0 : i32
      %eq3A_1468 = arith.cmpi eq, %jit3A_1466, %eq3A_1467 : i32
      %jit3A_1469 = arith.constant 1 : i32
      %select_n3A_1470 = arith.select %eq3A_1468, %jit3A_1469, %jit3A_1466 : i32
      %rem3A_1471 = arith.remsi %add3A_1441, %select_n3A_1470 : i32
      %ne3A_1472 = arith.constant 0 : i32
      %ne3A_1473 = arith.cmpi ne, %rem3A_1471, %ne3A_1472 : i32
      %lt3A_1474 = arith.constant 0 : i32
      %lt3A_1475 = arith.cmpi slt, %rem3A_1471, %lt3A_1474 : i32
      %lt3A_1476 = arith.constant 0 : i32
      %lt3A_1477 = arith.cmpi slt, %select_n3A_1470, %lt3A_1476 : i32
      %ne3A_1478 = arith.xori %lt3A_1475, %lt3A_1477 : i1
      %and3A_1479 = arith.andi %ne3A_1478, %ne3A_1473 : i1
      %add3A_1480 = arith.addi %rem3A_1471, %select_n3A_1470 : i32
      %select_n3A_1481 = arith.select %and3A_1479, %add3A_1480, %rem3A_1471 : i32
      %dma_start3A_1482 = arith.constant 0 : i32
      %dma_start3A_1483 = tpu.memref_slice %arg2[%select_n3A_1465, %dma_start3A_1482] : memref<100x4096xf32, #tpu.memory_space<hbm>> -> memref<1x4096xf32, #tpu.memory_space<hbm>>
      %dma_start3A_1484 = tpu.memref_squeeze %dma_start3A_1483 : memref<1x4096xf32, #tpu.memory_space<hbm>> -> memref<4096xf32, #tpu.memory_space<hbm>>
      %dma_start3A_1485 = arith.constant 0 : i32
      %dma_start3A_1486 = tpu.memref_slice %arg2[%select_n3A_1465, %dma_start3A_1485] : memref<100x4096xf32, #tpu.memory_space<hbm>> -> memref<1x4096xf32, #tpu.memory_space<hbm>>
      %dma_start3A_1487 = tpu.memref_squeeze %dma_start3A_1486 : memref<1x4096xf32, #tpu.memory_space<hbm>> -> memref<4096xf32, #tpu.memory_space<hbm>>
      tpu.enqueue_dma source(%dma_start3A_1487 : memref<4096xf32, #tpu.memory_space<hbm>>) target(%arg8 : memref<4096xf32, #tpu.memory_space<vmem>>) target_semaphore(%arg14 : memref<!tpu.dma_semaphore, #tpu.memory_space<semaphore_mem>>)
    }
    %scan3A_526 = arith.constant 11 : i32
    %min3A_527 = arith.constant 24 : i32
    %min3A_528 = arith.constant 24 : i32
    %min3A_529 = arith.minsi %min3A_527, %min3A_528 : i32
    %add3A_530 = arith.addi %mul3A_2, %min3A_529 : i32
    %jit3A_531 = arith.constant 8 : i32
    %div3A_532 = arith.divsi %add3A_530, %jit3A_531 : i32
    %sign3A_533 = arith.constant 0 : i32
    %sign3A_534 = arith.cmpi sgt, %add3A_530, %sign3A_533 : i32
    %sign3A_535 = arith.extui %sign3A_534 : i1 to i32
    %sign3A_536 = arith.constant 0 : i32
    %sign3A_537 = arith.cmpi slt, %add3A_530, %sign3A_536 : i32
    %sign3A_538 = arith.extui %sign3A_537 : i1 to i32
    %sign3A_539 = arith.subi %sign3A_535, %sign3A_538 : i32
    %sign3A_540 = arith.constant 0 : i32
    %sign3A_541 = arith.cmpi sgt, %jit3A_531, %sign3A_540 : i32
    %sign3A_542 = arith.extui %sign3A_541 : i1 to i32
    %sign3A_543 = arith.constant 0 : i32
    %sign3A_544 = arith.cmpi slt, %jit3A_531, %sign3A_543 : i32
    %sign3A_545 = arith.extui %sign3A_544 : i1 to i32
    %sign3A_546 = arith.subi %sign3A_542, %sign3A_545 : i32
    %ne3A_547 = arith.cmpi ne, %sign3A_539, %sign3A_546 : i32
    %rem3A_548 = arith.remsi %add3A_530, %jit3A_531 : i32
    %ne3A_549 = arith.constant 0 : i32
    %ne3A_550 = arith.cmpi ne, %rem3A_548, %ne3A_549 : i32
    %and3A_551 = arith.andi %ne3A_547, %ne3A_550 : i1
    %sub3A_552 = arith.constant 1 : i32
    %sub3A_553 = arith.subi %div3A_532, %sub3A_552 : i32
    %select_n3A_554 = arith.select %and3A_551, %sub3A_553, %div3A_532 : i32
    %jit3A_555 = arith.constant 8 : i32
    %eq3A_556 = arith.constant 0 : i32
    %eq3A_557 = arith.cmpi eq, %jit3A_555, %eq3A_556 : i32
    %jit3A_558 = arith.constant 1 : i32
    %select_n3A_559 = arith.select %eq3A_557, %jit3A_558, %jit3A_555 : i32
    %rem3A_560 = arith.remsi %add3A_530, %select_n3A_559 : i32
    %ne3A_561 = arith.constant 0 : i32
    %ne3A_562 = arith.cmpi ne, %rem3A_560, %ne3A_561 : i32
    %lt3A_563 = arith.constant 0 : i32
    %lt3A_564 = arith.cmpi slt, %rem3A_560, %lt3A_563 : i32
    %lt3A_565 = arith.constant 0 : i32
    %lt3A_566 = arith.cmpi slt, %select_n3A_559, %lt3A_565 : i32
    %ne3A_567 = arith.xori %lt3A_564, %lt3A_566 : i1
    %and3A_568 = arith.andi %ne3A_567, %ne3A_562 : i1
    %add3A_569 = arith.addi %rem3A_560, %select_n3A_559 : i32
    %select_n3A_570 = arith.select %and3A_568, %add3A_569, %rem3A_560 : i32
    %dma_wait3A_571 = arith.constant 0 : i32
    %dma_wait3A_572 = tpu.memref_slice %arg2[%select_n3A_554, %dma_wait3A_571] : memref<100x4096xf32, #tpu.memory_space<hbm>> -> memref<1x4096xf32, #tpu.memory_space<hbm>>
    %dma_wait3A_573 = tpu.memref_squeeze %dma_wait3A_572 : memref<1x4096xf32, #tpu.memory_space<hbm>> -> memref<4096xf32, #tpu.memory_space<hbm>>
    %dma_wait3A_574 = arith.constant 0 : i32
    %dma_wait3A_575 = tpu.memref_slice %arg2[%select_n3A_554, %dma_wait3A_574] : memref<100x4096xf32, #tpu.memory_space<hbm>> -> memref<1x4096xf32, #tpu.memory_space<hbm>>
    %dma_wait3A_576 = tpu.memref_squeeze %dma_wait3A_575 : memref<1x4096xf32, #tpu.memory_space<hbm>> -> memref<4096xf32, #tpu.memory_space<hbm>>
    tpu.wait_dma2 semaphore(%arg13 : memref<!tpu.dma_semaphore, #tpu.memory_space<semaphore_mem>>) src(%dma_wait3A_576 : memref<4096xf32, #tpu.memory_space<hbm>>) dst(%arg7 : memref<4096xf32, #tpu.memory_space<vmem>>)
    %add3A_577 = arith.constant 24 : i32
    %add3A_578 = arith.addi %mul3A_2, %add3A_577 : i32
    %jit3A_579 = arith.constant 8 : i32
    %div3A_580 = arith.divsi %add3A_578, %jit3A_579 : i32
    %sign3A_581 = arith.constant 0 : i32
    %sign3A_582 = arith.cmpi sgt, %add3A_578, %sign3A_581 : i32
    %sign3A_583 = arith.extui %sign3A_582 : i1 to i32
    %sign3A_584 = arith.constant 0 : i32
    %sign3A_585 = arith.cmpi slt, %add3A_578, %sign3A_584 : i32
    %sign3A_586 = arith.extui %sign3A_585 : i1 to i32
    %sign3A_587 = arith.subi %sign3A_583, %sign3A_586 : i32
    %sign3A_588 = arith.constant 0 : i32
    %sign3A_589 = arith.cmpi sgt, %jit3A_579, %sign3A_588 : i32
    %sign3A_590 = arith.extui %sign3A_589 : i1 to i32
    %sign3A_591 = arith.constant 0 : i32
    %sign3A_592 = arith.cmpi slt, %jit3A_579, %sign3A_591 : i32
    %sign3A_593 = arith.extui %sign3A_592 : i1 to i32
    %sign3A_594 = arith.subi %sign3A_590, %sign3A_593 : i32
    %ne3A_595 = arith.cmpi ne, %sign3A_587, %sign3A_594 : i32
    %rem3A_596 = arith.remsi %add3A_578, %jit3A_579 : i32
    %ne3A_597 = arith.constant 0 : i32
    %ne3A_598 = arith.cmpi ne, %rem3A_596, %ne3A_597 : i32
    %and3A_599 = arith.andi %ne3A_595, %ne3A_598 : i1
    %sub3A_600 = arith.constant 1 : i32
    %sub3A_601 = arith.subi %div3A_580, %sub3A_600 : i32
    %select_n3A_602 = arith.select %and3A_599, %sub3A_601, %div3A_580 : i32
    %jit3A_603 = arith.constant 8 : i32
    %eq3A_604 = arith.constant 0 : i32
    %eq3A_605 = arith.cmpi eq, %jit3A_603, %eq3A_604 : i32
    %jit3A_606 = arith.constant 1 : i32
    %select_n3A_607 = arith.select %eq3A_605, %jit3A_606, %jit3A_603 : i32
    %rem3A_608 = arith.remsi %add3A_578, %select_n3A_607 : i32
    %ne3A_609 = arith.constant 0 : i32
    %ne3A_610 = arith.cmpi ne, %rem3A_608, %ne3A_609 : i32
    %lt3A_611 = arith.constant 0 : i32
    %lt3A_612 = arith.cmpi slt, %rem3A_608, %lt3A_611 : i32
    %lt3A_613 = arith.constant 0 : i32
    %lt3A_614 = arith.cmpi slt, %select_n3A_607, %lt3A_613 : i32
    %ne3A_615 = arith.xori %lt3A_612, %lt3A_614 : i1
    %and3A_616 = arith.andi %ne3A_615, %ne3A_610 : i1
    %add3A_617 = arith.addi %rem3A_608, %select_n3A_607 : i32
    %select_n3A_618 = arith.select %and3A_616, %add3A_617, %rem3A_608 : i32
    %dma_wait3A_619 = arith.constant 0 : i32
    %dma_wait3A_620 = arith.constant 0 : i32
    %dma_wait3A_621 = arith.constant 0 : i32
    %dma_wait3A_622 = tpu.memref_slice %arg4[%select_n3A_602, %select_n3A_618, %dma_wait3A_619, %dma_wait3A_620, %dma_wait3A_621] : memref<100x8x32x8x128xf32, #tpu.memory_space<hbm>> -> memref<1x1x32x8x128xf32, #tpu.memory_space<hbm>>
    %dma_wait3A_623 = tpu.memref_squeeze %dma_wait3A_622 : memref<1x1x32x8x128xf32, #tpu.memory_space<hbm>> -> memref<32x8x128xf32, #tpu.memory_space<hbm>>
    %dma_wait3A_624 = arith.constant 0 : i32
    %dma_wait3A_625 = arith.constant 0 : i32
    %dma_wait3A_626 = arith.constant 0 : i32
    %dma_wait3A_627 = tpu.memref_slice %arg4[%select_n3A_602, %select_n3A_618, %dma_wait3A_624, %dma_wait3A_625, %dma_wait3A_626] : memref<100x8x32x8x128xf32, #tpu.memory_space<hbm>> -> memref<1x1x32x8x128xf32, #tpu.memory_space<hbm>>
    %dma_wait3A_628 = tpu.memref_squeeze %dma_wait3A_627 : memref<1x1x32x8x128xf32, #tpu.memory_space<hbm>> -> memref<32x8x128xf32, #tpu.memory_space<hbm>>
    tpu.wait_dma2 semaphore(%arg11 : memref<!tpu.dma_semaphore, #tpu.memory_space<semaphore_mem>>) src(%arg9 : memref<32x8x128xf32, #tpu.memory_space<vmem>>) dst(%dma_wait3A_628 : memref<32x8x128xf32, #tpu.memory_space<hbm>>)
    %add3A_629 = arith.constant 24 : i32
    %add3A_630 = arith.addi %mul3A_2, %add3A_629 : i32
    %jit3A_631 = arith.constant 8 : i32
    %div3A_632 = arith.divsi %add3A_630, %jit3A_631 : i32
    %sign3A_633 = arith.constant 0 : i32
    %sign3A_634 = arith.cmpi sgt, %add3A_630, %sign3A_633 : i32
    %sign3A_635 = arith.extui %sign3A_634 : i1 to i32
    %sign3A_636 = arith.constant 0 : i32
    %sign3A_637 = arith.cmpi slt, %add3A_630, %sign3A_636 : i32
    %sign3A_638 = arith.extui %sign3A_637 : i1 to i32
    %sign3A_639 = arith.subi %sign3A_635, %sign3A_638 : i32
    %sign3A_640 = arith.constant 0 : i32
    %sign3A_641 = arith.cmpi sgt, %jit3A_631, %sign3A_640 : i32
    %sign3A_642 = arith.extui %sign3A_641 : i1 to i32
    %sign3A_643 = arith.constant 0 : i32
    %sign3A_644 = arith.cmpi slt, %jit3A_631, %sign3A_643 : i32
    %sign3A_645 = arith.extui %sign3A_644 : i1 to i32
    %sign3A_646 = arith.subi %sign3A_642, %sign3A_645 : i32
    %ne3A_647 = arith.cmpi ne, %sign3A_639, %sign3A_646 : i32
    %rem3A_648 = arith.remsi %add3A_630, %jit3A_631 : i32
    %ne3A_649 = arith.constant 0 : i32
    %ne3A_650 = arith.cmpi ne, %rem3A_648, %ne3A_649 : i32
    %and3A_651 = arith.andi %ne3A_647, %ne3A_650 : i1
    %sub3A_652 = arith.constant 1 : i32
    %sub3A_653 = arith.subi %div3A_632, %sub3A_652 : i32
    %select_n3A_654 = arith.select %and3A_651, %sub3A_653, %div3A_632 : i32
    %jit3A_655 = arith.constant 8 : i32
    %eq3A_656 = arith.constant 0 : i32
    %eq3A_657 = arith.cmpi eq, %jit3A_655, %eq3A_656 : i32
    %jit3A_658 = arith.constant 1 : i32
    %select_n3A_659 = arith.select %eq3A_657, %jit3A_658, %jit3A_655 : i32
    %rem3A_660 = arith.remsi %add3A_630, %select_n3A_659 : i32
    %ne3A_661 = arith.constant 0 : i32
    %ne3A_662 = arith.cmpi ne, %rem3A_660, %ne3A_661 : i32
    %lt3A_663 = arith.constant 0 : i32
    %lt3A_664 = arith.cmpi slt, %rem3A_660, %lt3A_663 : i32
    %lt3A_665 = arith.constant 0 : i32
    %lt3A_666 = arith.cmpi slt, %select_n3A_659, %lt3A_665 : i32
    %ne3A_667 = arith.xori %lt3A_664, %lt3A_666 : i1
    %and3A_668 = arith.andi %ne3A_667, %ne3A_662 : i1
    %add3A_669 = arith.addi %rem3A_660, %select_n3A_659 : i32
    %select_n3A_670 = arith.select %and3A_668, %add3A_669, %rem3A_660 : i32
    %sub3A_671 = arith.subi %select_n3A_654, %min3A_19 : i32
    %mul3A_672 = arith.constant 8 : i32
    %mul3A_673 = arith.muli %select_n3A_670, %mul3A_672 : i32
    %parallel_loop3A_674 = arith.constant 0 : i32
    %parallel_loop3A_675 = arith.constant 256 : i32
    %parallel_loop3A_676 = arith.constant 1 : i32
    scf.for %parallel_loop3A_983 = %parallel_loop3A_674 to %parallel_loop3A_675 step %parallel_loop3A_676  : i32 {
      %parallel_loop3A_984 = arith.constant 16 : i32
      %parallel_loop3A_985 = arith.muli %parallel_loop3A_983, %parallel_loop3A_984 : i32
      %parallel_loop3A_986 = arith.index_cast %parallel_loop3A_985 : i32 to index
      %parallel_loop3A_987 = tpu.vector_load %arg7[%parallel_loop3A_986] {strides = array<i32>} : memref<4096xf32, #tpu.memory_space<vmem>>, vector<16xf32>,
      %parallel_loop3A_988 = arith.mulf %parallel_loop3A_987, %broadcast_in_dim3A_20 : vector<16xf32>
      %parallel_loop3A_989 = arith.fptosi %parallel_loop3A_988 : vector<16xf32> to vector<16xi32>
      %parallel_loop3A_990 = arith.addf %parallel_loop3A_988, %broadcast_in_dim3A_22 : vector<16xf32>
      %parallel_loop3A_991 = arith.fptosi %parallel_loop3A_990 : vector<16xf32> to vector<16xi32>
      %parallel_loop3A_992 = arith.sitofp %parallel_loop3A_991 : vector<16xi32> to vector<16xf32>
      %parallel_loop3A_993 = arith.subf %parallel_loop3A_992, %parallel_loop3A_988 : vector<16xf32>
      %parallel_loop3A_994 = arith.sitofp %parallel_loop3A_989 : vector<16xi32> to vector<16xf32>
      %parallel_loop3A_995 = arith.subf %parallel_loop3A_988, %parallel_loop3A_994 : vector<16xf32>
      %parallel_loop3A_996 = arith.constant 16 : i32
      %parallel_loop3A_997 = vector.broadcast %parallel_loop3A_996 : i32 to vector<16xi32>
      %parallel_loop3A_998 = arith.muli %parallel_loop3A_989, %parallel_loop3A_997 : vector<16xi32>
      %parallel_loop3A_999 = arith.addi %parallel_loop3A_998, %iota3A : vector<16xi32>
      %parallel_loop3A_1000 = arith.constant 16 : i32
      %parallel_loop3A_1001 = vector.broadcast %parallel_loop3A_1000 : i32 to vector<16xi32>
      %parallel_loop3A_1002 = arith.muli %parallel_loop3A_991, %parallel_loop3A_1001 : vector<16xi32>
      %parallel_loop3A_1003 = arith.addi %parallel_loop3A_1002, %iota3A : vector<16xi32>
      %parallel_loop3A_1004 = arith.constant 8 : i32
      %parallel_loop3A_1005 = arith.divsi %parallel_loop3A_983, %parallel_loop3A_1004 : i32
      %parallel_loop3A_1006 = arith.constant 0 : i32
      %parallel_loop3A_1007 = arith.cmpi sgt, %parallel_loop3A_983, %parallel_loop3A_1006 : i32
      %parallel_loop3A_1008 = arith.extui %parallel_loop3A_1007 : i1 to i32
      %parallel_loop3A_1009 = arith.constant 0 : i32
      %parallel_loop3A_1010 = arith.cmpi slt, %parallel_loop3A_983, %parallel_loop3A_1009 : i32
      %parallel_loop3A_1011 = arith.extui %parallel_loop3A_1010 : i1 to i32
      %parallel_loop3A_1012 = arith.subi %parallel_loop3A_1008, %parallel_loop3A_1011 : i32
      %parallel_loop3A_1013 = arith.constant 0 : i32
      %parallel_loop3A_1014 = arith.cmpi sgt, %parallel_loop3A_1004, %parallel_loop3A_1013 : i32
      %parallel_loop3A_1015 = arith.extui %parallel_loop3A_1014 : i1 to i32
      %parallel_loop3A_1016 = arith.constant 0 : i32
      %parallel_loop3A_1017 = arith.cmpi slt, %parallel_loop3A_1004, %parallel_loop3A_1016 : i32
      %parallel_loop3A_1018 = arith.extui %parallel_loop3A_1017 : i1 to i32
      %parallel_loop3A_1019 = arith.subi %parallel_loop3A_1015, %parallel_loop3A_1018 : i32
      %parallel_loop3A_1020 = arith.cmpi ne, %parallel_loop3A_1012, %parallel_loop3A_1019 : i32
      %parallel_loop3A_1021 = arith.remsi %parallel_loop3A_983, %parallel_loop3A_1004 : i32
      %parallel_loop3A_1022 = arith.constant 0 : i32
      %parallel_loop3A_1023 = arith.cmpi ne, %parallel_loop3A_1021, %parallel_loop3A_1022 : i32
      %parallel_loop3A_1024 = arith.andi %parallel_loop3A_1020, %parallel_loop3A_1023 : i1
      %parallel_loop3A_1025 = arith.constant 1 : i32
      %parallel_loop3A_1026 = arith.subi %parallel_loop3A_1005, %parallel_loop3A_1025 : i32
      %parallel_loop3A_1027 = arith.select %parallel_loop3A_1024, %parallel_loop3A_1026, %parallel_loop3A_1005 : i32
      %parallel_loop3A_1028 = arith.constant 8 : i32
      %parallel_loop3A_1029 = arith.constant 0 : i32
      %parallel_loop3A_1030 = arith.cmpi eq, %parallel_loop3A_1028, %parallel_loop3A_1029 : i32
      %parallel_loop3A_1031 = arith.constant 1 : i32
      %parallel_loop3A_1032 = arith.select %parallel_loop3A_1030, %parallel_loop3A_1031, %parallel_loop3A_1028 : i32
      %parallel_loop3A_1033 = arith.remsi %parallel_loop3A_983, %parallel_loop3A_1032 : i32
      %parallel_loop3A_1034 = arith.constant 0 : i32
      %parallel_loop3A_1035 = arith.cmpi ne, %parallel_loop3A_1033, %parallel_loop3A_1034 : i32
      %parallel_loop3A_1036 = arith.constant 0 : i32
      %parallel_loop3A_1037 = arith.cmpi slt, %parallel_loop3A_1033, %parallel_loop3A_1036 : i32
      %parallel_loop3A_1038 = arith.constant 0 : i32
      %parallel_loop3A_1039 = arith.cmpi slt, %parallel_loop3A_1032, %parallel_loop3A_1038 : i32
      %parallel_loop3A_1040 = arith.xori %parallel_loop3A_1037, %parallel_loop3A_1039 : i1
      %parallel_loop3A_1041 = arith.andi %parallel_loop3A_1040, %parallel_loop3A_1035 : i1
      %parallel_loop3A_1042 = arith.addi %parallel_loop3A_1033, %parallel_loop3A_1032 : i32
      %parallel_loop3A_1043 = arith.select %parallel_loop3A_1041, %parallel_loop3A_1042, %parallel_loop3A_1033 : i32
      %parallel_loop3A_1044 = arith.constant 16 : i32
      %parallel_loop3A_1045 = arith.muli %parallel_loop3A_1043, %parallel_loop3A_1044 : i32
      %parallel_loop3A_1046 = arith.constant 0 : i32
      %parallel_loop3A_1047 = vector.broadcast %parallel_loop3A_1046 : i32 to vector<16xi32>
      %parallel_loop3A_1048 = arith.constant 0 : i32
      %parallel_loop3A_1049 = arith.addi %mul3A_673, %parallel_loop3A_1048 : i32
      %parallel_loop3A_1050 = arith.constant 4 : i32
      %parallel_loop3A_1051 = arith.muli %parallel_loop3A_1049, %parallel_loop3A_1050 : i32
      %parallel_loop3A_1052 = arith.addi %parallel_loop3A_1051, %sub3A_671 : i32
      %parallel_loop3A_1053 = arith.constant 176 : i32
      %parallel_loop3A_1054 = arith.muli %parallel_loop3A_1052, %parallel_loop3A_1053 : i32
      %parallel_loop3A_1055 = vector.broadcast %parallel_loop3A_1054 : i32 to vector<16xi32>
      %parallel_loop3A_1056 = arith.addi %parallel_loop3A_1047, %parallel_loop3A_1055 : vector<16xi32>
      %parallel_loop3A_1057 = arith.addi %parallel_loop3A_1056, %parallel_loop3A_999 : vector<16xi32>
      %parallel_loop3A_1058 = tpu.vector_load_idx %arg6[%parallel_loop3A_1057] : memref<45056xf32, #tpu.memory_space<vmem>>[vector<16xi32>], vector<16xf32>,
      %parallel_loop3A_1059 = arith.addi %parallel_loop3A_1056, %parallel_loop3A_1003 : vector<16xi32>
      %parallel_loop3A_1060 = tpu.vector_load_idx %arg6[%parallel_loop3A_1059] : memref<45056xf32, #tpu.memory_space<vmem>>[vector<16xi32>], vector<16xf32>,
      %parallel_loop3A_1061 = arith.constant 0 : i32
      %parallel_loop3A_1062 = vector.broadcast %parallel_loop3A_1061 : i32 to vector<16xi32>
      %parallel_loop3A_1063 = arith.constant 1 : i32
      %parallel_loop3A_1064 = arith.addi %mul3A_673, %parallel_loop3A_1063 : i32
      %parallel_loop3A_1065 = arith.constant 4 : i32
      %parallel_loop3A_1066 = arith.muli %parallel_loop3A_1064, %parallel_loop3A_1065 : i32
      %parallel_loop3A_1067 = arith.addi %parallel_loop3A_1066, %sub3A_671 : i32
      %parallel_loop3A_1068 = arith.constant 176 : i32
      %parallel_loop3A_1069 = arith.muli %parallel_loop3A_1067, %parallel_loop3A_1068 : i32
      %parallel_loop3A_1070 = vector.broadcast %parallel_loop3A_1069 : i32 to vector<16xi32>
      %parallel_loop3A_1071 = arith.addi %parallel_loop3A_1062, %parallel_loop3A_1070 : vector<16xi32>
      %parallel_loop3A_1072 = arith.addi %parallel_loop3A_1071, %parallel_loop3A_999 : vector<16xi32>
      %parallel_loop3A_1073 = tpu.vector_load_idx %arg6[%parallel_loop3A_1072] : memref<45056xf32, #tpu.memory_space<vmem>>[vector<16xi32>], vector<16xf32>,
      %parallel_loop3A_1074 = arith.addi %parallel_loop3A_1071, %parallel_loop3A_1003 : vector<16xi32>
      %parallel_loop3A_1075 = tpu.vector_load_idx %arg6[%parallel_loop3A_1074] : memref<45056xf32, #tpu.memory_space<vmem>>[vector<16xi32>], vector<16xf32>,
      %parallel_loop3A_1076 = arith.constant 0 : i32
      %parallel_loop3A_1077 = vector.broadcast %parallel_loop3A_1076 : i32 to vector<16xi32>
      %parallel_loop3A_1078 = arith.constant 2 : i32
      %parallel_loop3A_1079 = arith.addi %mul3A_673, %parallel_loop3A_1078 : i32
      %parallel_loop3A_1080 = arith.constant 4 : i32
      %parallel_loop3A_1081 = arith.muli %parallel_loop3A_1079, %parallel_loop3A_1080 : i32
      %parallel_loop3A_1082 = arith.addi %parallel_loop3A_1081, %sub3A_671 : i32
      %parallel_loop3A_1083 = arith.constant 176 : i32
      %parallel_loop3A_1084 = arith.muli %parallel_loop3A_1082, %parallel_loop3A_1083 : i32
      %parallel_loop3A_1085 = vector.broadcast %parallel_loop3A_1084 : i32 to vector<16xi32>
      %parallel_loop3A_1086 = arith.addi %parallel_loop3A_1077, %parallel_loop3A_1085 : vector<16xi32>
      %parallel_loop3A_1087 = arith.addi %parallel_loop3A_1086, %parallel_loop3A_999 : vector<16xi32>
      %parallel_loop3A_1088 = tpu.vector_load_idx %arg6[%parallel_loop3A_1087] : memref<45056xf32, #tpu.memory_space<vmem>>[vector<16xi32>], vector<16xf32>,
      %parallel_loop3A_1089 = arith.addi %parallel_loop3A_1086, %parallel_loop3A_1003 : vector<16xi32>
      %parallel_loop3A_1090 = tpu.vector_load_idx %arg6[%parallel_loop3A_1089] : memref<45056xf32, #tpu.memory_space<vmem>>[vector<16xi32>], vector<16xf32>,
      %parallel_loop3A_1091 = arith.constant 0 : i32
      %parallel_loop3A_1092 = vector.broadcast %parallel_loop3A_1091 : i32 to vector<16xi32>
      %parallel_loop3A_1093 = arith.constant 3 : i32
      %parallel_loop3A_1094 = arith.addi %mul3A_673, %parallel_loop3A_1093 : i32
      %parallel_loop3A_1095 = arith.constant 4 : i32
      %parallel_loop3A_1096 = arith.muli %parallel_loop3A_1094, %parallel_loop3A_1095 : i32
      %parallel_loop3A_1097 = arith.addi %parallel_loop3A_1096, %sub3A_671 : i32
      %parallel_loop3A_1098 = arith.constant 176 : i32
      %parallel_loop3A_1099 = arith.muli %parallel_loop3A_1097, %parallel_loop3A_1098 : i32
      %parallel_loop3A_1100 = vector.broadcast %parallel_loop3A_1099 : i32 to vector<16xi32>
      %parallel_loop3A_1101 = arith.addi %parallel_loop3A_1092, %parallel_loop3A_1100 : vector<16xi32>
      %parallel_loop3A_1102 = arith.addi %parallel_loop3A_1101, %parallel_loop3A_999 : vector<16xi32>
      %parallel_loop3A_1103 = tpu.vector_load_idx %arg6[%parallel_loop3A_1102] : memref<45056xf32, #tpu.memory_space<vmem>>[vector<16xi32>], vector<16xf32>,
      %parallel_loop3A_1104 = arith.addi %parallel_loop3A_1101, %parallel_loop3A_1003 : vector<16xi32>
      %parallel_loop3A_1105 = tpu.vector_load_idx %arg6[%parallel_loop3A_1104] : memref<45056xf32, #tpu.memory_space<vmem>>[vector<16xi32>], vector<16xf32>,
      %parallel_loop3A_1106 = arith.constant 0 : i32
      %parallel_loop3A_1107 = vector.broadcast %parallel_loop3A_1106 : i32 to vector<16xi32>
      %parallel_loop3A_1108 = arith.constant 4 : i32
      %parallel_loop3A_1109 = arith.addi %mul3A_673, %parallel_loop3A_1108 : i32
      %parallel_loop3A_1110 = arith.constant 4 : i32
      %parallel_loop3A_1111 = arith.muli %parallel_loop3A_1109, %parallel_loop3A_1110 : i32
      %parallel_loop3A_1112 = arith.addi %parallel_loop3A_1111, %sub3A_671 : i32
      %parallel_loop3A_1113 = arith.constant 176 : i32
      %parallel_loop3A_1114 = arith.muli %parallel_loop3A_1112, %parallel_loop3A_1113 : i32
      %parallel_loop3A_1115 = vector.broadcast %parallel_loop3A_1114 : i32 to vector<16xi32>
      %parallel_loop3A_1116 = arith.addi %parallel_loop3A_1107, %parallel_loop3A_1115 : vector<16xi32>
      %parallel_loop3A_1117 = arith.addi %parallel_loop3A_1116, %parallel_loop3A_999 : vector<16xi32>
      %parallel_loop3A_1118 = tpu.vector_load_idx %arg6[%parallel_loop3A_1117] : memref<45056xf32, #tpu.memory_space<vmem>>[vector<16xi32>], vector<16xf32>,
      %parallel_loop3A_1119 = arith.addi %parallel_loop3A_1116, %parallel_loop3A_1003 : vector<16xi32>
      %parallel_loop3A_1120 = tpu.vector_load_idx %arg6[%parallel_loop3A_1119] : memref<45056xf32, #tpu.memory_space<vmem>>[vector<16xi32>], vector<16xf32>,
      %parallel_loop3A_1121 = arith.constant 0 : i32
      %parallel_loop3A_1122 = vector.broadcast %parallel_loop3A_1121 : i32 to vector<16xi32>
      %parallel_loop3A_1123 = arith.constant 5 : i32
      %parallel_loop3A_1124 = arith.addi %mul3A_673, %parallel_loop3A_1123 : i32
      %parallel_loop3A_1125 = arith.constant 4 : i32
      %parallel_loop3A_1126 = arith.muli %parallel_loop3A_1124, %parallel_loop3A_1125 : i32
      %parallel_loop3A_1127 = arith.addi %parallel_loop3A_1126, %sub3A_671 : i32
      %parallel_loop3A_1128 = arith.constant 176 : i32
      %parallel_loop3A_1129 = arith.muli %parallel_loop3A_1127, %parallel_loop3A_1128 : i32
      %parallel_loop3A_1130 = vector.broadcast %parallel_loop3A_1129 : i32 to vector<16xi32>
      %parallel_loop3A_1131 = arith.addi %parallel_loop3A_1122, %parallel_loop3A_1130 : vector<16xi32>
      %parallel_loop3A_1132 = arith.addi %parallel_loop3A_1131, %parallel_loop3A_999 : vector<16xi32>
      %parallel_loop3A_1133 = tpu.vector_load_idx %arg6[%parallel_loop3A_1132] : memref<45056xf32, #tpu.memory_space<vmem>>[vector<16xi32>], vector<16xf32>,
      %parallel_loop3A_1134 = arith.addi %parallel_loop3A_1131, %parallel_loop3A_1003 : vector<16xi32>
      %parallel_loop3A_1135 = tpu.vector_load_idx %arg6[%parallel_loop3A_1134] : memref<45056xf32, #tpu.memory_space<vmem>>[vector<16xi32>], vector<16xf32>,
      %parallel_loop3A_1136 = arith.constant 0 : i32
      %parallel_loop3A_1137 = vector.broadcast %parallel_loop3A_1136 : i32 to vector<16xi32>
      %parallel_loop3A_1138 = arith.constant 6 : i32
      %parallel_loop3A_1139 = arith.addi %mul3A_673, %parallel_loop3A_1138 : i32
      %parallel_loop3A_1140 = arith.constant 4 : i32
      %parallel_loop3A_1141 = arith.muli %parallel_loop3A_1139, %parallel_loop3A_1140 : i32
      %parallel_loop3A_1142 = arith.addi %parallel_loop3A_1141, %sub3A_671 : i32
      %parallel_loop3A_1143 = arith.constant 176 : i32
      %parallel_loop3A_1144 = arith.muli %parallel_loop3A_1142, %parallel_loop3A_1143 : i32
      %parallel_loop3A_1145 = vector.broadcast %parallel_loop3A_1144 : i32 to vector<16xi32>
      %parallel_loop3A_1146 = arith.addi %parallel_loop3A_1137, %parallel_loop3A_1145 : vector<16xi32>
      %parallel_loop3A_1147 = arith.addi %parallel_loop3A_1146, %parallel_loop3A_999 : vector<16xi32>
      %parallel_loop3A_1148 = tpu.vector_load_idx %arg6[%parallel_loop3A_1147] : memref<45056xf32, #tpu.memory_space<vmem>>[vector<16xi32>], vector<16xf32>,
      %parallel_loop3A_1149 = arith.addi %parallel_loop3A_1146, %parallel_loop3A_1003 : vector<16xi32>
      %parallel_loop3A_1150 = tpu.vector_load_idx %arg6[%parallel_loop3A_1149] : memref<45056xf32, #tpu.memory_space<vmem>>[vector<16xi32>], vector<16xf32>,
      %parallel_loop3A_1151 = arith.constant 0 : i32
      %parallel_loop3A_1152 = vector.broadcast %parallel_loop3A_1151 : i32 to vector<16xi32>
      %parallel_loop3A_1153 = arith.constant 7 : i32
      %parallel_loop3A_1154 = arith.addi %mul3A_673, %parallel_loop3A_1153 : i32
      %parallel_loop3A_1155 = arith.constant 4 : i32
      %parallel_loop3A_1156 = arith.muli %parallel_loop3A_1154, %parallel_loop3A_1155 : i32
      %parallel_loop3A_1157 = arith.addi %parallel_loop3A_1156, %sub3A_671 : i32
      %parallel_loop3A_1158 = arith.constant 176 : i32
      %parallel_loop3A_1159 = arith.muli %parallel_loop3A_1157, %parallel_loop3A_1158 : i32
      %parallel_loop3A_1160 = vector.broadcast %parallel_loop3A_1159 : i32 to vector<16xi32>
      %parallel_loop3A_1161 = arith.addi %parallel_loop3A_1152, %parallel_loop3A_1160 : vector<16xi32>
      %parallel_loop3A_1162 = arith.addi %parallel_loop3A_1161, %parallel_loop3A_999 : vector<16xi32>
      %parallel_loop3A_1163 = tpu.vector_load_idx %arg6[%parallel_loop3A_1162] : memref<45056xf32, #tpu.memory_space<vmem>>[vector<16xi32>], vector<16xf32>,
      %parallel_loop3A_1164 = arith.addi %parallel_loop3A_1161, %parallel_loop3A_1003 : vector<16xi32>
      %parallel_loop3A_1165 = tpu.vector_load_idx %arg6[%parallel_loop3A_1164] : memref<45056xf32, #tpu.memory_space<vmem>>[vector<16xi32>], vector<16xf32>,
      %parallel_loop3A_1166 = arith.mulf %parallel_loop3A_993, %parallel_loop3A_1058 : vector<16xf32>
      %parallel_loop3A_1167 = arith.mulf %parallel_loop3A_995, %parallel_loop3A_1060 : vector<16xf32>
      %parallel_loop3A_1168 = arith.addf %parallel_loop3A_1166, %parallel_loop3A_1167 : vector<16xf32>
      %parallel_loop3A_1169 = arith.mulf %parallel_loop3A_993, %parallel_loop3A_1073 : vector<16xf32>
      %parallel_loop3A_1170 = arith.mulf %parallel_loop3A_995, %parallel_loop3A_1075 : vector<16xf32>
      %parallel_loop3A_1171 = arith.addf %parallel_loop3A_1169, %parallel_loop3A_1170 : vector<16xf32>
      %parallel_loop3A_1172 = arith.mulf %parallel_loop3A_993, %parallel_loop3A_1088 : vector<16xf32>
      %parallel_loop3A_1173 = arith.mulf %parallel_loop3A_995, %parallel_loop3A_1090 : vector<16xf32>
      %parallel_loop3A_1174 = arith.addf %parallel_loop3A_1172, %parallel_loop3A_1173 : vector<16xf32>
      %parallel_loop3A_1175 = arith.mulf %parallel_loop3A_993, %parallel_loop3A_1103 : vector<16xf32>
      %parallel_loop3A_1176 = arith.mulf %parallel_loop3A_995, %parallel_loop3A_1105 : vector<16xf32>
      %parallel_loop3A_1177 = arith.addf %parallel_loop3A_1175, %parallel_loop3A_1176 : vector<16xf32>
      %parallel_loop3A_1178 = arith.mulf %parallel_loop3A_993, %parallel_loop3A_1118 : vector<16xf32>
      %parallel_loop3A_1179 = arith.mulf %parallel_loop3A_995, %parallel_loop3A_1120 : vector<16xf32>
      %parallel_loop3A_1180 = arith.addf %parallel_loop3A_1178, %parallel_loop3A_1179 : vector<16xf32>
      %parallel_loop3A_1181 = arith.mulf %parallel_loop3A_993, %parallel_loop3A_1133 : vector<16xf32>
      %parallel_loop3A_1182 = arith.mulf %parallel_loop3A_995, %parallel_loop3A_1135 : vector<16xf32>
      %parallel_loop3A_1183 = arith.addf %parallel_loop3A_1181, %parallel_loop3A_1182 : vector<16xf32>
      %parallel_loop3A_1184 = arith.mulf %parallel_loop3A_993, %parallel_loop3A_1148 : vector<16xf32>
      %parallel_loop3A_1185 = arith.mulf %parallel_loop3A_995, %parallel_loop3A_1150 : vector<16xf32>
      %parallel_loop3A_1186 = arith.addf %parallel_loop3A_1184, %parallel_loop3A_1185 : vector<16xf32>
      %parallel_loop3A_1187 = arith.mulf %parallel_loop3A_993, %parallel_loop3A_1163 : vector<16xf32>
      %parallel_loop3A_1188 = arith.mulf %parallel_loop3A_995, %parallel_loop3A_1165 : vector<16xf32>
      %parallel_loop3A_1189 = arith.addf %parallel_loop3A_1187, %parallel_loop3A_1188 : vector<16xf32>
      %parallel_loop3A_1190 = arith.constant 0 : i32
      %parallel_loop3A_1191 = arith.index_cast %parallel_loop3A_1027 : i32 to index
      %parallel_loop3A_1192 = arith.index_cast %parallel_loop3A_1190 : i32 to index
      %parallel_loop3A_1193 = arith.index_cast %parallel_loop3A_1045 : i32 to index
      %parallel_loop3A_1194 = tpu.vector_load %arg9[%parallel_loop3A_1191, %parallel_loop3A_1192, %parallel_loop3A_1193] {strides = array<i32>} : memref<32x8x128xf32, #tpu.memory_space<vmem>>, vector<16xf32>,
      tpu.vector_store %arg9[%parallel_loop3A_1191, %parallel_loop3A_1192, %parallel_loop3A_1193], %parallel_loop3A_1168 {strides = array<i32>} : memref<32x8x128xf32, #tpu.memory_space<vmem>>, vector<16xf32>,
      %parallel_loop3A_1195 = arith.constant 1 : i32
      %parallel_loop3A_1196 = arith.index_cast %parallel_loop3A_1027 : i32 to index
      %parallel_loop3A_1197 = arith.index_cast %parallel_loop3A_1195 : i32 to index
      %parallel_loop3A_1198 = arith.index_cast %parallel_loop3A_1045 : i32 to index
      %parallel_loop3A_1199 = tpu.vector_load %arg9[%parallel_loop3A_1196, %parallel_loop3A_1197, %parallel_loop3A_1198] {strides = array<i32>} : memref<32x8x128xf32, #tpu.memory_space<vmem>>, vector<16xf32>,
      tpu.vector_store %arg9[%parallel_loop3A_1196, %parallel_loop3A_1197, %parallel_loop3A_1198], %parallel_loop3A_1171 {strides = array<i32>} : memref<32x8x128xf32, #tpu.memory_space<vmem>>, vector<16xf32>,
      %parallel_loop3A_1200 = arith.constant 2 : i32
      %parallel_loop3A_1201 = arith.index_cast %parallel_loop3A_1027 : i32 to index
      %parallel_loop3A_1202 = arith.index_cast %parallel_loop3A_1200 : i32 to index
      %parallel_loop3A_1203 = arith.index_cast %parallel_loop3A_1045 : i32 to index
      %parallel_loop3A_1204 = tpu.vector_load %arg9[%parallel_loop3A_1201, %parallel_loop3A_1202, %parallel_loop3A_1203] {strides = array<i32>} : memref<32x8x128xf32, #tpu.memory_space<vmem>>, vector<16xf32>,
      tpu.vector_store %arg9[%parallel_loop3A_1201, %parallel_loop3A_1202, %parallel_loop3A_1203], %parallel_loop3A_1174 {strides = array<i32>} : memref<32x8x128xf32, #tpu.memory_space<vmem>>, vector<16xf32>,
      %parallel_loop3A_1205 = arith.constant 3 : i32
      %parallel_loop3A_1206 = arith.index_cast %parallel_loop3A_1027 : i32 to index
      %parallel_loop3A_1207 = arith.index_cast %parallel_loop3A_1205 : i32 to index
      %parallel_loop3A_1208 = arith.index_cast %parallel_loop3A_1045 : i32 to index
      %parallel_loop3A_1209 = tpu.vector_load %arg9[%parallel_loop3A_1206, %parallel_loop3A_1207, %parallel_loop3A_1208] {strides = array<i32>} : memref<32x8x128xf32, #tpu.memory_space<vmem>>, vector<16xf32>,
      tpu.vector_store %arg9[%parallel_loop3A_1206, %parallel_loop3A_1207, %parallel_loop3A_1208], %parallel_loop3A_1177 {strides = array<i32>} : memref<32x8x128xf32, #tpu.memory_space<vmem>>, vector<16xf32>,
      %parallel_loop3A_1210 = arith.constant 4 : i32
      %parallel_loop3A_1211 = arith.index_cast %parallel_loop3A_1027 : i32 to index
      %parallel_loop3A_1212 = arith.index_cast %parallel_loop3A_1210 : i32 to index
      %parallel_loop3A_1213 = arith.index_cast %parallel_loop3A_1045 : i32 to index
      %parallel_loop3A_1214 = tpu.vector_load %arg9[%parallel_loop3A_1211, %parallel_loop3A_1212, %parallel_loop3A_1213] {strides = array<i32>} : memref<32x8x128xf32, #tpu.memory_space<vmem>>, vector<16xf32>,
      tpu.vector_store %arg9[%parallel_loop3A_1211, %parallel_loop3A_1212, %parallel_loop3A_1213], %parallel_loop3A_1180 {strides = array<i32>} : memref<32x8x128xf32, #tpu.memory_space<vmem>>, vector<16xf32>,
      %parallel_loop3A_1215 = arith.constant 5 : i32
      %parallel_loop3A_1216 = arith.index_cast %parallel_loop3A_1027 : i32 to index
      %parallel_loop3A_1217 = arith.index_cast %parallel_loop3A_1215 : i32 to index
      %parallel_loop3A_1218 = arith.index_cast %parallel_loop3A_1045 : i32 to index
      %parallel_loop3A_1219 = tpu.vector_load %arg9[%parallel_loop3A_1216, %parallel_loop3A_1217, %parallel_loop3A_1218] {strides = array<i32>} : memref<32x8x128xf32, #tpu.memory_space<vmem>>, vector<16xf32>,
      tpu.vector_store %arg9[%parallel_loop3A_1216, %parallel_loop3A_1217, %parallel_loop3A_1218], %parallel_loop3A_1183 {strides = array<i32>} : memref<32x8x128xf32, #tpu.memory_space<vmem>>, vector<16xf32>,
      %parallel_loop3A_1220 = arith.constant 6 : i32
      %parallel_loop3A_1221 = arith.index_cast %parallel_loop3A_1027 : i32 to index
      %parallel_loop3A_1222 = arith.index_cast %parallel_loop3A_1220 : i32 to index
      %parallel_loop3A_1223 = arith.index_cast %parallel_loop3A_1045 : i32 to index
      %parallel_loop3A_1224 = tpu.vector_load %arg9[%parallel_loop3A_1221, %parallel_loop3A_1222, %parallel_loop3A_1223] {strides = array<i32>} : memref<32x8x128xf32, #tpu.memory_space<vmem>>, vector<16xf32>,
      tpu.vector_store %arg9[%parallel_loop3A_1221, %parallel_loop3A_1222, %parallel_loop3A_1223], %parallel_loop3A_1186 {strides = array<i32>} : memref<32x8x128xf32, #tpu.memory_space<vmem>>, vector<16xf32>,
      %parallel_loop3A_1225 = arith.constant 7 : i32
      %parallel_loop3A_1226 = arith.index_cast %parallel_loop3A_1027 : i32 to index
      %parallel_loop3A_1227 = arith.index_cast %parallel_loop3A_1225 : i32 to index
      %parallel_loop3A_1228 = arith.index_cast %parallel_loop3A_1045 : i32 to index
      %parallel_loop3A_1229 = tpu.vector_load %arg9[%parallel_loop3A_1226, %parallel_loop3A_1227, %parallel_loop3A_1228] {strides = array<i32>} : memref<32x8x128xf32, #tpu.memory_space<vmem>>, vector<16xf32>,
      tpu.vector_store %arg9[%parallel_loop3A_1226, %parallel_loop3A_1227, %parallel_loop3A_1228], %parallel_loop3A_1189 {strides = array<i32>} : memref<32x8x128xf32, #tpu.memory_space<vmem>>, vector<16xf32>,
    } {sc.loop_unroll_factor = 2 : i64, sc.parallel_access}
    %add3A_677 = arith.constant 24 : i32
    %add3A_678 = arith.addi %mul3A_2, %add3A_677 : i32
    %jit3A_679 = arith.constant 8 : i32
    %div3A_680 = arith.divsi %add3A_678, %jit3A_679 : i32
    %sign3A_681 = arith.constant 0 : i32
    %sign3A_682 = arith.cmpi sgt, %add3A_678, %sign3A_681 : i32
    %sign3A_683 = arith.extui %sign3A_682 : i1 to i32
    %sign3A_684 = arith.constant 0 : i32
    %sign3A_685 = arith.cmpi slt, %add3A_678, %sign3A_684 : i32
    %sign3A_686 = arith.extui %sign3A_685 : i1 to i32
    %sign3A_687 = arith.subi %sign3A_683, %sign3A_686 : i32
    %sign3A_688 = arith.constant 0 : i32
    %sign3A_689 = arith.cmpi sgt, %jit3A_679, %sign3A_688 : i32
    %sign3A_690 = arith.extui %sign3A_689 : i1 to i32
    %sign3A_691 = arith.constant 0 : i32
    %sign3A_692 = arith.cmpi slt, %jit3A_679, %sign3A_691 : i32
    %sign3A_693 = arith.extui %sign3A_692 : i1 to i32
    %sign3A_694 = arith.subi %sign3A_690, %sign3A_693 : i32
    %ne3A_695 = arith.cmpi ne, %sign3A_687, %sign3A_694 : i32
    %rem3A_696 = arith.remsi %add3A_678, %jit3A_679 : i32
    %ne3A_697 = arith.constant 0 : i32
    %ne3A_698 = arith.cmpi ne, %rem3A_696, %ne3A_697 : i32
    %and3A_699 = arith.andi %ne3A_695, %ne3A_698 : i1
    %sub3A_700 = arith.constant 1 : i32
    %sub3A_701 = arith.subi %div3A_680, %sub3A_700 : i32
    %select_n3A_702 = arith.select %and3A_699, %sub3A_701, %div3A_680 : i32
    %jit3A_703 = arith.constant 8 : i32
    %eq3A_704 = arith.constant 0 : i32
    %eq3A_705 = arith.cmpi eq, %jit3A_703, %eq3A_704 : i32
    %jit3A_706 = arith.constant 1 : i32
    %select_n3A_707 = arith.select %eq3A_705, %jit3A_706, %jit3A_703 : i32
    %rem3A_708 = arith.remsi %add3A_678, %select_n3A_707 : i32
    %ne3A_709 = arith.constant 0 : i32
    %ne3A_710 = arith.cmpi ne, %rem3A_708, %ne3A_709 : i32
    %lt3A_711 = arith.constant 0 : i32
    %lt3A_712 = arith.cmpi slt, %rem3A_708, %lt3A_711 : i32
    %lt3A_713 = arith.constant 0 : i32
    %lt3A_714 = arith.cmpi slt, %select_n3A_707, %lt3A_713 : i32
    %ne3A_715 = arith.xori %lt3A_712, %lt3A_714 : i1
    %and3A_716 = arith.andi %ne3A_715, %ne3A_710 : i1
    %add3A_717 = arith.addi %rem3A_708, %select_n3A_707 : i32
    %select_n3A_718 = arith.select %and3A_716, %add3A_717, %rem3A_708 : i32
    %dma_start3A_719 = arith.constant 0 : i32
    %dma_start3A_720 = arith.constant 0 : i32
    %dma_start3A_721 = arith.constant 0 : i32
    %dma_start3A_722 = tpu.memref_slice %arg4[%select_n3A_702, %select_n3A_718, %dma_start3A_719, %dma_start3A_720, %dma_start3A_721] : memref<100x8x32x8x128xf32, #tpu.memory_space<hbm>> -> memref<1x1x32x8x128xf32, #tpu.memory_space<hbm>>
    %dma_start3A_723 = tpu.memref_squeeze %dma_start3A_722 : memref<1x1x32x8x128xf32, #tpu.memory_space<hbm>> -> memref<32x8x128xf32, #tpu.memory_space<hbm>>
    %dma_start3A_724 = arith.constant 0 : i32
    %dma_start3A_725 = arith.constant 0 : i32
    %dma_start3A_726 = arith.constant 0 : i32
    %dma_start3A_727 = tpu.memref_slice %arg4[%select_n3A_702, %select_n3A_718, %dma_start3A_724, %dma_start3A_725, %dma_start3A_726] : memref<100x8x32x8x128xf32, #tpu.memory_space<hbm>> -> memref<1x1x32x8x128xf32, #tpu.memory_space<hbm>>
    %dma_start3A_728 = tpu.memref_squeeze %dma_start3A_727 : memref<1x1x32x8x128xf32, #tpu.memory_space<hbm>> -> memref<32x8x128xf32, #tpu.memory_space<hbm>>
    tpu.enqueue_dma source(%arg9 : memref<32x8x128xf32, #tpu.memory_space<vmem>>) target(%dma_start3A_728 : memref<32x8x128xf32, #tpu.memory_space<hbm>>) target_semaphore(%arg11 : memref<!tpu.dma_semaphore, #tpu.memory_space<semaphore_mem>>)
    %min3A_729 = arith.constant 26 : i32
    %min3A_730 = arith.constant 24 : i32
    %min3A_731 = arith.minsi %min3A_729, %min3A_730 : i32
    %add3A_732 = arith.addi %mul3A_2, %min3A_731 : i32
    %jit3A_733 = arith.constant 8 : i32
    %div3A_734 = arith.divsi %add3A_732, %jit3A_733 : i32
    %sign3A_735 = arith.constant 0 : i32
    %sign3A_736 = arith.cmpi sgt, %add3A_732, %sign3A_735 : i32
    %sign3A_737 = arith.extui %sign3A_736 : i1 to i32
    %sign3A_738 = arith.constant 0 : i32
    %sign3A_739 = arith.cmpi slt, %add3A_732, %sign3A_738 : i32
    %sign3A_740 = arith.extui %sign3A_739 : i1 to i32
    %sign3A_741 = arith.subi %sign3A_737, %sign3A_740 : i32
    %sign3A_742 = arith.constant 0 : i32
    %sign3A_743 = arith.cmpi sgt, %jit3A_733, %sign3A_742 : i32
    %sign3A_744 = arith.extui %sign3A_743 : i1 to i32
    %sign3A_745 = arith.constant 0 : i32
    %sign3A_746 = arith.cmpi slt, %jit3A_733, %sign3A_745 : i32
    %sign3A_747 = arith.extui %sign3A_746 : i1 to i32
    %sign3A_748 = arith.subi %sign3A_744, %sign3A_747 : i32
    %ne3A_749 = arith.cmpi ne, %sign3A_741, %sign3A_748 : i32
    %rem3A_750 = arith.remsi %add3A_732, %jit3A_733 : i32
    %ne3A_751 = arith.constant 0 : i32
    %ne3A_752 = arith.cmpi ne, %rem3A_750, %ne3A_751 : i32
    %and3A_753 = arith.andi %ne3A_749, %ne3A_752 : i1
    %sub3A_754 = arith.constant 1 : i32
    %sub3A_755 = arith.subi %div3A_734, %sub3A_754 : i32
    %select_n3A_756 = arith.select %and3A_753, %sub3A_755, %div3A_734 : i32
    %jit3A_757 = arith.constant 8 : i32
    %eq3A_758 = arith.constant 0 : i32
    %eq3A_759 = arith.cmpi eq, %jit3A_757, %eq3A_758 : i32
    %jit3A_760 = arith.constant 1 : i32
    %select_n3A_761 = arith.select %eq3A_759, %jit3A_760, %jit3A_757 : i32
    %rem3A_762 = arith.remsi %add3A_732, %select_n3A_761 : i32
    %ne3A_763 = arith.constant 0 : i32
    %ne3A_764 = arith.cmpi ne, %rem3A_762, %ne3A_763 : i32
    %lt3A_765 = arith.constant 0 : i32
    %lt3A_766 = arith.cmpi slt, %rem3A_762, %lt3A_765 : i32
    %lt3A_767 = arith.constant 0 : i32
    %lt3A_768 = arith.cmpi slt, %select_n3A_761, %lt3A_767 : i32
    %ne3A_769 = arith.xori %lt3A_766, %lt3A_768 : i1
    %and3A_770 = arith.andi %ne3A_769, %ne3A_764 : i1
    %add3A_771 = arith.addi %rem3A_762, %select_n3A_761 : i32
    %select_n3A_772 = arith.select %and3A_770, %add3A_771, %rem3A_762 : i32
    %dma_start3A_773 = arith.constant 0 : i32
    %dma_start3A_774 = tpu.memref_slice %arg2[%select_n3A_756, %dma_start3A_773] : memref<100x4096xf32, #tpu.memory_space<hbm>> -> memref<1x4096xf32, #tpu.memory_space<hbm>>
    %dma_start3A_775 = tpu.memref_squeeze %dma_start3A_774 : memref<1x4096xf32, #tpu.memory_space<hbm>> -> memref<4096xf32, #tpu.memory_space<hbm>>
    %dma_start3A_776 = arith.constant 0 : i32
    %dma_start3A_777 = tpu.memref_slice %arg2[%select_n3A_756, %dma_start3A_776] : memref<100x4096xf32, #tpu.memory_space<hbm>> -> memref<1x4096xf32, #tpu.memory_space<hbm>>
    %dma_start3A_778 = tpu.memref_squeeze %dma_start3A_777 : memref<1x4096xf32, #tpu.memory_space<hbm>> -> memref<4096xf32, #tpu.memory_space<hbm>>
    tpu.enqueue_dma source(%dma_start3A_778 : memref<4096xf32, #tpu.memory_space<hbm>>) target(%arg7 : memref<4096xf32, #tpu.memory_space<vmem>>) target_semaphore(%arg13 : memref<!tpu.dma_semaphore, #tpu.memory_space<semaphore_mem>>)
    %min3A_779 = arith.constant 0 : i32
    %min3A_780 = arith.constant 24 : i32
    %min3A_781 = arith.minsi %min3A_779, %min3A_780 : i32
    %add3A_782 = arith.addi %mul3A_2, %min3A_781 : i32
    %jit3A_783 = arith.constant 8 : i32
    %div3A_784 = arith.divsi %add3A_782, %jit3A_783 : i32
    %sign3A_785 = arith.constant 0 : i32
    %sign3A_786 = arith.cmpi sgt, %add3A_782, %sign3A_785 : i32
    %sign3A_787 = arith.extui %sign3A_786 : i1 to i32
    %sign3A_788 = arith.constant 0 : i32
    %sign3A_789 = arith.cmpi slt, %add3A_782, %sign3A_788 : i32
    %sign3A_790 = arith.extui %sign3A_789 : i1 to i32
    %sign3A_791 = arith.subi %sign3A_787, %sign3A_790 : i32
    %sign3A_792 = arith.constant 0 : i32
    %sign3A_793 = arith.cmpi sgt, %jit3A_783, %sign3A_792 : i32
    %sign3A_794 = arith.extui %sign3A_793 : i1 to i32
    %sign3A_795 = arith.constant 0 : i32
    %sign3A_796 = arith.cmpi slt, %jit3A_783, %sign3A_795 : i32
    %sign3A_797 = arith.extui %sign3A_796 : i1 to i32
    %sign3A_798 = arith.subi %sign3A_794, %sign3A_797 : i32
    %ne3A_799 = arith.cmpi ne, %sign3A_791, %sign3A_798 : i32
    %rem3A_800 = arith.remsi %add3A_782, %jit3A_783 : i32
    %ne3A_801 = arith.constant 0 : i32
    %ne3A_802 = arith.cmpi ne, %rem3A_800, %ne3A_801 : i32
    %and3A_803 = arith.andi %ne3A_799, %ne3A_802 : i1
    %sub3A_804 = arith.constant 1 : i32
    %sub3A_805 = arith.subi %div3A_784, %sub3A_804 : i32
    %select_n3A_806 = arith.select %and3A_803, %sub3A_805, %div3A_784 : i32
    %jit3A_807 = arith.constant 8 : i32
    %eq3A_808 = arith.constant 0 : i32
    %eq3A_809 = arith.cmpi eq, %jit3A_807, %eq3A_808 : i32
    %jit3A_810 = arith.constant 1 : i32
    %select_n3A_811 = arith.select %eq3A_809, %jit3A_810, %jit3A_807 : i32
    %rem3A_812 = arith.remsi %add3A_782, %select_n3A_811 : i32
    %ne3A_813 = arith.constant 0 : i32
    %ne3A_814 = arith.cmpi ne, %rem3A_812, %ne3A_813 : i32
    %lt3A_815 = arith.constant 0 : i32
    %lt3A_816 = arith.cmpi slt, %rem3A_812, %lt3A_815 : i32
    %lt3A_817 = arith.constant 0 : i32
    %lt3A_818 = arith.cmpi slt, %select_n3A_811, %lt3A_817 : i32
    %ne3A_819 = arith.xori %lt3A_816, %lt3A_818 : i1
    %and3A_820 = arith.andi %ne3A_819, %ne3A_814 : i1
    %add3A_821 = arith.addi %rem3A_812, %select_n3A_811 : i32
    %select_n3A_822 = arith.select %and3A_820, %add3A_821, %rem3A_812 : i32
    %dma_wait3A_823 = arith.constant 0 : i32
    %dma_wait3A_824 = tpu.memref_slice %arg2[%select_n3A_806, %dma_wait3A_823] : memref<100x4096xf32, #tpu.memory_space<hbm>> -> memref<1x4096xf32, #tpu.memory_space<hbm>>
    %dma_wait3A_825 = tpu.memref_squeeze %dma_wait3A_824 : memref<1x4096xf32, #tpu.memory_space<hbm>> -> memref<4096xf32, #tpu.memory_space<hbm>>
    %dma_wait3A_826 = arith.constant 0 : i32
    %dma_wait3A_827 = tpu.memref_slice %arg2[%select_n3A_806, %dma_wait3A_826] : memref<100x4096xf32, #tpu.memory_space<hbm>> -> memref<1x4096xf32, #tpu.memory_space<hbm>>
    %dma_wait3A_828 = tpu.memref_squeeze %dma_wait3A_827 : memref<1x4096xf32, #tpu.memory_space<hbm>> -> memref<4096xf32, #tpu.memory_space<hbm>>
    tpu.wait_dma2 semaphore(%arg13 : memref<!tpu.dma_semaphore, #tpu.memory_space<semaphore_mem>>) src(%dma_wait3A_828 : memref<4096xf32, #tpu.memory_space<hbm>>) dst(%arg7 : memref<4096xf32, #tpu.memory_space<vmem>>)
    %min3A_829 = arith.constant 0 : i32
    %min3A_830 = arith.constant 24 : i32
    %min3A_831 = arith.minsi %min3A_829, %min3A_830 : i32
    %add3A_832 = arith.addi %mul3A_2, %min3A_831 : i32
    %jit3A_833 = arith.constant 8 : i32
    %div3A_834 = arith.divsi %add3A_832, %jit3A_833 : i32
    %sign3A_835 = arith.constant 0 : i32
    %sign3A_836 = arith.cmpi sgt, %add3A_832, %sign3A_835 : i32
    %sign3A_837 = arith.extui %sign3A_836 : i1 to i32
    %sign3A_838 = arith.constant 0 : i32
    %sign3A_839 = arith.cmpi slt, %add3A_832, %sign3A_838 : i32
    %sign3A_840 = arith.extui %sign3A_839 : i1 to i32
    %sign3A_841 = arith.subi %sign3A_837, %sign3A_840 : i32
    %sign3A_842 = arith.constant 0 : i32
    %sign3A_843 = arith.cmpi sgt, %jit3A_833, %sign3A_842 : i32
    %sign3A_844 = arith.extui %sign3A_843 : i1 to i32
    %sign3A_845 = arith.constant 0 : i32
    %sign3A_846 = arith.cmpi slt, %jit3A_833, %sign3A_845 : i32
    %sign3A_847 = arith.extui %sign3A_846 : i1 to i32
    %sign3A_848 = arith.subi %sign3A_844, %sign3A_847 : i32
    %ne3A_849 = arith.cmpi ne, %sign3A_841, %sign3A_848 : i32
    %rem3A_850 = arith.remsi %add3A_832, %jit3A_833 : i32
    %ne3A_851 = arith.constant 0 : i32
    %ne3A_852 = arith.cmpi ne, %rem3A_850, %ne3A_851 : i32
    %and3A_853 = arith.andi %ne3A_849, %ne3A_852 : i1
    %sub3A_854 = arith.constant 1 : i32
    %sub3A_855 = arith.subi %div3A_834, %sub3A_854 : i32
    %select_n3A_856 = arith.select %and3A_853, %sub3A_855, %div3A_834 : i32
    %jit3A_857 = arith.constant 8 : i32
    %eq3A_858 = arith.constant 0 : i32
    %eq3A_859 = arith.cmpi eq, %jit3A_857, %eq3A_858 : i32
    %jit3A_860 = arith.constant 1 : i32
    %select_n3A_861 = arith.select %eq3A_859, %jit3A_860, %jit3A_857 : i32
    %rem3A_862 = arith.remsi %add3A_832, %select_n3A_861 : i32
    %ne3A_863 = arith.constant 0 : i32
    %ne3A_864 = arith.cmpi ne, %rem3A_862, %ne3A_863 : i32
    %lt3A_865 = arith.constant 0 : i32
    %lt3A_866 = arith.cmpi slt, %rem3A_862, %lt3A_865 : i32
    %lt3A_867 = arith.constant 0 : i32
    %lt3A_868 = arith.cmpi slt, %select_n3A_861, %lt3A_867 : i32
    %ne3A_869 = arith.xori %lt3A_866, %lt3A_868 : i1
    %and3A_870 = arith.andi %ne3A_869, %ne3A_864 : i1
    %add3A_871 = arith.addi %rem3A_862, %select_n3A_861 : i32
    %select_n3A_872 = arith.select %and3A_870, %add3A_871, %rem3A_862 : i32
    %dma_wait3A_873 = arith.constant 0 : i32
    %dma_wait3A_874 = tpu.memref_slice %arg2[%select_n3A_856, %dma_wait3A_873] : memref<100x4096xf32, #tpu.memory_space<hbm>> -> memref<1x4096xf32, #tpu.memory_space<hbm>>
    %dma_wait3A_875 = tpu.memref_squeeze %dma_wait3A_874 : memref<1x4096xf32, #tpu.memory_space<hbm>> -> memref<4096xf32, #tpu.memory_space<hbm>>
    %dma_wait3A_876 = arith.constant 0 : i32
    %dma_wait3A_877 = tpu.memref_slice %arg2[%select_n3A_856, %dma_wait3A_876] : memref<100x4096xf32, #tpu.memory_space<hbm>> -> memref<1x4096xf32, #tpu.memory_space<hbm>>
    %dma_wait3A_878 = tpu.memref_squeeze %dma_wait3A_877 : memref<1x4096xf32, #tpu.memory_space<hbm>> -> memref<4096xf32, #tpu.memory_space<hbm>>
    tpu.wait_dma2 semaphore(%arg14 : memref<!tpu.dma_semaphore, #tpu.memory_space<semaphore_mem>>) src(%dma_wait3A_878 : memref<4096xf32, #tpu.memory_space<hbm>>) dst(%arg8 : memref<4096xf32, #tpu.memory_space<vmem>>)
    %add3A_879 = arith.constant 0 : i32
    %add3A_880 = arith.addi %mul3A_2, %add3A_879 : i32
    %jit3A_881 = arith.constant 8 : i32
    %div3A_882 = arith.divsi %add3A_880, %jit3A_881 : i32
    %sign3A_883 = arith.constant 0 : i32
    %sign3A_884 = arith.cmpi sgt, %add3A_880, %sign3A_883 : i32
    %sign3A_885 = arith.extui %sign3A_884 : i1 to i32
    %sign3A_886 = arith.constant 0 : i32
    %sign3A_887 = arith.cmpi slt, %add3A_880, %sign3A_886 : i32
    %sign3A_888 = arith.extui %sign3A_887 : i1 to i32
    %sign3A_889 = arith.subi %sign3A_885, %sign3A_888 : i32
    %sign3A_890 = arith.constant 0 : i32
    %sign3A_891 = arith.cmpi sgt, %jit3A_881, %sign3A_890 : i32
    %sign3A_892 = arith.extui %sign3A_891 : i1 to i32
    %sign3A_893 = arith.constant 0 : i32
    %sign3A_894 = arith.cmpi slt, %jit3A_881, %sign3A_893 : i32
    %sign3A_895 = arith.extui %sign3A_894 : i1 to i32
    %sign3A_896 = arith.subi %sign3A_892, %sign3A_895 : i32
    %ne3A_897 = arith.cmpi ne, %sign3A_889, %sign3A_896 : i32
    %rem3A_898 = arith.remsi %add3A_880, %jit3A_881 : i32
    %ne3A_899 = arith.constant 0 : i32
    %ne3A_900 = arith.cmpi ne, %rem3A_898, %ne3A_899 : i32
    %and3A_901 = arith.andi %ne3A_897, %ne3A_900 : i1
    %sub3A_902 = arith.constant 1 : i32
    %sub3A_903 = arith.subi %div3A_882, %sub3A_902 : i32
    %select_n3A_904 = arith.select %and3A_901, %sub3A_903, %div3A_882 : i32
    %jit3A_905 = arith.constant 8 : i32
    %eq3A_906 = arith.constant 0 : i32
    %eq3A_907 = arith.cmpi eq, %jit3A_905, %eq3A_906 : i32
    %jit3A_908 = arith.constant 1 : i32
    %select_n3A_909 = arith.select %eq3A_907, %jit3A_908, %jit3A_905 : i32
    %rem3A_910 = arith.remsi %add3A_880, %select_n3A_909 : i32
    %ne3A_911 = arith.constant 0 : i32
    %ne3A_912 = arith.cmpi ne, %rem3A_910, %ne3A_911 : i32
    %lt3A_913 = arith.constant 0 : i32
    %lt3A_914 = arith.cmpi slt, %rem3A_910, %lt3A_913 : i32
    %lt3A_915 = arith.constant 0 : i32
    %lt3A_916 = arith.cmpi slt, %select_n3A_909, %lt3A_915 : i32
    %ne3A_917 = arith.xori %lt3A_914, %lt3A_916 : i1
    %and3A_918 = arith.andi %ne3A_917, %ne3A_912 : i1
    %add3A_919 = arith.addi %rem3A_910, %select_n3A_909 : i32
    %select_n3A_920 = arith.select %and3A_918, %add3A_919, %rem3A_910 : i32
    %dma_wait3A_921 = arith.constant 0 : i32
    %dma_wait3A_922 = arith.constant 0 : i32
    %dma_wait3A_923 = arith.constant 0 : i32
    %dma_wait3A_924 = tpu.memref_slice %arg4[%select_n3A_904, %select_n3A_920, %dma_wait3A_921, %dma_wait3A_922, %dma_wait3A_923] : memref<100x8x32x8x128xf32, #tpu.memory_space<hbm>> -> memref<1x1x32x8x128xf32, #tpu.memory_space<hbm>>
    %dma_wait3A_925 = tpu.memref_squeeze %dma_wait3A_924 : memref<1x1x32x8x128xf32, #tpu.memory_space<hbm>> -> memref<32x8x128xf32, #tpu.memory_space<hbm>>
    %dma_wait3A_926 = arith.constant 0 : i32
    %dma_wait3A_927 = arith.constant 0 : i32
    %dma_wait3A_928 = arith.constant 0 : i32
    %dma_wait3A_929 = tpu.memref_slice %arg4[%select_n3A_904, %select_n3A_920, %dma_wait3A_926, %dma_wait3A_927, %dma_wait3A_928] : memref<100x8x32x8x128xf32, #tpu.memory_space<hbm>> -> memref<1x1x32x8x128xf32, #tpu.memory_space<hbm>>
    %dma_wait3A_930 = tpu.memref_squeeze %dma_wait3A_929 : memref<1x1x32x8x128xf32, #tpu.memory_space<hbm>> -> memref<32x8x128xf32, #tpu.memory_space<hbm>>
    tpu.wait_dma2 semaphore(%arg11 : memref<!tpu.dma_semaphore, #tpu.memory_space<semaphore_mem>>) src(%arg9 : memref<32x8x128xf32, #tpu.memory_space<vmem>>) dst(%dma_wait3A_930 : memref<32x8x128xf32, #tpu.memory_space<hbm>>)
    %add3A_931 = arith.constant 0 : i32
    %add3A_932 = arith.addi %mul3A_2, %add3A_931 : i32
    %jit3A_933 = arith.constant 8 : i32
    %div3A_934 = arith.divsi %add3A_932, %jit3A_933 : i32
    %sign3A_935 = arith.constant 0 : i32
    %sign3A_936 = arith.cmpi sgt, %add3A_932, %sign3A_935 : i32
    %sign3A_937 = arith.extui %sign3A_936 : i1 to i32
    %sign3A_938 = arith.constant 0 : i32
    %sign3A_939 = arith.cmpi slt, %add3A_932, %sign3A_938 : i32
    %sign3A_940 = arith.extui %sign3A_939 : i1 to i32
    %sign3A_941 = arith.subi %sign3A_937, %sign3A_940 : i32
    %sign3A_942 = arith.constant 0 : i32
    %sign3A_943 = arith.cmpi sgt, %jit3A_933, %sign3A_942 : i32
    %sign3A_944 = arith.extui %sign3A_943 : i1 to i32
    %sign3A_945 = arith.constant 0 : i32
    %sign3A_946 = arith.cmpi slt, %jit3A_933, %sign3A_945 : i32
    %sign3A_947 = arith.extui %sign3A_946 : i1 to i32
    %sign3A_948 = arith.subi %sign3A_944, %sign3A_947 : i32
    %ne3A_949 = arith.cmpi ne, %sign3A_941, %sign3A_948 : i32
    %rem3A_950 = arith.remsi %add3A_932, %jit3A_933 : i32
    %ne3A_951 = arith.constant 0 : i32
    %ne3A_952 = arith.cmpi ne, %rem3A_950, %ne3A_951 : i32
    %and3A_953 = arith.andi %ne3A_949, %ne3A_952 : i1
    %sub3A_954 = arith.constant 1 : i32
    %sub3A_955 = arith.subi %div3A_934, %sub3A_954 : i32
    %select_n3A_956 = arith.select %and3A_953, %sub3A_955, %div3A_934 : i32
    %jit3A_957 = arith.constant 8 : i32
    %eq3A_958 = arith.constant 0 : i32
    %eq3A_959 = arith.cmpi eq, %jit3A_957, %eq3A_958 : i32
    %jit3A_960 = arith.constant 1 : i32
    %select_n3A_961 = arith.select %eq3A_959, %jit3A_960, %jit3A_957 : i32
    %rem3A_962 = arith.remsi %add3A_932, %select_n3A_961 : i32
    %ne3A_963 = arith.constant 0 : i32
    %ne3A_964 = arith.cmpi ne, %rem3A_962, %ne3A_963 : i32
    %lt3A_965 = arith.constant 0 : i32
    %lt3A_966 = arith.cmpi slt, %rem3A_962, %lt3A_965 : i32
    %lt3A_967 = arith.constant 0 : i32
    %lt3A_968 = arith.cmpi slt, %select_n3A_961, %lt3A_967 : i32
    %ne3A_969 = arith.xori %lt3A_966, %lt3A_968 : i1
    %and3A_970 = arith.andi %ne3A_969, %ne3A_964 : i1
    %add3A_971 = arith.addi %rem3A_962, %select_n3A_961 : i32
    %select_n3A_972 = arith.select %and3A_970, %add3A_971, %rem3A_962 : i32
    %dma_wait3A_973 = arith.constant 0 : i32
    %dma_wait3A_974 = arith.constant 0 : i32
    %dma_wait3A_975 = arith.constant 0 : i32
    %dma_wait3A_976 = tpu.memref_slice %arg4[%select_n3A_956, %select_n3A_972, %dma_wait3A_973, %dma_wait3A_974, %dma_wait3A_975] : memref<100x8x32x8x128xf32, #tpu.memory_space<hbm>> -> memref<1x1x32x8x128xf32, #tpu.memory_space<hbm>>
    %dma_wait3A_977 = tpu.memref_squeeze %dma_wait3A_976 : memref<1x1x32x8x128xf32, #tpu.memory_space<hbm>> -> memref<32x8x128xf32, #tpu.memory_space<hbm>>
    %dma_wait3A_978 = arith.constant 0 : i32
    %dma_wait3A_979 = arith.constant 0 : i32
    %dma_wait3A_980 = arith.constant 0 : i32
    %dma_wait3A_981 = tpu.memref_slice %arg4[%select_n3A_956, %select_n3A_972, %dma_wait3A_978, %dma_wait3A_979, %dma_wait3A_980] : memref<100x8x32x8x128xf32, #tpu.memory_space<hbm>> -> memref<1x1x32x8x128xf32, #tpu.memory_space<hbm>>
    %dma_wait3A_982 = tpu.memref_squeeze %dma_wait3A_981 : memref<1x1x32x8x128xf32, #tpu.memory_space<hbm>> -> memref<32x8x128xf32, #tpu.memory_space<hbm>>
    tpu.wait_dma2 semaphore(%arg12 : memref<!tpu.dma_semaphore, #tpu.memory_space<semaphore_mem>>) src(%arg10 : memref<32x8x128xf32, #tpu.memory_space<vmem>>) dst(%dma_wait3A_982 : memref<32x8x128xf32, #tpu.memory_space<hbm>>)
    return
  }
}

</mosaic_0001>

<sc_bundles>
// kernel: kernel.3.cloned.1.call-start
scs
__scs_entry_jumppad:
0x0: {  	(pc) =	sbr.rel $0x88, $3  }
0x1: {  	(tag) =	ssettag $0x0;
	lr =	simm.s32 $0x1  }
0x2: {  	[smem:$0x3F9F] =	sst lr;
	_ =	strace $0xD0000000  }
0x3: {  	_ = 	snop  }
0x4: {  	_ = 	snop  }
0x5: {  	_ = 	snop  }
0x6: {  	_ = 	snop  }
0x7: {  	_ = 	snop  }
__scs_overlays_trampoline_lowered:
0x8: {  	[smem:$0x3FAE] =	sst s0  }
0x9: {  	[smem:$0x3FAF] =	sst s1  }
0xa: {  	[smem:$0x3FB0] =	sst s2  }
0xb: {  	[smem:$0x3FB1] =	sst s3  }
0xc: {  	[smem:$0x3FB2] =	sst s4  }
0xd: {  	[smem:$0x3FB3] =	sst s5  }
0xe: {  	[smem:$0x3FB4] =	sst s6  }
0xf: {  	[smem:$0x3FB5] =	sst s7  }
0x10: {  	[smem:$0x3FB6] =	sst s8  }
0x11: {  	[smem:$0x3FB7] =	sst s9;
	s0 =	simm.s32 @!p0 $0x0  }
0x12: {  	s1 =	sld [smem:$0x3F9D];
	s0 =	simm.s32 @p0 $0x1  }
0x13: {  	[smem:$0x3FB8] =	sst s0;
	s0 =	simm.s32 @!p1 $0x0  }
0x14: {  	s2 =	sld [smem:$0x3F9C];
	s0 =	simm.s32 @p1 $0x1  }
0x15: {  	[smem:$0x3FB9] =	sst s0;
	s0 =	simm.s32 @!p2 $0x0  }
0x16: {  	s3 =	sld [smem:$0x3FDB];
	s0 =	simm.s32 @p2 $0x1  }
0x17: {  	s4 =	simm.s32 $0x1BF5;
	[smem:$0x3FBB] =	sst s0  }
0x18: {  	s0 =	sld [smem:$0x3F9E];
	_ =	swait.ge [sflag:s4], $0x0  }
0x19: {  	s7 =	sld [smem:$0x3F9F]  }
0x1a: {  	s8 =	sadd.s32 $0xFFFFE003, lr  }
0x1b: {  	s9 =	sadd.s32 $0xFFFFFEF7, lr;
	s5 =	simm.s32 $0xFFFFFFFF;
	p2 =	slt.u32 s8, $0xFFFFF086  }
0x1c: {  	p1 =	slt.u32 s9, $0xF7A;
	s5 =	simm.s32 @!p2 $0x0  }
0x1d: {  	s5 =	simm.s32 @p1 $0x1;
	p0 =	seq.s32 s7, s2  }
0x1e: {  	s7 =	smul.u32 @!p0 $0xF7A, s2;
	p2 =	seq.s32 @!p0 s5, $0x0  }
0x1f: {  	s9 =	smul.u32 $0xF7A, s1;
	s8 =	simm.s32 @!p0 $0x1BF5;
	p2 =	por !p2, p0  }
0x20: {  	[sflag:s8] =	ssyncset.s32 @!p0 $0xFFFFF086;
	s6 =	sadd.s32 @!p0 s3, s7;
	s7 =	simm.s32 @!p0 $0x108  }
0x21: {  	s3 =	sadd.s32 s3, s9;
	s6 =	sadd.s32 @!p0 $0x88, s6;
	s7 =	simm.s32 @p2 $0x1082  }
0x22: {  	[simem:s7], [sflag:s8] =	dma.local @!p0 [hbm:s6], $0xF7A  }
0x23: {  	s9 =	sor.u32 $0xD0000000, s2;
	s6 =	simm.s32 $0x108;
	_ =	swait.ge @!p0 [sflag:s8], $0x0  }
0x24: {  	s3 =	sadd.s32 $0x88, s3;
	s6 =	simm.s32 @!p1 $0x1082;
	[sflag:s4] =	ssyncset.s32 $0xFFFFF086  }
0x25: {  	[simem:s6], [sflag:s4] =	dma.local [hbm:s3], $0xF7A  }
0x26: {  	[smem:$0x3F9F] =	sst s1;
	(tag) =	ssettag s2;
	_ =	strace s9  }
0x27: {  	s1 =	sld [smem:$0x3FAF]  }
0x28: {  	s2 =	sld [smem:$0x3FB0]  }
0x29: {  	s4 =	sld [smem:$0x3FB2]  }
0x2a: {  	p0 =	seq.s32 s5, $0x0;
	s5 =	sld [smem:$0x3FB3]  }
0x2b: {  	s6 =	sld [smem:$0x3FB4]  }
0x2c: {  	s7 =	sld [smem:$0x3FB5]  }
0x2d: {  	s3 =	simm.s32 $0x108;
	s8 =	sld [smem:$0x3FB6]  }
0x2e: {  	s3 =	simm.s32 @!p0 $0x1082;
	s9 =	sld [smem:$0x3FB7]  }
0x2f: {  	lr =	sadd.s32 s0, s3;
	s0 =	sld [smem:$0x3FAE]  }
0x30: {  	s3 =	sld [smem:$0x3FB1]  }
0x31: {  	[smem:$0x3FBA] =	sst s10  }
0x32: {  	s10 =	sld [smem:$0x3FB8];
	_ =	sdelay $0x3  }
0x33: {  	p0 =	seq.s32 s10, $0x1;
	s10 =	sld [smem:$0x3FBA];
	_ =	sdelay $0x3  }
0x34: {  	[smem:$0x3FBA] =	sst s10  }
0x35: {  	s10 =	sld [smem:$0x3FB9];
	_ =	sdelay $0x3  }
0x36: {  	p1 =	seq.s32 s10, $0x1;
	s10 =	sld [smem:$0x3FBA];
	_ =	sdelay $0x3  }
0x37: {  	[smem:$0x3FBA] =	sst s10  }
0x38: {  	s10 =	sld [smem:$0x3FBB]  }
0x39: {  	_ = 	snop;
	(pc) =	sbr.ind lr, $3  }
0x3a: {  	_ = 	snop  }
0x3b: {  	_ = 	snop  }
0x3c: {  	p2 =	seq.s32 s10, $0x1;
	s10 =	sld [smem:$0x3FBA]  }
0x3d: {  	_ =	shalt  }
0x3e: {  	_ =	shalt  }
0x3f: {  	_ =	shalt  }
0x40: {  	_ =	shalt  }
0x41: {  	_ =	shalt  }
0x42: {  	_ =	shalt  }
0x43: {  	_ =	shalt  }
0x44: {  	_ =	shalt  }
0x45: {  	_ =	shalt  }
0x46: {  	_ =	shalt  }
0x47: {  	_ =	shalt  }
0x48: {  	_ =	shalt  }
0x49: {  	_ =	shalt  }
0x4a: {  	_ =	shalt  }
0x4b: {  	_ =	shalt  }
0x4c: {  	_ =	shalt  }
0x4d: {  	_ =	shalt  }
0x4e: {  	_ =	shalt  }
0x4f: {  	_ =	shalt  }
0x50: {  	_ =	shalt  }
0x51: {  	_ =	shalt  }
0x52: {  	_ =	shalt  }
0x53: {  	_ =	shalt  }
0x54: {  	_ =	shalt  }
0x55: {  	_ =	shalt  }
0x56: {  	_ =	shalt  }
0x57: {  	_ =	shalt  }
0x58: {  	_ =	shalt  }
0x59: {  	_ =	shalt  }
0x5a: {  	_ =	shalt  }
0x5b: {  	_ =	shalt  }
0x5c: {  	_ =	shalt  }
0x5d: {  	_ =	shalt  }
0x5e: {  	_ =	shalt  }
0x5f: {  	_ =	shalt  }
0x60: {  	_ =	shalt  }
0x61: {  	_ =	shalt  }
0x62: {  	_ =	shalt  }
0x63: {  	_ =	shalt  }
0x64: {  	_ =	shalt  }
0x65: {  	_ =	shalt  }
0x66: {  	_ =	shalt  }
0x67: {  	_ =	shalt  }
0x68: {  	_ =	shalt  }
0x69: {  	_ =	shalt  }
0x6a: {  	_ =	shalt  }
0x6b: {  	_ =	shalt  }
0x6c: {  	_ =	shalt  }
0x6d: {  	_ =	shalt  }
0x6e: {  	_ =	shalt  }
0x6f: {  	_ =	shalt  }
0x70: {  	_ =	shalt  }
0x71: {  	_ =	shalt  }
0x72: {  	_ =	shalt  }
0x73: {  	_ =	shalt  }
0x74: {  	_ =	shalt  }
0x75: {  	_ =	shalt  }
0x76: {  	_ =	shalt  }
0x77: {  	_ =	shalt  }
0x78: {  	_ =	shalt  }
0x79: {  	_ =	shalt  }
0x7a: {  	_ =	shalt  }
0x7b: {  	_ =	shalt  }
0x7c: {  	_ =	shalt  }
0x7d: {  	_ =	shalt  }
0x7e: {  	_ =	shalt  }
0x7f: {  	_ =	shalt  }
0x80: {  	_ =	shalt  }
0x81: {  	_ =	shalt  }
0x82: {  	_ =	shalt  }
0x83: {  	_ =	shalt  }
0x84: {  	_ =	shalt  }
0x85: {  	_ =	shalt  }
0x86: {  	_ =	shalt  }
0x87: {  	_ =	shalt  }
.Lfunc_end0:
.L_simem_size_0:
called_computation_lowered:
.L_overlay_start_0:
0x88: {  	s2 =	sld [smem:$0x3FD9]  }
0x89: {  	s3 =	sld [smem:$0x3FFE];
	_ =	sdelay $0x1  }
0x8a: {  	s1 =	srdreg.scid  }
0x8b: {  	s0 =	sand.u32 $0x1, s1  }
0x8c: {  	s17 =	sshll.u32 s0, $0xA;
	s2 =	sadd.s32 s3, s2  }
0x8d: {  	s2 =	sadd.s32 s2, s17  }
0x8e: {  	[smem:$0x3FC6] =	sst s2  }
0x8f: {  	_ = 	snop  }
0x90: {  	s2 =	sld [smem:$0x3FD0];
	(tm) =	ssettm $0x1  }
0x91: {  	s18 =	sld [smem:$0x3FFB];
	_ =	sdelay $0x3  }
0x92: {  	_ =	strace s18  }
0x93: {  	s3 =	sld [smem:$0x3FFC];
	_ =	sdelay $0x3  }
0x94: {  	_ =	strace s3  }
0x95: {  	s3 =	sld [smem:$0x3FFD];
	_ =	sdelay $0x3  }
0x96: {  	_ =	strace s3  }
0x97: {  	_ =	strace $0x8FFFFFFF  }
0x98: {  	s19 =	sld [smem:$0x3FDB];
	_ =	sdelay $0x1  }
0x99: {  	s4 =	simm.s32 $_scs_section_size  }
0x9a: {  	s5 =	simm.s32 $_size__tile_overlayer_lowered;
	s6 =	simm.s32 $_tile_overlayer_lowered  }
0x9b: {  	s22 =	simm.s32 $0x1BFF;
	s21 =	sshll.u32 s6, $0x1;
	s3 =	sadd.s32 s4, s19  }
0x9c: {  	s7 =	simm.s32 $0x0;
	s20 =	sshll.u32 s5, $0x1;
	s5 =	sadd.s32 s21, s3  }
0x9d: {  	[timem:s7], [sflag:s22] =	dma.local [hbm:s5], s20  }
0x9e: {  	_ =	swait.ge [sflag:s22], s20  }
0x9f: {  	s4 =	ssub.s32 $0x0, s20;
	[sflag:s22] =	ssyncset.done $0x0  }
0xa0: {  	[sflag:s22] =	ssyncadd.s32 s4;
	_ =	sdelay $0x1  }
0xa1: {  	s23 =	simm.s32 $0x1B8B  }
0xa2: {  	_ =	swait.ge [sflag:s23], $0x1  }
0xa3: {  	[sflag:s23] =	ssyncset.done $0x0  }
0xa4: {  	s25 =	simm.s32 $0x1B8E;
	s24 =	sld [smem:$0x3FFE];
	[sflag:s23] =	ssyncadd.s32 $0xFFFFFFFF  }
0xa5: {  	s26 =	simm.s32 $execute0_lowered;
	[smem:$0x3FD2] =	sst s25  }
0xa6: {  	s5 =	sshll.u32 s26, $0x1;
	_ =	strace $0x80000046;
	[dreg:$0x1] =	wrdreg $0xFFFFFFFF  }
0xa7: {  	s28 =	simm.s32 $_size_execute0_lowered;
	s3 =	sadd.s32 s3, s5;
	[dreg:$0x0] =	wrdreg $0x0  }
0xa8: {  	s5 =	sshll.u32 s28, $0x1;
	[dreg:$0x2] =	wrdreg s3  }
0xa9: {  	[dreg:$0x3] =	wrdreg s5  }
0xaa: {  	[dreg:$0x4] =	wrdreg $0xC0  }
0xab: {  	_ =	task [dreg:s7], $0x5FFFF  }
0xac: {  	[dreg:$0x1] =	wrdreg $0xFFFFFFFF  }
0xad: {  	[dreg:$0x0] =	wrdreg $0x60  }
0xae: {  	[dreg:$0x2] =	wrdreg s24  }
0xaf: {  	[dreg:$0x3] =	wrdreg s2  }
0xb0: {  	[dreg:$0x4] =	wrdreg $0x9  }
0xb1: {  	_ =	task.clear_ibuf [dreg:s7], $0x5FFFF;
	_ =	strace $0x90000046  }
0xb2: {  	s29 =	simm.s32 $0x9;
	_ =	strace $0x80000048  }
0xb3: {  	_ =	swait.ge [sflag:s29], $0x1  }
0xb4: {  	[sflag:s29] =	ssyncadd.s32 $0xFFFFFFFF  }
0xb5: {  	_ =	strace $0x90000048  }
0xb6: {  	_ =	sfence  }
0xb7: {  	s30 =	sld [smem:$0x0];
	_ =	sdelay $0x2  }
0xb8: {  	s31 =	sshll.u32 s1, $0xD;
	s1 =	sshrl.u32 s1, $0x2  }
0xb9: {  	s3 =	sand.u32 $0x4000, s31;
	s1 =	sadd.s32 s1, s30  }
0xba: {  	s0 =	sor.u32 s3, s0;
	s1 =	sshll.u32 s1, $0x11  }
0xbb: {  	s0 =	sor.u32 s1, s0  }
0xbc: {  	s0 =	sadd.s32 $0x8F2B, s0  }
0xbd: {  	[sflag:s0] =	ssyncadd.remote.s32 $0x1  }
0xbe: {  	_ =	sfence.sel $0xFFFF  }
0xbf: {  	[dreg:$0x0] =	wrdreg $0xFFFFFFFF;
	(pc) =	sbr.abs _section_cstart, $3  }
0xc0: {  	[dreg:$0x1] =	wrdreg $0xFFFFFFFF  }
0xc1: {  	_ =	task.clear_ibuf [dreg:s7], $0x2FFFF;
	_ =	strace $0x9FFFFFFF  }
0xc2: {  	(tm) =	ssettm $0x7FFFFFFF  }
0xc3: {  	_ =	shalt  }
tec
execute0_lowered:
.L_overlay_start_1:
0x0: {  	(tag) =	ssettag $0x1  }
0x1: {  	s0 =	srdreg.scid;
	s3 =	stileid.u32  }
0x2: {  	s1 =	rddreg [dreg:$0x0];
	s6 =	sand.u32 $0x1, s0;
	s21 =	sshll.u32 s3, $0x1  }
0x3: {  	s2 =	rddreg [dreg:$0x1];
	s3 =	simm.s32 $0x0;
	s8 =	sor.u32 s6, s21  }
0x4: {  	s30 =	simm.s32 $0x16000;
	[smem:$0x7FF] =	sst s3;
	s0 =	smul.u32 $0x19, s8  }
0x5: {  	s4 =	sadd.s32 $0x400, s1;
	s6 =	ssub.s32 $0x2, s6;
	_ =	strace $0x80000047  }
0x6: {  	s9 =	sshrl.u32 s6, $0x1;
	s8 =	smul.u32 $0x640, s8;
	s5 =	sshrl.u32 s0, $0x3  }
0x7: {  	s10 =	sand.u32 $0x7, s0;
	s13 =	sadd.s32 $0x1, s0;
	s29 =	sshll.u32 s0, $0x6  }
0x8: {  	s7 =	sshll.u32 s5, $0x1;
	s11 =	smul.u32 $0x1600, s10;
	s23 =	sshrl.u32 s13, $0x3  }
0x9: {  	s24 =	sand.u32 $0x7, s13;
	s19 =	sshll.u32 s5, $0x12;
	s13 =	sshll.u32 s13, $0x6  }
0xa: {  	s29 =	sand.u32 $0xFE00, s29;
	s7 =	sadd.s32 s7, s1;
	s1 =	ssub.s32 s6, s9  }
0xb: {  	s9 =	sshll.u32 s10, $0x5;
	s10 =	sshll.u32 s10, $0xF;
	s20 =	ssub.s32 s23, s5  }
0xc: {  	s21 =	sshll.u32 s24, $0x5;
	s25 =	sshll.u32 s24, $0xC;
	s6 =	sshll.u32 s23, $0xF  }
0xd: {  	s13 =	sand.u32 $0x1FE00, s13;
	s29 =	sadd.s32 s4, s29;
	s22 =	sadd.s32 $0xCC00, s7  }
0xe: {  	s12 =	sor.u32 $0x4, s9;
	s15 =	sor.u32 $0x8, s9;
	s17 =	sor.u32 $0xC, s9  }
0xf: {  	s20 =	sadd.s32 s20, s21;
	s7 =	sadd.s32 $0x18, s0;
	s14 =	smul.u32 $0xB0, s12  }
0x10: {  	s21 =	sadd.s32 s2, s25;
	s19 =	sor.u32 s10, s19;
	s16 =	smul.u32 $0xB0, s15  }
0x11: {  	s23 =	sor.u32 $0x18, s9;
	s24 =	sor.u32 $0x1C, s9;
	s18 =	smul.u32 $0xB0, s17  }
0x12: {  	s13 =	sadd.s32 s4, s13;
	v15 =	vmov s11;
	[dreg:$0x3] =	wrdreg s22;
	s28 =	smul.u32 $0xB0, s23  }
0x13: {  	s22 =	sshrl.u32 s7, $0x3;
	s6 =	sadd.s32 s6, s21;
	s20 =	smul.u32 $0xB0, s20;
	[tilespmem:$0x1FED0] =	vst v15;
	v0 =	vmov s14  }
0x14: {  	[dreg:$0x6] =	wrdreg s13;
	s13 =	sshrl.u32 s19, $0x3;
	s19 =	sadd.s32 $0x80, s8;
	v51 =	vmov s16;
	[tilespmem:$0x1FE80] =	vst v0  }
0x15: {  	[dreg:$0x4] =	wrdreg s6;
	s26 =	sshll.u32 s22, $0x12;
	s21 =	ssub.s32 s22, s5;
	v52 =	vmov s18;
	[tilespmem:$0x1FE90] =	vst v51  }
0x16: {  	s22 =	sor.u32 $0x14, s9;
	s13 =	sadd.s32 s2, s13;
	s6 =	sor.u32 s10, s26;
	v22 =	vmov s28;
	[tilespmem:$0x1FEA0] =	vst v52  }
0x17: {  	s10 =	sor.u32 $0x10, s9;
	s9 =	sadd.s32 s9, s21;
	s14 =	sadd.s32 $0x2C0, s20;
	v33 =	vmov s20;
	[tilespmem:$0x1FF00] =	vst v22  }
0x18: {  	s12 =	sadd.s32 s21, s12;
	s15 =	sadd.s32 s21, s15;
	s16 =	sadd.s32 $0x840, s20;
	v53 =	vmov s14;
	[tilespmem:$0x1FF20] =	vst v33  }
0x19: {  	s26 =	smul.u32 $0xB0, s22;
	[dreg:$0x7] =	wrdreg s13;
	s18 =	sadd.s32 $0xDC0, s20;
	v55 =	vmov s16;
	[tilespmem:$0x1FEB0] =	vst v53  }
0x1a: {  	s13 =	sand.u32 $0x1FE00, s19;
	s19 =	smul.u32 $0xB0, s15;
	s15 =	sadd.s32 $0x580, s20;
	v9 =	vmov s18;
	[tilespmem:$0x1FF30] =	vst v55  }
0x1b: {  	s17 =	sadd.s32 s21, s17;
	s22 =	sadd.s32 s21, s22;
	s25 =	smul.u32 $0xB0, s10;
	v54 =	vmov s15;
	[tilespmem:$0x1FF50] =	vst v9  }
0x1c: {  	s23 =	sadd.s32 s21, s23;
	s11 =	smul.u32 $0xB0, s17;
	s17 =	sadd.s32 $0xB00, s20;
	v16 =	vmov s26;
	[tilespmem:$0x1FEC0] =	vst v54  }
0x1d: {  	s10 =	sadd.s32 s21, s10;
	s21 =	sadd.s32 s21, s24;
	s24 =	smul.u32 $0xB0, s24;
	v8 =	vmov s17;
	[tilespmem:$0x1FEF0] =	vst v16  }
0x1e: {  	s31 =	simm.s32 $0x1;
	[dreg:$0x5] =	wrdreg s29;
	s9 =	smul.u32 $0xB0, s9;
	v21 =	vmov s25;
	[tilespmem:$0x1FF40] =	vst v8  }
0x1f: {  	s8 =	sadd.s32 $0xC0, s8;
	s7 =	sshll.u32 s7, $0x6;
	s12 =	smul.u32 $0xB0, s12;
	v23 =	vmov s24;
	[tilespmem:$0x1FEE0] =	vst v21  }
0x20: {  	s29 =	simm.s32 $0x4;
	s8 =	sand.u32 $0x1FE00, s8;
	s7 =	sand.u32 $0x1FE00, s7;
	v3 =	vmov s9;
	[tilespmem:$0x1FF10] =	vst v23  }
0x21: {  	s8 =	sadd.s32 s4, s8;
	s28 =	simm.s32 $0xE000;
	s13 =	sadd.s32 s4, s13;
	v4 =	vmov s12;
	[tilespmem:$0x1FF80] =	vst v3  }
0x22: {  	[dreg:$0x9] =	wrdreg s8;
	s14 =	sadd.s32 $0x4, s0;
	s10 =	smul.u32 $0xB0, s10;
	v63 =	vmov s19;
	[tilespmem:$0x1FF90] =	vst v4  }
0x23: {  	s16 =	sadd.s32 $0x5, s0;
	s26 =	smul.u32 $0xB0, s22;
	s25 =	sadd.s32 $0x1080, s20;
	v62 =	vmov s11;
	[tilespmem:$0x1FFA0] =	vst v63  }
0x24: {  	[dreg:$0x8] =	wrdreg s13;
	s22 =	smul.u32 $0xB0, s23;
	s20 =	sadd.s32 $0x1340, s20;
	v10 =	vmov s25;
	[tilespmem:$0x1FFB0] =	vst v62  }
0x25: {  	v11 =	vimm.s32 $0x0;
	v12 =	vimm.s32 $0x1;
	s13 =	sadd.s32 $0x2, s0;
	s23 =	smul.u32 $0xB0, s21;
	s24 =	sadd.s32 s4, s7;
	v2 =	vmov s20;
	[tilespmem:$0x1FF60] =	vst v10  }
0x26: {  	v13 =	vimm.s32 $0x2;
	v14 =	vimm.s32 $0x3;
	s15 =	sadd.s32 $0x3, s0;
	[dreg:$0xa] =	wrdreg s24;
	s25 =	sshrl.u32 s6, $0x3;
	v61 =	vmov s10;
	[tilespmem:$0x1FF70] =	vst v2  }
0x27: {  	v59 =	vmov s26;
	v60 =	vmov s22;
	v5 =	vmov s23;
	s26 =	smax.u32 s1, $0x1;
	s22 =	simm.s32 $0x5;
	s23 =	simm.s32 $0xC000;
	[tilespmem:$0x1FFC0] =	vst v61  }
0x28: {  	v17 =	vimm.s32 $0x4;
	v18 =	vimm.s32 $0x5;
	v19 =	vimm.s32 $0x6;
	s24 =	simm.s32 $0xD000;
	s1 =	simm.s32 $0x2;
	s20 =	simm.s32 $0x0;
	[tilespmem:$0x1FFD0] =	vst v59  }
0x29: {  	v24 =	vimm.s32 $0x7;
	v25 =	vimm.s32 $0x8;
	v1 =	vlaneseq.u32;
	s0 =	sadd.s32 s2, s25;
	[dreg:$0xc] =	wrdreg s26;
	s25 =	simm.s32 $0x3;
	[tilespmem:$0x1FFE0] =	vst v60  }
0x2a: {  	v20 =	vimm.s32 $0x9;
	v26 =	vimm.s32 $0xA;
	v36 =	vand.u32 $0x7, v1;
	s26 =	simm.s32 $0x1000;
	[tilespmem:$0x1FFF0] =	vst v5;
	[dreg:$0xb] =	wrdreg s0;
	s0 =	simm.s32 $0x0  }
.LBB2_1:
0x2b: {  	s6 =	rddreg [dreg:$0x3];
	s7 =	simm.s32 $0x40;
	s8 =	simm.s32 $0x640  }
0x2c: {  	[tilespmem:s3], [sflag:$0x5] =	stream.strided.gather [hbm4b:s6+s7], $0x1000, s8, s7, $0x38;
	[tilespmem:$0x1E000] =	vst v63  }
0x2d: {  	_ =	swait.ge [sflag:s22], $0x1000  }
0x2e: {  	[sflag:s22] =	ssyncset.done $0x0  }
0x2f: {  	s7 =	simm.s32 $0x0;
	[sflag:s22] =	ssyncadd.s32 $0xFFFFF000  }
0x30: {  	v0 =	vld [tilespmem:s7+$0x0];
	_ =	sdelay $0x4  }
0x31: {  	v1 =	vperm.xlane v0, v11  }
0x32: {  	s6 =	simm.s32 $0x1160;
	v2 =	vperm.xlane v0, v26  }
0x33: {  	v3 =	vperm.xlane v0, v13;
	[tilespmem:s6+$0xFFFFFEA0] =	vst v1  }
0x34: {  	v1 =	vperm.xlane v0, v19;
	[tilespmem:s6+$0xFFFFFF40] =	vst v2  }
0x35: {  	v2 =	vperm.xlane v0, v25;
	[tilespmem:s6+$0xFFFFFEC0] =	vst v3  }
0x36: {  	v3 =	vperm.xlane v0, v24;
	[tilespmem:s6+$0xFFFFFF00] =	vst v1  }
0x37: {  	v1 =	vperm.xlane v0, v12;
	[tilespmem:s6+$0xFFFFFF20] =	vst v2  }
0x38: {  	v2 =	vperm.xlane v0, v14;
	[tilespmem:s6+$0xFFFFFF10] =	vst v3  }
0x39: {  	v3 =	vperm.xlane v0, v18;
	[tilespmem:s6+$0xFFFFFEB0] =	vst v1  }
0x3a: {  	v1 =	vperm.xlane v0, v20;
	[tilespmem:s6+$0xFFFFFED0] =	vst v2  }
0x3b: {  	v0 =	vperm.xlane v0, v17;
	[tilespmem:s6+$0xFFFFFEF0] =	vst v3  }
0x3c: {  	[tilespmem:s6+$0xFFFFFF30] =	vst v1  }
0x3d: {  	[tilespmem:s6+$0xFFFFFEE0] =	vst v0  }
0x3e: {  	v4 =	vld [tilespmem:s7+$0x10];
	_ =	sdelay $0x4  }
0x3f: {  	v0 =	vperm.xlane v4, v13  }
0x40: {  	v1 =	vperm.xlane v4, v12  }
0x41: {  	v3 =	vperm.xlane v4, v14;
	[tilespmem:s6+$0xFFFFFF70] =	vst v0  }
0x42: {  	v5 =	vperm.xlane v4, v25;
	[tilespmem:s6+$0xFFFFFF60] =	vst v1  }
0x43: {  	v0 =	vperm.xlane v4, v18;
	[tilespmem:s6+$0xFFFFFF80] =	vst v3  }
0x44: {  	v2 =	vperm.xlane v4, v17;
	v1 =	vperm.xlane v4, v24;
	[tilespmem:s6+$0xFFFFFFD0] =	vst v5  }
0x45: {  	v3 =	vperm.xlane v4, v20;
	[tilespmem:s6+$0xFFFFFFA0] =	vst v0;
	v0 =	vperm.xlane v4, v19  }
0x46: {  	s9 =	simm.s32 $0x1160;
	s8 =	simm.s32 $0x100;
	[tilespmem:s6+$0xFFFFFFC0] =	vst v1;
	v1 =	vperm.xlane v4, v11;
	v4 =	vperm.xlane v4, v26  }
.LBB2_2:
0x47: {  	p0 =	sne.s32 s8, $0x3F00  }
0x48: {  	[tilespmem:s6+$0xFFFFFF90] =	vst v2;
	s9 =	sadd.s32 $0x2C0, s9;
	s10 =	smov.u32 s8;
	s8 =	sadd.s32 $0x100, s8  }
0x49: {  	[tilespmem:s6+$0xFFFFFF50] =	vst v1  }
0x4a: {  	[tilespmem:s6+$0xFFFFFFF0] =	vst v4  }
0x4b: {  	[tilespmem:s6+$0xFFFFFFE0] =	vst v3  }
0x4c: {  	[tilespmem:s6+$0xFFFFFFB0] =	vst v0;
	_ =	sdelay $0x1  }
0x4d: {  	v0 =	vld [tilespmem:s7+$0x20];
	_ =	sdelay $0x4  }
0x4e: {  	v1 =	vperm.xlane v0, v11;
	v2 =	vperm.xlane v0, v26  }
0x4f: {  	v3 =	vperm.xlane v0, v13;
	v4 =	vperm.xlane v0, v25  }
0x50: {  	v5 =	vperm.xlane v0, v14;
	[tilespmem:s6+$0x0] =	vst v1;
	v1 =	vperm.xlane v0, v12  }
0x51: {  	v6 =	vperm.xlane v0, v17;
	v7 =	vperm.xlane v0, v18;
	[tilespmem:s6+$0xA0] =	vst v2  }
0x52: {  	v2 =	vperm.xlane v0, v19;
	[tilespmem:s6+$0x20] =	vst v3;
	v3 =	vperm.xlane v0, v24  }
0x53: {  	v0 =	vperm.xlane v0, v20;
	[tilespmem:s6+$0x30] =	vst v5  }
0x54: {  	[tilespmem:s6+$0x10] =	vst v1  }
0x55: {  	[tilespmem:s6+$0x60] =	vst v2  }
0x56: {  	[tilespmem:s6+$0x80] =	vst v4  }
0x57: {  	[tilespmem:s6+$0x50] =	vst v7  }
0x58: {  	[tilespmem:s6+$0x70] =	vst v3  }
0x59: {  	[tilespmem:s6+$0x90] =	vst v0  }
0x5a: {  	[tilespmem:s6+$0x40] =	vst v6  }
0x5b: {  	v0 =	vld [tilespmem:s7+$0x30];
	_ =	sdelay $0x4  }
0x5c: {  	v1 =	vperm.xlane v0, v11;
	v2 =	vperm.xlane v0, v12  }
0x5d: {  	v3 =	vperm.xlane v0, v13;
	v4 =	vperm.xlane v0, v14  }
0x5e: {  	v5 =	vperm.xlane v0, v18;
	[tilespmem:s6+$0xB0] =	vst v1;
	v1 =	vperm.xlane v0, v17  }
0x5f: {  	v6 =	vperm.xlane v0, v24;
	[tilespmem:s6+$0xD0] =	vst v3;
	v3 =	vperm.xlane v0, v19  }
0x60: {  	v7 =	vperm.xlane v0, v20;
	[tilespmem:s6+$0xE0] =	vst v4;
	v4 =	vperm.xlane v0, v25  }
0x61: {  	v0 =	vperm.xlane v0, v26;
	[tilespmem:s6+$0x100] =	vst v5  }
0x62: {  	[tilespmem:s6+$0xF0] =	vst v1  }
0x63: {  	[tilespmem:s6+$0x140] =	vst v7  }
0x64: {  	[tilespmem:s6+$0xC0] =	vst v2  }
0x65: {  	[tilespmem:s6+$0x120] =	vst v6  }
0x66: {  	[tilespmem:s6+$0x130] =	vst v4  }
0x67: {  	[tilespmem:s6+$0x110] =	vst v3  }
0x68: {  	s7 =	sshra.s32 s10, $0x2;
	[tilespmem:s6+$0x150] =	vst v0;
	s6 =	smov.u32 s9  }
0x69: {  	v0 =	vld [tilespmem:s7+$0x0];
	_ =	sdelay $0x4  }
0x6a: {  	v1 =	vperm.xlane v0, v11;
	v2 =	vperm.xlane v0, v26  }
0x6b: {  	v3 =	vperm.xlane v0, v13;
	v4 =	vperm.xlane v0, v25  }
0x6c: {  	v5 =	vperm.xlane v0, v19;
	[tilespmem:s9+$0xFFFFFEA0] =	vst v1;
	v1 =	vperm.xlane v0, v12  }
0x6d: {  	v6 =	vperm.xlane v0, v17;
	v7 =	vperm.xlane v0, v18;
	[tilespmem:s9+$0xFFFFFF40] =	vst v2  }
0x6e: {  	v2 =	vperm.xlane v0, v14;
	[tilespmem:s9+$0xFFFFFEC0] =	vst v3;
	v3 =	vperm.xlane v0, v24  }
0x6f: {  	v0 =	vperm.xlane v0, v20;
	[tilespmem:s9+$0xFFFFFF00] =	vst v5  }
0x70: {  	[tilespmem:s9+$0xFFFFFF20] =	vst v4  }
0x71: {  	[tilespmem:s9+$0xFFFFFF10] =	vst v3  }
0x72: {  	[tilespmem:s9+$0xFFFFFEB0] =	vst v1  }
0x73: {  	[tilespmem:s9+$0xFFFFFED0] =	vst v2  }
0x74: {  	[tilespmem:s9+$0xFFFFFEF0] =	vst v7  }
0x75: {  	[tilespmem:s9+$0xFFFFFF30] =	vst v0  }
0x76: {  	[tilespmem:s9+$0xFFFFFEE0] =	vst v6  }
0x77: {  	v4 =	vld [tilespmem:s7+$0x10];
	_ =	sdelay $0x4  }
0x78: {  	v2 =	vperm.xlane v4, v13;
	v0 =	vperm.xlane v4, v19  }
0x79: {  	v1 =	vperm.xlane v4, v11;
	v3 =	vperm.xlane v4, v12  }
0x7a: {  	v5 =	vperm.xlane v4, v18;
	[tilespmem:s9+$0xFFFFFF70] =	vst v2;
	v2 =	vperm.xlane v4, v17  }
.Ltmp0:
0x7b: {  	v6 =	vperm.xlane v4, v14;
	v7 =	vperm.xlane v4, v24;
	[tilespmem:s9+$0xFFFFFF60] =	vst v3;
	(pc) =	sbr.rel @p0 .LBB2_2-.Ltmp0, $4  }
0x7c: {  	v3 =	vperm.xlane v4, v20;
	[tilespmem:s9+$0xFFFFFFA0] =	vst v5;
	v5 =	vperm.xlane v4, v25  }
0x7d: {  	v4 =	vperm.xlane v4, v26;
	[tilespmem:s9+$0xFFFFFFC0] =	vst v7  }
0x7e: {  	[tilespmem:s9+$0xFFFFFF80] =	vst v6  }
0x7f: {  	[tilespmem:s9+$0xFFFFFFD0] =	vst v5  }
0x80: {  	[tilespmem:s6+$0xFFFFFF90] =	vst v2  }
0x81: {  	[tilespmem:s6+$0xFFFFFF50] =	vst v1  }
0x82: {  	[tilespmem:s6+$0xFFFFFFF0] =	vst v4  }
0x83: {  	[tilespmem:s6+$0xFFFFFFE0] =	vst v3  }
0x84: {  	[tilespmem:s6+$0xFFFFFFB0] =	vst v0  }
0x85: {  	v0 =	vld [tilespmem:s7+$0x20];
	_ =	sdelay $0x4  }
0x86: {  	v1 =	vperm.xlane v0, v11  }
0x87: {  	v2 =	vperm.xlane v0, v26  }
0x88: {  	v3 =	vperm.xlane v0, v13;
	[tilespmem:s6+$0x0] =	vst v1  }
0x89: {  	v1 =	vperm.xlane v0, v14;
	[tilespmem:s6+$0xA0] =	vst v2  }
0x8a: {  	v2 =	vperm.xlane v0, v12;
	[tilespmem:s6+$0x20] =	vst v3  }
0x8b: {  	v3 =	vperm.xlane v0, v19;
	[tilespmem:s6+$0x30] =	vst v1  }
0x8c: {  	v1 =	vperm.xlane v0, v25;
	[tilespmem:s6+$0x10] =	vst v2  }
0x8d: {  	v2 =	vperm.xlane v0, v18;
	[tilespmem:s6+$0x60] =	vst v3  }
0x8e: {  	v3 =	vperm.xlane v0, v24;
	[tilespmem:s6+$0x80] =	vst v1  }
0x8f: {  	v1 =	vperm.xlane v0, v20;
	[tilespmem:s6+$0x50] =	vst v2  }
0x90: {  	v0 =	vperm.xlane v0, v17;
	[tilespmem:s6+$0x70] =	vst v3  }
0x91: {  	[tilespmem:s6+$0x90] =	vst v1  }
0x92: {  	[tilespmem:s6+$0x40] =	vst v0  }
0x93: {  	v0 =	vld [tilespmem:s7+$0x30];
	_ =	sdelay $0x4  }
0x94: {  	v1 =	vperm.xlane v0, v11  }
0x95: {  	v2 =	vperm.xlane v0, v13  }
0x96: {  	v3 =	vperm.xlane v0, v14;
	[tilespmem:s6+$0xB0] =	vst v1  }
0x97: {  	v1 =	vperm.xlane v0, v18;
	[tilespmem:s6+$0xD0] =	vst v2  }
0x98: {  	v2 =	vperm.xlane v0, v17;
	[tilespmem:s6+$0xE0] =	vst v3  }
0x99: {  	v3 =	vperm.xlane v0, v20;
	[tilespmem:s6+$0x100] =	vst v1  }
0x9a: {  	v1 =	vperm.xlane v0, v12;
	[tilespmem:s6+$0xF0] =	vst v2  }
0x9b: {  	v2 =	vperm.xlane v0, v24;
	[tilespmem:s6+$0x140] =	vst v3  }
0x9c: {  	v3 =	vperm.xlane v0, v25;
	[tilespmem:s6+$0xC0] =	vst v1  }
0x9d: {  	v1 =	vperm.xlane v0, v19;
	[tilespmem:s6+$0x120] =	vst v2  }
0x9e: {  	v0 =	vperm.xlane v0, v26;
	[tilespmem:s6+$0x130] =	vst v3  }
0x9f: {  	[tilespmem:s6+$0x110] =	vst v1  }
0xa0: {  	s10 =	simm.s32 $0x0;
	s11 =	rddreg [dreg:$0x5];
	[tilespmem:s6+$0x150] =	vst v0  }
0xa1: {  	[tilespmem:s23], [sflag:$0x3] =	stream.linear.gather [hbm4b:s11+s10], $0x1000, $0x38;
	[tilespmem:$0x1E000] =	vst v63  }
0xa2: {  	s12 =	rddreg [dreg:$0x6]  }
0xa3: {  	[tilespmem:s24], [sflag:$0x4] =	stream.linear.gather [hbm4b:s12+s10], $0x1000, $0x38;
	[tilespmem:$0x1E000] =	vst v63  }
0xa4: {  	_ =	swait.ge [sflag:s25], $0x1000  }
0xa5: {  	[sflag:s25] =	ssyncset.done $0x0  }
0xa6: {  	s17 =	simm.s32 $0xC010;
	[sflag:s25] =	ssyncadd.s32 $0xFFFFF000  }
0xa7: {  	v0 =	vld [tilespmem:s17+$0x0]  }
0xa8: {  	v1 =	vld [tilespmem:s17+$0xFFFFFFF0];
	_ =	sdelay $0x3  }
0xa9: {  	v0 =	vmul.f32 $1.000000000e+01, v0  }
0xaa: {  	v24 =	vmul.f32 $1.000000000e+01, v1  }
0xab: {  	v1 =	vtrunc.f32 v0  }
0xac: {  	v17 =	vld [tilespmem:$0x1FE80];
	v2 =	vadd.f32 $1.000000000e+00, v0;
	v3 =	vadd.f32 $1.000000000e+00, v24;
	v5 =	vtrunc.f32 v24  }
0xad: {  	v18 =	vld [tilespmem:$0x1FE90];
	v1 =	vcvt.f32.s32 v1;
	v5 =	vcvt.f32.s32 v5  }
0xae: {  	v19 =	vld [tilespmem:$0x1FEA0];
	v2 =	vtrunc.f32 v2;
	v3 =	vtrunc.f32 v3  }
0xaf: {  	v20 =	vlaneseq.u32;
	v4 =	vcvt.s32.f32 v1;
	v2 =	vcvt.f32.s32 v2  }
0xb0: {  	v1 =	vshll.u32 v1, $0x4;
	v3 =	vcvt.f32.s32 v3;
	v38 =	vshll.u32 v5, $0x4  }
0xb1: {  	v5 =	vcvt.s32.f32 v5;
	v1 =	vor.u32 v20, v1;
	v38 =	vor.u32 v20, v38  }
0xb2: {  	v25 =	vsub.f32 v0, v4;
	v4 =	vcvt.s32.f32 v2;
	v6 =	vadd.s32 v15, v1  }
0xb3: {  	v7 =	vadd.s32 v17, v1;
	v8 =	vadd.s32 v18, v1;
	v9 =	vadd.s32 v19, v1  }
0xb4: {  	v26 =	vadd.s32 v23, v1;
	v2 =	vshll.u32 v2, $0x4;
	v28 =	vadd.s32 v21, v1  }
0xb5: {  	v29 =	vadd.s32 v16, v1;
	v1 =	vadd.s32 v22, v1;
	v62 =	vshll.u32 v3, $0x4  }
0xb6: {  	v45 =	vadd.s32 v15, v38;
	v46 =	vadd.s32 v17, v38;
	v47 =	vadd.s32 v18, v38  }
0xb7: {  	v48 =	vadd.s32 v19, v38;
	v49 =	vadd.s32 v21, v38;
	v50 =	vadd.s32 v16, v38  }
0xb8: {  	v51 =	vadd.s32 v22, v38;
	v38 =	vadd.s32 v23, v38;
	v3 =	vcvt.s32.f32 v3  }
0xb9: {  	v5 =	vsub.f32 v24, v5;
	v6 =	vand.u32 $0xFFFFFFF8, v6;
	v7 =	vand.u32 $0xFFFFFFF8, v7  }
0xba: {  	v8 =	vand.u32 $0xFFFFFFF8, v8;
	v2 =	vor.u32 v20, v2;
	v26 =	vand.u32 $0xFFFFFFF8, v26  }
0xbb: {  	v9 =	vand.u32 $0xFFFFFFF8, v9;
	v28 =	vand.u32 $0xFFFFFFF8, v28;
	v26 =	vor.u32 v36, v26  }
0xbc: {  	v29 =	vand.u32 $0xFFFFFFF8, v29;
	v1 =	vand.u32 $0xFFFFFFF8, v1;
	v6 =	vor.u32 v36, v6  }
0xbd: {  	v45 =	vand.u32 $0xFFFFFFF8, v45;
	v46 =	vand.u32 $0xFFFFFFF8, v46;
	v7 =	vor.u32 v36, v7  }
0xbe: {  	s18 =	simm.s32 $0xC030;
	v47 =	vand.u32 $0xFFFFFFF8, v47;
	v48 =	vand.u32 $0xFFFFFFF8, v48;
	v8 =	vor.u32 v36, v8  }
0xbf: {  	v56 =	vld [tilespmem:s18+$0x0];
	v49 =	vand.u32 $0xFFFFFFF8, v49;
	v9 =	vor.u32 v36, v9;
	v27 =	vadd.s32 v23, v2  }
0xc0: {  	v28 =	vor.u32 v36, v28;
	v30 =	vadd.s32 v15, v2;
	v29 =	vor.u32 v36, v29;
	v26 =	vld.idx.msk [tilespmem:v26+s26+$0x0], $0xffff  }
0xc1: {  	v31 =	vadd.s32 v17, v2;
	v32 =	vadd.s32 v18, v2;
	v34 =	vadd.s32 v19, v2;
	v6 =	vld.idx.msk [tilespmem:v6+s26+$0x0], $0xffff  }
0xc2: {  	v35 =	vadd.s32 v21, v2;
	v48 =	vor.u32 v36, v48;
	v27 =	vand.u32 $0xFFFFFFF8, v27;
	v7 =	vld.idx.msk [tilespmem:v7+s26+$0x0], $0xffff  }
0xc3: {  	v37 =	vadd.s32 v16, v2;
	v30 =	vand.u32 $0xFFFFFFF8, v30;
	v27 =	vor.u32 v36, v27;
	v8 =	vld.idx.msk [tilespmem:v8+s26+$0x0], $0xffff  }
0xc4: {  	v2 =	vadd.s32 v22, v2;
	v31 =	vand.u32 $0xFFFFFFF8, v31;
	v30 =	vor.u32 v36, v30;
	v9 =	vld.idx.msk [tilespmem:v9+s26+$0x0], $0xffff  }
0xc5: {  	v0 =	vsub.f32 v4, v0;
	v32 =	vand.u32 $0xFFFFFFF8, v32;
	v31 =	vor.u32 v36, v31;
	v43 =	vld.idx.msk [tilespmem:v28+s26+$0x0], $0xffff  }
0xc6: {  	v34 =	vand.u32 $0xFFFFFFF8, v34;
	v35 =	vand.u32 $0xFFFFFFF8, v35;
	v32 =	vor.u32 v36, v32;
	v29 =	vld.idx.msk [tilespmem:v29+s26+$0x0], $0xffff  }
0xc7: {  	v37 =	vand.u32 $0xFFFFFFF8, v37;
	v2 =	vand.u32 $0xFFFFFFF8, v2;
	v34 =	vor.u32 v36, v34;
	v57 =	vld.idx.msk [tilespmem:v48+s26+$0x0], $0xffff  }
0xc8: {  	v35 =	vor.u32 v36, v35;
	v4 =	vor.u32 v36, v37;
	v37 =	vor.u32 v20, v62;
	v27 =	vld.idx.msk [tilespmem:v27+s26+$0x0], $0xffff  }
0xc9: {  	v50 =	vand.u32 $0xFFFFFFF8, v50;
	v2 =	vor.u32 v36, v2;
	v41 =	vadd.s32 v17, v37;
	v30 =	vld.idx.msk [tilespmem:v30+s26+$0x0], $0xffff  }
0xca: {  	v40 =	vadd.s32 v15, v37;
	v41 =	vand.u32 $0xFFFFFFF8, v41;
	v28 =	vadd.s32 v16, v37;
	v31 =	vld.idx.msk [tilespmem:v31+s26+$0x0], $0xffff  }
0xcb: {  	v42 =	vadd.s32 v18, v37;
	v41 =	vor.u32 v36, v41;
	v28 =	vand.u32 $0xFFFFFFF8, v28;
	v32 =	vld.idx.msk [tilespmem:v32+s26+$0x0], $0xffff  }
0xcc: {  	v44 =	vadd.s32 v22, v37;
	v40 =	vand.u32 $0xFFFFFFF8, v40;
	v34 =	vld.idx.msk [tilespmem:v34+s26+$0x0], $0xffff;
	v28 =	vor.u32 v36, v28  }
0xcd: {  	v42 =	vand.u32 $0xFFFFFFF8, v42;
	v44 =	vand.u32 $0xFFFFFFF8, v44;
	v40 =	vor.u32 v36, v40;
	v35 =	vld.idx.msk [tilespmem:v35+s26+$0x0], $0xffff  }
0xce: {  	v42 =	vor.u32 v36, v42;
	v4 =	vld.idx.msk [tilespmem:v4+s26+$0x0], $0xffff;
	v26 =	vmul.f32 v26, v0;
	v27 =	vmul.f32 v27, v25  }
0xcf: {  	v45 =	vor.u32 v36, v45;
	v44 =	vor.u32 v36, v44;
	v2 =	vld.idx.msk [tilespmem:v2+s26+$0x0], $0xffff;
	v30 =	vmul.f32 v25, v30  }
0xd0: {  	v41 =	vld.idx.msk [tilespmem:v41+s26+$0x0], $0xffff;
	v31 =	vmul.f32 v31, v25;
	v10 =	vadd.f32 v27, v26;
	v26 =	vadd.s32 v19, v37  }
0xd1: {  	v28 =	vld.idx.msk [tilespmem:v28+s26+$0x0], $0xffff;
	v32 =	vmul.f32 v32, v25;
	v27 =	vadd.s32 v21, v37;
	v26 =	vand.u32 $0xFFFFFFF8, v26  }
0xd2: {  	v40 =	vld.idx.msk [tilespmem:v40+s26+$0x0], $0xffff;
	v37 =	vadd.s32 v23, v37;
	v27 =	vand.u32 $0xFFFFFFF8, v27;
	v26 =	vor.u32 v36, v26  }
0xd3: {  	v42 =	vld.idx.msk [tilespmem:v42+s26+$0x0], $0xffff;
	v34 =	vmul.f32 v34, v25;
	v37 =	vand.u32 $0xFFFFFFF8, v37;
	v27 =	vor.u32 v36, v27  }
0xd4: {  	v44 =	vld.idx.msk [tilespmem:v44+s26+$0x0], $0xffff;
	v35 =	vmul.f32 v35, v25;
	v4 =	vmul.f32 v4, v25;
	v37 =	vor.u32 v36, v37  }
0xd5: {  	v46 =	vor.u32 v36, v46;
	v2 =	vmul.f32 v2, v25;
	v25 =	vld.idx.msk [tilespmem:v45+s26+$0x0], $0xffff;
	v63 =	vmul.f32 v41, v5  }
0xd6: {  	v41 =	vmul.f32 v28, v5;
	v28 =	vsub.f32 v3, v24;
	v3 =	vmul.f32 v0, v7;
	v7 =	vld [tilespmem:s18+$0xFFFFFFF0]  }
0xd7: {  	v51 =	vand.u32 $0xFFFFFFF8, v51;
	v38 =	vand.u32 $0xFFFFFFF8, v38;
	v47 =	vor.u32 v36, v47;
	v26 =	vld.idx.msk [tilespmem:v26+s26+$0x0], $0xffff  }
0xd8: {  	v1 =	vor.u32 v36, v1;
	v49 =	vor.u32 v36, v49;
	v6 =	vmul.f32 v0, v6;
	v27 =	vld.idx.msk [tilespmem:v27+s26+$0x0], $0xffff  }
0xd9: {  	v40 =	vmul.f32 v5, v40;
	v45 =	vadd.f32 v3, v31;
	v3 =	vmul.f32 v9, v0;
	v37 =	vld.idx.msk [tilespmem:v37+s26+$0x0], $0xffff  }
0xda: {  	v52 =	vor.u32 v36, v50;
	v46 =	vld.idx.msk [tilespmem:v46+s26+$0x0], $0xffff;
	v53 =	vmul.f32 v42, v5;
	v24 =	vmul.f32 $1.000000000e+01, v56  }
0xdb: {  	v9 =	vmul.f32 v57, v28;
	v39 =	vadd.f32 v34, v3;
	v3 =	vmul.f32 v29, v0  }
0xdc: {  	v51 =	vor.u32 v36, v51;
	v47 =	vld.idx.msk [tilespmem:v47+s26+$0x0], $0xffff;
	v7 =	vmul.f32 $1.000000000e+01, v7;
	v54 =	vmul.f32 v26, v5  }
0xdd: {  	v55 =	vor.u32 v36, v38;
	v1 =	vld.idx.msk [tilespmem:v1+s26+$0x0], $0xffff;
	v42 =	vmul.f32 v27, v5;
	v27 =	vmul.f32 v44, v5  }
0xde: {  	v44 =	vadd.f32 v6, v30;
	v6 =	vmul.f32 v8, v0;
	v37 =	vmul.f32 v37, v5  }
0xdf: {  	v31 =	vadd.f32 $1.000000000e+00, v24;
	v5 =	vmul.f32 v28, v25;
	v8 =	vmul.f32 v28, v46  }
0xe0: {  	v46 =	vadd.f32 v4, v3;
	v26 =	vadd.f32 v32, v6;
	v6 =	vmul.f32 v43, v0  }
0xe1: {  	v30 =	vadd.f32 v5, v40;
	v5 =	vmul.f32 v47, v28;
	v47 =	vadd.f32 v8, v63  }
0xe2: {  	v8 =	vtrunc.f32 v24;
	v0 =	vmul.f32 v1, v0;
	v9 =	vadd.f32 v54, v9  }
0xe3: {  	v1 =	vcvt.f32.s32 v8;
	v8 =	vadd.f32 $1.000000000e+00, v7;
	v29 =	vadd.f32 v53, v5  }
0xe4: {  	v50 =	vadd.f32 v35, v6;
	v5 =	vtrunc.f32 v7;
	v6 =	vtrunc.f32 v31  }
0xe5: {  	v40 =	vadd.f32 v2, v0;
	v6 =	vcvt.f32.s32 v6;
	v3 =	vcvt.s32.f32 v1  }
0xe6: {  	v1 =	vshll.u32 v1, $0x4;
	v2 =	vtrunc.f32 v8;
	v5 =	vcvt.f32.s32 v5  }
0xe7: {  	v0 =	vor.u32 v20, v1;
	v2 =	vcvt.f32.s32 v2;
	v1 =	vshll.u32 v6, $0x4  }
0xe8: {  	v4 =	vadd.s32 v23, v0;
	v3 =	vsub.f32 v24, v3;
	v6 =	vcvt.s32.f32 v6  }
0xe9: {  	v31 =	vadd.s32 v15, v0;
	v58 =	vadd.s32 v17, v0;
	v34 =	vadd.s32 v18, v0  }
0xea: {  	v35 =	vadd.s32 v19, v0;
	v1 =	vor.u32 v20, v1;
	v4 =	vand.u32 $0xFFFFFFF8, v4  }
0xeb: {  	v31 =	vand.u32 $0xFFFFFFF8, v31;
	v8 =	vadd.s32 v23, v1;
	v4 =	vor.u32 v36, v4  }
0xec: {  	v59 =	vadd.s32 v15, v1;
	v43 =	vor.u32 v36, v31;
	v8 =	vand.u32 $0xFFFFFFF8, v8  }
0xed: {  	v60 =	vadd.s32 v17, v1;
	v31 =	vand.u32 $0xFFFFFFF8, v59;
	v8 =	vor.u32 v36, v8  }
0xee: {  	v61 =	vadd.s32 v18, v1;
	v38 =	vand.u32 $0xFFFFFFF8, v60;
	v31 =	vor.u32 v36, v31  }
0xef: {  	v11 =	vadd.s32 v21, v1;
	v48 =	vand.u32 $0xFFFFFFF8, v61;
	v56 =	vor.u32 v36, v38  }
0xf0: {  	v60 =	vand.u32 $0xFFFFFFF8, v11;
	v48 =	vor.u32 v36, v48;
	v38 =	vsub.f32 v6, v24;
	v6 =	vld.idx.msk [tilespmem:v52+s26+$0x0], $0xffff  }
0xf1: {  	v32 =	vand.u32 $0xFFFFFFF8, v58;
	v34 =	vand.u32 $0xFFFFFFF8, v34;
	v24 =	vor.u32 v36, v60;
	v4 =	vld.idx.msk [tilespmem:v4+s26+$0x0], $0xffff  }
0xf2: {  	v35 =	vand.u32 $0xFFFFFFF8, v35;
	v32 =	vor.u32 v36, v32;
	v59 =	vadd.s32 v16, v1;
	v8 =	vld.idx.msk [tilespmem:v8+s26+$0x0], $0xffff  }
0xf3: {  	v62 =	vadd.s32 v19, v1;
	v1 =	vadd.s32 v22, v1;
	v61 =	vand.u32 $0xFFFFFFF8, v59;
	v31 =	vld.idx.msk [tilespmem:v31+s26+$0x0], $0xffff  }
0xf4: {  	v63 =	vand.u32 $0xFFFFFFF8, v62;
	v1 =	vand.u32 $0xFFFFFFF8, v1;
	v52 =	vor.u32 v36, v61;
	v53 =	vld.idx.msk [tilespmem:v56+s26+$0x0], $0xffff  }
0xf5: {  	v57 =	vor.u32 v36, v63;
	v63 =	vadd.s32 v21, v0;
	v1 =	vor.u32 v36, v1;
	v48 =	vld.idx.msk [tilespmem:v48+s26+$0x0], $0xffff  }
0xf6: {  	v11 =	vcvt.s32.f32 v5;
	v5 =	vshll.u32 v5, $0x4;
	v58 =	vand.u32 $0xFFFFFFF8, v63;
	v63 =	vld.idx.msk [tilespmem:v24+s26+$0x0], $0xffff  }
0xf7: {  	v34 =	vor.u32 v36, v34;
	v35 =	vor.u32 v36, v35;
	v5 =	vor.u32 v20, v5  }
0xf8: {  	v62 =	vld.idx.msk [tilespmem:v49+s26+$0x0], $0xffff;
	v54 =	vor.u32 v36, v58;
	v56 =	vcvt.s32.f32 v2;
	v2 =	vshll.u32 v2, $0x4  }
0xf9: {  	v52 =	vld.idx.msk [tilespmem:v52+s26+$0x0], $0xffff;
	v2 =	vor.u32 v20, v2;
	v4 =	vmul.f32 v4, v38;
	v8 =	vmul.f32 v8, v3  }
0xfa: {  	v1 =	vld.idx.msk [tilespmem:v1+s26+$0x0], $0xffff;
	v49 =	vsub.f32 v56, v7;
	v24 =	vmul.f32 v3, v31;
	v61 =	vmul.f32 v53, v3  }
0xfb: {  	v60 =	vmul.f32 v48, v3;
	v58 =	vmul.f32 v63, v3;
	v25 =	vadd.f32 v8, v4  }
0xfc: {  	s19 =	simm.s32 $0x10;
	s8 =	simm.s32 $0x0;
	s6 =	sand.u32 $0x7C00, s10;
	v8 =	vld.idx.msk [tilespmem:v57+s26+$0x0], $0xffff;
	v57 =	vsub.f32 v7, v11;
	v7 =	vadd.s32 v16, v0;
	v0 =	vadd.s32 v22, v0  }
0xfd: {  	s8 =	sand.u32 $0x60, s8;
	s7 =	sand.u32 $0x70, s19;
	s6 =	sadd.s32 $0xE000, s6;
	v53 =	vadd.s32 v16, v2;
	v7 =	vand.u32 $0xFFFFFFF8, v7;
	v0 =	vand.u32 $0xFFFFFFF8, v0  }
0xfe: {  	s9 =	sor.u32 s7, s6;
	s6 =	sor.u32 s8, s6;
	v51 =	vld.idx.msk [tilespmem:v51+s26+$0x0], $0xffff;
	v56 =	vmul.f32 v52, v3;
	v7 =	vor.u32 v36, v7;
	v4 =	vor.u32 v36, v0  }
0xff: {  	v0 =	vld.idx.msk [tilespmem:v55+s26+$0x0], $0xffff;
	v55 =	vmul.f32 v1, v3;
	v1 =	vmul.f32 v6, v28;
	[tilespmem:s6+$0x0] =	vst v30  }
0x100: {  	v6 =	vadd.s32 v17, v2;
	v30 =	vadd.s32 v22, v2;
	[tilespmem:s6+$0x100] =	vst v29;
	v29 =	vand.u32 $0xFFFFFFF8, v53  }
0x101: {  	[tilespmem:s6+$0x80] =	vst v47;
	v47 =	vld.idx.msk [tilespmem:v54+s26+$0x0], $0xffff;
	v54 =	vadd.s32 v18, v5;
	v6 =	vand.u32 $0xFFFFFFF8, v6;
	v30 =	vand.u32 $0xFFFFFFF8, v30  }
0x102: {  	v59 =	vmul.f32 v8, v3;
	v8 =	vmul.f32 v62, v28;
	v3 =	vadd.s32 v15, v2  }
0x103: {  	[tilespmem:s9+$0x380] =	vst v10;
	v52 =	vld.idx.msk [tilespmem:v43+s26+$0x0], $0xffff;
	v29 =	vor.u32 v36, v29;
	v6 =	vor.u32 v36, v6;
	v3 =	vand.u32 $0xFFFFFFF8, v3  }
0x104: {  	v43 =	vld.idx.msk [tilespmem:v35+s26+$0x0], $0xffff;
	v31 =	vadd.f32 v42, v8;
	v8 =	vmul.f32 v51, v28;
	v51 =	vadd.f32 v41, v1  }
0x105: {  	v1 =	vadd.s32 v18, v2;
	v0 =	vmul.f32 v0, v28;
	v28 =	vadd.s32 v19, v2;
	v41 =	vld.idx.msk [tilespmem:v32+s26+$0x0], $0xffff  }
0x106: {  	[tilespmem:s9+$0x0] =	vst v44;
	v42 =	vld.idx.msk [tilespmem:v34+s26+$0x0], $0xffff;
	v3 =	vor.u32 v36, v3;
	v1 =	vand.u32 $0xFFFFFFF8, v1;
	v28 =	vand.u32 $0xFFFFFFF8, v28  }
0x107: {  	v48 =	vld.idx.msk [tilespmem:v7+s26+$0x0], $0xffff;
	v27 =	vadd.f32 v27, v8;
	v8 =	vadd.s32 v21, v2;
	v1 =	vor.u32 v36, v1  }
0x108: {  	[tilespmem:s9+$0x100] =	vst v26;
	v26 =	vand.u32 $0xFFFFFFF8, v54;
	v44 =	vld.idx.msk [tilespmem:v4+s26+$0x0], $0xffff;
	v28 =	vor.u32 v36, v28;
	v8 =	vand.u32 $0xFFFFFFF8, v8  }
0x109: {  	v53 =	vor.u32 v36, v26;
	v7 =	vadd.s32 v15, v5;
	v26 =	vld.idx.msk [tilespmem:v29+s26+$0x0], $0xffff;
	v8 =	vor.u32 v36, v8  }
0x10a: {  	[tilespmem:s9+$0x80] =	vst v45;
	v30 =	vor.u32 v36, v30;
	v7 =	vand.u32 $0xFFFFFFF8, v7;
	v2 =	vadd.s32 v23, v2;
	v6 =	vld.idx.msk [tilespmem:v6+s26+$0x0], $0xffff  }
0x10b: {  	s7 =	simm.s32 $0x100;
	[tilespmem:s9+$0x180] =	vst v39;
	v4 =	vadd.s32 v17, v5;
	v7 =	vor.u32 v36, v7;
	v2 =	vand.u32 $0xFFFFFFF8, v2;
	v34 =	vld.idx.msk [tilespmem:v3+s26+$0x0], $0xffff  }
0x10c: {  	s8 =	simm.s32 $0x30;
	s10 =	sand.u32 $0x7C00, s7;
	[tilespmem:s9+$0x280] =	vst v46;
	v63 =	vadd.s32 v16, v5;
	v4 =	vand.u32 $0xFFFFFFF8, v4;
	v2 =	vor.u32 v36, v2;
	v1 =	vld.idx.msk [tilespmem:v1+s26+$0x0], $0xffff  }
0x10d: {  	s11 =	sand.u32 $0x70, s8;
	s10 =	sadd.s32 $0xE000, s10;
	[tilespmem:s9+$0x200] =	vst v50;
	v54 =	vand.u32 $0xFFFFFFF8, v63;
	v50 =	vor.u32 v36, v4;
	v4 =	vadd.s32 v23, v5;
	v45 =	vld.idx.msk [tilespmem:v28+s26+$0x0], $0xffff  }
0x10e: {  	s11 =	sor.u32 s11, s10;
	[tilespmem:s9+$0x300] =	vst v40;
	v62 =	vadd.s32 v21, v5;
	v63 =	vand.u32 $0xFFFFFFF8, v4;
	v3 =	vadd.s32 v19, v5;
	v8 =	vld.idx.msk [tilespmem:v8+s26+$0x0], $0xffff  }
0x10f: {  	[tilespmem:s11+$0x380] =	vst v25;
	v25 =	vld.idx.msk [tilespmem:v30+s26+$0x0], $0xffff;
	v3 =	vand.u32 $0xFFFFFFF8, v3;
	v28 =	vadd.s32 v22, v5;
	v5 =	vand.u32 $0xFFFFFFF8, v62  }
0x110: {  	v4 =	vor.u32 v36, v3;
	v6 =	vmul.f32 v6, v57;
	v35 =	vld.idx.msk [tilespmem:v7+s26+$0x0], $0xffff;
	v7 =	vmul.f32 v38, v52  }
0x111: {  	s21 =	simm.s32 $0x20;
	[tilespmem:s6+$0x180] =	vst v9;
	v62 =	vand.u32 $0xFFFFFFF8, v28;
	v29 =	vor.u32 v36, v5;
	v28 =	vor.u32 v36, v54;
	v3 =	vld.idx.msk [tilespmem:v2+s26+$0x0], $0xffff  }
0x112: {  	s12 =	sand.u32 $0x60, s21;
	v32 =	vld.idx.msk [tilespmem:v53+s26+$0x0], $0xffff;
	v2 =	vor.u32 v36, v62;
	v30 =	vmul.f32 v57, v34;
	v5 =	vmul.f32 v1, v57  }
0x113: {  	s12 =	sor.u32 s12, s10;
	s10 =	simm.s32 $0xC050;
	s9 =	simm.s32 $0x2;
	v34 =	vld.idx.msk [tilespmem:v50+s26+$0x0], $0xffff;
	v40 =	vmul.f32 v45, v57;
	v1 =	vor.u32 v36, v63;
	v39 =	vmul.f32 v8, v57  }
.LBB2_4:
0x114: {  	v8 =	vld [tilespmem:s10+$0x0];
	v46 =	vmul.f32 v26, v57;
	v9 =	vmul.f32 v38, v41;
	v0 =	vadd.f32 v37, v0;
	[tilespmem:s6+$0x200] =	vst v31  }
0x115: {  	v45 =	vmul.f32 v25, v57;
	v26 =	vld [tilespmem:s10+$0xFFFFFFF0];
	v7 =	vadd.f32 v7, v24;
	v24 =	vmul.f32 v42, v38;
	[tilespmem:s6+$0x280] =	vst v51  }
0x116: {  	v37 =	vmul.f32 v3, v57;
	v4 =	vld.idx.msk [tilespmem:v4+s26+$0x0], $0xffff;
	v3 =	vadd.f32 v9, v61;
	v9 =	vmul.f32 v43, v38  }
0x117: {  	v25 =	vmul.f32 v49, v35;
	v50 =	vld.idx.msk [tilespmem:v29+s26+$0x0], $0xffff;
	v29 =	vadd.f32 v60, v24;
	v24 =	vmul.f32 v47, v38  }
0x118: {  	s9 =	sadd.s32 $0x2, s9;
	v31 =	vmul.f32 v48, v38;
	v51 =	vld.idx.msk [tilespmem:v28+s26+$0x0], $0xffff;
	v28 =	vmul.f32 v49, v34;
	v9 =	vadd.f32 v59, v9  }
0x119: {  	p0 =	slt.u32 s9, $0xFE;
	v8 =	vmul.f32 $1.000000000e+01, v8;
	v52 =	vld.idx.msk [tilespmem:v2+s26+$0x0], $0xffff;
	v2 =	vadd.f32 v25, v30;
	v25 =	vmul.f32 v32, v49;
	[tilespmem:s6+$0x300] =	vst v27  }
0x11a: {  	v57 =	vmul.f32 $1.000000000e+01, v26;
	v53 =	vld.idx.msk [tilespmem:v1+s26+$0x0], $0xffff;
	v1 =	vadd.f32 v28, v6;
	v6 =	vmul.f32 v44, v38;
	[tilespmem:s6+$0x380] =	vst v0;
	s6 =	smov.u32 s12  }
0x11b: {  	v54 =	vmovc v49;
	v0 =	vtrunc.f32 v8;
	v5 =	vadd.f32 v5, v25;
	[tilespmem:s6+$0x0] =	vst v2;
	v2 =	vadd.f32 v58, v24  }
0x11c: {  	v25 =	vadd.f32 $1.000000000e+00, v8;
	v24 =	vadd.f32 $1.000000000e+00, v57;
	v0 =	vcvt.f32.s32 v0;
	[tilespmem:s6+$0x80] =	vst v1  }
0x11d: {  	v49 =	vmul.f32 v4, v54;
	v4 =	vadd.f32 v56, v31;
	v1 =	vtrunc.f32 v57;
	[tilespmem:s6+$0x100] =	vst v5  }
0x11e: {  	v6 =	vadd.f32 v55, v6;
	v5 =	vtrunc.f32 v25;
	v25 =	vcvt.s32.f32 v0;
	[tilespmem:s11+$0x0] =	vst v7  }
0x11f: {  	v7 =	vtrunc.f32 v24;
	v5 =	vcvt.f32.s32 v5;
	v0 =	vshll.u32 v0, $0x4;
	[tilespmem:s11+$0x80] =	vst v3  }
0x120: {  	v24 =	vcvt.f32.s32 v7;
	v0 =	vor.u32 v20, v0;
	v55 =	vsub.f32 v8, v25;
	[tilespmem:s11+$0x100] =	vst v29  }
0x121: {  	v3 =	vcvt.s32.f32 v5;
	v7 =	vadd.s32 v15, v0;
	v25 =	vadd.s32 v17, v0;
	[tilespmem:s11+$0x180] =	vst v9  }
0x122: {  	v26 =	vadd.s32 v19, v0;
	v7 =	vand.u32 $0xFFFFFFF8, v7;
	v9 =	vadd.s32 v18, v0;
	[tilespmem:s11+$0x200] =	vst v2  }
0x123: {  	v2 =	vor.u32 v36, v7;
	v7 =	vand.u32 $0xFFFFFFF8, v25;
	v25 =	vadd.s32 v23, v0;
	[tilespmem:s11+$0x280] =	vst v4  }
0x124: {  	v4 =	vshll.u32 v5, $0x4;
	v5 =	vor.u32 v36, v7;
	v7 =	vand.u32 $0xFFFFFFF8, v9;
	[tilespmem:s11+$0x300] =	vst v6  }
0x125: {  	v4 =	vor.u32 v20, v4;
	v6 =	vor.u32 v36, v7;
	v7 =	vand.u32 $0xFFFFFFF8, v26  }
0x126: {  	v9 =	vand.u32 $0xFFFFFFF8, v25;
	v7 =	vor.u32 v36, v7;
	v25 =	vadd.s32 v23, v4  }
0x127: {  	v26 =	vadd.s32 v21, v0;
	v9 =	vor.u32 v36, v9;
	v25 =	vand.u32 $0xFFFFFFF8, v25  }
0x128: {  	v25 =	vor.u32 v36, v25;
	v62 =	vld.idx.msk [tilespmem:v2+s26+$0x0], $0xffff;
	v2 =	vand.u32 $0xFFFFFFF8, v26;
	v26 =	vadd.s32 v16, v0  }
0x129: {  	v0 =	vadd.s32 v22, v0;
	v41 =	vld.idx.msk [tilespmem:v5+s26+$0x0], $0xffff;
	v2 =	vor.u32 v36, v2;
	v5 =	vand.u32 $0xFFFFFFF8, v26  }
0x12a: {  	v26 =	vadd.s32 v15, v4;
	v0 =	vand.u32 $0xFFFFFFF8, v0;
	v42 =	vld.idx.msk [tilespmem:v6+s26+$0x0], $0xffff;
	v5 =	vor.u32 v36, v5  }
0x12b: {  	v6 =	vand.u32 $0xFFFFFFF8, v26;
	v26 =	vadd.s32 v17, v4;
	v0 =	vor.u32 v36, v0;
	v43 =	vld.idx.msk [tilespmem:v7+s26+$0x0], $0xffff  }
0x12c: {  	v6 =	vor.u32 v36, v6;
	v7 =	vand.u32 $0xFFFFFFF8, v26;
	v26 =	vadd.s32 v18, v4;
	v9 =	vld.idx.msk [tilespmem:v9+s26+$0x0], $0xffff  }
0x12d: {  	v27 =	vadd.s32 v19, v4;
	v7 =	vor.u32 v36, v7;
	v26 =	vand.u32 $0xFFFFFFF8, v26;
	v25 =	vld.idx.msk [tilespmem:v25+s26+$0x0], $0xffff  }
0x12e: {  	v27 =	vand.u32 $0xFFFFFFF8, v27;
	v26 =	vor.u32 v36, v26;
	v47 =	vld.idx.msk [tilespmem:v2+s26+$0x0], $0xffff;
	v2 =	vadd.s32 v21, v4  }
0x12f: {  	v27 =	vor.u32 v36, v27;
	v2 =	vand.u32 $0xFFFFFFF8, v2;
	v48 =	vld.idx.msk [tilespmem:v5+s26+$0x0], $0xffff;
	v5 =	vadd.s32 v16, v4  }
0x130: {  	v2 =	vor.u32 v36, v2;
	v5 =	vand.u32 $0xFFFFFFF8, v5;
	v44 =	vld.idx.msk [tilespmem:v0+s26+$0x0], $0xffff;
	v0 =	vadd.s32 v22, v4  }
0x131: {  	v38 =	vsub.f32 v3, v8;
	v3 =	vld.idx.msk [tilespmem:v6+s26+$0x0], $0xffff;
	v4 =	vor.u32 v36, v5;
	v0 =	vand.u32 $0xFFFFFFF8, v0  }
0x132: {  	v5 =	vcvt.f32.s32 v1;
	v1 =	vshll.u32 v24, $0x4;
	v6 =	vld.idx.msk [tilespmem:v7+s26+$0x0], $0xffff;
	v0 =	vor.u32 v36, v0  }
0x133: {  	s7 =	sadd.s32 $0x100, s7;
	v8 =	vmul.f32 v9, v38;
	v1 =	vor.u32 v20, v1;
	v9 =	vmul.f32 v25, v55;
	v7 =	vld.idx.msk [tilespmem:v26+s26+$0x0], $0xffff  }
0x134: {  	s8 =	sadd.s32 $0x20, s8;
	s11 =	sand.u32 $0x7C00, s7;
	v25 =	vshll.u32 v5, $0x4;
	v26 =	vadd.s32 v15, v1;
	v28 =	vadd.s32 v17, v1;
	v27 =	vld.idx.msk [tilespmem:v27+s26+$0x0], $0xffff  }
0x135: {  	s12 =	sadd.s32 $0xFFFFFFF0, s8;
	s17 =	sadd.s32 $0xE000, s11;
	s11 =	sand.u32 $0x70, s8;
	v29 =	vadd.s32 v18, v1;
	v25 =	vor.u32 v20, v25;
	v30 =	vld.idx.msk [tilespmem:v2+s26+$0x0], $0xffff;
	v2 =	vadd.f32 v9, v8  }
0x136: {  	s12 =	sand.u32 $0x60, s12;
	s11 =	sor.u32 s11, s17;
	v31 =	vadd.s32 v16, v1;
	v8 =	vadd.s32 v19, v1;
	v9 =	vadd.s32 v21, v1;
	v32 =	vld.idx.msk [tilespmem:v4+s26+$0x0], $0xffff  }
0x137: {  	s12 =	sor.u32 s12, s17;
	v4 =	vand.u32 $0xFFFFFFF8, v26;
	v26 =	vadd.s32 v22, v1;
	v1 =	vadd.s32 v23, v1;
	v0 =	vld.idx.msk [tilespmem:v0+s26+$0x0], $0xffff;
	[tilespmem:s11+$0x380] =	vst v2  }
0x138: {  	v34 =	vadd.s32 v17, v25;
	v35 =	vadd.s32 v18, v25;
	v2 =	vadd.s32 v15, v25  }
0x139: {  	v56 =	vadd.s32 v19, v25;
	v58 =	vadd.s32 v21, v25;
	v59 =	vadd.s32 v16, v25  }
0x13a: {  	v28 =	vand.u32 $0xFFFFFFF8, v28;
	v60 =	vadd.s32 v22, v25;
	v25 =	vadd.s32 v23, v25  }
0x13b: {  	v29 =	vand.u32 $0xFFFFFFF8, v29;
	v8 =	vand.u32 $0xFFFFFFF8, v8;
	v9 =	vand.u32 $0xFFFFFFF8, v9  }
0x13c: {  	v31 =	vand.u32 $0xFFFFFFF8, v31;
	v26 =	vand.u32 $0xFFFFFFF8, v26;
	v1 =	vand.u32 $0xFFFFFFF8, v1  }
0x13d: {  	v34 =	vand.u32 $0xFFFFFFF8, v34;
	v35 =	vand.u32 $0xFFFFFFF8, v35;
	v2 =	vand.u32 $0xFFFFFFF8, v2  }
0x13e: {  	v56 =	vand.u32 $0xFFFFFFF8, v56;
	v58 =	vand.u32 $0xFFFFFFF8, v58;
	v59 =	vand.u32 $0xFFFFFFF8, v59  }
0x13f: {  	v60 =	vand.u32 $0xFFFFFFF8, v60;
	v61 =	vor.u32 v36, v4;
	v25 =	vand.u32 $0xFFFFFFF8, v25  }
0x140: {  	v63 =	vor.u32 v36, v28;
	v10 =	vor.u32 v36, v29;
	v8 =	vor.u32 v36, v8  }
0x141: {  	v31 =	vor.u32 v36, v31;
	v9 =	vor.u32 v36, v9;
	v11 =	vor.u32 v36, v26  }
0x142: {  	v34 =	vor.u32 v36, v34;
	v13 =	vor.u32 v36, v1;
	v12 =	vor.u32 v36, v2  }
0x143: {  	v14 =	vor.u32 v36, v35;
	v4 =	vor.u32 v36, v56;
	v29 =	vor.u32 v36, v58  }
0x144: {  	v28 =	vor.u32 v36, v59;
	v2 =	vor.u32 v36, v60;
	v1 =	vor.u32 v36, v25;
	v35 =	vld.idx.msk [tilespmem:v61+s26+$0x0], $0xffff  }
0x145: {  	v5 =	vcvt.s32.f32 v5;
	v26 =	vadd.f32 v40, v49;
	v25 =	vcvt.s32.f32 v24;
	v63 =	vld.idx.msk [tilespmem:v63+s26+$0x0], $0xffff  }
0x146: {  	v24 =	vmul.f32 v55, v3;
	v61 =	vmul.f32 v6, v55;
	v10 =	vld.idx.msk [tilespmem:v10+s26+$0x0], $0xffff  }
0x147: {  	v60 =	vmul.f32 v7, v55;
	v49 =	vsub.f32 v25, v57;
	v57 =	vsub.f32 v57, v5;
	v8 =	vld.idx.msk [tilespmem:v8+s26+$0x0], $0xffff  }
0x148: {  	v59 =	vmul.f32 v27, v55;
	v58 =	vmul.f32 v30, v55;
	v7 =	vld.idx.msk [tilespmem:v9+s26+$0x0], $0xffff;
	[tilespmem:s6+$0x180] =	vst v26  }
0x149: {  	v56 =	vmul.f32 v32, v55;
	v55 =	vmul.f32 v0, v55;
	v26 =	vld.idx.msk [tilespmem:v31+s26+$0x0], $0xffff  }
.Ltmp1:
0x14a: {  	v0 =	vmul.f32 v50, v54;
	v30 =	vmul.f32 v57, v35;
	v25 =	vld.idx.msk [tilespmem:v11+s26+$0x0], $0xffff;
	(pc) =	sbr.rel @p0 .LBB2_4-.Ltmp1, $4  }
0x14b: {  	v9 =	vmul.f32 v51, v54;
	v6 =	vmul.f32 v63, v57;
	v3 =	vld.idx.msk [tilespmem:v13+s26+$0x0], $0xffff  }
0x14c: {  	v31 =	vadd.f32 v39, v0;
	v5 =	vmul.f32 v10, v57;
	v10 =	vmul.f32 v52, v54;
	v35 =	vld.idx.msk [tilespmem:v12+s26+$0x0], $0xffff  }
0x14d: {  	v0 =	vmul.f32 v53, v54;
	v51 =	vadd.f32 v46, v9;
	v40 =	vmul.f32 v8, v57;
	v34 =	vld.idx.msk [tilespmem:v34+s26+$0x0], $0xffff  }
0x14e: {  	s10 =	sadd.s32 $0x20, s10;
	v39 =	vmul.f32 v7, v57;
	v7 =	vmul.f32 v38, v62;
	v27 =	vadd.f32 v45, v10;
	v32 =	vld.idx.msk [tilespmem:v14+s26+$0x0], $0xffff  }
0x14f: {  	_ =	sdelay $0x3  }
0x150: {  	v4 =	vld.idx.msk [tilespmem:v4+s26+$0x0], $0xffff;
	[tilespmem:s6+$0x200] =	vst v31;
	v0 =	vadd.f32 v37, v0  }
0x151: {  	[tilespmem:s6+$0x280] =	vst v51;
	v9 =	vmul.f32 v49, v35  }
0x152: {  	v8 =	vld.idx.msk [tilespmem:v29+s26+$0x0], $0xffff;
	v7 =	vadd.f32 v7, v24;
	[tilespmem:s6+$0x380] =	vst v0;
	v0 =	vmul.f32 v38, v41  }
0x153: {  	v10 =	vld.idx.msk [tilespmem:v28+s26+$0x0], $0xffff;
	[tilespmem:s6+$0x300] =	vst v27;
	v11 =	vmul.f32 v49, v34;
	v9 =	vadd.f32 v9, v30  }
0x154: {  	v2 =	vld.idx.msk [tilespmem:v2+s26+$0x0], $0xffff;
	[tilespmem:s11+$0x0] =	vst v7;
	v12 =	vmul.f32 v32, v49;
	v0 =	vadd.f32 v0, v61  }
0x155: {  	v1 =	vld.idx.msk [tilespmem:v1+s26+$0x0], $0xffff;
	v6 =	vadd.f32 v11, v6;
	v4 =	vmul.f32 v4, v49;
	[tilespmem:s12+$0x0] =	vst v9  }
0x156: {  	v5 =	vadd.f32 v5, v12;
	v9 =	vmul.f32 v42, v38;
	[tilespmem:s11+$0x80] =	vst v0  }
0x157: {  	[tilespmem:s12+$0x80] =	vst v6;
	v6 =	vmul.f32 v43, v38;
	v4 =	vadd.f32 v40, v4  }
0x158: {  	v0 =	vmul.f32 v44, v38;
	[tilespmem:s12+$0x100] =	vst v5;
	v5 =	vadd.f32 v60, v9  }
0x159: {  	v7 =	vmul.f32 v48, v38;
	v6 =	vadd.f32 v59, v6;
	[tilespmem:s12+$0x180] =	vst v4  }
0x15a: {  	v9 =	vmul.f32 v47, v38;
	v0 =	vadd.f32 v55, v0;
	[tilespmem:s11+$0x100] =	vst v5  }
0x15b: {  	v5 =	vadd.f32 v56, v7;
	[tilespmem:s11+$0x180] =	vst v6;
	v6 =	vmul.f32 v8, v49  }
0x15c: {  	v2 =	vmul.f32 v2, v49;
	v9 =	vadd.f32 v58, v9;
	[tilespmem:s11+$0x300] =	vst v0;
	v8 =	vmul.f32 v25, v57  }
0x15d: {  	v7 =	vmul.f32 v26, v57;
	[tilespmem:s11+$0x280] =	vst v5;
	v5 =	vmul.f32 v10, v49;
	v0 =	vadd.f32 v39, v6  }
0x15e: {  	v3 =	vmul.f32 v3, v57;
	v1 =	vmul.f32 v1, v49;
	[tilespmem:s11+$0x200] =	vst v9;
	v2 =	vadd.f32 v8, v2  }
0x15f: {  	v4 =	vadd.f32 v7, v5;
	[tilespmem:s12+$0x200] =	vst v0  }
0x160: {  	v0 =	vadd.f32 v3, v1;
	[tilespmem:s12+$0x300] =	vst v2  }
0x161: {  	[tilespmem:s12+$0x280] =	vst v4  }
0x162: {  	[tilespmem:s12+$0x380] =	vst v0  }
0x163: {  	s8 =	simm.s32 $0x0;
	s7 =	rddreg [dreg:$0x7]  }
0x164: {  	[hbm4b:s7+s8] =	stream.linear.scatter [tilespmem:s28], [sflag:$0x1], $0x8000, $0x38;
	[tilespmem:$0x1E000] =	vst v63  }
0x165: {  	s9 =	rddreg [dreg:$0x8]  }
0x166: {  	[tilespmem:s23], [sflag:$0x3] =	stream.linear.gather [hbm4b:s9+s8], $0x1000, $0x38;
	[tilespmem:$0x1E000] =	vst v63  }
0x167: {  	_ =	swait.ge [sflag:s29], $0x1000  }
0x168: {  	[sflag:s29] =	ssyncset.done $0x0  }
0x169: {  	s10 =	simm.s32 $0xD010;
	[sflag:s29] =	ssyncadd.s32 $0xFFFFF000  }
0x16a: {  	v0 =	vld [tilespmem:s10+$0x0]  }
0x16b: {  	v1 =	vld [tilespmem:s10+$0xFFFFFFF0];
	_ =	sdelay $0x3  }
0x16c: {  	v0 =	vmul.f32 $1.000000000e+01, v0  }
0x16d: {  	v21 =	vld [tilespmem:$0x1FEB0];
	v47 =	vmul.f32 $1.000000000e+01, v1  }
0x16e: {  	v15 =	vld [tilespmem:$0x1FEC0];
	v1 =	vtrunc.f32 v0  }
0x16f: {  	v24 =	vld [tilespmem:$0x1FF30];
	v2 =	vadd.f32 $1.000000000e+00, v0;
	v3 =	vadd.f32 $1.000000000e+00, v47;
	v4 =	vtrunc.f32 v47  }
0x170: {  	v19 =	vld [tilespmem:$0x1FF70];
	v1 =	vcvt.f32.s32 v1;
	v4 =	vcvt.f32.s32 v4  }
0x171: {  	v16 =	vld [tilespmem:$0x1FF40];
	v2 =	vtrunc.f32 v2;
	v3 =	vtrunc.f32 v3  }
0x172: {  	v17 =	vld [tilespmem:$0x1FF50];
	v5 =	vcvt.s32.f32 v1;
	v2 =	vcvt.f32.s32 v2  }
0x173: {  	v18 =	vld [tilespmem:$0x1FF60];
	v1 =	vshll.u32 v1, $0x4;
	v3 =	vcvt.f32.s32 v3;
	v31 =	vshll.u32 v4, $0x4  }
0x174: {  	v4 =	vcvt.s32.f32 v4;
	v1 =	vor.u32 v20, v1;
	v31 =	vor.u32 v20, v31  }
0x175: {  	v25 =	vsub.f32 v0, v5;
	v5 =	vcvt.s32.f32 v2;
	v6 =	vadd.s32 v33, v1  }
0x176: {  	v7 =	vadd.s32 v21, v1;
	v8 =	vadd.s32 v15, v1;
	v9 =	vadd.s32 v24, v1  }
0x177: {  	v10 =	vadd.s32 v19, v1;
	v2 =	vshll.u32 v2, $0x4;
	v12 =	vadd.s32 v16, v1  }
0x178: {  	v13 =	vadd.s32 v17, v1;
	v1 =	vadd.s32 v18, v1;
	v53 =	vadd.s32 v33, v31  }
0x179: {  	v54 =	vadd.s32 v21, v31;
	v55 =	vadd.s32 v15, v31;
	v56 =	vadd.s32 v24, v31  }
0x17a: {  	v57 =	vadd.s32 v16, v31;
	v45 =	vadd.s32 v17, v31;
	v46 =	vadd.s32 v18, v31  }
0x17b: {  	v31 =	vadd.s32 v19, v31;
	v4 =	vsub.f32 v47, v4;
	v6 =	vand.u32 $0xFFFFFFF8, v6  }
0x17c: {  	v7 =	vand.u32 $0xFFFFFFF8, v7;
	v8 =	vand.u32 $0xFFFFFFF8, v8;
	v2 =	vor.u32 v20, v2  }
0x17d: {  	v9 =	vand.u32 $0xFFFFFFF8, v9;
	v10 =	vand.u32 $0xFFFFFFF8, v10;
	v12 =	vand.u32 $0xFFFFFFF8, v12  }
0x17e: {  	v13 =	vand.u32 $0xFFFFFFF8, v13;
	v1 =	vand.u32 $0xFFFFFFF8, v1;
	v39 =	vand.u32 $0xFFFFFFF8, v53  }
0x17f: {  	v41 =	vand.u32 $0xFFFFFFF8, v54;
	v31 =	vand.u32 $0xFFFFFFF8, v31;
	v10 =	vor.u32 v36, v10  }
0x180: {  	v6 =	vor.u32 v36, v6;
	v7 =	vor.u32 v36, v7;
	v8 =	vor.u32 v36, v8  }
0x181: {  	v9 =	vor.u32 v36, v9;
	v11 =	vadd.s32 v19, v2;
	v14 =	vadd.s32 v33, v2  }
0x182: {  	s11 =	simm.s32 $0xD030;
	v26 =	vadd.s32 v21, v2;
	v27 =	vadd.s32 v15, v2;
	v28 =	vadd.s32 v24, v2  }
0x183: {  	v29 =	vadd.s32 v16, v2;
	v61 =	vor.u32 v36, v31;
	v31 =	vld [tilespmem:s11+$0x0];
	v11 =	vand.u32 $0xFFFFFFF8, v11  }
0x184: {  	v30 =	vadd.s32 v17, v2;
	v14 =	vand.u32 $0xFFFFFFF8, v14;
	v11 =	vor.u32 v36, v11;
	v10 =	vld.idx.msk [tilespmem:v10+s26+$0x0], $0xffff  }
0x185: {  	v2 =	vadd.s32 v18, v2;
	v26 =	vand.u32 $0xFFFFFFF8, v26;
	v14 =	vor.u32 v36, v14;
	v6 =	vld.idx.msk [tilespmem:v6+s26+$0x0], $0xffff  }
0x186: {  	v0 =	vsub.f32 v5, v0;
	v27 =	vand.u32 $0xFFFFFFF8, v27;
	v26 =	vor.u32 v36, v26;
	v7 =	vld.idx.msk [tilespmem:v7+s26+$0x0], $0xffff  }
0x187: {  	v28 =	vand.u32 $0xFFFFFFF8, v28;
	v29 =	vand.u32 $0xFFFFFFF8, v29;
	v27 =	vor.u32 v36, v27;
	v8 =	vld.idx.msk [tilespmem:v8+s26+$0x0], $0xffff  }
0x188: {  	v30 =	vand.u32 $0xFFFFFFF8, v30;
	v2 =	vand.u32 $0xFFFFFFF8, v2;
	v28 =	vor.u32 v36, v28;
	v9 =	vld.idx.msk [tilespmem:v9+s26+$0x0], $0xffff  }
0x189: {  	v29 =	vor.u32 v36, v29;
	v5 =	vor.u32 v36, v30;
	v30 =	vshll.u32 v3, $0x4;
	v11 =	vld.idx.msk [tilespmem:v11+s26+$0x0], $0xffff  }
0x18a: {  	v12 =	vor.u32 v36, v12;
	v2 =	vor.u32 v36, v2;
	v30 =	vor.u32 v20, v30;
	v14 =	vld.idx.msk [tilespmem:v14+s26+$0x0], $0xffff  }
0x18b: {  	v48 =	vadd.s32 v33, v30;
	v49 =	vadd.s32 v21, v30;
	v50 =	vadd.s32 v15, v30;
	v26 =	vld.idx.msk [tilespmem:v26+s26+$0x0], $0xffff  }
0x18c: {  	v51 =	vadd.s32 v17, v30;
	v52 =	vadd.s32 v18, v30;
	v32 =	vand.u32 $0xFFFFFFF8, v48;
	v27 =	vld.idx.msk [tilespmem:v27+s26+$0x0], $0xffff  }
0x18d: {  	v34 =	vand.u32 $0xFFFFFFF8, v49;
	v35 =	vand.u32 $0xFFFFFFF8, v50;
	v32 =	vor.u32 v36, v32;
	v28 =	vld.idx.msk [tilespmem:v28+s26+$0x0], $0xffff  }
0x18e: {  	v34 =	vor.u32 v36, v34;
	v29 =	vld.idx.msk [tilespmem:v29+s26+$0x0], $0xffff;
	v10 =	vmul.f32 v10, v0;
	v11 =	vmul.f32 v11, v25  }
0x18f: {  	v37 =	vand.u32 $0xFFFFFFF8, v51;
	v38 =	vand.u32 $0xFFFFFFF8, v52;
	v35 =	vor.u32 v36, v35;
	v5 =	vld.idx.msk [tilespmem:v5+s26+$0x0], $0xffff  }
0x190: {  	v37 =	vor.u32 v36, v37;
	v2 =	vld.idx.msk [tilespmem:v2+s26+$0x0], $0xffff;
	v40 =	vadd.f32 v11, v10;
	v11 =	vadd.s32 v24, v30  }
0x191: {  	v38 =	vor.u32 v36, v38;
	v10 =	vld.idx.msk [tilespmem:v12+s26+$0x0], $0xffff;
	v12 =	vadd.s32 v16, v30;
	v11 =	vand.u32 $0xFFFFFFF8, v11  }
0x192: {  	v32 =	vld.idx.msk [tilespmem:v32+s26+$0x0], $0xffff;
	v30 =	vadd.s32 v19, v30;
	v12 =	vand.u32 $0xFFFFFFF8, v12;
	v11 =	vor.u32 v36, v11  }
0x193: {  	v42 =	vand.u32 $0xFFFFFFF8, v55;
	v34 =	vld.idx.msk [tilespmem:v34+s26+$0x0], $0xffff;
	v30 =	vand.u32 $0xFFFFFFF8, v30;
	v12 =	vor.u32 v36, v12  }
0x194: {  	v43 =	vand.u32 $0xFFFFFFF8, v56;
	v44 =	vand.u32 $0xFFFFFFF8, v57;
	v35 =	vld.idx.msk [tilespmem:v35+s26+$0x0], $0xffff;
	v30 =	vor.u32 v36, v30  }
0x195: {  	v45 =	vand.u32 $0xFFFFFFF8, v45;
	v13 =	vor.u32 v36, v13;
	v3 =	vcvt.s32.f32 v3;
	v37 =	vld.idx.msk [tilespmem:v37+s26+$0x0], $0xffff  }
0x196: {  	v39 =	vor.u32 v36, v39;
	v7 =	vmul.f32 v0, v7;
	v50 =	vmul.f32 v28, v25;
	v28 =	vld.idx.msk [tilespmem:v38+s26+$0x0], $0xffff  }
0x197: {  	v42 =	vor.u32 v36, v42;
	v14 =	vmul.f32 v25, v14;
	v26 =	vmul.f32 v26, v25;
	v11 =	vld.idx.msk [tilespmem:v11+s26+$0x0], $0xffff  }
0x198: {  	v41 =	vor.u32 v36, v41;
	v27 =	vmul.f32 v27, v25;
	v58 =	vmul.f32 v29, v25;
	v12 =	vld.idx.msk [tilespmem:v12+s26+$0x0], $0xffff  }
0x199: {  	v46 =	vand.u32 $0xFFFFFFF8, v46;
	v5 =	vmul.f32 v5, v25;
	v2 =	vmul.f32 v2, v25;
	v25 =	vld.idx.msk [tilespmem:v30+s26+$0x0], $0xffff  }
0x19a: {  	v1 =	vor.u32 v36, v1;
	v13 =	vld.idx.msk [tilespmem:v13+s26+$0x0], $0xffff;
	v8 =	vmul.f32 v8, v0;
	v32 =	vmul.f32 v4, v32  }
0x19b: {  	v59 =	vor.u32 v36, v43;
	v52 =	vld.idx.msk [tilespmem:v39+s26+$0x0], $0xffff;
	v34 =	vmul.f32 v34, v4;
	v35 =	vmul.f32 v35, v4  }
0x19c: {  	v44 =	vor.u32 v36, v44;
	v42 =	vld.idx.msk [tilespmem:v42+s26+$0x0], $0xffff;
	v48 =	vmul.f32 v11, v4;
	v11 =	vmul.f32 v37, v4  }
0x19d: {  	v45 =	vor.u32 v36, v45;
	v41 =	vld.idx.msk [tilespmem:v41+s26+$0x0], $0xffff;
	v22 =	vmul.f32 v28, v4;
	v23 =	vmul.f32 v12, v4  }
0x19e: {  	v49 =	vsub.f32 v3, v47;
	v37 =	vmul.f32 v25, v4;
	v4 =	vmul.f32 v9, v0;
	[tilespmem:$0x1FE70] =	vst v11  }
0x19f: {  	v6 =	vmul.f32 v0, v6;
	v29 =	vadd.f32 v7, v26;
	v28 =	vadd.f32 v27, v8;
	v3 =	vld [tilespmem:s11+$0xFFFFFFF0]  }
0x1a0: {  	v7 =	vmul.f32 v10, v0;
	v27 =	vadd.f32 v50, v4;
	v4 =	vmul.f32 $1.000000000e+01, v31;
	v1 =	vld.idx.msk [tilespmem:v1+s26+$0x0], $0xffff  }
0x1a1: {  	v10 =	vmul.f32 v13, v0;
	v13 =	vmul.f32 v42, v49;
	v30 =	vadd.f32 v6, v14  }
0x1a2: {  	v6 =	vmul.f32 v49, v52;
	v52 =	vadd.f32 v58, v7;
	v9 =	vld.idx.msk [tilespmem:v59+s26+$0x0], $0xffff;
	v7 =	vadd.f32 $1.000000000e+00, v4  }
0x1a3: {  	v60 =	vor.u32 v36, v46;
	v8 =	vmul.f32 v49, v41;
	v46 =	vadd.f32 v35, v13  }
0x1a4: {  	v53 =	vadd.f32 v5, v10;
	v5 =	vtrunc.f32 v7;
	v25 =	vmul.f32 $1.000000000e+01, v3  }
0x1a5: {  	v6 =	vadd.f32 v6, v32;
	v0 =	vmul.f32 v1, v0;
	v1 =	vtrunc.f32 v4  }
0x1a6: {  	v5 =	vcvt.f32.s32 v5;
	v3 =	vadd.f32 v8, v34;
	v1 =	vcvt.f32.s32 v1  }
0x1a7: {  	v43 =	vmul.f32 v9, v49;
	v13 =	vadd.f32 $1.000000000e+00, v25;
	v14 =	vtrunc.f32 v25  }
0x1a8: {  	v51 =	vadd.f32 v2, v0;
	v7 =	vcvt.s32.f32 v1;
	v1 =	vshll.u32 v1, $0x4  }
0x1a9: {  	v9 =	vtrunc.f32 v13;
	v0 =	vor.u32 v20, v1;
	v1 =	vcvt.s32.f32 v5  }
0x1aa: {  	v5 =	vshll.u32 v5, $0x4;
	v50 =	vcvt.f32.s32 v9;
	v26 =	vsub.f32 v4, v7  }
0x1ab: {  	v2 =	vadd.s32 v33, v0;
	v7 =	vadd.s32 v21, v0;
	v9 =	vadd.s32 v15, v0  }
0x1ac: {  	v10 =	vadd.s32 v24, v0;
	v13 =	vadd.s32 v19, v0;
	v5 =	vor.u32 v20, v5  }
0x1ad: {  	v54 =	vadd.s32 v16, v0;
	v55 =	vadd.s32 v17, v0;
	v0 =	vadd.s32 v18, v0  }
0x1ae: {  	v2 =	vand.u32 $0xFFFFFFF8, v2;
	v7 =	vand.u32 $0xFFFFFFF8, v7;
	v9 =	vand.u32 $0xFFFFFFF8, v9  }
0x1af: {  	v10 =	vand.u32 $0xFFFFFFF8, v10;
	v13 =	vand.u32 $0xFFFFFFF8, v13;
	v31 =	vadd.s32 v19, v5  }
0x1b0: {  	v32 =	vand.u32 $0xFFFFFFF8, v54;
	v34 =	vand.u32 $0xFFFFFFF8, v55;
	v56 =	vadd.s32 v33, v5  }
0x1b1: {  	v0 =	vand.u32 $0xFFFFFFF8, v0;
	v57 =	vadd.s32 v21, v5;
	v58 =	vadd.s32 v15, v5  }
0x1b2: {  	v62 =	vadd.s32 v24, v5;
	v63 =	vadd.s32 v16, v5;
	v39 =	vadd.s32 v17, v5  }
0x1b3: {  	v5 =	vadd.s32 v18, v5;
	v2 =	vor.u32 v36, v2;
	v7 =	vor.u32 v36, v7  }
0x1b4: {  	s6 =	sand.u32 $0x7C00, s8;
	s12 =	simm.s32 $0x10;
	v9 =	vor.u32 v36, v9;
	v10 =	vor.u32 v36, v10;
	v13 =	vor.u32 v36, v13  }
0x1b5: {  	s6 =	sadd.s32 $0x16000, s6;
	s7 =	sand.u32 $0x70, s12;
	v31 =	vand.u32 $0xFFFFFFF8, v31;
	v32 =	vor.u32 v36, v32;
	v34 =	vor.u32 v36, v34  }
0x1b6: {  	s9 =	sor.u32 s7, s6;
	v47 =	vld.idx.msk [tilespmem:v61+s26+$0x0], $0xffff;
	v35 =	vand.u32 $0xFFFFFFF8, v56;
	v11 =	vor.u32 v36, v0;
	v38 =	vand.u32 $0xFFFFFFF8, v57  }
0x1b7: {  	[tilespmem:s9+$0x380] =	vst v40;
	v59 =	vand.u32 $0xFFFFFFF8, v58;
	v41 =	vand.u32 $0xFFFFFFF8, v62;
	v58 =	vld.idx.msk [tilespmem:v44+s26+$0x0], $0xffff;
	v44 =	vand.u32 $0xFFFFFFF8, v39  }
0x1b8: {  	v39 =	vld.idx.msk [tilespmem:v60+s26+$0x0], $0xffff;
	v31 =	vor.u32 v36, v31;
	v35 =	vor.u32 v36, v35;
	v54 =	vor.u32 v36, v38  }
0x1b9: {  	s8 =	simm.s32 $0x0;
	[tilespmem:s9+$0x0] =	vst v30;
	v55 =	vor.u32 v36, v59;
	v38 =	vand.u32 $0xFFFFFFF8, v63;
	v56 =	vor.u32 v36, v41;
	v59 =	vld.idx.msk [tilespmem:v45+s26+$0x0], $0xffff  }
0x1ba: {  	s17 =	sand.u32 $0x60, s8;
	v12 =	vor.u32 v36, v44;
	v57 =	vor.u32 v36, v38;
	v38 =	vsub.f32 v1, v4;
	v13 =	vld.idx.msk [tilespmem:v13+s26+$0x0], $0xffff  }
0x1bb: {  	s6 =	sor.u32 s17, s6;
	[tilespmem:s9+$0x80] =	vst v29;
	v4 =	vand.u32 $0xFFFFFFF8, v5;
	v5 =	vcvt.f32.s32 v14;
	v14 =	vshll.u32 v50, $0x4;
	v60 =	vld.idx.msk [tilespmem:v2+s26+$0x0], $0xffff  }
0x1bc: {  	[tilespmem:s6+$0x80] =	vst v3;
	v4 =	vor.u32 v36, v4;
	v14 =	vor.u32 v20, v14;
	v40 =	vld.idx.msk [tilespmem:v7+s26+$0x0], $0xffff  }
0x1bd: {  	v45 =	vadd.s32 v33, v14;
	v61 =	vadd.s32 v15, v14;
	v3 =	vadd.s32 v17, v14;
	v31 =	vld.idx.msk [tilespmem:v31+s26+$0x0], $0xffff  }
0x1be: {  	v62 =	vadd.s32 v18, v14;
	v2 =	vadd.s32 v21, v14;
	v7 =	vadd.s32 v24, v14;
	v41 =	vld.idx.msk [tilespmem:v9+s26+$0x0], $0xffff  }
0x1bf: {  	[tilespmem:s9+$0x100] =	vst v28;
	v9 =	vand.u32 $0xFFFFFFF8, v45;
	v42 =	vld.idx.msk [tilespmem:v10+s26+$0x0], $0xffff;
	v10 =	vadd.s32 v19, v14;
	v30 =	vand.u32 $0xFFFFFFF8, v61  }
0x1c0: {  	[tilespmem:s9+$0x180] =	vst v27;
	v3 =	vand.u32 $0xFFFFFFF8, v3;
	v2 =	vand.u32 $0xFFFFFFF8, v2;
	v7 =	vand.u32 $0xFFFFFFF8, v7  }
0x1c1: {  	[tilespmem:s6+$0x0] =	vst v6;
	v10 =	vand.u32 $0xFFFFFFF8, v10;
	v9 =	vor.u32 v36, v9;
	v30 =	vor.u32 v36, v30  }
0x1c2: {  	v45 =	vld.idx.msk [tilespmem:v32+s26+$0x0], $0xffff;
	v3 =	vor.u32 v36, v3;
	v13 =	vmul.f32 v13, v38;
	v6 =	vmul.f32 v31, v26  }
0x1c3: {  	[tilespmem:s6+$0x100] =	vst v46;
	v46 =	vld.idx.msk [tilespmem:v34+s26+$0x0], $0xffff;
	v2 =	vor.u32 v36, v2;
	v7 =	vor.u32 v36, v7;
	v31 =	vshll.u32 v5, $0x4  }
0x1c4: {  	v44 =	vld.idx.msk [tilespmem:v11+s26+$0x0], $0xffff;
	v10 =	vor.u32 v36, v10;
	v31 =	vor.u32 v20, v31;
	v6 =	vadd.f32 v6, v13  }
0x1c5: {  	v29 =	vld.idx.msk [tilespmem:v35+s26+$0x0], $0xffff;
	v13 =	vadd.s32 v16, v14;
	v14 =	vadd.s32 v33, v31;
	v63 =	vadd.s32 v21, v31  }
0x1c6: {  	v28 =	vld.idx.msk [tilespmem:v54+s26+$0x0], $0xffff;
	v32 =	vadd.s32 v15, v31;
	v8 =	vadd.s32 v24, v31;
	v0 =	vadd.s32 v16, v31  }
0x1c7: {  	v27 =	vld.idx.msk [tilespmem:v55+s26+$0x0], $0xffff;
	v34 =	vadd.s32 v17, v31;
	v1 =	vadd.s32 v18, v31;
	v11 =	vadd.s32 v19, v31  }
0x1c8: {  	[tilespmem:s9+$0x200] =	vst v52;
	v52 =	vld.idx.msk [tilespmem:v56+s26+$0x0], $0xffff;
	v31 =	vand.u32 $0xFFFFFFF8, v62;
	v13 =	vand.u32 $0xFFFFFFF8, v13;
	v14 =	vand.u32 $0xFFFFFFF8, v14  }
0x1c9: {  	v12 =	vld.idx.msk [tilespmem:v12+s26+$0x0], $0xffff;
	v35 =	vand.u32 $0xFFFFFFF8, v63;
	v32 =	vand.u32 $0xFFFFFFF8, v32;
	v8 =	vand.u32 $0xFFFFFFF8, v8  }
0x1ca: {  	s7 =	simm.s32 $0x100;
	[tilespmem:s9+$0x280] =	vst v53;
	v53 =	vld.idx.msk [tilespmem:v57+s26+$0x0], $0xffff;
	v0 =	vand.u32 $0xFFFFFFF8, v0;
	v54 =	vand.u32 $0xFFFFFFF8, v34;
	v1 =	vand.u32 $0xFFFFFFF8, v1  }
0x1cb: {  	s8 =	simm.s32 $0x30;
	s10 =	sand.u32 $0x7C00, s7;
	[tilespmem:s9+$0x300] =	vst v51;
	v4 =	vld.idx.msk [tilespmem:v4+s26+$0x0], $0xffff;
	v11 =	vand.u32 $0xFFFFFFF8, v11;
	v55 =	vor.u32 v36, v31;
	v13 =	vor.u32 v36, v13  }
0x1cc: {  	s18 =	sand.u32 $0x70, s8;
	s10 =	sadd.s32 $0x16000, s10;
	v51 =	vld.idx.msk [tilespmem:v30+s26+$0x0], $0xffff;
	v14 =	vor.u32 v36, v14;
	v61 =	vor.u32 v36, v35;
	v62 =	vor.u32 v36, v32  }
0x1cd: {  	s11 =	sor.u32 s18, s10;
	v34 =	vor.u32 v36, v8;
	v8 =	vld.idx.msk [tilespmem:v9+s26+$0x0], $0xffff;
	v32 =	vor.u32 v36, v0;
	v31 =	vor.u32 v36, v54  }
0x1ce: {  	v9 =	vcvt.s32.f32 v50;
	v50 =	vld.idx.msk [tilespmem:v2+s26+$0x0], $0xffff;
	[tilespmem:s11+$0x380] =	vst v6;
	v0 =	vcvt.s32.f32 v5;
	v5 =	vadd.f32 v48, v43  }
0x1cf: {  	v57 =	vor.u32 v36, v1;
	v2 =	vmul.f32 v26, v29;
	v29 =	vor.u32 v36, v11;
	v11 =	vld.idx.msk [tilespmem:v7+s26+$0x0], $0xffff  }
0x1d0: {  	v35 =	vmul.f32 v28, v26;
	v1 =	vmul.f32 v27, v26;
	v54 =	vld.idx.msk [tilespmem:v10+s26+$0x0], $0xffff;
	[tilespmem:s6+$0x180] =	vst v5  }
0x1d1: {  	v28 =	vmul.f32 v53, v26;
	v27 =	vmul.f32 v12, v26;
	v10 =	vld [tilespmem:$0x1FE70]  }
0x1d2: {  	v7 =	vmul.f32 v58, v49;
	v30 =	vsub.f32 v25, v0;
	v0 =	vmul.f32 v52, v26;
	v13 =	vld.idx.msk [tilespmem:v13+s26+$0x0], $0xffff  }
0x1d3: {  	v56 =	vld.idx.msk [tilespmem:v3+s26+$0x0], $0xffff;
	v26 =	vmul.f32 v4, v26;
	v25 =	vsub.f32 v9, v25;
	v9 =	vmul.f32 v39, v49  }
0x1d4: {  	v63 =	vmov v24;
	v3 =	vld.idx.msk [tilespmem:v55+s26+$0x0], $0xffff;
	v6 =	vmul.f32 v30, v8;
	v8 =	vmul.f32 v59, v49  }
0x1d5: {  	s19 =	simm.s32 $0x20;
	v7 =	vadd.f32 v23, v7;
	v4 =	vmul.f32 v51, v30;
	v5 =	vmul.f32 v50, v30;
	v50 =	vld.idx.msk [tilespmem:v14+s26+$0x0], $0xffff  }
0x1d6: {  	s21 =	sand.u32 $0x60, s19;
	v51 =	vld.idx.msk [tilespmem:v61+s26+$0x0], $0xffff;
	v43 =	vmul.f32 v11, v30;
	v55 =	vadd.f32 v10, v8;
	v8 =	vmul.f32 v47, v49  }
0x1d7: {  	s12 =	sor.u32 s21, s10;
	s10 =	simm.s32 $0xD050;
	s9 =	simm.s32 $0x2;
	v24 =	vadd.f32 v22, v9;
	v52 =	vld.idx.msk [tilespmem:v62+s26+$0x0], $0xffff;
	v49 =	vmul.f32 v38, v60;
	v39 =	vmul.f32 v13, v30  }
.LBB2_6:
0x1d8: {  	v9 =	vld [tilespmem:s10+$0x0];
	v48 =	vmul.f32 v56, v30;
	v10 =	vmul.f32 v38, v40;
	v8 =	vadd.f32 v37, v8;
	[tilespmem:s6+$0x200] =	vst v7  }
0x1d9: {  	v47 =	vmul.f32 v3, v30;
	v3 =	vmul.f32 v41, v38;
	v7 =	vld [tilespmem:s10+$0xFFFFFFF0];
	v2 =	vadd.f32 v49, v2;
	[tilespmem:s6+$0x280] =	vst v55  }
0x1da: {  	v12 =	vmul.f32 v42, v38;
	v37 =	vmul.f32 v54, v30;
	v11 =	vld.idx.msk [tilespmem:v34+s26+$0x0], $0xffff;
	v10 =	vadd.f32 v10, v35  }
0x1db: {  	v13 =	vmul.f32 v25, v50;
	v1 =	vadd.f32 v1, v3;
	v3 =	vmul.f32 v45, v38;
	v49 =	vld.idx.msk [tilespmem:v32+s26+$0x0], $0xffff  }
0x1dc: {  	s9 =	sadd.s32 $0x2, s9;
	v0 =	vadd.f32 v0, v12;
	v12 =	vmul.f32 v46, v38;
	v14 =	vmul.f32 v25, v51;
	v50 =	vld.idx.msk [tilespmem:v31+s26+$0x0], $0xffff  }
0x1dd: {  	p0 =	slt.u32 s9, $0xFE;
	v6 =	vadd.f32 v13, v6;
	v13 =	vmul.f32 v52, v25;
	v9 =	vmul.f32 $1.000000000e+01, v9;
	v51 =	vld.idx.msk [tilespmem:v57+s26+$0x0], $0xffff;
	[tilespmem:s6+$0x300] =	vst v24  }
0x1de: {  	v5 =	vadd.f32 v14, v5;
	v54 =	vmul.f32 $1.000000000e+01, v7;
	v52 =	vld.idx.msk [tilespmem:v29+s26+$0x0], $0xffff;
	v7 =	vmul.f32 v44, v38;
	[tilespmem:s6+$0x380] =	vst v8;
	s6 =	smov.u32 s12  }
0x1df: {  	v53 =	vmovc v25;
	v3 =	vadd.f32 v28, v3;
	v4 =	vadd.f32 v4, v13;
	v8 =	vtrunc.f32 v9;
	[tilespmem:s6+$0x0] =	vst v6  }
0x1e0: {  	v13 =	vadd.f32 $1.000000000e+00, v9;
	v6 =	vadd.f32 $1.000000000e+00, v54;
	v8 =	vcvt.f32.s32 v8;
	[tilespmem:s6+$0x80] =	vst v5  }
0x1e1: {  	v56 =	vmul.f32 v11, v53;
	v5 =	vtrunc.f32 v54;
	[tilespmem:s6+$0x100] =	vst v4;
	v4 =	vadd.f32 v27, v12  }
0x1e2: {  	v7 =	vadd.f32 v26, v7;
	v11 =	vtrunc.f32 v13;
	v12 =	vcvt.s32.f32 v8;
	[tilespmem:s11+$0x0] =	vst v2  }
0x1e3: {  	v2 =	vtrunc.f32 v6;
	v6 =	vcvt.f32.s32 v11;
	v8 =	vshll.u32 v8, $0x4;
	[tilespmem:s11+$0x80] =	vst v10  }
0x1e4: {  	v25 =	vcvt.f32.s32 v2;
	v2 =	vor.u32 v20, v8;
	v55 =	vsub.f32 v9, v12;
	[tilespmem:s11+$0x100] =	vst v1  }
0x1e5: {  	v1 =	vcvt.s32.f32 v6;
	v8 =	vadd.s32 v33, v2;
	v10 =	vadd.s32 v21, v2;
	[tilespmem:s11+$0x180] =	vst v0  }
0x1e6: {  	v11 =	vadd.s32 v63, v2;
	v0 =	vand.u32 $0xFFFFFFF8, v8;
	v8 =	vadd.s32 v15, v2;
	[tilespmem:s11+$0x200] =	vst v3  }
0x1e7: {  	v0 =	vor.u32 v36, v0;
	v3 =	vand.u32 $0xFFFFFFF8, v10;
	v10 =	vadd.s32 v19, v2;
	[tilespmem:s11+$0x280] =	vst v4  }
0x1e8: {  	v4 =	vshll.u32 v6, $0x4;
	v3 =	vor.u32 v36, v3;
	v6 =	vand.u32 $0xFFFFFFF8, v8;
	[tilespmem:s11+$0x300] =	vst v7  }
0x1e9: {  	v4 =	vor.u32 v20, v4;
	v6 =	vor.u32 v36, v6;
	v7 =	vand.u32 $0xFFFFFFF8, v11  }
0x1ea: {  	v8 =	vand.u32 $0xFFFFFFF8, v10;
	v7 =	vor.u32 v36, v7;
	v10 =	vadd.s32 v19, v4  }
0x1eb: {  	v11 =	vadd.s32 v16, v2;
	v8 =	vor.u32 v36, v8;
	v10 =	vand.u32 $0xFFFFFFF8, v10  }
0x1ec: {  	v10 =	vor.u32 v36, v10;
	v24 =	vld.idx.msk [tilespmem:v0+s26+$0x0], $0xffff;
	v0 =	vand.u32 $0xFFFFFFF8, v11;
	v11 =	vadd.s32 v17, v2  }
0x1ed: {  	v2 =	vadd.s32 v18, v2;
	v40 =	vld.idx.msk [tilespmem:v3+s26+$0x0], $0xffff;
	v0 =	vor.u32 v36, v0;
	v3 =	vand.u32 $0xFFFFFFF8, v11  }
0x1ee: {  	v11 =	vadd.s32 v33, v4;
	v2 =	vand.u32 $0xFFFFFFF8, v2;
	v41 =	vld.idx.msk [tilespmem:v6+s26+$0x0], $0xffff;
	v3 =	vor.u32 v36, v3  }
0x1ef: {  	v6 =	vand.u32 $0xFFFFFFF8, v11;
	v11 =	vadd.s32 v21, v4;
	v2 =	vor.u32 v36, v2;
	v42 =	vld.idx.msk [tilespmem:v7+s26+$0x0], $0xffff  }
0x1f0: {  	v6 =	vor.u32 v36, v6;
	v7 =	vand.u32 $0xFFFFFFF8, v11;
	v11 =	vadd.s32 v15, v4;
	v8 =	vld.idx.msk [tilespmem:v8+s26+$0x0], $0xffff  }
0x1f1: {  	v12 =	vadd.s32 v63, v4;
	v7 =	vor.u32 v36, v7;
	v11 =	vand.u32 $0xFFFFFFF8, v11;
	v10 =	vld.idx.msk [tilespmem:v10+s26+$0x0], $0xffff  }
0x1f2: {  	v12 =	vand.u32 $0xFFFFFFF8, v12;
	v11 =	vor.u32 v36, v11;
	v45 =	vld.idx.msk [tilespmem:v0+s26+$0x0], $0xffff;
	v0 =	vadd.s32 v16, v4  }
0x1f3: {  	v12 =	vor.u32 v36, v12;
	v0 =	vand.u32 $0xFFFFFFF8, v0;
	v46 =	vld.idx.msk [tilespmem:v3+s26+$0x0], $0xffff;
	v3 =	vadd.s32 v17, v4  }
0x1f4: {  	v0 =	vor.u32 v36, v0;
	v3 =	vand.u32 $0xFFFFFFF8, v3;
	v44 =	vld.idx.msk [tilespmem:v2+s26+$0x0], $0xffff;
	v2 =	vadd.s32 v18, v4  }
0x1f5: {  	v38 =	vsub.f32 v1, v9;
	v1 =	vld.idx.msk [tilespmem:v6+s26+$0x0], $0xffff;
	v3 =	vor.u32 v36, v3;
	v2 =	vand.u32 $0xFFFFFFF8, v2  }
0x1f6: {  	v4 =	vcvt.f32.s32 v5;
	v5 =	vshll.u32 v25, $0x4;
	v6 =	vld.idx.msk [tilespmem:v7+s26+$0x0], $0xffff;
	v2 =	vor.u32 v36, v2  }
0x1f7: {  	s7 =	sadd.s32 $0x100, s7;
	v5 =	vor.u32 v20, v5;
	v8 =	vmul.f32 v8, v38;
	v9 =	vmul.f32 v10, v55;
	v7 =	vld.idx.msk [tilespmem:v11+s26+$0x0], $0xffff  }
0x1f8: {  	s8 =	sadd.s32 $0x20, s8;
	s11 =	sand.u32 $0x7C00, s7;
	v10 =	vshll.u32 v4, $0x4;
	v13 =	vadd.s32 v21, v5;
	v11 =	vadd.s32 v33, v5;
	v12 =	vld.idx.msk [tilespmem:v12+s26+$0x0], $0xffff  }
0x1f9: {  	s12 =	sadd.s32 $0xFFFFFFF0, s8;
	s17 =	sadd.s32 $0x16000, s11;
	s11 =	sand.u32 $0x70, s8;
	v14 =	vadd.s32 v15, v5;
	v10 =	vor.u32 v20, v10;
	v26 =	vld.idx.msk [tilespmem:v0+s26+$0x0], $0xffff;
	v0 =	vadd.f32 v9, v8  }
0x1fa: {  	s12 =	sand.u32 $0x60, s12;
	s11 =	sor.u32 s11, s17;
	v27 =	vadd.s32 v17, v5;
	v8 =	vadd.s32 v63, v5;
	v9 =	vadd.s32 v16, v5;
	v3 =	vld.idx.msk [tilespmem:v3+s26+$0x0], $0xffff  }
0x1fb: {  	s12 =	sor.u32 s12, s17;
	v28 =	vadd.s32 v18, v5;
	v11 =	vand.u32 $0xFFFFFFF8, v11;
	v5 =	vadd.s32 v19, v5;
	v58 =	vld.idx.msk [tilespmem:v2+s26+$0x0], $0xffff;
	[tilespmem:s11+$0x380] =	vst v0  }
0x1fc: {  	v29 =	vadd.s32 v15, v10;
	v0 =	vadd.s32 v33, v10;
	v2 =	vadd.s32 v21, v10  }
0x1fd: {  	v30 =	vadd.s32 v63, v10;
	v31 =	vadd.s32 v16, v10;
	v32 =	vadd.s32 v17, v10  }
0x1fe: {  	v13 =	vand.u32 $0xFFFFFFF8, v13;
	v34 =	vadd.s32 v18, v10;
	v10 =	vadd.s32 v19, v10  }
0x1ff: {  	v14 =	vand.u32 $0xFFFFFFF8, v14;
	v8 =	vand.u32 $0xFFFFFFF8, v8;
	v9 =	vand.u32 $0xFFFFFFF8, v9  }
0x200: {  	v27 =	vand.u32 $0xFFFFFFF8, v27;
	v28 =	vand.u32 $0xFFFFFFF8, v28;
	v5 =	vand.u32 $0xFFFFFFF8, v5  }
0x201: {  	v29 =	vand.u32 $0xFFFFFFF8, v29;
	v0 =	vand.u32 $0xFFFFFFF8, v0;
	v2 =	vand.u32 $0xFFFFFFF8, v2  }
0x202: {  	v30 =	vand.u32 $0xFFFFFFF8, v30;
	v31 =	vand.u32 $0xFFFFFFF8, v31;
	v35 =	vand.u32 $0xFFFFFFF8, v32  }
0x203: {  	v11 =	vor.u32 v36, v11;
	v57 =	vand.u32 $0xFFFFFFF8, v34;
	v10 =	vand.u32 $0xFFFFFFF8, v10  }
0x204: {  	v13 =	vor.u32 v36, v13;
	v14 =	vor.u32 v36, v14;
	v8 =	vor.u32 v36, v8  }
0x205: {  	v27 =	vor.u32 v36, v27;
	v59 =	vor.u32 v36, v28;
	v9 =	vor.u32 v36, v9  }
0x206: {  	v5 =	vor.u32 v36, v5;
	v60 =	vor.u32 v36, v0;
	v61 =	vor.u32 v36, v2  }
0x207: {  	v62 =	vor.u32 v36, v29;
	v34 =	vor.u32 v36, v30;
	v32 =	vor.u32 v36, v31  }
0x208: {  	v31 =	vor.u32 v36, v35;
	v57 =	vor.u32 v36, v57;
	v29 =	vor.u32 v36, v10;
	v11 =	vld.idx.msk [tilespmem:v11+s26+$0x0], $0xffff  }
0x209: {  	v4 =	vcvt.s32.f32 v4;
	v0 =	vcvt.s32.f32 v25;
	v10 =	vld.idx.msk [tilespmem:v13+s26+$0x0], $0xffff;
	v13 =	vadd.f32 v43, v56  }
0x20a: {  	v35 =	vmul.f32 v6, v55;
	v2 =	vmul.f32 v55, v1;
	v14 =	vld.idx.msk [tilespmem:v14+s26+$0x0], $0xffff  }
0x20b: {  	v30 =	vsub.f32 v54, v4;
	v1 =	vmul.f32 v7, v55;
	v25 =	vsub.f32 v0, v54;
	v8 =	vld.idx.msk [tilespmem:v8+s26+$0x0], $0xffff  }
0x20c: {  	v28 =	vmul.f32 v26, v55;
	v0 =	vmul.f32 v12, v55;
	v9 =	vld.idx.msk [tilespmem:v9+s26+$0x0], $0xffff;
	[tilespmem:s6+$0x180] =	vst v13  }
0x20d: {  	v26 =	vmul.f32 v58, v55;
	v56 =	vld.idx.msk [tilespmem:v27+s26+$0x0], $0xffff;
	v27 =	vmul.f32 v3, v55  }
.Ltmp2:
0x20e: {  	v7 =	vmul.f32 v49, v53;
	v6 =	vmul.f32 v30, v11;
	v3 =	vld.idx.msk [tilespmem:v59+s26+$0x0], $0xffff;
	(pc) =	sbr.rel @p0 .LBB2_6-.Ltmp2, $4  }
0x20f: {  	v54 =	vld.idx.msk [tilespmem:v5+s26+$0x0], $0xffff;
	v5 =	vmul.f32 v10, v30;
	v10 =	vmul.f32 v50, v53  }
0x210: {  	v7 =	vadd.f32 v39, v7;
	v11 =	vmul.f32 v51, v53;
	v4 =	vmul.f32 v14, v30;
	v50 =	vld.idx.msk [tilespmem:v60+s26+$0x0], $0xffff  }
0x211: {  	v43 =	vmul.f32 v8, v30;
	v8 =	vmul.f32 v52, v53;
	v51 =	vld.idx.msk [tilespmem:v61+s26+$0x0], $0xffff;
	v55 =	vadd.f32 v48, v10  }
0x212: {  	s10 =	sadd.s32 $0x20, s10;
	v49 =	vmul.f32 v38, v24;
	v24 =	vadd.f32 v47, v11;
	v39 =	vmul.f32 v9, v30;
	v52 =	vld.idx.msk [tilespmem:v62+s26+$0x0], $0xffff  }
0x213: {  	[tilespmem:s6+$0x200] =	vst v7  }
0x214: {  	v8 =	vadd.f32 v37, v8;
	[tilespmem:s6+$0x280] =	vst v55;
	v40 =	vmul.f32 v38, v40  }
0x215: {  	v41 =	vmul.f32 v41, v38;
	[tilespmem:s6+$0x300] =	vst v24;
	v2 =	vadd.f32 v49, v2  }
0x216: {  	v48 =	vmul.f32 v42, v38;
	[tilespmem:s6+$0x380] =	vst v8;
	v47 =	vadd.f32 v40, v35  }
0x217: {  	v9 =	vld.idx.msk [tilespmem:v34+s26+$0x0], $0xffff;
	v10 =	vmul.f32 v25, v50;
	v1 =	vadd.f32 v1, v41;
	[tilespmem:s11+$0x0] =	vst v2  }
0x218: {  	v34 =	vld.idx.msk [tilespmem:v32+s26+$0x0], $0xffff;
	v0 =	vadd.f32 v0, v48;
	v50 =	vmul.f32 v46, v38;
	[tilespmem:s11+$0x80] =	vst v47  }
0x219: {  	v11 =	vld.idx.msk [tilespmem:v31+s26+$0x0], $0xffff;
	v12 =	vmul.f32 v25, v51;
	v6 =	vadd.f32 v10, v6;
	[tilespmem:s11+$0x100] =	vst v1  }
0x21a: {  	v13 =	vld.idx.msk [tilespmem:v57+s26+$0x0], $0xffff;
	v51 =	vmul.f32 v44, v38;
	v2 =	vadd.f32 v27, v50;
	[tilespmem:s11+$0x180] =	vst v0  }
0x21b: {  	v14 =	vld.idx.msk [tilespmem:v29+s26+$0x0], $0xffff;
	v37 =	vmul.f32 v52, v25;
	v5 =	vadd.f32 v12, v5;
	[tilespmem:s12+$0x0] =	vst v6  }
0x21c: {  	v52 =	vmul.f32 v9, v25;
	v53 =	vadd.f32 v26, v51;
	[tilespmem:s11+$0x280] =	vst v2  }
0x21d: {  	v55 =	vmul.f32 v34, v25;
	v4 =	vadd.f32 v4, v37;
	[tilespmem:s12+$0x80] =	vst v5  }
0x21e: {  	v56 =	vmul.f32 v56, v30;
	v57 =	vmul.f32 v11, v25;
	v1 =	vadd.f32 v43, v52;
	[tilespmem:s11+$0x300] =	vst v53  }
0x21f: {  	v3 =	vmul.f32 v3, v30;
	v59 =	vmul.f32 v13, v25;
	v58 =	vadd.f32 v39, v55;
	[tilespmem:s12+$0x100] =	vst v4  }
0x220: {  	v60 =	vmul.f32 v54, v30;
	v62 =	vmul.f32 v14, v25;
	v61 =	vadd.f32 v56, v57;
	[tilespmem:s12+$0x180] =	vst v1  }
0x221: {  	v49 =	vmul.f32 v45, v38;
	v3 =	vadd.f32 v3, v59;
	[tilespmem:s12+$0x200] =	vst v58  }
0x222: {  	v63 =	vadd.f32 v60, v62;
	[tilespmem:s12+$0x280] =	vst v61  }
0x223: {  	v4 =	vadd.f32 v28, v49;
	[tilespmem:s12+$0x300] =	vst v3  }
0x224: {  	[tilespmem:s12+$0x380] =	vst v63  }
0x225: {  	[tilespmem:s11+$0x200] =	vst v4  }
0x226: {  	s6 =	rddreg [dreg:$0x4]  }
0x227: {  	[hbm4b:s6+s20] =	stream.linear.scatter [tilespmem:s30], [sflag:$0x2], $0x8000, $0x38;
	[tilespmem:$0x1E000] =	vst v63  }
0x228: {  	s21 =	rddreg [dreg:$0x9]  }
0x229: {  	[tilespmem:s24], [sflag:$0x4] =	stream.linear.gather [hbm4b:s21+s20], $0x1000, $0x38;
	[tilespmem:$0x1E000] =	vst v63  }
0x22a: {  	v33 =	vlaneseq.u32;
	s21 =	simm.s32 $0x0  }
.LBB2_8:
0x22b: {  	_ =	swait.ge [sflag:s25], $0x1000  }
0x22c: {  	[sflag:s25] =	ssyncset.done $0x0  }
0x22d: {  	[sflag:s25] =	ssyncadd.s32 $0xFFFFF000  }
0x22e: {  	s6 =	sshll.u32 s21, $0x1;
	_ =	swait.ge [sflag:s31], $0x8000  }
0x22f: {  	s10 =	simm.s32 $0xC010;
	s7 =	sadd.s32 s6, s13;
	[sflag:s31] =	ssyncset.done $0x0  }
0x230: {  	s9 =	sand.u32 $0x7, s7;
	s8 =	sshrl.u32 s7, $0x3;
	[sflag:s31] =	ssyncadd.s32 $0xFFFF8000  }
0x231: {  	s7 =	ssub.s32 s8, s5;
	s11 =	sshll.u32 s9, $0x5;
	v0 =	vld [tilespmem:s10+$0x0]  }
0x232: {  	s7 =	sadd.s32 s7, s11;
	v1 =	vld [tilespmem:s10+$0xFFFFFFF0]  }
0x233: {  	s7 =	smul.u32 $0xB0, s7;
	_ =	sdelay $0x1  }
0x234: {  	v37 =	vmov s7;
	s18 =	sadd.s32 $0x2C0, s7;
	s19 =	sadd.s32 $0x580, s7  }
0x235: {  	s12 =	sadd.s32 $0x840, s7;
	s17 =	sadd.s32 $0xB00, s7;
	v38 =	vmov s18;
	v39 =	vmov s19;
	v0 =	vmul.f32 $1.000000000e+01, v0  }
0x236: {  	v40 =	vmov s12;
	v41 =	vmov s17;
	s18 =	sadd.s32 $0xDC0, s7;
	v24 =	vmul.f32 $1.000000000e+01, v1  }
0x237: {  	v42 =	vmov s18;
	v1 =	vtrunc.f32 v0;
	v2 =	vadd.f32 $1.000000000e+00, v0  }
0x238: {  	s19 =	sadd.s32 $0x1080, s7;
	v3 =	vadd.f32 $1.000000000e+00, v24;
	v4 =	vtrunc.f32 v24;
	v1 =	vcvt.f32.s32 v1  }
0x239: {  	s7 =	sadd.s32 $0x1340, s7;
	v43 =	vmov s19;
	v4 =	vcvt.f32.s32 v4;
	v2 =	vtrunc.f32 v2  }
0x23a: {  	v44 =	vmov s7;
	v3 =	vtrunc.f32 v3;
	v5 =	vcvt.s32.f32 v1  }
0x23b: {  	v2 =	vcvt.f32.s32 v2;
	v1 =	vshll.u32 v1, $0x4;
	v3 =	vcvt.f32.s32 v3  }
0x23c: {  	v31 =	vshll.u32 v4, $0x4;
	v4 =	vcvt.s32.f32 v4;
	v1 =	vor.u32 v33, v1  }
0x23d: {  	v31 =	vor.u32 v33, v31;
	v25 =	vsub.f32 v0, v5;
	v5 =	vcvt.s32.f32 v2  }
0x23e: {  	v6 =	vadd.s32 v37, v1;
	v7 =	vadd.s32 v38, v1;
	v8 =	vadd.s32 v39, v1  }
0x23f: {  	v9 =	vadd.s32 v40, v1;
	v10 =	vadd.s32 v44, v1;
	v2 =	vshll.u32 v2, $0x4  }
0x240: {  	v12 =	vadd.s32 v41, v1;
	v13 =	vadd.s32 v42, v1;
	v1 =	vadd.s32 v43, v1  }
0x241: {  	v47 =	vadd.s32 v37, v31;
	v49 =	vadd.s32 v38, v31;
	v50 =	vadd.s32 v39, v31  }
0x242: {  	v51 =	vadd.s32 v40, v31;
	v52 =	vadd.s32 v41, v31;
	v53 =	vadd.s32 v42, v31  }
0x243: {  	v54 =	vadd.s32 v43, v31;
	v31 =	vadd.s32 v44, v31;
	v4 =	vsub.f32 v24, v4  }
0x244: {  	v6 =	vand.u32 $0xFFFFFFF8, v6;
	v7 =	vand.u32 $0xFFFFFFF8, v7;
	v8 =	vand.u32 $0xFFFFFFF8, v8  }
0x245: {  	v2 =	vor.u32 v33, v2;
	v9 =	vand.u32 $0xFFFFFFF8, v9;
	v10 =	vand.u32 $0xFFFFFFF8, v10  }
0x246: {  	v12 =	vand.u32 $0xFFFFFFF8, v12;
	v13 =	vand.u32 $0xFFFFFFF8, v13;
	v1 =	vand.u32 $0xFFFFFFF8, v1  }
0x247: {  	v6 =	vor.u32 v36, v6;
	v10 =	vor.u32 v36, v10;
	v30 =	vadd.s32 v42, v2  }
0x248: {  	v7 =	vor.u32 v36, v7;
	v0 =	vsub.f32 v5, v0;
	v30 =	vand.u32 $0xFFFFFFF8, v30  }
0x249: {  	v5 =	vor.u32 v36, v30;
	v30 =	vshll.u32 v3, $0x4;
	v3 =	vcvt.s32.f32 v3  }
0x24a: {  	s10 =	simm.s32 $0xC030;
	v47 =	vand.u32 $0xFFFFFFF8, v47;
	v49 =	vand.u32 $0xFFFFFFF8, v49;
	v8 =	vor.u32 v36, v8  }
0x24b: {  	v50 =	vand.u32 $0xFFFFFFF8, v50;
	v9 =	vor.u32 v36, v9;
	v56 =	vsub.f32 v3, v24;
	v3 =	vld [tilespmem:s10+$0xFFFFFFF0]  }
0x24c: {  	v51 =	vand.u32 $0xFFFFFFF8, v51;
	v52 =	vand.u32 $0xFFFFFFF8, v52;
	v13 =	vor.u32 v36, v13;
	v10 =	vld.idx.msk [tilespmem:v10+s26+$0x0], $0xffff  }
0x24d: {  	v53 =	vand.u32 $0xFFFFFFF8, v53;
	v11 =	vadd.s32 v44, v2;
	v49 =	vor.u32 v36, v49;
	v6 =	vld.idx.msk [tilespmem:v6+s26+$0x0], $0xffff  }
0x24e: {  	v14 =	vadd.s32 v37, v2;
	v50 =	vor.u32 v36, v50;
	v11 =	vand.u32 $0xFFFFFFF8, v11;
	v7 =	vld.idx.msk [tilespmem:v7+s26+$0x0], $0xffff  }
0x24f: {  	v26 =	vadd.s32 v38, v2;
	v14 =	vand.u32 $0xFFFFFFF8, v14;
	v11 =	vor.u32 v36, v11;
	v8 =	vld.idx.msk [tilespmem:v8+s26+$0x0], $0xffff  }
0x250: {  	v27 =	vadd.s32 v39, v2;
	v26 =	vand.u32 $0xFFFFFFF8, v26;
	v14 =	vor.u32 v36, v14;
	v9 =	vld.idx.msk [tilespmem:v9+s26+$0x0], $0xffff  }
0x251: {  	v28 =	vadd.s32 v40, v2;
	v27 =	vand.u32 $0xFFFFFFF8, v27;
	v26 =	vor.u32 v36, v26;
	v13 =	vld.idx.msk [tilespmem:v13+s26+$0x0], $0xffff  }
0x252: {  	v29 =	vadd.s32 v41, v2;
	v28 =	vand.u32 $0xFFFFFFF8, v28;
	v27 =	vor.u32 v36, v27;
	v49 =	vld.idx.msk [tilespmem:v49+s26+$0x0], $0xffff  }
0x253: {  	v2 =	vadd.s32 v43, v2;
	v29 =	vand.u32 $0xFFFFFFF8, v29;
	v28 =	vor.u32 v36, v28;
	v50 =	vld.idx.msk [tilespmem:v50+s26+$0x0], $0xffff  }
0x254: {  	v54 =	vand.u32 $0xFFFFFFF8, v54;
	v2 =	vand.u32 $0xFFFFFFF8, v2;
	v29 =	vor.u32 v36, v29;
	v11 =	vld.idx.msk [tilespmem:v11+s26+$0x0], $0xffff  }
0x255: {  	v12 =	vor.u32 v36, v12;
	v2 =	vor.u32 v36, v2;
	v30 =	vor.u32 v33, v30;
	v14 =	vld.idx.msk [tilespmem:v14+s26+$0x0], $0xffff  }
0x256: {  	v32 =	vadd.s32 v37, v30;
	v34 =	vadd.s32 v38, v30;
	v35 =	vadd.s32 v39, v30;
	v26 =	vld.idx.msk [tilespmem:v26+s26+$0x0], $0xffff  }
0x257: {  	v45 =	vadd.s32 v42, v30;
	v46 =	vadd.s32 v43, v30;
	v32 =	vand.u32 $0xFFFFFFF8, v32;
	v27 =	vld.idx.msk [tilespmem:v27+s26+$0x0], $0xffff  }
0x258: {  	v34 =	vand.u32 $0xFFFFFFF8, v34;
	v35 =	vand.u32 $0xFFFFFFF8, v35;
	v32 =	vor.u32 v36, v32;
	v28 =	vld.idx.msk [tilespmem:v28+s26+$0x0], $0xffff  }
0x259: {  	v45 =	vand.u32 $0xFFFFFFF8, v45;
	v46 =	vand.u32 $0xFFFFFFF8, v46;
	v34 =	vor.u32 v36, v34;
	v29 =	vld.idx.msk [tilespmem:v29+s26+$0x0], $0xffff  }
0x25a: {  	v35 =	vor.u32 v36, v35;
	v5 =	vld.idx.msk [tilespmem:v5+s26+$0x0], $0xffff;
	v10 =	vmul.f32 v10, v0;
	v11 =	vmul.f32 v11, v25  }
0x25b: {  	v23 =	vadd.s32 v41, v30;
	v45 =	vor.u32 v36, v45;
	v46 =	vor.u32 v36, v46;
	v2 =	vld.idx.msk [tilespmem:v2+s26+$0x0], $0xffff  }
0x25c: {  	v48 =	vadd.f32 v11, v10;
	v10 =	vld.idx.msk [tilespmem:v12+s26+$0x0], $0xffff;
	v11 =	vadd.s32 v40, v30;
	v12 =	vand.u32 $0xFFFFFFF8, v23  }
0x25d: {  	v32 =	vld.idx.msk [tilespmem:v32+s26+$0x0], $0xffff;
	v30 =	vadd.s32 v44, v30;
	v11 =	vand.u32 $0xFFFFFFF8, v11;
	v12 =	vor.u32 v36, v12  }
0x25e: {  	v31 =	vand.u32 $0xFFFFFFF8, v31;
	v34 =	vld.idx.msk [tilespmem:v34+s26+$0x0], $0xffff;
	v30 =	vand.u32 $0xFFFFFFF8, v30;
	v11 =	vor.u32 v36, v11  }
0x25f: {  	v24 =	vmul.f32 $1.000000000e+01, v3;
	v6 =	vmul.f32 v0, v6;
	v35 =	vld.idx.msk [tilespmem:v35+s26+$0x0], $0xffff;
	v30 =	vor.u32 v36, v30  }
0x260: {  	v47 =	vor.u32 v36, v47;
	v7 =	vmul.f32 v0, v7;
	v8 =	vmul.f32 v8, v0;
	v45 =	vld.idx.msk [tilespmem:v45+s26+$0x0], $0xffff  }
0x261: {  	v1 =	vor.u32 v36, v1;
	v57 =	vmul.f32 v50, v56;
	v58 =	vmul.f32 v28, v25;
	v28 =	vld.idx.msk [tilespmem:v46+s26+$0x0], $0xffff  }
0x262: {  	v52 =	vor.u32 v36, v52;
	v14 =	vmul.f32 v25, v14;
	v26 =	vmul.f32 v26, v25;
	v12 =	vld.idx.msk [tilespmem:v12+s26+$0x0], $0xffff  }
0x263: {  	v53 =	vor.u32 v36, v53;
	v27 =	vmul.f32 v27, v25;
	v59 =	vmul.f32 v29, v25;
	v11 =	vld.idx.msk [tilespmem:v11+s26+$0x0], $0xffff  }
0x264: {  	v46 =	vor.u32 v36, v51;
	v5 =	vmul.f32 v5, v25;
	v2 =	vmul.f32 v2, v25;
	v25 =	vld.idx.msk [tilespmem:v30+s26+$0x0], $0xffff  }
0x265: {  	v60 =	vld.idx.msk [tilespmem:v47+s26+$0x0], $0xffff;
	v47 =	vadd.f32 v27, v8;
	v8 =	vmul.f32 v56, v49;
	v32 =	vmul.f32 v4, v32  }
0x266: {  	v15 =	vor.u32 v36, v31;
	v31 =	vld [tilespmem:s10+$0x0];
	v34 =	vmul.f32 v34, v4;
	v35 =	vmul.f32 v35, v4  }
0x267: {  	v1 =	vld.idx.msk [tilespmem:v1+s26+$0x0], $0xffff;
	v29 =	vor.u32 v36, v54;
	v19 =	vmul.f32 v45, v4;
	v18 =	vmul.f32 v28, v4  }
0x268: {  	v28 =	vadd.f32 v7, v26;
	v20 =	vmul.f32 v12, v4;
	v21 =	vmul.f32 v11, v4  }
0x269: {  	v54 =	vadd.f32 v35, v57;
	v45 =	vmul.f32 v25, v4;
	v4 =	vmul.f32 v9, v0;
	v9 =	vld.idx.msk [tilespmem:v46+s26+$0x0], $0xffff  }
0x26a: {  	v7 =	vmul.f32 v10, v0;
	v10 =	vmul.f32 v13, v0;
	v30 =	vadd.f32 v6, v14  }
0x26b: {  	v6 =	vmul.f32 v56, v60;
	v23 =	vadd.f32 v58, v4;
	v4 =	vmul.f32 $1.000000000e+01, v31  }
0x26c: {  	v27 =	vadd.f32 v59, v7;
	v14 =	vtrunc.f32 v24;
	v0 =	vmul.f32 v1, v0  }
0x26d: {  	v58 =	vadd.f32 $1.000000000e+00, v24;
	v1 =	vtrunc.f32 v4;
	v7 =	vadd.f32 $1.000000000e+00, v4  }
0x26e: {  	v61 =	vadd.f32 v5, v10;
	v1 =	vcvt.f32.s32 v1;
	v22 =	vmul.f32 v9, v56  }
0x26f: {  	v6 =	vadd.f32 v6, v32;
	v9 =	vtrunc.f32 v58;
	v5 =	vtrunc.f32 v7  }
0x270: {  	v11 =	vadd.f32 v8, v34;
	v7 =	vcvt.s32.f32 v1;
	v5 =	vcvt.f32.s32 v5  }
0x271: {  	v17 =	vadd.f32 v2, v0;
	v58 =	vcvt.f32.s32 v9;
	v1 =	vshll.u32 v1, $0x4  }
0x272: {  	v0 =	vor.u32 v33, v1;
	v26 =	vsub.f32 v4, v7;
	v1 =	vcvt.s32.f32 v5  }
0x273: {  	v2 =	vadd.s32 v37, v0;
	v7 =	vadd.s32 v38, v0;
	v9 =	vadd.s32 v39, v0  }
0x274: {  	v10 =	vadd.s32 v40, v0;
	v59 =	vadd.s32 v44, v0;
	v5 =	vshll.u32 v5, $0x4  }
0x275: {  	v60 =	vadd.s32 v41, v0;
	v62 =	vadd.s32 v42, v0;
	v0 =	vadd.s32 v43, v0  }
0x276: {  	v2 =	vand.u32 $0xFFFFFFF8, v2;
	v7 =	vand.u32 $0xFFFFFFF8, v7;
	v9 =	vand.u32 $0xFFFFFFF8, v9  }
0x277: {  	v5 =	vor.u32 v33, v5;
	v10 =	vand.u32 $0xFFFFFFF8, v10;
	v13 =	vand.u32 $0xFFFFFFF8, v59  }
0x278: {  	v32 =	vand.u32 $0xFFFFFFF8, v60;
	v34 =	vand.u32 $0xFFFFFFF8, v62;
	v0 =	vand.u32 $0xFFFFFFF8, v0  }
0x279: {  	v2 =	vor.u32 v36, v2;
	v7 =	vor.u32 v36, v7;
	v9 =	vor.u32 v36, v9  }
0x27a: {  	v10 =	vor.u32 v36, v10;
	v31 =	vadd.s32 v44, v5;
	v13 =	vor.u32 v36, v13  }
0x27b: {  	v32 =	vor.u32 v36, v32;
	v63 =	vadd.s32 v37, v5;
	v34 =	vor.u32 v36, v34  }
0x27c: {  	v12 =	vadd.s32 v38, v5;
	v51 =	vor.u32 v36, v0;
	v16 =	vadd.s32 v39, v5  }
0x27d: {  	v57 =	vadd.s32 v40, v5;
	v59 =	vadd.s32 v41, v5;
	v60 =	vadd.s32 v42, v5  }
0x27e: {  	s11 =	simm.s32 $0x10;
	s12 =	sand.u32 $0x7C00, s20;
	v5 =	vadd.s32 v43, v5;
	v31 =	vand.u32 $0xFFFFFFF8, v31;
	v35 =	vand.u32 $0xFFFFFFF8, v63  }
0x27f: {  	s7 =	sand.u32 $0x70, s11;
	s10 =	sadd.s32 $0xE000, s12;
	v46 =	vand.u32 $0xFFFFFFF8, v12;
	v55 =	vand.u32 $0xFFFFFFF8, v16;
	v49 =	vand.u32 $0xFFFFFFF8, v57;
	v57 =	vld.idx.msk [tilespmem:v52+s26+$0x0], $0xffff  }
0x280: {  	s12 =	sor.u32 s7, s10;
	v12 =	vand.u32 $0xFFFFFFF8, v60;
	v52 =	vld.idx.msk [tilespmem:v53+s26+$0x0], $0xffff;
	v16 =	vshll.u32 v58, $0x4;
	v31 =	vor.u32 v36, v31  }
0x281: {  	[tilespmem:s12+$0x380] =	vst v48;
	v60 =	vld.idx.msk [tilespmem:v15+s26+$0x0], $0xffff;
	v35 =	vor.u32 v36, v35;
	v62 =	vor.u32 v36, v46;
	v46 =	vand.u32 $0xFFFFFFF8, v59  }
0x282: {  	v63 =	vor.u32 v36, v55;
	v8 =	vor.u32 v36, v49;
	v59 =	vld.idx.msk [tilespmem:v29+s26+$0x0], $0xffff;
	v25 =	vor.u32 v36, v46  }
0x283: {  	[tilespmem:s12+$0x100] =	vst v47;
	v46 =	vsub.f32 v1, v4;
	v4 =	vand.u32 $0xFFFFFFF8, v5;
	v5 =	vcvt.f32.s32 v14;
	v55 =	vld.idx.msk [tilespmem:v2+s26+$0x0], $0xffff  }
0x284: {  	v12 =	vor.u32 v36, v12;
	v14 =	vor.u32 v33, v16;
	v4 =	vor.u32 v36, v4;
	v48 =	vld.idx.msk [tilespmem:v7+s26+$0x0], $0xffff  }
0x285: {  	s17 =	simm.s32 $0x0;
	[tilespmem:s12+$0x80] =	vst v28;
	v0 =	vadd.s32 v39, v14;
	v29 =	vshll.u32 v5, $0x4;
	v2 =	vadd.s32 v38, v14;
	v49 =	vld.idx.msk [tilespmem:v9+s26+$0x0], $0xffff  }
0x286: {  	s18 =	sand.u32 $0x60, s17;
	v7 =	vadd.s32 v40, v14;
	v9 =	vadd.s32 v42, v14;
	v50 =	vld.idx.msk [tilespmem:v10+s26+$0x0], $0xffff;
	v10 =	vadd.s32 v44, v14  }
0x287: {  	s7 =	sor.u32 s18, s10;
	[tilespmem:s12+$0x0] =	vst v30;
	v13 =	vld.idx.msk [tilespmem:v13+s26+$0x0], $0xffff;
	v0 =	vand.u32 $0xFFFFFFF8, v0;
	v29 =	vor.u32 v33, v29;
	v2 =	vand.u32 $0xFFFFFFF8, v2  }
0x288: {  	[tilespmem:s7+$0x100] =	vst v54;
	v53 =	vld.idx.msk [tilespmem:v32+s26+$0x0], $0xffff;
	v7 =	vand.u32 $0xFFFFFFF8, v7;
	v9 =	vand.u32 $0xFFFFFFF8, v9;
	v10 =	vand.u32 $0xFFFFFFF8, v10  }
0x289: {  	v54 =	vld.idx.msk [tilespmem:v34+s26+$0x0], $0xffff;
	v0 =	vor.u32 v36, v0;
	v15 =	vadd.s32 v38, v29;
	v32 =	vadd.s32 v39, v29  }
0x28a: {  	v31 =	vld.idx.msk [tilespmem:v31+s26+$0x0], $0xffff;
	v16 =	vadd.s32 v40, v29;
	v1 =	vadd.s32 v41, v29;
	v2 =	vor.u32 v36, v2  }
0x28b: {  	v34 =	vadd.s32 v42, v29;
	v3 =	vadd.s32 v43, v29;
	v28 =	vld.idx.msk [tilespmem:v35+s26+$0x0], $0xffff;
	v7 =	vor.u32 v36, v7  }
0x28c: {  	[tilespmem:s12+$0x200] =	vst v27;
	v9 =	vor.u32 v36, v9;
	v10 =	vor.u32 v36, v10;
	v15 =	vand.u32 $0xFFFFFFF8, v15;
	v25 =	vld.idx.msk [tilespmem:v25+s26+$0x0], $0xffff  }
0x28d: {  	[tilespmem:s12+$0x180] =	vst v23;
	v35 =	vld.idx.msk [tilespmem:v62+s26+$0x0], $0xffff;
	v16 =	vand.u32 $0xFFFFFFF8, v16;
	v1 =	vand.u32 $0xFFFFFFF8, v1;
	v27 =	vand.u32 $0xFFFFFFF8, v34  }
0x28e: {  	[tilespmem:s7+$0x0] =	vst v6;
	v8 =	vld.idx.msk [tilespmem:v8+s26+$0x0], $0xffff;
	v3 =	vand.u32 $0xFFFFFFF8, v3;
	v34 =	vor.u32 v36, v16;
	v16 =	vcvt.s32.f32 v58  }
0x28f: {  	v15 =	vor.u32 v36, v15;
	v13 =	vmul.f32 v13, v46;
	v6 =	vmul.f32 v31, v26;
	v58 =	vld.idx.msk [tilespmem:v2+s26+$0x0], $0xffff  }
0x290: {  	v31 =	vadd.s32 v37, v14;
	v2 =	vmul.f32 v26, v28;
	v23 =	vld.idx.msk [tilespmem:v7+s26+$0x0], $0xffff;
	v7 =	vadd.f32 v21, v22  }
0x291: {  	[tilespmem:s7+$0x80] =	vst v11;
	v11 =	vand.u32 $0xFFFFFFF8, v31;
	v31 =	vadd.s32 v43, v14;
	v28 =	vmul.f32 v25, v26  }
0x292: {  	v51 =	vld.idx.msk [tilespmem:v51+s26+$0x0], $0xffff;
	v6 =	vadd.f32 v6, v13;
	v13 =	vadd.s32 v41, v14;
	v14 =	vadd.s32 v37, v29  }
0x293: {  	s10 =	simm.s32 $0x100;
	[tilespmem:s12+$0x280] =	vst v61;
	v62 =	vld.idx.msk [tilespmem:v63+s26+$0x0], $0xffff;
	v29 =	vadd.s32 v44, v29;
	v11 =	vor.u32 v36, v11;
	v13 =	vand.u32 $0xFFFFFFF8, v13  }
0x294: {  	s11 =	simm.s32 $0x30;
	s17 =	sand.u32 $0x7C00, s10;
	[tilespmem:s12+$0x300] =	vst v17;
	v12 =	vld.idx.msk [tilespmem:v12+s26+$0x0], $0xffff;
	v30 =	vand.u32 $0xFFFFFFF8, v31;
	v31 =	vand.u32 $0xFFFFFFF8, v32;
	v13 =	vor.u32 v36, v13  }
0x295: {  	s19 =	sand.u32 $0x70, s11;
	s18 =	sadd.s32 $0xE000, s17;
	v4 =	vld.idx.msk [tilespmem:v4+s26+$0x0], $0xffff;
	v32 =	vor.u32 v36, v1;
	v1 =	vmul.f32 v35, v26;
	v35 =	vmul.f32 v8, v26  }
0x296: {  	s17 =	sor.u32 s19, s18;
	v8 =	vmul.f32 v57, v56;
	v57 =	vld.idx.msk [tilespmem:v10+s26+$0x0], $0xffff;
	v10 =	vmul.f32 v59, v56;
	v61 =	vor.u32 v36, v30  }
0x297: {  	v14 =	vand.u32 $0xFFFFFFF8, v14;
	v30 =	vor.u32 v36, v3;
	v3 =	vcvt.s32.f32 v5;
	[tilespmem:s17+$0x380] =	vst v6;
	v6 =	vld.idx.msk [tilespmem:v0+s26+$0x0], $0xffff  }
0x298: {  	[tilespmem:s7+$0x180] =	vst v7;
	v29 =	vand.u32 $0xFFFFFFF8, v29;
	v47 =	vor.u32 v36, v31;
	v14 =	vor.u32 v36, v14;
	v11 =	vld.idx.msk [tilespmem:v11+s26+$0x0], $0xffff  }
0x299: {  	v31 =	vor.u32 v36, v27;
	v0 =	vmul.f32 v62, v26;
	v62 =	vsub.f32 v24, v3;
	v13 =	vld.idx.msk [tilespmem:v13+s26+$0x0], $0xffff  }
0x29a: {  	v27 =	vmul.f32 v12, v26;
	v29 =	vor.u32 v36, v29;
	v3 =	vld.idx.msk [tilespmem:v9+s26+$0x0], $0xffff;
	v9 =	vmul.f32 v52, v56  }
0x29b: {  	s9 =	sshll.u32 s9, $0xC;
	v26 =	vmul.f32 v4, v26;
	v7 =	vadd.f32 v20, v8;
	v4 =	vmul.f32 v58, v62;
	v63 =	vld.idx.msk [tilespmem:v61+s26+$0x0], $0xffff  }
0x29c: {  	s8 =	sshll.u32 s8, $0xF;
	s9 =	sadd.s32 s2, s9;
	s19 =	simm.s32 $0x20;
	v59 =	vld.idx.msk [tilespmem:v15+s26+$0x0], $0xffff;
	v52 =	vmul.f32 v23, v62;
	v8 =	vadd.f32 v19, v9;
	v9 =	vmul.f32 v60, v56  }
0x29d: {  	s8 =	sadd.s32 s8, s9;
	s12 =	sand.u32 $0x60, s19;
	v25 =	vadd.f32 v18, v10;
	v61 =	vmul.f32 v46, v55;
	v58 =	vld.idx.msk [tilespmem:v14+s26+$0x0], $0xffff;
	v6 =	vmul.f32 v6, v62  }
0x29e: {  	s9 =	simm.s32 $0x2;
	s18 =	sor.u32 s12, s18;
	s12 =	simm.s32 $0xC050;
	v24 =	vsub.f32 v16, v24;
	v60 =	vld.idx.msk [tilespmem:v47+s26+$0x0], $0xffff;
	v5 =	vmul.f32 v62, v11;
	v47 =	vmul.f32 v13, v62  }
.LBB2_9:
0x29f: {  	v10 =	vld [tilespmem:s12+$0x0];
	v56 =	vmul.f32 v3, v62;
	v3 =	vmul.f32 v46, v48;
	v9 =	vadd.f32 v45, v9;
	[tilespmem:s7+$0x200] =	vst v7  }
0x2a0: {  	v55 =	vmul.f32 v63, v62;
	v11 =	vmul.f32 v49, v46;
	v7 =	vld [tilespmem:s12+$0xFFFFFFF0];
	v2 =	vadd.f32 v61, v2;
	[tilespmem:s7+$0x280] =	vst v8  }
0x2a1: {  	v45 =	vmul.f32 v57, v62;
	v8 =	vld.idx.msk [tilespmem:v34+s26+$0x0], $0xffff;
	v1 =	vadd.f32 v3, v1;
	v3 =	vmul.f32 v50, v46  }
0x2a2: {  	v12 =	vmul.f32 v24, v58;
	v0 =	vadd.f32 v0, v11;
	v11 =	vmul.f32 v53, v46;
	v57 =	vld.idx.msk [tilespmem:v32+s26+$0x0], $0xffff  }
0x2a3: {  	s9 =	sadd.s32 $0x2, s9;
	v14 =	vmul.f32 v54, v46;
	v13 =	vmul.f32 v24, v59;
	v58 =	vld.idx.msk [tilespmem:v31+s26+$0x0], $0xffff;
	v3 =	vadd.f32 v35, v3  }
0x2a4: {  	p0 =	slt.u32 s9, $0xFE;
	v5 =	vadd.f32 v12, v5;
	v12 =	vmul.f32 v60, v24;
	v10 =	vmul.f32 $1.000000000e+01, v10;
	v59 =	vld.idx.msk [tilespmem:v30+s26+$0x0], $0xffff;
	[tilespmem:s7+$0x300] =	vst v25  }
0x2a5: {  	v4 =	vadd.f32 v13, v4;
	v62 =	vmul.f32 $1.000000000e+01, v7;
	v60 =	vld.idx.msk [tilespmem:v29+s26+$0x0], $0xffff;
	v7 =	vmul.f32 v51, v46;
	[tilespmem:s7+$0x380] =	vst v9;
	s7 =	smov.u32 s18  }
0x2a6: {  	v61 =	vmovc v24;
	v6 =	vadd.f32 v6, v12;
	v9 =	vtrunc.f32 v10;
	[tilespmem:s7+$0x0] =	vst v5;
	v5 =	vadd.f32 v28, v11  }
0x2a7: {  	v12 =	vadd.f32 $1.000000000e+00, v10;
	v11 =	vadd.f32 $1.000000000e+00, v62;
	v9 =	vcvt.f32.s32 v9;
	[tilespmem:s7+$0x80] =	vst v4  }
0x2a8: {  	v24 =	vmul.f32 v8, v61;
	v4 =	vtrunc.f32 v62;
	[tilespmem:s7+$0x100] =	vst v6;
	v6 =	vadd.f32 v27, v14  }
0x2a9: {  	v7 =	vadd.f32 v26, v7;
	v8 =	vtrunc.f32 v12;
	v12 =	vcvt.s32.f32 v9;
	[tilespmem:s17+$0x0] =	vst v2  }
0x2aa: {  	v2 =	vtrunc.f32 v11;
	v8 =	vcvt.f32.s32 v8;
	v9 =	vshll.u32 v9, $0x4;
	[tilespmem:s17+$0x80] =	vst v1  }
0x2ab: {  	v26 =	vcvt.f32.s32 v2;
	v1 =	vor.u32 v33, v9;
	v63 =	vsub.f32 v10, v12;
	[tilespmem:s17+$0x100] =	vst v0  }
0x2ac: {  	v0 =	vcvt.s32.f32 v8;
	v2 =	vadd.s32 v37, v1;
	v9 =	vadd.s32 v38, v1;
	[tilespmem:s17+$0x180] =	vst v3  }
0x2ad: {  	v11 =	vadd.s32 v40, v1;
	v2 =	vand.u32 $0xFFFFFFF8, v2;
	v3 =	vadd.s32 v39, v1;
	[tilespmem:s17+$0x200] =	vst v5  }
0x2ae: {  	v2 =	vor.u32 v36, v2;
	v5 =	vand.u32 $0xFFFFFFF8, v9;
	v9 =	vadd.s32 v44, v1;
	[tilespmem:s17+$0x280] =	vst v6  }
0x2af: {  	v3 =	vand.u32 $0xFFFFFFF8, v3;
	v6 =	vshll.u32 v8, $0x4;
	v5 =	vor.u32 v36, v5;
	[tilespmem:s17+$0x300] =	vst v7  }
0x2b0: {  	v3 =	vor.u32 v36, v3;
	v6 =	vor.u32 v33, v6;
	v7 =	vand.u32 $0xFFFFFFF8, v11  }
0x2b1: {  	v8 =	vand.u32 $0xFFFFFFF8, v9;
	v7 =	vor.u32 v36, v7;
	v9 =	vadd.s32 v44, v6  }
0x2b2: {  	v11 =	vadd.s32 v41, v1;
	v8 =	vor.u32 v36, v8;
	v9 =	vand.u32 $0xFFFFFFF8, v9  }
0x2b3: {  	v9 =	vor.u32 v36, v9;
	v25 =	vld.idx.msk [tilespmem:v2+s26+$0x0], $0xffff;
	v2 =	vand.u32 $0xFFFFFFF8, v11;
	v11 =	vadd.s32 v42, v1  }
0x2b4: {  	v1 =	vadd.s32 v43, v1;
	v48 =	vld.idx.msk [tilespmem:v5+s26+$0x0], $0xffff;
	v2 =	vor.u32 v36, v2;
	v5 =	vand.u32 $0xFFFFFFF8, v11  }
0x2b5: {  	v11 =	vadd.s32 v37, v6;
	v1 =	vand.u32 $0xFFFFFFF8, v1;
	v49 =	vld.idx.msk [tilespmem:v3+s26+$0x0], $0xffff;
	v3 =	vor.u32 v36, v5  }
0x2b6: {  	v5 =	vand.u32 $0xFFFFFFF8, v11;
	v11 =	vadd.s32 v38, v6;
	v1 =	vor.u32 v36, v1;
	v50 =	vld.idx.msk [tilespmem:v7+s26+$0x0], $0xffff  }
0x2b7: {  	v5 =	vor.u32 v36, v5;
	v7 =	vand.u32 $0xFFFFFFF8, v11;
	v11 =	vadd.s32 v39, v6;
	v8 =	vld.idx.msk [tilespmem:v8+s26+$0x0], $0xffff  }
0x2b8: {  	v12 =	vadd.s32 v40, v6;
	v7 =	vor.u32 v36, v7;
	v11 =	vand.u32 $0xFFFFFFF8, v11;
	v9 =	vld.idx.msk [tilespmem:v9+s26+$0x0], $0xffff  }
0x2b9: {  	v12 =	vand.u32 $0xFFFFFFF8, v12;
	v11 =	vor.u32 v36, v11;
	v53 =	vld.idx.msk [tilespmem:v2+s26+$0x0], $0xffff;
	v2 =	vadd.s32 v41, v6  }
0x2ba: {  	v12 =	vor.u32 v36, v12;
	v2 =	vand.u32 $0xFFFFFFF8, v2;
	v54 =	vld.idx.msk [tilespmem:v3+s26+$0x0], $0xffff;
	v3 =	vadd.s32 v42, v6  }
0x2bb: {  	v2 =	vor.u32 v36, v2;
	v3 =	vand.u32 $0xFFFFFFF8, v3;
	v51 =	vld.idx.msk [tilespmem:v1+s26+$0x0], $0xffff;
	v1 =	vadd.s32 v43, v6  }
0x2bc: {  	v46 =	vsub.f32 v0, v10;
	v0 =	vld.idx.msk [tilespmem:v5+s26+$0x0], $0xffff;
	v3 =	vor.u32 v36, v3;
	v1 =	vand.u32 $0xFFFFFFF8, v1  }
0x2bd: {  	v4 =	vcvt.f32.s32 v4;
	v5 =	vshll.u32 v26, $0x4;
	v6 =	vld.idx.msk [tilespmem:v7+s26+$0x0], $0xffff;
	v1 =	vor.u32 v36, v1  }
0x2be: {  	s10 =	sadd.s32 $0x100, s10;
	v8 =	vmul.f32 v8, v46;
	v5 =	vor.u32 v33, v5;
	v9 =	vmul.f32 v9, v63;
	v7 =	vld.idx.msk [tilespmem:v11+s26+$0x0], $0xffff  }
0x2bf: {  	s11 =	sadd.s32 $0x20, s11;
	v10 =	vshll.u32 v4, $0x4;
	s17 =	sand.u32 $0x7C00, s10;
	v11 =	vadd.s32 v37, v5;
	v13 =	vadd.s32 v38, v5;
	v12 =	vld.idx.msk [tilespmem:v12+s26+$0x0], $0xffff  }
0x2c0: {  	s18 =	sadd.s32 $0xFFFFFFF0, s11;
	v10 =	vor.u32 v33, v10;
	s19 =	sadd.s32 $0xE000, s17;
	s17 =	sand.u32 $0x70, s11;
	v14 =	vadd.s32 v39, v5;
	v15 =	vld.idx.msk [tilespmem:v2+s26+$0x0], $0xffff;
	v2 =	vadd.f32 v9, v8  }
0x2c1: {  	s18 =	sand.u32 $0x60, s18;
	s17 =	sor.u32 s17, s19;
	v16 =	vadd.s32 v42, v5;
	v8 =	vadd.s32 v40, v5;
	v9 =	vadd.s32 v41, v5;
	v17 =	vld.idx.msk [tilespmem:v3+s26+$0x0], $0xffff  }
0x2c2: {  	s18 =	sor.u32 s18, s19;
	v3 =	vand.u32 $0xFFFFFFF8, v11;
	v11 =	vadd.s32 v43, v5;
	v5 =	vadd.s32 v44, v5;
	v18 =	vld.idx.msk [tilespmem:v1+s26+$0x0], $0xffff;
	[tilespmem:s17+$0x380] =	vst v2  }
0x2c3: {  	v27 =	vadd.s32 v39, v10;
	v1 =	vadd.s32 v37, v10;
	v2 =	vadd.s32 v38, v10  }
0x2c4: {  	v28 =	vadd.s32 v40, v10;
	v29 =	vadd.s32 v41, v10;
	v30 =	vadd.s32 v42, v10  }
0x2c5: {  	v31 =	vadd.s32 v43, v10;
	v13 =	vand.u32 $0xFFFFFFF8, v13;
	v10 =	vadd.s32 v44, v10  }
0x2c6: {  	v14 =	vand.u32 $0xFFFFFFF8, v14;
	v8 =	vand.u32 $0xFFFFFFF8, v8;
	v9 =	vand.u32 $0xFFFFFFF8, v9  }
0x2c7: {  	v16 =	vand.u32 $0xFFFFFFF8, v16;
	v11 =	vand.u32 $0xFFFFFFF8, v11;
	v5 =	vand.u32 $0xFFFFFFF8, v5  }
0x2c8: {  	v27 =	vand.u32 $0xFFFFFFF8, v27;
	v1 =	vand.u32 $0xFFFFFFF8, v1;
	v2 =	vand.u32 $0xFFFFFFF8, v2  }
0x2c9: {  	v28 =	vand.u32 $0xFFFFFFF8, v28;
	v29 =	vand.u32 $0xFFFFFFF8, v29;
	v30 =	vand.u32 $0xFFFFFFF8, v30  }
0x2ca: {  	v35 =	vand.u32 $0xFFFFFFF8, v31;
	v3 =	vor.u32 v36, v3;
	v10 =	vand.u32 $0xFFFFFFF8, v10  }
0x2cb: {  	v13 =	vor.u32 v36, v13;
	v14 =	vor.u32 v36, v14;
	v8 =	vor.u32 v36, v8  }
0x2cc: {  	v16 =	vor.u32 v36, v16;
	v9 =	vor.u32 v36, v9;
	v11 =	vor.u32 v36, v11  }
0x2cd: {  	v21 =	vor.u32 v36, v5;
	v19 =	vor.u32 v36, v1;
	v20 =	vor.u32 v36, v2  }
0x2ce: {  	v22 =	vor.u32 v36, v27;
	v34 =	vor.u32 v36, v28;
	v32 =	vor.u32 v36, v29  }
0x2cf: {  	v31 =	vor.u32 v36, v30;
	v30 =	vor.u32 v36, v35;
	v29 =	vor.u32 v36, v10;
	v5 =	vld.idx.msk [tilespmem:v3+s26+$0x0], $0xffff  }
0x2d0: {  	v4 =	vcvt.s32.f32 v4;
	v3 =	vcvt.s32.f32 v26;
	v10 =	vld.idx.msk [tilespmem:v13+s26+$0x0], $0xffff;
	v13 =	vadd.f32 v52, v24  }
0x2d1: {  	v2 =	vmul.f32 v63, v0;
	v1 =	vmul.f32 v6, v63;
	v14 =	vld.idx.msk [tilespmem:v14+s26+$0x0], $0xffff  }
0x2d2: {  	v0 =	vmul.f32 v7, v63;
	v24 =	vsub.f32 v3, v62;
	v62 =	vsub.f32 v62, v4;
	v8 =	vld.idx.msk [tilespmem:v8+s26+$0x0], $0xffff  }
0x2d3: {  	v35 =	vmul.f32 v12, v63;
	v28 =	vmul.f32 v15, v63;
	v23 =	vld.idx.msk [tilespmem:v9+s26+$0x0], $0xffff;
	[tilespmem:s7+$0x180] =	vst v13  }
0x2d4: {  	v27 =	vmul.f32 v17, v63;
	v26 =	vmul.f32 v18, v63;
	v3 =	vld.idx.msk [tilespmem:v16+s26+$0x0], $0xffff  }
.Ltmp3:
0x2d5: {  	v7 =	vmul.f32 v57, v61;
	v5 =	vmul.f32 v62, v5;
	v63 =	vld.idx.msk [tilespmem:v11+s26+$0x0], $0xffff;
	(pc) =	sbr.rel @p0 .LBB2_9-.Ltmp3, $4  }
0x2d6: {  	v9 =	vmul.f32 v58, v61;
	v4 =	vmul.f32 v10, v62;
	v57 =	vld.idx.msk [tilespmem:v21+s26+$0x0], $0xffff  }
0x2d7: {  	v7 =	vadd.f32 v47, v7;
	v10 =	vmul.f32 v59, v61;
	v6 =	vmul.f32 v14, v62;
	v58 =	vld.idx.msk [tilespmem:v19+s26+$0x0], $0xffff  }
0x2d8: {  	v52 =	vmul.f32 v8, v62;
	v8 =	vadd.f32 v56, v9;
	v9 =	vmul.f32 v60, v61;
	v59 =	vld.idx.msk [tilespmem:v20+s26+$0x0], $0xffff  }
0x2d9: {  	s12 =	sadd.s32 $0x20, s12;
	v61 =	vmul.f32 v46, v25;
	v25 =	vadd.f32 v55, v10;
	v47 =	vmul.f32 v23, v62;
	v60 =	vld.idx.msk [tilespmem:v22+s26+$0x0], $0xffff  }
0x2da: {  	_ =	sdelay $0x2  }
0x2db: {  	v9 =	vadd.f32 v45, v9  }
0x2dc: {  	v10 =	vld.idx.msk [tilespmem:v34+s26+$0x0], $0xffff;
	[tilespmem:s7+$0x200] =	vst v7;
	v11 =	vmul.f32 v24, v58  }
0x2dd: {  	v7 =	vld.idx.msk [tilespmem:v32+s26+$0x0], $0xffff;
	[tilespmem:s7+$0x380] =	vst v9;
	v9 =	vmul.f32 v46, v48  }
0x2de: {  	[tilespmem:s7+$0x280] =	vst v8;
	v8 =	vld.idx.msk [tilespmem:v31+s26+$0x0], $0xffff;
	v12 =	vmul.f32 v24, v59;
	v5 =	vadd.f32 v11, v5  }
0x2df: {  	v13 =	vld.idx.msk [tilespmem:v30+s26+$0x0], $0xffff;
	[tilespmem:s7+$0x300] =	vst v25;
	v1 =	vadd.f32 v9, v1  }
0x2e0: {  	v14 =	vld.idx.msk [tilespmem:v29+s26+$0x0], $0xffff;
	v11 =	vmul.f32 v60, v24;
	v4 =	vadd.f32 v12, v4;
	[tilespmem:s18+$0x0] =	vst v5  }
0x2e1: {  	v2 =	vadd.f32 v61, v2;
	v5 =	vmul.f32 v49, v46;
	[tilespmem:s17+$0x80] =	vst v1  }
0x2e2: {  	v6 =	vadd.f32 v6, v11;
	v1 =	vmul.f32 v51, v46;
	[tilespmem:s18+$0x80] =	vst v4;
	v4 =	vmul.f32 v50, v46  }
0x2e3: {  	[tilespmem:s17+$0x0] =	vst v2;
	v0 =	vadd.f32 v0, v5  }
0x2e4: {  	[tilespmem:s18+$0x100] =	vst v6;
	v1 =	vadd.f32 v26, v1;
	v2 =	vadd.f32 v35, v4;
	v4 =	vmul.f32 v54, v46  }
0x2e5: {  	v5 =	vmul.f32 v53, v46;
	[tilespmem:s17+$0x100] =	vst v0  }
0x2e6: {  	v0 =	vmul.f32 v10, v24;
	[tilespmem:s17+$0x300] =	vst v1;
	v4 =	vadd.f32 v27, v4  }
0x2e7: {  	v5 =	vadd.f32 v28, v5;
	[tilespmem:s17+$0x180] =	vst v2;
	v2 =	vmul.f32 v7, v24  }
0x2e8: {  	v3 =	vmul.f32 v3, v62;
	v0 =	vadd.f32 v52, v0;
	[tilespmem:s17+$0x280] =	vst v4;
	v4 =	vmul.f32 v8, v24  }
0x2e9: {  	[tilespmem:s17+$0x200] =	vst v5;
	v5 =	vmul.f32 v63, v62;
	v1 =	vadd.f32 v47, v2;
	v2 =	vmul.f32 v13, v24  }
0x2ea: {  	v6 =	vmul.f32 v57, v62;
	[tilespmem:s18+$0x180] =	vst v0;
	v0 =	vadd.f32 v3, v4;
	v3 =	vmul.f32 v14, v24  }
0x2eb: {  	v2 =	vadd.f32 v5, v2;
	[tilespmem:s18+$0x200] =	vst v1  }
0x2ec: {  	v1 =	vadd.f32 v6, v3;
	[tilespmem:s18+$0x280] =	vst v0  }
0x2ed: {  	[tilespmem:s18+$0x300] =	vst v2  }
0x2ee: {  	s12 =	sadd.s32 s6, s14;
	s7 =	simm.s32 $0x0;
	[tilespmem:s18+$0x380] =	vst v1  }
0x2ef: {  	[hbm4b:s8+s7] =	stream.linear.scatter [tilespmem:s28], [sflag:$0x1], $0x8000, $0x38;
	[tilespmem:$0x1E000] =	vst v63  }
0x2f0: {  	s8 =	sshll.u32 s12, $0x6  }
0x2f1: {  	s8 =	sand.u32 $0x1FFFFE00, s8  }
0x2f2: {  	s8 =	sadd.s32 s4, s8  }
0x2f3: {  	[tilespmem:s23], [sflag:$0x3] =	stream.linear.gather [hbm4b:s8+s7], $0x1000, $0x38;
	[tilespmem:$0x1E000] =	vst v63  }
0x2f4: {  	_ =	swait.ge [sflag:s29], $0x1000  }
0x2f5: {  	[sflag:s29] =	ssyncset.done $0x0  }
0x2f6: {  	[sflag:s29] =	ssyncadd.s32 $0xFFFFF000  }
0x2f7: {  	_ =	swait.ge [sflag:s1], $0x8000  }
0x2f8: {  	[sflag:s1] =	ssyncset.done $0x0  }
0x2f9: {  	s10 =	simm.s32 $0xD010;
	s17 =	sadd.s32 s6, s15;
	[sflag:s1] =	ssyncadd.s32 $0xFFFF8000  }
0x2fa: {  	s9 =	sand.u32 $0x7, s17;
	s8 =	sshrl.u32 s17, $0x3;
	v0 =	vld [tilespmem:s10+$0x0]  }
0x2fb: {  	s12 =	sshll.u32 s9, $0x5;
	s11 =	ssub.s32 s8, s5;
	v1 =	vld [tilespmem:s10+$0xFFFFFFF0]  }
0x2fc: {  	s11 =	sadd.s32 s11, s12  }
0x2fd: {  	s10 =	smul.u32 $0xB0, s11;
	_ =	sdelay $0x1  }
0x2fe: {  	v37 =	vmov s10;
	s11 =	sadd.s32 $0x2C0, s10;
	s18 =	sadd.s32 $0x580, s10;
	v0 =	vmul.f32 $1.000000000e+01, v0  }
0x2ff: {  	s19 =	sadd.s32 $0x840, s10;
	s12 =	sadd.s32 $0x1080, s10;
	v38 =	vmov s11;
	v39 =	vmov s18;
	v24 =	vmul.f32 $1.000000000e+01, v1  }
0x300: {  	v40 =	vmov s19;
	v43 =	vmov s12;
	v1 =	vtrunc.f32 v0  }
0x301: {  	s18 =	sadd.s32 $0xB00, s10;
	v2 =	vadd.f32 $1.000000000e+00, v0;
	v3 =	vadd.f32 $1.000000000e+00, v24;
	v4 =	vtrunc.f32 v24  }
0x302: {  	s19 =	sadd.s32 $0xDC0, s10;
	v41 =	vmov s18;
	v1 =	vcvt.f32.s32 v1;
	v4 =	vcvt.f32.s32 v4  }
0x303: {  	s10 =	sadd.s32 $0x1340, s10;
	v42 =	vmov s19;
	v2 =	vtrunc.f32 v2;
	v3 =	vtrunc.f32 v3  }
0x304: {  	v44 =	vmov s10;
	v5 =	vcvt.s32.f32 v1;
	v2 =	vcvt.f32.s32 v2  }
0x305: {  	v1 =	vshll.u32 v1, $0x4;
	v3 =	vcvt.f32.s32 v3;
	v20 =	vshll.u32 v4, $0x4  }
0x306: {  	v4 =	vcvt.s32.f32 v4;
	v1 =	vor.u32 v33, v1;
	v20 =	vor.u32 v33, v20  }
0x307: {  	v25 =	vsub.f32 v0, v5;
	v5 =	vcvt.s32.f32 v2;
	v6 =	vadd.s32 v37, v1  }
0x308: {  	v7 =	vadd.s32 v38, v1;
	v8 =	vadd.s32 v39, v1;
	v9 =	vadd.s32 v40, v1  }
0x309: {  	v10 =	vadd.s32 v44, v1;
	v2 =	vshll.u32 v2, $0x4;
	v32 =	vadd.s32 v41, v1  }
0x30a: {  	v34 =	vadd.s32 v42, v1;
	v1 =	vadd.s32 v43, v1;
	v45 =	vshll.u32 v3, $0x4  }
0x30b: {  	v28 =	vadd.s32 v37, v20;
	v29 =	vadd.s32 v38, v20;
	v30 =	vadd.s32 v39, v20  }
0x30c: {  	v31 =	vadd.s32 v40, v20;
	v47 =	vadd.s32 v41, v20;
	v49 =	vadd.s32 v42, v20  }
0x30d: {  	v50 =	vadd.s32 v43, v20;
	v20 =	vadd.s32 v44, v20;
	v3 =	vcvt.s32.f32 v3  }
0x30e: {  	v4 =	vsub.f32 v24, v4;
	v6 =	vand.u32 $0xFFFFFFF8, v6;
	v7 =	vand.u32 $0xFFFFFFF8, v7  }
0x30f: {  	v8 =	vand.u32 $0xFFFFFFF8, v8;
	v2 =	vor.u32 v33, v2;
	v10 =	vand.u32 $0xFFFFFFF8, v10  }
0x310: {  	v9 =	vand.u32 $0xFFFFFFF8, v9;
	v12 =	vand.u32 $0xFFFFFFF8, v32;
	v10 =	vor.u32 v36, v10  }
0x311: {  	v13 =	vand.u32 $0xFFFFFFF8, v34;
	v1 =	vand.u32 $0xFFFFFFF8, v1;
	v6 =	vor.u32 v36, v6  }
0x312: {  	v28 =	vand.u32 $0xFFFFFFF8, v28;
	v29 =	vand.u32 $0xFFFFFFF8, v29;
	v7 =	vor.u32 v36, v7  }
0x313: {  	s17 =	simm.s32 $0xD030;
	v30 =	vand.u32 $0xFFFFFFF8, v30;
	v31 =	vand.u32 $0xFFFFFFF8, v31;
	v8 =	vor.u32 v36, v8  }
0x314: {  	v62 =	vld [tilespmem:s17+$0x0];
	v32 =	vand.u32 $0xFFFFFFF8, v47;
	v34 =	vand.u32 $0xFFFFFFF8, v49;
	v9 =	vor.u32 v36, v9  }
0x315: {  	v11 =	vadd.s32 v44, v2;
	v35 =	vadd.s32 v37, v2;
	v13 =	vor.u32 v36, v13;
	v10 =	vld.idx.msk [tilespmem:v10+s26+$0x0], $0xffff  }
0x316: {  	v15 =	vadd.s32 v38, v2;
	v16 =	vadd.s32 v39, v2;
	v29 =	vor.u32 v36, v29;
	v6 =	vld.idx.msk [tilespmem:v6+s26+$0x0], $0xffff  }
0x317: {  	v17 =	vadd.s32 v40, v2;
	v30 =	vor.u32 v36, v30;
	v11 =	vand.u32 $0xFFFFFFF8, v11;
	v7 =	vld.idx.msk [tilespmem:v7+s26+$0x0], $0xffff  }
0x318: {  	v18 =	vadd.s32 v41, v2;
	v14 =	vand.u32 $0xFFFFFFF8, v35;
	v11 =	vor.u32 v36, v11;
	v8 =	vld.idx.msk [tilespmem:v8+s26+$0x0], $0xffff  }
0x319: {  	v19 =	vadd.s32 v42, v2;
	v15 =	vand.u32 $0xFFFFFFF8, v15;
	v14 =	vor.u32 v36, v14;
	v9 =	vld.idx.msk [tilespmem:v9+s26+$0x0], $0xffff  }
0x31a: {  	v2 =	vadd.s32 v43, v2;
	v16 =	vand.u32 $0xFFFFFFF8, v16;
	v15 =	vor.u32 v36, v15;
	v13 =	vld.idx.msk [tilespmem:v13+s26+$0x0], $0xffff  }
0x31b: {  	v0 =	vsub.f32 v5, v0;
	v17 =	vand.u32 $0xFFFFFFF8, v17;
	v16 =	vor.u32 v36, v16;
	v51 =	vld.idx.msk [tilespmem:v29+s26+$0x0], $0xffff  }
0x31c: {  	v18 =	vand.u32 $0xFFFFFFF8, v18;
	v19 =	vand.u32 $0xFFFFFFF8, v19;
	v17 =	vor.u32 v36, v17;
	v61 =	vld.idx.msk [tilespmem:v30+s26+$0x0], $0xffff  }
0x31d: {  	v18 =	vor.u32 v36, v18;
	v5 =	vor.u32 v36, v19;
	v19 =	vor.u32 v33, v45;
	v11 =	vld.idx.msk [tilespmem:v11+s26+$0x0], $0xffff  }
0x31e: {  	v12 =	vor.u32 v36, v12;
	v2 =	vand.u32 $0xFFFFFFF8, v2;
	v21 =	vadd.s32 v37, v19;
	v14 =	vld.idx.msk [tilespmem:v14+s26+$0x0], $0xffff  }
0x31f: {  	v1 =	vor.u32 v36, v1;
	v2 =	vor.u32 v36, v2;
	v21 =	vand.u32 $0xFFFFFFF8, v21;
	v15 =	vld.idx.msk [tilespmem:v15+s26+$0x0], $0xffff  }
0x320: {  	v28 =	vor.u32 v36, v28;
	v26 =	vadd.s32 v42, v19;
	v21 =	vor.u32 v36, v21;
	v16 =	vld.idx.msk [tilespmem:v16+s26+$0x0], $0xffff  }
0x321: {  	v22 =	vadd.s32 v38, v19;
	v23 =	vadd.s32 v39, v19;
	v26 =	vand.u32 $0xFFFFFFF8, v26;
	v17 =	vld.idx.msk [tilespmem:v17+s26+$0x0], $0xffff  }
0x322: {  	v27 =	vadd.s32 v43, v19;
	v22 =	vand.u32 $0xFFFFFFF8, v22;
	v26 =	vor.u32 v36, v26;
	v18 =	vld.idx.msk [tilespmem:v18+s26+$0x0], $0xffff  }
0x323: {  	v23 =	vand.u32 $0xFFFFFFF8, v23;
	v27 =	vand.u32 $0xFFFFFFF8, v27;
	v22 =	vor.u32 v36, v22;
	v5 =	vld.idx.msk [tilespmem:v5+s26+$0x0], $0xffff  }
0x324: {  	v27 =	vor.u32 v36, v27;
	v2 =	vld.idx.msk [tilespmem:v2+s26+$0x0], $0xffff;
	v10 =	vmul.f32 v10, v0;
	v11 =	vmul.f32 v11, v25  }
0x325: {  	v46 =	vadd.s32 v41, v19;
	v23 =	vor.u32 v36, v23;
	v21 =	vld.idx.msk [tilespmem:v21+s26+$0x0], $0xffff;
	v8 =	vmul.f32 v8, v0  }
0x326: {  	v48 =	vadd.f32 v11, v10;
	v10 =	vld.idx.msk [tilespmem:v12+s26+$0x0], $0xffff;
	v11 =	vadd.s32 v40, v19;
	v12 =	vand.u32 $0xFFFFFFF8, v46  }
0x327: {  	v26 =	vld.idx.msk [tilespmem:v26+s26+$0x0], $0xffff;
	v19 =	vadd.s32 v44, v19;
	v11 =	vand.u32 $0xFFFFFFF8, v11;
	v12 =	vor.u32 v36, v12  }
0x328: {  	v22 =	vld.idx.msk [tilespmem:v22+s26+$0x0], $0xffff;
	v14 =	vmul.f32 v25, v14;
	v19 =	vand.u32 $0xFFFFFFF8, v19;
	v11 =	vor.u32 v36, v11  }
0x329: {  	v27 =	vld.idx.msk [tilespmem:v27+s26+$0x0], $0xffff;
	v15 =	vmul.f32 v15, v25;
	v16 =	vmul.f32 v16, v25;
	v19 =	vor.u32 v36, v19  }
0x32a: {  	v31 =	vor.u32 v36, v31;
	v23 =	vld.idx.msk [tilespmem:v23+s26+$0x0], $0xffff;
	v17 =	vmul.f32 v17, v25;
	v18 =	vmul.f32 v18, v25  }
0x32b: {  	v32 =	vor.u32 v36, v32;
	v5 =	vmul.f32 v5, v25;
	v2 =	vmul.f32 v2, v25;
	v25 =	vld.idx.msk [tilespmem:v28+s26+$0x0], $0xffff  }
0x32c: {  	v34 =	vor.u32 v36, v34;
	v56 =	vsub.f32 v3, v24;
	v26 =	vmul.f32 v26, v4;
	v12 =	vld.idx.msk [tilespmem:v12+s26+$0x0], $0xffff  }
0x32d: {  	v6 =	vmul.f32 v0, v6;
	v7 =	vmul.f32 v0, v7;
	v28 =	vadd.f32 v16, v8;
	v11 =	vld.idx.msk [tilespmem:v11+s26+$0x0], $0xffff  }
0x32e: {  	v20 =	vand.u32 $0xFFFFFFF8, v20;
	v8 =	vmul.f32 v56, v51;
	v24 =	vmul.f32 v27, v4;
	v19 =	vld.idx.msk [tilespmem:v19+s26+$0x0], $0xffff;
	[tilespmem:$0x1FE50] =	vst v26  }
0x32f: {  	v35 =	vand.u32 $0xFFFFFFF8, v50;
	v21 =	vmul.f32 v4, v21;
	v22 =	vmul.f32 v22, v4;
	v3 =	vld [tilespmem:s17+$0xFFFFFFF0]  }
0x330: {  	v30 =	vadd.f32 v6, v14;
	v23 =	vmul.f32 v23, v4;
	v6 =	vmul.f32 v56, v25;
	[tilespmem:$0x1FE60] =	vst v24  }
0x331: {  	v29 =	vadd.f32 v7, v15;
	v7 =	vmul.f32 v10, v0;
	v10 =	vmul.f32 v13, v0;
	v1 =	vld.idx.msk [tilespmem:v1+s26+$0x0], $0xffff  }
0x332: {  	v6 =	vadd.f32 v6, v21;
	v55 =	vmul.f32 v12, v4;
	v63 =	vmul.f32 v11, v4  }
0x333: {  	v60 =	vadd.f32 v18, v7;
	v45 =	vmul.f32 v19, v4;
	v4 =	vmul.f32 v9, v0;
	v9 =	vld.idx.msk [tilespmem:v31+s26+$0x0], $0xffff  }
0x334: {  	v12 =	vor.u32 v36, v20;
	v20 =	vmul.f32 v61, v56;
	v24 =	vmul.f32 $1.000000000e+01, v3  }
0x335: {  	v3 =	vadd.f32 v8, v22;
	v27 =	vadd.f32 v17, v4;
	v4 =	vmul.f32 $1.000000000e+01, v62  }
0x336: {  	v8 =	vadd.f32 v23, v20;
	v0 =	vmul.f32 v1, v0;
	v23 =	vadd.f32 $1.000000000e+00, v24  }
0x337: {  	v14 =	vtrunc.f32 v24;
	v1 =	vtrunc.f32 v4;
	v7 =	vadd.f32 $1.000000000e+00, v4  }
0x338: {  	v61 =	vadd.f32 v5, v10;
	v1 =	vcvt.f32.s32 v1;
	v52 =	vmul.f32 v9, v56  }
0x339: {  	v11 =	vor.u32 v36, v35;
	v9 =	vtrunc.f32 v23;
	v5 =	vtrunc.f32 v7  }
0x33a: {  	v7 =	vcvt.s32.f32 v1;
	v5 =	vcvt.f32.s32 v5;
	v1 =	vshll.u32 v1, $0x4  }
0x33b: {  	v59 =	vadd.f32 v2, v0;
	v58 =	vcvt.f32.s32 v9;
	v0 =	vor.u32 v33, v1  }
0x33c: {  	v26 =	vsub.f32 v4, v7;
	v1 =	vcvt.s32.f32 v5;
	v2 =	vadd.s32 v37, v0  }
0x33d: {  	v7 =	vadd.s32 v38, v0;
	v9 =	vadd.s32 v39, v0;
	v10 =	vadd.s32 v40, v0  }
0x33e: {  	v35 =	vadd.s32 v44, v0;
	v5 =	vshll.u32 v5, $0x4;
	v47 =	vadd.s32 v41, v0  }
0x33f: {  	v49 =	vadd.s32 v42, v0;
	v0 =	vadd.s32 v43, v0;
	v2 =	vand.u32 $0xFFFFFFF8, v2  }
0x340: {  	v7 =	vand.u32 $0xFFFFFFF8, v7;
	v9 =	vand.u32 $0xFFFFFFF8, v9;
	v5 =	vor.u32 v33, v5  }
0x341: {  	v10 =	vand.u32 $0xFFFFFFF8, v10;
	v13 =	vand.u32 $0xFFFFFFF8, v35;
	v16 =	vand.u32 $0xFFFFFFF8, v47  }
0x342: {  	v17 =	vand.u32 $0xFFFFFFF8, v49;
	v0 =	vand.u32 $0xFFFFFFF8, v0;
	v2 =	vor.u32 v36, v2  }
0x343: {  	v7 =	vor.u32 v36, v7;
	v9 =	vor.u32 v36, v9;
	v10 =	vor.u32 v36, v10  }
0x344: {  	v46 =	vadd.s32 v44, v5;
	v13 =	vor.u32 v36, v13;
	v16 =	vor.u32 v36, v16  }
0x345: {  	v25 =	vld.idx.msk [tilespmem:v34+s26+$0x0], $0xffff;
	v50 =	vadd.s32 v37, v5;
	v17 =	vor.u32 v36, v17;
	v51 =	vadd.s32 v38, v5  }
0x346: {  	s7 =	sand.u32 $0x7C00, s7;
	s18 =	simm.s32 $0x10;
	v12 =	vld.idx.msk [tilespmem:v12+s26+$0x0], $0xffff;
	v0 =	vor.u32 v36, v0;
	v53 =	vadd.s32 v39, v5;
	v54 =	vadd.s32 v40, v5  }
0x347: {  	s7 =	sadd.s32 $0x16000, s7;
	s19 =	simm.s32 $0x0;
	s10 =	sand.u32 $0x70, s18;
	v47 =	vld.idx.msk [tilespmem:v11+s26+$0x0], $0xffff;
	v57 =	vadd.s32 v41, v5;
	v62 =	vadd.s32 v42, v5;
	v5 =	vadd.s32 v43, v5  }
0x348: {  	s12 =	sor.u32 s10, s7;
	s17 =	sand.u32 $0x60, s19;
	v15 =	vand.u32 $0xFFFFFFF8, v46;
	v18 =	vand.u32 $0xFFFFFFF8, v50;
	v22 =	vand.u32 $0xFFFFFFF8, v57;
	v57 =	vld.idx.msk [tilespmem:v32+s26+$0x0], $0xffff  }
0x349: {  	[tilespmem:s12+$0x380] =	vst v48;
	s7 =	sor.u32 s17, s7;
	v19 =	vand.u32 $0xFFFFFFF8, v51;
	v20 =	vand.u32 $0xFFFFFFF8, v53;
	v15 =	vor.u32 v36, v15;
	v13 =	vld.idx.msk [tilespmem:v13+s26+$0x0], $0xffff  }
0x34a: {  	v21 =	vand.u32 $0xFFFFFFF8, v54;
	v23 =	vand.u32 $0xFFFFFFF8, v62;
	v46 =	vsub.f32 v1, v4;
	[tilespmem:s7+$0x0] =	vst v6;
	v11 =	vld.idx.msk [tilespmem:v2+s26+$0x0], $0xffff  }
0x34b: {  	v4 =	vand.u32 $0xFFFFFFF8, v5;
	v5 =	vcvt.f32.s32 v14;
	v32 =	vshll.u32 v58, $0x4;
	[tilespmem:s7+$0x80] =	vst v3;
	v48 =	vld.idx.msk [tilespmem:v7+s26+$0x0], $0xffff  }
0x34c: {  	v18 =	vor.u32 v36, v18;
	v19 =	vor.u32 v36, v19;
	v20 =	vor.u32 v36, v20;
	v49 =	vld.idx.msk [tilespmem:v9+s26+$0x0], $0xffff  }
0x34d: {  	v21 =	vor.u32 v36, v21;
	v22 =	vor.u32 v36, v22;
	v1 =	vor.u32 v36, v23;
	v50 =	vld.idx.msk [tilespmem:v10+s26+$0x0], $0xffff  }
0x34e: {  	v4 =	vor.u32 v36, v4;
	v14 =	vor.u32 v33, v32;
	v34 =	vshll.u32 v5, $0x4;
	v15 =	vld.idx.msk [tilespmem:v15+s26+$0x0], $0xffff;
	[tilespmem:$0x1FE30] =	vst v37  }
0x34f: {  	v35 =	vadd.s32 v37, v14;
	v31 =	vadd.s32 v39, v14;
	v3 =	vadd.s32 v42, v14;
	[tilespmem:$0x1FE40] =	vst v38  }
0x350: {  	v23 =	vadd.s32 v43, v14;
	v5 =	vcvt.s32.f32 v5;
	v62 =	vand.u32 $0xFFFFFFF8, v31;
	v53 =	vld.idx.msk [tilespmem:v16+s26+$0x0], $0xffff  }
0x351: {  	v3 =	vand.u32 $0xFFFFFFF8, v3;
	v2 =	vadd.s32 v38, v14;
	v7 =	vadd.s32 v40, v14;
	[tilespmem:s7+$0x100] =	vst v8;
	v54 =	vld.idx.msk [tilespmem:v17+s26+$0x0], $0xffff  }
0x352: {  	v9 =	vand.u32 $0xFFFFFFF8, v35;
	v10 =	vadd.s32 v44, v14;
	v3 =	vor.u32 v36, v3;
	[tilespmem:s12+$0x0] =	vst v30;
	v51 =	vld.idx.msk [tilespmem:v0+s26+$0x0], $0xffff  }
0x353: {  	v2 =	vand.u32 $0xFFFFFFF8, v2;
	v7 =	vand.u32 $0xFFFFFFF8, v7;
	v9 =	vor.u32 v36, v9;
	[tilespmem:s12+$0x80] =	vst v29;
	v18 =	vld.idx.msk [tilespmem:v18+s26+$0x0], $0xffff  }
0x354: {  	v23 =	vand.u32 $0xFFFFFFF8, v23;
	v2 =	vor.u32 v36, v2;
	v7 =	vor.u32 v36, v7;
	[tilespmem:s12+$0x100] =	vst v28;
	v19 =	vld.idx.msk [tilespmem:v19+s26+$0x0], $0xffff  }
0x355: {  	v10 =	vand.u32 $0xFFFFFFF8, v10;
	[tilespmem:s12+$0x180] =	vst v27;
	v20 =	vld.idx.msk [tilespmem:v20+s26+$0x0], $0xffff;
	v6 =	vmul.f32 v15, v26;
	v15 =	vor.u32 v33, v34  }
0x356: {  	[tilespmem:s12+$0x200] =	vst v60;
	v13 =	vmul.f32 v13, v46;
	v32 =	vadd.s32 v38, v15;
	v16 =	vadd.s32 v39, v15  }
0x357: {  	v21 =	vld.idx.msk [tilespmem:v21+s26+$0x0], $0xffff;
	v34 =	vadd.s32 v40, v15;
	v8 =	vadd.s32 v42, v15;
	v38 =	vadd.s32 v43, v15  }
0x358: {  	s10 =	simm.s32 $0x100;
	v22 =	vld.idx.msk [tilespmem:v22+s26+$0x0], $0xffff;
	v0 =	vadd.s32 v44, v15;
	v6 =	vadd.f32 v6, v13;
	v13 =	vadd.s32 v41, v14  }
0x359: {  	s11 =	simm.s32 $0x30;
	s18 =	sand.u32 $0x7C00, s10;
	[tilespmem:s12+$0x280] =	vst v61;
	v60 =	vld.idx.msk [tilespmem:v1+s26+$0x0], $0xffff;
	v14 =	vadd.s32 v37, v15;
	v37 =	vadd.s32 v41, v15;
	v8 =	vand.u32 $0xFFFFFFF8, v8  }
0x35a: {  	s18 =	sadd.s32 $0x16000, s18;
	s19 =	sand.u32 $0x70, s11;
	v4 =	vld.idx.msk [tilespmem:v4+s26+$0x0], $0xffff;
	[tilespmem:s12+$0x300] =	vst v59;
	v17 =	vand.u32 $0xFFFFFFF8, v38;
	v31 =	vor.u32 v36, v8;
	v8 =	vcvt.s32.f32 v58  }
0x35b: {  	s17 =	sor.u32 s19, s18;
	v15 =	vor.u32 v36, v62;
	v38 =	vld.idx.msk [tilespmem:v7+s26+$0x0], $0xffff;
	v62 =	vsub.f32 v24, v5;
	v7 =	vadd.f32 v63, v52  }
0x35c: {  	v9 =	vld.idx.msk [tilespmem:v9+s26+$0x0], $0xffff;
	v13 =	vand.u32 $0xFFFFFFF8, v13;
	[tilespmem:s17+$0x380] =	vst v6;
	v24 =	vsub.f32 v8, v24;
	v8 =	vmul.f32 v57, v56  }
0x35d: {  	v23 =	vor.u32 v36, v23;
	v10 =	vor.u32 v36, v10;
	v13 =	vor.u32 v36, v13;
	[tilespmem:s7+$0x180] =	vst v7  }
0x35e: {  	v1 =	vmul.f32 v19, v26;
	v35 =	vmul.f32 v21, v26;
	v7 =	vadd.f32 v55, v8;
	v8 =	vld [tilespmem:$0x1FE50]  }
0x35f: {  	v3 =	vld.idx.msk [tilespmem:v3+s26+$0x0], $0xffff;
	v28 =	vand.u32 $0xFFFFFFF8, v32;
	v16 =	vand.u32 $0xFFFFFFF8, v16;
	v27 =	vand.u32 $0xFFFFFFF8, v34  }
0x360: {  	v0 =	vand.u32 $0xFFFFFFF8, v0;
	v14 =	vand.u32 $0xFFFFFFF8, v14;
	v29 =	vand.u32 $0xFFFFFFF8, v37;
	v37 =	vld.idx.msk [tilespmem:v2+s26+$0x0], $0xffff  }
0x361: {  	v61 =	vor.u32 v36, v28;
	v5 =	vmul.f32 v62, v9;
	v9 =	vmul.f32 v25, v56;
	v6 =	vld.idx.msk [tilespmem:v15+s26+$0x0], $0xffff  }
0x362: {  	v16 =	vor.u32 v36, v16;
	v34 =	vor.u32 v36, v27;
	v2 =	vmul.f32 v26, v18;
	v13 =	vld.idx.msk [tilespmem:v13+s26+$0x0], $0xffff  }
0x363: {  	v14 =	vor.u32 v36, v14;
	v9 =	vadd.f32 v8, v9;
	v8 =	vmul.f32 v46, v11;
	v11 =	vld [tilespmem:$0x1FE60]  }
0x364: {  	v63 =	vld.idx.msk [tilespmem:v23+s26+$0x0], $0xffff;
	v28 =	vmul.f32 v22, v26;
	v27 =	vmul.f32 v60, v26;
	v32 =	vor.u32 v36, v29  }
0x365: {  	s9 =	sshll.u32 s9, $0xC;
	v29 =	vor.u32 v36, v0;
	v0 =	vmul.f32 v20, v26;
	v26 =	vmul.f32 v4, v26;
	v57 =	vld.idx.msk [tilespmem:v10+s26+$0x0], $0xffff  }
0x366: {  	s9 =	sadd.s32 s2, s9;
	s8 =	sshll.u32 s8, $0xF;
	s19 =	simm.s32 $0x20;
	v10 =	vmul.f32 v47, v56;
	v52 =	vmul.f32 v38, v62;
	v59 =	vld.idx.msk [tilespmem:v61+s26+$0x0], $0xffff  }
0x367: {  	s8 =	sadd.s32 s8, s9;
	s12 =	sand.u32 $0x60, s19;
	v30 =	vor.u32 v36, v17;
	v4 =	vmul.f32 v37, v62;
	v61 =	vmul.f32 v12, v56;
	v60 =	vld.idx.msk [tilespmem:v16+s26+$0x0], $0xffff  }
0x368: {  	s9 =	simm.s32 $0x2;
	s18 =	sor.u32 s12, s18;
	s12 =	simm.s32 $0xD050;
	v58 =	vld.idx.msk [tilespmem:v14+s26+$0x0], $0xffff;
	v6 =	vmul.f32 v6, v62;
	v47 =	vmul.f32 v13, v62;
	v25 =	vadd.f32 v11, v10  }
.LBB2_11:
0x369: {  	_ = 	snop  }
0x36a: {  	v2 =	vadd.f32 v8, v2;
	v8 =	vmul.f32 v49, v46  }
0x36b: {  	v10 =	vld [tilespmem:s12+$0x0]  }
0x36c: {  	v14 =	vmul.f32 v54, v46;
	[tilespmem:s7+$0x200] =	vst v7;
	v0 =	vadd.f32 v0, v8;
	v8 =	vmul.f32 v53, v46  }
0x36d: {  	v7 =	vld [tilespmem:s12+$0xFFFFFFF0];
	v56 =	vmul.f32 v3, v62;
	v3 =	vmul.f32 v46, v48  }
0x36e: {  	v11 =	vadd.f32 v45, v61;
	[tilespmem:s7+$0x280] =	vst v9;
	v55 =	vmul.f32 v63, v62;
	v45 =	vmul.f32 v57, v62  }
0x36f: {  	v9 =	vld.idx.msk [tilespmem:v34+s26+$0x0], $0xffff;
	v12 =	vmul.f32 v24, v58;
	v13 =	vmul.f32 v24, v59  }
0x370: {  	v57 =	vld.idx.msk [tilespmem:v32+s26+$0x0], $0xffff;
	v21 =	vmul.f32 v60, v24;
	v10 =	vmul.f32 $1.000000000e+01, v10  }
0x371: {  	v58 =	vld.idx.msk [tilespmem:v31+s26+$0x0], $0xffff;
	v1 =	vadd.f32 v3, v1;
	v3 =	vmul.f32 v50, v46;
	v5 =	vadd.f32 v12, v5  }
0x372: {  	v59 =	vld.idx.msk [tilespmem:v30+s26+$0x0], $0xffff;
	[tilespmem:s7+$0x300] =	vst v25;
	v4 =	vadd.f32 v13, v4;
	v6 =	vadd.f32 v6, v21;
	v62 =	vmul.f32 $1.000000000e+01, v7  }
0x373: {  	v60 =	vld.idx.msk [tilespmem:v29+s26+$0x0], $0xffff;
	[tilespmem:s7+$0x380] =	vst v11;
	s7 =	smov.u32 s18;
	v7 =	vmul.f32 v51, v46;
	v11 =	vtrunc.f32 v10;
	v22 =	vadd.f32 $1.000000000e+00, v10  }
0x374: {  	v19 =	vld [tilespmem:$0x1FE30];
	v61 =	vmovc v24;
	v3 =	vadd.f32 v35, v3;
	[tilespmem:s7+$0x0] =	vst v5;
	v5 =	vadd.f32 v28, v8;
	v11 =	vcvt.f32.s32 v11  }
0x375: {  	v20 =	vld [tilespmem:$0x1FE40];
	v24 =	vmul.f32 v9, v61;
	[tilespmem:s7+$0x100] =	vst v6;
	v6 =	vadd.f32 v27, v14;
	v8 =	vadd.f32 $1.000000000e+00, v62  }
0x376: {  	[tilespmem:s7+$0x80] =	vst v4;
	v4 =	vtrunc.f32 v62;
	v9 =	vtrunc.f32 v22;
	v7 =	vadd.f32 v26, v7  }
0x377: {  	[tilespmem:s17+$0x0] =	vst v2;
	v23 =	vcvt.s32.f32 v11;
	v4 =	vcvt.f32.s32 v4;
	v52 =	vadd.f32 v52, v24  }
0x378: {  	[tilespmem:s17+$0x100] =	vst v0;
	v2 =	vtrunc.f32 v8;
	v8 =	vcvt.f32.s32 v9;
	v9 =	vshll.u32 v11, $0x4  }
0x379: {  	[tilespmem:s17+$0x80] =	vst v1;
	v26 =	vcvt.f32.s32 v2;
	v63 =	vsub.f32 v10, v23;
	v1 =	vor.u32 v33, v9  }
0x37a: {  	[tilespmem:s17+$0x180] =	vst v3;
	v0 =	vcvt.s32.f32 v8;
	v2 =	vadd.s32 v19, v1;
	v9 =	vadd.s32 v20, v1  }
0x37b: {  	[tilespmem:s17+$0x280] =	vst v6;
	v3 =	vadd.s32 v39, v1;
	v11 =	vadd.s32 v40, v1;
	v6 =	vshll.u32 v8, $0x4  }
0x37c: {  	[tilespmem:s17+$0x200] =	vst v5;
	v2 =	vand.u32 $0xFFFFFFF8, v2;
	v5 =	vand.u32 $0xFFFFFFF8, v9;
	v9 =	vadd.s32 v44, v1  }
0x37d: {  	[tilespmem:s17+$0x300] =	vst v7;
	v3 =	vand.u32 $0xFFFFFFF8, v3;
	v6 =	vor.u32 v33, v6;
	v7 =	vand.u32 $0xFFFFFFF8, v11  }
0x37e: {  	v11 =	vadd.s32 v41, v1;
	v2 =	vor.u32 v36, v2;
	v5 =	vor.u32 v36, v5  }
0x37f: {  	v3 =	vor.u32 v36, v3;
	v7 =	vor.u32 v36, v7;
	v8 =	vand.u32 $0xFFFFFFF8, v9  }
0x380: {  	v9 =	vadd.s32 v44, v6;
	v32 =	vadd.s32 v40, v6;
	v46 =	vsub.f32 v0, v10  }
0x381: {  	v10 =	vshll.u32 v4, $0x4;
	v4 =	vcvt.s32.f32 v4;
	v8 =	vor.u32 v36, v8  }
0x382: {  	v9 =	vand.u32 $0xFFFFFFF8, v9;
	v12 =	vand.u32 $0xFFFFFFF8, v32;
	v10 =	vor.u32 v33, v10  }
0x383: {  	v9 =	vor.u32 v36, v9;
	v12 =	vor.u32 v36, v12;
	v37 =	vadd.s32 v39, v10  }
0x384: {  	v38 =	vadd.s32 v40, v10;
	v21 =	vadd.s32 v41, v10;
	v22 =	vadd.s32 v42, v10;
	v25 =	vld.idx.msk [tilespmem:v2+s26+$0x0], $0xffff  }
0x385: {  	v23 =	vadd.s32 v43, v10;
	v2 =	vand.u32 $0xFFFFFFF8, v11;
	v11 =	vadd.s32 v42, v1;
	v48 =	vld.idx.msk [tilespmem:v5+s26+$0x0], $0xffff  }
0x386: {  	v1 =	vadd.s32 v43, v1;
	v49 =	vld.idx.msk [tilespmem:v3+s26+$0x0], $0xffff;
	v2 =	vor.u32 v36, v2;
	v5 =	vand.u32 $0xFFFFFFF8, v11  }
0x387: {  	v11 =	vadd.s32 v19, v6;
	v1 =	vand.u32 $0xFFFFFFF8, v1;
	v8 =	vld.idx.msk [tilespmem:v8+s26+$0x0], $0xffff;
	v3 =	vor.u32 v36, v5  }
0x388: {  	v5 =	vand.u32 $0xFFFFFFF8, v11;
	v11 =	vadd.s32 v20, v6;
	v1 =	vor.u32 v36, v1;
	v9 =	vld.idx.msk [tilespmem:v9+s26+$0x0], $0xffff  }
0x389: {  	v50 =	vld.idx.msk [tilespmem:v7+s26+$0x0], $0xffff;
	v5 =	vor.u32 v36, v5;
	v7 =	vand.u32 $0xFFFFFFF8, v11;
	v11 =	vadd.s32 v39, v6  }
0x38a: {  	v21 =	vand.u32 $0xFFFFFFF8, v21;
	v12 =	vld.idx.msk [tilespmem:v12+s26+$0x0], $0xffff;
	v7 =	vor.u32 v36, v7;
	v11 =	vand.u32 $0xFFFFFFF8, v11  }
0x38b: {  	v22 =	vand.u32 $0xFFFFFFF8, v22;
	v11 =	vor.u32 v36, v11;
	v53 =	vld.idx.msk [tilespmem:v2+s26+$0x0], $0xffff;
	v2 =	vadd.s32 v41, v6  }
0x38c: {  	v32 =	vor.u32 v36, v21;
	v8 =	vmul.f32 v8, v46;
	v2 =	vand.u32 $0xFFFFFFF8, v2;
	v54 =	vld.idx.msk [tilespmem:v3+s26+$0x0], $0xffff  }
0x38d: {  	v3 =	vadd.s32 v42, v6;
	v51 =	vld.idx.msk [tilespmem:v1+s26+$0x0], $0xffff;
	v1 =	vadd.s32 v43, v6;
	v9 =	vmul.f32 v9, v63  }
0x38e: {  	v2 =	vor.u32 v36, v2;
	v3 =	vand.u32 $0xFFFFFFF8, v3;
	v0 =	vld.idx.msk [tilespmem:v5+s26+$0x0], $0xffff;
	v5 =	vshll.u32 v26, $0x4  }
0x38f: {  	v1 =	vand.u32 $0xFFFFFFF8, v1;
	v3 =	vor.u32 v36, v3;
	v6 =	vld.idx.msk [tilespmem:v7+s26+$0x0], $0xffff;
	v5 =	vor.u32 v33, v5  }
0x390: {  	v1 =	vor.u32 v36, v1;
	v7 =	vld.idx.msk [tilespmem:v11+s26+$0x0], $0xffff;
	v11 =	vadd.s32 v19, v5;
	v34 =	vadd.s32 v20, v5  }
0x391: {  	v35 =	vadd.s32 v39, v5;
	v16 =	vadd.s32 v42, v5;
	v13 =	vand.u32 $0xFFFFFFF8, v34  }
0x392: {  	v14 =	vand.u32 $0xFFFFFFF8, v35;
	v16 =	vand.u32 $0xFFFFFFF8, v16;
	v35 =	vmul.f32 v12, v63  }
0x393: {  	s10 =	sadd.s32 $0x100, s10;
	v13 =	vor.u32 v36, v13;
	v14 =	vor.u32 v36, v14;
	v16 =	vor.u32 v36, v16  }
0x394: {  	s11 =	sadd.s32 $0x20, s11;
	s19 =	sand.u32 $0x7C00, s10;
	v15 =	vld.idx.msk [tilespmem:v2+s26+$0x0], $0xffff;
	v2 =	vadd.f32 v9, v8;
	v8 =	vadd.s32 v40, v5;
	v9 =	vadd.s32 v41, v5  }
0x395: {  	s19 =	sadd.s32 $0x16000, s19;
	s17 =	sand.u32 $0x70, s11;
	v17 =	vld.idx.msk [tilespmem:v3+s26+$0x0], $0xffff;
	v3 =	vand.u32 $0xFFFFFFF8, v11;
	v11 =	vadd.s32 v43, v5;
	v5 =	vadd.s32 v44, v5  }
0x396: {  	s17 =	sor.u32 s17, s19;
	v18 =	vld.idx.msk [tilespmem:v1+s26+$0x0], $0xffff;
	v1 =	vadd.s32 v19, v10;
	v8 =	vand.u32 $0xFFFFFFF8, v8;
	v9 =	vand.u32 $0xFFFFFFF8, v9  }
0x397: {  	v19 =	vand.u32 $0xFFFFFFF8, v37;
	[tilespmem:s17+$0x380] =	vst v2;
	v2 =	vadd.s32 v20, v10;
	v10 =	vadd.s32 v44, v10  }
0x398: {  	v11 =	vand.u32 $0xFFFFFFF8, v11;
	v5 =	vand.u32 $0xFFFFFFF8, v5;
	v3 =	vor.u32 v36, v3  }
0x399: {  	v1 =	vand.u32 $0xFFFFFFF8, v1;
	v20 =	vand.u32 $0xFFFFFFF8, v38;
	v8 =	vor.u32 v36, v8  }
0x39a: {  	v9 =	vor.u32 v36, v9;
	v19 =	vor.u32 v36, v19;
	v10 =	vand.u32 $0xFFFFFFF8, v10  }
0x39b: {  	v2 =	vand.u32 $0xFFFFFFF8, v2;
	v11 =	vor.u32 v36, v11;
	v29 =	vor.u32 v36, v10;
	v10 =	vld.idx.msk [tilespmem:v13+s26+$0x0], $0xffff  }
0x39c: {  	v33 =	vor.u32 v36, v1;
	v38 =	vor.u32 v36, v5;
	v1 =	vmul.f32 v6, v63;
	v14 =	vld.idx.msk [tilespmem:v14+s26+$0x0], $0xffff  }
0x39d: {  	v37 =	vor.u32 v36, v2;
	v2 =	vmul.f32 v63, v0;
	v0 =	vmul.f32 v7, v63;
	v5 =	vld.idx.msk [tilespmem:v3+s26+$0x0], $0xffff  }
0x39e: {  	v34 =	vor.u32 v36, v20;
	v7 =	vmul.f32 v57, v61;
	v3 =	vcvt.s32.f32 v26;
	v8 =	vld.idx.msk [tilespmem:v8+s26+$0x0], $0xffff  }
0x39f: {  	s9 =	sadd.s32 $0x2, s9;
	v23 =	vand.u32 $0xFFFFFFF8, v23;
	v28 =	vmul.f32 v15, v63;
	v27 =	vmul.f32 v17, v63;
	v20 =	vld.idx.msk [tilespmem:v9+s26+$0x0], $0xffff;
	[tilespmem:s7+$0x180] =	vst v52  }
0x3a0: {  	p0 =	slt.u32 s9, $0xFE;
	v26 =	vmul.f32 v18, v63;
	v63 =	vld.idx.msk [tilespmem:v11+s26+$0x0], $0xffff;
	v24 =	vsub.f32 v3, v62;
	v62 =	vsub.f32 v62, v4  }
.Ltmp4:
0x3a1: {  	v31 =	vor.u32 v36, v22;
	v30 =	vor.u32 v36, v23;
	v9 =	vmul.f32 v58, v61;
	v57 =	vld.idx.msk [tilespmem:v38+s26+$0x0], $0xffff;
	(pc) =	sbr.rel @p0 .LBB2_11-.Ltmp4, $4  }
0x3a2: {  	v7 =	vadd.f32 v47, v7;
	v58 =	vld.idx.msk [tilespmem:v33+s26+$0x0], $0xffff;
	v4 =	vmul.f32 v10, v62;
	v6 =	vmul.f32 v14, v62  }
0x3a3: {  	s18 =	sadd.s32 $0xFFFFFFF0, s11;
	v33 =	vlaneseq.u32;
	v3 =	vld.idx.msk [tilespmem:v16+s26+$0x0], $0xffff;
	v10 =	vmul.f32 v59, v61;
	v61 =	vmul.f32 v60, v61  }
0x3a4: {  	s18 =	sand.u32 $0x60, s18;
	v9 =	vadd.f32 v56, v9;
	v59 =	vld.idx.msk [tilespmem:v37+s26+$0x0], $0xffff;
	v5 =	vmul.f32 v62, v5;
	v52 =	vmul.f32 v8, v62  }
0x3a5: {  	s12 =	sadd.s32 $0x20, s12;
	s18 =	sor.u32 s18, s19;
	v60 =	vld.idx.msk [tilespmem:v19+s26+$0x0], $0xffff;
	v47 =	vmul.f32 v20, v62;
	v8 =	vmul.f32 v46, v25;
	v25 =	vadd.f32 v55, v10  }
0x3a6: {  	[tilespmem:s7+$0x200] =	vst v7  }
0x3a7: {  	v12 =	vadd.f32 v45, v61;
	[tilespmem:s7+$0x280] =	vst v9;
	v43 =	vmul.f32 v46, v48  }
0x3a8: {  	v44 =	vmul.f32 v49, v46;
	[tilespmem:s7+$0x300] =	vst v25;
	v2 =	vadd.f32 v8, v2  }
0x3a9: {  	v45 =	vmul.f32 v50, v46;
	[tilespmem:s7+$0x380] =	vst v12;
	v1 =	vadd.f32 v43, v1  }
0x3aa: {  	v10 =	vld.idx.msk [tilespmem:v34+s26+$0x0], $0xffff;
	v11 =	vmul.f32 v24, v58;
	v0 =	vadd.f32 v0, v44;
	[tilespmem:s17+$0x0] =	vst v2  }
0x3ab: {  	v40 =	vld.idx.msk [tilespmem:v32+s26+$0x0], $0xffff;
	v51 =	vmul.f32 v51, v46;
	v49 =	vadd.f32 v35, v45;
	[tilespmem:s17+$0x80] =	vst v1  }
0x3ac: {  	v41 =	vld.idx.msk [tilespmem:v31+s26+$0x0], $0xffff;
	v13 =	vmul.f32 v24, v59;
	v5 =	vadd.f32 v11, v5;
	[tilespmem:s17+$0x100] =	vst v0  }
0x3ad: {  	v14 =	vld.idx.msk [tilespmem:v30+s26+$0x0], $0xffff;
	v48 =	vmul.f32 v53, v46;
	[tilespmem:s17+$0x180] =	vst v49;
	v1 =	vadd.f32 v26, v51  }
0x3ae: {  	v15 =	vld.idx.msk [tilespmem:v29+s26+$0x0], $0xffff;
	v42 =	vmul.f32 v60, v24;
	v4 =	vadd.f32 v13, v4;
	[tilespmem:s18+$0x0] =	vst v5  }
0x3af: {  	v50 =	vmul.f32 v54, v46;
	v5 =	vadd.f32 v28, v48;
	[tilespmem:s17+$0x300] =	vst v1  }
0x3b0: {  	v53 =	vmul.f32 v10, v24;
	v6 =	vadd.f32 v6, v42;
	[tilespmem:s18+$0x80] =	vst v4  }
0x3b1: {  	v54 =	vmul.f32 v40, v24;
	v4 =	vadd.f32 v27, v50;
	[tilespmem:s17+$0x200] =	vst v5  }
0x3b2: {  	v3 =	vmul.f32 v3, v62;
	v55 =	vmul.f32 v41, v24;
	v0 =	vadd.f32 v52, v53;
	[tilespmem:s18+$0x100] =	vst v6  }
0x3b3: {  	v56 =	vmul.f32 v63, v62;
	v59 =	vmul.f32 v14, v24;
	v58 =	vadd.f32 v47, v54;
	[tilespmem:s17+$0x280] =	vst v4  }
0x3b4: {  	v60 =	vmul.f32 v57, v62;
	v62 =	vmul.f32 v15, v24;
	v61 =	vadd.f32 v3, v55;
	[tilespmem:s18+$0x180] =	vst v0  }
0x3b5: {  	s6 =	smin.u32 s6, $0x13;
	s21 =	sadd.s32 $0x1, s21;
	v2 =	vadd.f32 v56, v59;
	[tilespmem:s18+$0x200] =	vst v58  }
0x3b6: {  	s6 =	sadd.s32 s6, s16;
	p0 =	sne.s32 s21, $0xB;
	v63 =	vadd.f32 v60, v62;
	[tilespmem:s18+$0x280] =	vst v61  }
.Ltmp5:
0x3b7: {  	s6 =	sshll.u32 s6, $0x6;
	[tilespmem:s18+$0x300] =	vst v2;
	(pc) =	sbr.rel @p0 .LBB2_8-.Ltmp5, $4  }
0x3b8: {  	s6 =	sand.u32 $0x3FE00, s6;
	[tilespmem:s18+$0x380] =	vst v63  }
0x3b9: {  	[hbm4b:s8+s3] =	stream.linear.scatter [tilespmem:s30], [sflag:$0x2], $0x8000, $0x38;
	[tilespmem:$0x1E000] =	vst v63  }
0x3ba: {  	s6 =	sadd.s32 s4, s6  }
0x3bb: {  	[tilespmem:s24], [sflag:$0x4] =	stream.linear.gather [hbm4b:s6+s3], $0x1000, $0x38;
	[tilespmem:$0x1E000] =	vst v63  }
0x3bc: {  	_ =	swait.ge [sflag:s25], $0x1000  }
0x3bd: {  	[sflag:s25] =	ssyncset.done $0x0  }
0x3be: {  	[sflag:s25] =	ssyncadd.s32 $0xFFFFF000  }
0x3bf: {  	_ =	swait.ge [sflag:s31], $0x8000  }
0x3c0: {  	[sflag:s31] =	ssyncset.done $0x0  }
0x3c1: {  	s6 =	simm.s32 $0xC010;
	[sflag:s31] =	ssyncadd.s32 $0xFFFF8000  }
0x3c2: {  	v0 =	vld [tilespmem:s6+$0x0]  }
0x3c3: {  	v1 =	vld [tilespmem:s6+$0xFFFFFFF0];
	_ =	sdelay $0x3  }
0x3c4: {  	v45 =	vld [tilespmem:$0x1FF80];
	v0 =	vmul.f32 $1.000000000e+01, v0  }
0x3c5: {  	v46 =	vld [tilespmem:$0x1FF90];
	v24 =	vmul.f32 $1.000000000e+01, v1  }
0x3c6: {  	v54 =	vld [tilespmem:$0x1FFA0];
	v1 =	vtrunc.f32 v0  }
0x3c7: {  	v62 =	vld [tilespmem:$0x1FFB0];
	v2 =	vadd.f32 $1.000000000e+00, v0;
	v3 =	vadd.f32 $1.000000000e+00, v24;
	v4 =	vtrunc.f32 v24  }
0x3c8: {  	v63 =	vld [tilespmem:$0x1FFF0];
	v1 =	vcvt.f32.s32 v1;
	v4 =	vcvt.f32.s32 v4  }
0x3c9: {  	v61 =	vld [tilespmem:$0x1FFC0];
	v2 =	vtrunc.f32 v2;
	v3 =	vtrunc.f32 v3  }
0x3ca: {  	v41 =	vlaneseq.u32;
	v59 =	vld [tilespmem:$0x1FFD0];
	v5 =	vcvt.s32.f32 v1;
	v2 =	vcvt.f32.s32 v2  }
0x3cb: {  	v60 =	vld [tilespmem:$0x1FFE0];
	v1 =	vshll.u32 v1, $0x4;
	v3 =	vcvt.f32.s32 v3;
	v20 =	vshll.u32 v4, $0x4  }
0x3cc: {  	v4 =	vcvt.s32.f32 v4;
	v1 =	vor.u32 v33, v1;
	v20 =	vor.u32 v33, v20  }
0x3cd: {  	v25 =	vsub.f32 v0, v5;
	v5 =	vcvt.s32.f32 v2;
	v6 =	vadd.s32 v45, v1  }
0x3ce: {  	v7 =	vadd.s32 v46, v1;
	v8 =	vadd.s32 v54, v1;
	v9 =	vadd.s32 v62, v1  }
0x3cf: {  	v10 =	vadd.s32 v63, v1;
	v2 =	vshll.u32 v2, $0x4;
	v12 =	vadd.s32 v61, v1  }
0x3d0: {  	v13 =	vadd.s32 v59, v1;
	v1 =	vadd.s32 v60, v1;
	v56 =	vshll.u32 v3, $0x4  }
0x3d1: {  	v28 =	vadd.s32 v45, v20;
	v29 =	vadd.s32 v46, v20;
	v30 =	vadd.s32 v54, v20  }
0x3d2: {  	v31 =	vadd.s32 v62, v20;
	v32 =	vadd.s32 v61, v20;
	v34 =	vadd.s32 v60, v20  }
0x3d3: {  	v3 =	vcvt.s32.f32 v3;
	v4 =	vsub.f32 v24, v4;
	v6 =	vand.u32 $0xFFFFFFF8, v6  }
0x3d4: {  	v7 =	vand.u32 $0xFFFFFFF8, v7;
	v8 =	vand.u32 $0xFFFFFFF8, v8;
	v2 =	vor.u32 v33, v2  }
0x3d5: {  	v9 =	vand.u32 $0xFFFFFFF8, v9;
	v10 =	vand.u32 $0xFFFFFFF8, v10;
	v12 =	vand.u32 $0xFFFFFFF8, v12  }
0x3d6: {  	v13 =	vand.u32 $0xFFFFFFF8, v13;
	v1 =	vand.u32 $0xFFFFFFF8, v1;
	v28 =	vand.u32 $0xFFFFFFF8, v28  }
0x3d7: {  	v29 =	vand.u32 $0xFFFFFFF8, v29;
	v30 =	vand.u32 $0xFFFFFFF8, v30;
	v31 =	vand.u32 $0xFFFFFFF8, v31  }
0x3d8: {  	v32 =	vand.u32 $0xFFFFFFF8, v32;
	v34 =	vand.u32 $0xFFFFFFF8, v34;
	v10 =	vor.u32 v36, v10  }
0x3d9: {  	v6 =	vor.u32 v36, v6;
	v7 =	vor.u32 v36, v7;
	v8 =	vor.u32 v36, v8  }
0x3da: {  	v9 =	vor.u32 v36, v9;
	v11 =	vadd.s32 v63, v2;
	v12 =	vor.u32 v36, v12  }
0x3db: {  	s17 =	simm.s32 $0xC030;
	v14 =	vadd.s32 v45, v2;
	v13 =	vor.u32 v36, v13;
	v15 =	vadd.s32 v46, v2  }
0x3dc: {  	v1 =	vor.u32 v36, v1;
	v16 =	vadd.s32 v54, v2;
	v49 =	vsub.f32 v3, v24;
	v3 =	vld [tilespmem:s17+$0xFFFFFFF0]  }
0x3dd: {  	v17 =	vadd.s32 v62, v2;
	v29 =	vor.u32 v36, v29;
	v11 =	vand.u32 $0xFFFFFFF8, v11;
	v10 =	vld.idx.msk [tilespmem:v10+s26+$0x0], $0xffff  }
0x3de: {  	v18 =	vadd.s32 v61, v2;
	v14 =	vand.u32 $0xFFFFFFF8, v14;
	v11 =	vor.u32 v36, v11;
	v6 =	vld.idx.msk [tilespmem:v6+s26+$0x0], $0xffff  }
0x3df: {  	v19 =	vadd.s32 v59, v2;
	v15 =	vand.u32 $0xFFFFFFF8, v15;
	v14 =	vor.u32 v36, v14;
	v7 =	vld.idx.msk [tilespmem:v7+s26+$0x0], $0xffff  }
0x3e0: {  	v2 =	vadd.s32 v60, v2;
	v16 =	vand.u32 $0xFFFFFFF8, v16;
	v15 =	vor.u32 v36, v15;
	v8 =	vld.idx.msk [tilespmem:v8+s26+$0x0], $0xffff  }
0x3e1: {  	v0 =	vsub.f32 v5, v0;
	v17 =	vand.u32 $0xFFFFFFF8, v17;
	v16 =	vor.u32 v36, v16;
	v9 =	vld.idx.msk [tilespmem:v9+s26+$0x0], $0xffff  }
0x3e2: {  	v18 =	vand.u32 $0xFFFFFFF8, v18;
	v19 =	vand.u32 $0xFFFFFFF8, v19;
	v17 =	vor.u32 v36, v17;
	v35 =	vld.idx.msk [tilespmem:v29+s26+$0x0], $0xffff  }
0x3e3: {  	v18 =	vor.u32 v36, v18;
	v5 =	vor.u32 v36, v19;
	v19 =	vor.u32 v33, v56;
	v11 =	vld.idx.msk [tilespmem:v11+s26+$0x0], $0xffff  }
0x3e4: {  	v28 =	vor.u32 v36, v28;
	v2 =	vand.u32 $0xFFFFFFF8, v2;
	v21 =	vadd.s32 v45, v19;
	v14 =	vld.idx.msk [tilespmem:v14+s26+$0x0], $0xffff  }
0x3e5: {  	v30 =	vor.u32 v36, v30;
	v2 =	vor.u32 v36, v2;
	v21 =	vand.u32 $0xFFFFFFF8, v21;
	v15 =	vld.idx.msk [tilespmem:v15+s26+$0x0], $0xffff  }
0x3e6: {  	v31 =	vor.u32 v36, v31;
	v22 =	vadd.s32 v46, v19;
	v21 =	vor.u32 v36, v21;
	v16 =	vld.idx.msk [tilespmem:v16+s26+$0x0], $0xffff  }
0x3e7: {  	v23 =	vadd.s32 v54, v19;
	v26 =	vadd.s32 v59, v19;
	v22 =	vand.u32 $0xFFFFFFF8, v22;
	v17 =	vld.idx.msk [tilespmem:v17+s26+$0x0], $0xffff  }
0x3e8: {  	v27 =	vadd.s32 v60, v19;
	v23 =	vand.u32 $0xFFFFFFF8, v23;
	v22 =	vor.u32 v36, v22;
	v18 =	vld.idx.msk [tilespmem:v18+s26+$0x0], $0xffff  }
0x3e9: {  	v26 =	vand.u32 $0xFFFFFFF8, v26;
	v27 =	vand.u32 $0xFFFFFFF8, v27;
	v23 =	vor.u32 v36, v23;
	v5 =	vld.idx.msk [tilespmem:v5+s26+$0x0], $0xffff  }
0x3ea: {  	v26 =	vor.u32 v36, v26;
	v2 =	vld.idx.msk [tilespmem:v2+s26+$0x0], $0xffff;
	v10 =	vmul.f32 v10, v0;
	v11 =	vmul.f32 v11, v25  }
0x3eb: {  	v57 =	vadd.s32 v61, v19;
	v27 =	vor.u32 v36, v27;
	v21 =	vld.idx.msk [tilespmem:v21+s26+$0x0], $0xffff;
	v8 =	vmul.f32 v8, v0  }
0x3ec: {  	v40 =	vadd.f32 v11, v10;
	v10 =	vld.idx.msk [tilespmem:v12+s26+$0x0], $0xffff;
	v11 =	vadd.s32 v62, v19;
	v12 =	vand.u32 $0xFFFFFFF8, v57  }
0x3ed: {  	v22 =	vld.idx.msk [tilespmem:v22+s26+$0x0], $0xffff;
	v19 =	vadd.s32 v63, v19;
	v11 =	vand.u32 $0xFFFFFFF8, v11;
	v12 =	vor.u32 v36, v12  }
0x3ee: {  	v23 =	vld.idx.msk [tilespmem:v23+s26+$0x0], $0xffff;
	v14 =	vmul.f32 v25, v14;
	v19 =	vand.u32 $0xFFFFFFF8, v19;
	v11 =	vor.u32 v36, v11  }
0x3ef: {  	v26 =	vld.idx.msk [tilespmem:v26+s26+$0x0], $0xffff;
	v15 =	vmul.f32 v15, v25;
	v16 =	vmul.f32 v16, v25;
	v19 =	vor.u32 v36, v19  }
0x3f0: {  	v32 =	vor.u32 v36, v32;
	v27 =	vld.idx.msk [tilespmem:v27+s26+$0x0], $0xffff;
	v17 =	vmul.f32 v17, v25;
	v18 =	vmul.f32 v18, v25  }
0x3f1: {  	v33 =	vadd.s32 v59, v20;
	v5 =	vmul.f32 v5, v25;
	v2 =	vmul.f32 v2, v25;
	v25 =	vld.idx.msk [tilespmem:v28+s26+$0x0], $0xffff  }
0x3f2: {  	v20 =	vadd.s32 v63, v20;
	v24 =	vmul.f32 $1.000000000e+01, v3;
	v6 =	vmul.f32 v0, v6;
	v12 =	vld.idx.msk [tilespmem:v12+s26+$0x0], $0xffff  }
0x3f3: {  	v7 =	vmul.f32 v0, v7;
	v28 =	vadd.f32 v16, v8;
	v8 =	vmul.f32 v49, v35;
	v11 =	vld.idx.msk [tilespmem:v11+s26+$0x0], $0xffff  }
0x3f4: {  	v44 =	vadd.f32 v6, v14;
	v14 =	vtrunc.f32 v24;
	v21 =	vmul.f32 v4, v21;
	v19 =	vld.idx.msk [tilespmem:v19+s26+$0x0], $0xffff  }
0x3f5: {  	v33 =	vand.u32 $0xFFFFFFF8, v33;
	v13 =	vld.idx.msk [tilespmem:v13+s26+$0x0], $0xffff;
	v22 =	vmul.f32 v22, v4;
	v23 =	vmul.f32 v23, v4  }
0x3f6: {  	v58 =	vld [tilespmem:s17+$0x0];
	v20 =	vand.u32 $0xFFFFFFF8, v20;
	v48 =	vmul.f32 v26, v4;
	v47 =	vmul.f32 v27, v4  }
0x3f7: {  	v30 =	vld.idx.msk [tilespmem:v30+s26+$0x0], $0xffff;
	v29 =	vadd.f32 v7, v15;
	v6 =	vmul.f32 v49, v25;
	v7 =	vmul.f32 v10, v0  }
0x3f8: {  	v33 =	vor.u32 v36, v33;
	v1 =	vld.idx.msk [tilespmem:v1+s26+$0x0], $0xffff;
	v39 =	vmul.f32 v12, v4;
	v43 =	vmul.f32 v11, v4  }
0x3f9: {  	v3 =	vadd.f32 v8, v22;
	v37 =	vmul.f32 v19, v4;
	v4 =	vmul.f32 v9, v0;
	v9 =	vld.idx.msk [tilespmem:v31+s26+$0x0], $0xffff  }
0x3fa: {  	v10 =	vmul.f32 v13, v0;
	v6 =	vadd.f32 v6, v21;
	v21 =	vadd.f32 $1.000000000e+00, v24  }
0x3fb: {  	v52 =	vadd.f32 v18, v7;
	v27 =	vadd.f32 v17, v4;
	v4 =	vmul.f32 $1.000000000e+01, v58  }
0x3fc: {  	v53 =	vadd.f32 v5, v10;
	v12 =	vor.u32 v36, v20;
	v20 =	vmul.f32 v30, v49  }
0x3fd: {  	v0 =	vmul.f32 v1, v0;
	v1 =	vtrunc.f32 v4;
	v7 =	vadd.f32 $1.000000000e+00, v4  }
0x3fe: {  	v11 =	vor.u32 v36, v34;
	v1 =	vcvt.f32.s32 v1;
	v25 =	vmul.f32 v9, v49  }
0x3ff: {  	v8 =	vadd.f32 v23, v20;
	v9 =	vtrunc.f32 v21;
	v5 =	vtrunc.f32 v7  }
0x400: {  	v7 =	vcvt.s32.f32 v1;
	v5 =	vcvt.f32.s32 v5;
	v1 =	vshll.u32 v1, $0x4  }
0x401: {  	v51 =	vadd.f32 v2, v0;
	v50 =	vcvt.f32.s32 v9;
	v0 =	vor.u32 v41, v1  }
0x402: {  	v26 =	vsub.f32 v4, v7;
	v1 =	vcvt.s32.f32 v5;
	v2 =	vadd.s32 v45, v0  }
0x403: {  	v7 =	vadd.s32 v46, v0;
	v9 =	vadd.s32 v54, v0;
	v10 =	vadd.s32 v62, v0  }
0x404: {  	v22 =	vadd.s32 v63, v0;
	v5 =	vshll.u32 v5, $0x4;
	v34 =	vadd.s32 v61, v0  }
0x405: {  	v35 =	vadd.s32 v59, v0;
	v0 =	vadd.s32 v60, v0;
	v2 =	vand.u32 $0xFFFFFFF8, v2  }
0x406: {  	v7 =	vand.u32 $0xFFFFFFF8, v7;
	v9 =	vand.u32 $0xFFFFFFF8, v9;
	v5 =	vor.u32 v41, v5  }
0x407: {  	v10 =	vand.u32 $0xFFFFFFF8, v10;
	v13 =	vand.u32 $0xFFFFFFF8, v22;
	v16 =	vand.u32 $0xFFFFFFF8, v34  }
0x408: {  	v17 =	vand.u32 $0xFFFFFFF8, v35;
	v0 =	vand.u32 $0xFFFFFFF8, v0;
	v2 =	vor.u32 v36, v2  }
0x409: {  	v7 =	vor.u32 v36, v7;
	v9 =	vor.u32 v36, v9;
	v10 =	vor.u32 v36, v10  }
0x40a: {  	v23 =	vadd.s32 v63, v5;
	v13 =	vor.u32 v36, v13;
	v16 =	vor.u32 v36, v16  }
0x40b: {  	s18 =	simm.s32 $0x0;
	v38 =	vadd.s32 v45, v5;
	v17 =	vor.u32 v36, v17;
	v42 =	vadd.s32 v46, v5  }
0x40c: {  	s7 =	simm.s32 $0x10;
	s6 =	sand.u32 $0x7C00, s18;
	v0 =	vor.u32 v36, v0;
	v55 =	vadd.s32 v54, v5;
	v56 =	vadd.s32 v62, v5  }
0x40d: {  	s7 =	sand.u32 $0x70, s7;
	s6 =	sadd.s32 $0xE000, s6;
	v57 =	vadd.s32 v61, v5;
	v58 =	vadd.s32 v59, v5;
	v5 =	vadd.s32 v60, v5  }
0x40e: {  	s9 =	sor.u32 s7, s6;
	v15 =	vand.u32 $0xFFFFFFF8, v23;
	v18 =	vand.u32 $0xFFFFFFF8, v38;
	v19 =	vand.u32 $0xFFFFFFF8, v42  }
0x40f: {  	v33 =	vld.idx.msk [tilespmem:v33+s26+$0x0], $0xffff;
	[tilespmem:s9+$0x380] =	vst v40;
	v20 =	vand.u32 $0xFFFFFFF8, v55;
	v21 =	vand.u32 $0xFFFFFFF8, v56;
	v22 =	vand.u32 $0xFFFFFFF8, v57  }
0x410: {  	[tilespmem:s9+$0x0] =	vst v44;
	v12 =	vld.idx.msk [tilespmem:v12+s26+$0x0], $0xffff;
	v23 =	vand.u32 $0xFFFFFFF8, v58;
	v38 =	vsub.f32 v1, v4;
	v4 =	vand.u32 $0xFFFFFFF8, v5  }
0x411: {  	s8 =	simm.s32 $0x0;
	[tilespmem:s9+$0x80] =	vst v29;
	v55 =	vld.idx.msk [tilespmem:v32+s26+$0x0], $0xffff;
	v5 =	vcvt.f32.s32 v14;
	v32 =	vshll.u32 v50, $0x4;
	v15 =	vor.u32 v36, v15  }
0x412: {  	s19 =	sand.u32 $0x60, s8;
	v11 =	vld.idx.msk [tilespmem:v11+s26+$0x0], $0xffff;
	v18 =	vor.u32 v36, v18;
	v19 =	vor.u32 v36, v19;
	v20 =	vor.u32 v36, v20  }
0x413: {  	s6 =	sor.u32 s19, s6;
	v21 =	vor.u32 v36, v21;
	v22 =	vor.u32 v36, v22;
	v1 =	vor.u32 v36, v23;
	v13 =	vld.idx.msk [tilespmem:v13+s26+$0x0], $0xffff  }
0x414: {  	[tilespmem:s6+$0x80] =	vst v3;
	v4 =	vor.u32 v36, v4;
	v14 =	vor.u32 v41, v32;
	v34 =	vshll.u32 v5, $0x4;
	v58 =	vld.idx.msk [tilespmem:v2+s26+$0x0], $0xffff  }
0x415: {  	v35 =	vadd.s32 v45, v14;
	v30 =	vadd.s32 v54, v14;
	v3 =	vadd.s32 v59, v14;
	v40 =	vld.idx.msk [tilespmem:v7+s26+$0x0], $0xffff  }
0x416: {  	[tilespmem:s9+$0x200] =	vst v52;
	v23 =	vadd.s32 v60, v14;
	v5 =	vcvt.s32.f32 v5;
	v3 =	vand.u32 $0xFFFFFFF8, v3;
	v15 =	vld.idx.msk [tilespmem:v15+s26+$0x0], $0xffff  }
0x417: {  	[tilespmem:s9+$0x280] =	vst v53;
	v23 =	vand.u32 $0xFFFFFFF8, v23;
	v2 =	vadd.s32 v46, v14;
	v7 =	vadd.s32 v62, v14;
	v42 =	vld.idx.msk [tilespmem:v10+s26+$0x0], $0xffff  }
0x418: {  	v10 =	vadd.s32 v63, v14;
	v44 =	vld.idx.msk [tilespmem:v0+s26+$0x0], $0xffff;
	v3 =	vor.u32 v36, v3;
	v53 =	vor.u32 v36, v23  }
0x419: {  	[tilespmem:s6+$0x0] =	vst v6;
	v2 =	vand.u32 $0xFFFFFFF8, v2;
	v7 =	vand.u32 $0xFFFFFFF8, v7;
	v10 =	vand.u32 $0xFFFFFFF8, v10;
	v18 =	vld.idx.msk [tilespmem:v18+s26+$0x0], $0xffff  }
0x41a: {  	v2 =	vor.u32 v36, v2;
	v52 =	vld.idx.msk [tilespmem:v1+s26+$0x0], $0xffff;
	v1 =	vor.u32 v36, v7;
	v10 =	vor.u32 v36, v10  }
0x41b: {  	v19 =	vld.idx.msk [tilespmem:v19+s26+$0x0], $0xffff;
	v13 =	vmul.f32 v13, v38;
	v6 =	vmul.f32 v15, v26;
	v15 =	vor.u32 v41, v34  }
0x41c: {  	[tilespmem:s6+$0x100] =	vst v8;
	v41 =	vld.idx.msk [tilespmem:v9+s26+$0x0], $0xffff;
	v9 =	vand.u32 $0xFFFFFFF8, v35;
	v35 =	vand.u32 $0xFFFFFFF8, v30;
	v30 =	vsub.f32 v24, v5  }
0x41d: {  	v20 =	vld.idx.msk [tilespmem:v20+s26+$0x0], $0xffff;
	v5 =	vadd.f32 v43, v25;
	v31 =	vadd.s32 v46, v15;
	v56 =	vadd.s32 v61, v15  }
0x41e: {  	v21 =	vld.idx.msk [tilespmem:v21+s26+$0x0], $0xffff;
	v8 =	vadd.s32 v59, v15;
	v57 =	vadd.s32 v60, v15;
	v0 =	vadd.s32 v63, v15  }
0x41f: {  	v22 =	vld.idx.msk [tilespmem:v22+s26+$0x0], $0xffff;
	v9 =	vor.u32 v36, v9;
	v6 =	vadd.f32 v6, v13;
	v13 =	vadd.s32 v61, v14  }
0x420: {  	v14 =	vadd.s32 v45, v15;
	v45 =	vld.idx.msk [tilespmem:v16+s26+$0x0], $0xffff;
	v16 =	vadd.s32 v54, v15;
	v54 =	vadd.s32 v62, v15  }
0x421: {  	[tilespmem:s9+$0x100] =	vst v28;
	v46 =	vld.idx.msk [tilespmem:v17+s26+$0x0], $0xffff;
	v28 =	vand.u32 $0xFFFFFFF8, v31;
	v29 =	vand.u32 $0xFFFFFFF8, v56;
	v8 =	vand.u32 $0xFFFFFFF8, v8  }
0x422: {  	v17 =	vand.u32 $0xFFFFFFF8, v57;
	v0 =	vand.u32 $0xFFFFFFF8, v0;
	v15 =	vor.u32 v36, v35;
	v57 =	vld.idx.msk [tilespmem:v3+s26+$0x0], $0xffff  }
0x423: {  	v35 =	vmul.f32 v19, v26;
	v3 =	vld.idx.msk [tilespmem:v10+s26+$0x0], $0xffff;
	v10 =	vmul.f32 v11, v49;
	v13 =	vand.u32 $0xFFFFFFF8, v13  }
0x424: {  	[tilespmem:s9+$0x180] =	vst v27;
	v4 =	vld.idx.msk [tilespmem:v4+s26+$0x0], $0xffff;
	v14 =	vand.u32 $0xFFFFFFF8, v14;
	v16 =	vand.u32 $0xFFFFFFF8, v16;
	v7 =	vor.u32 v36, v13  }
0x425: {  	[tilespmem:s9+$0x300] =	vst v51;
	v27 =	vand.u32 $0xFFFFFFF8, v54;
	v56 =	vor.u32 v36, v8;
	v8 =	vcvt.s32.f32 v50;
	v50 =	vld.idx.msk [tilespmem:v2+s26+$0x0], $0xffff  }
0x426: {  	v23 =	vor.u32 v36, v28;
	v32 =	vor.u32 v36, v29;
	v31 =	vor.u32 v36, v17;
	v17 =	vld.idx.msk [tilespmem:v1+s26+$0x0], $0xffff  }
0x427: {  	s7 =	simm.s32 $0x100;
	v2 =	vmul.f32 v26, v18;
	v29 =	vor.u32 v36, v0;
	v1 =	vmul.f32 v20, v26;
	v9 =	vld.idx.msk [tilespmem:v9+s26+$0x0], $0xffff  }
0x428: {  	s8 =	simm.s32 $0x30;
	s10 =	sand.u32 $0x7C00, s7;
	v0 =	vmul.f32 v21, v26;
	v28 =	vmul.f32 v22, v26;
	v14 =	vor.u32 v36, v14;
	v15 =	vld.idx.msk [tilespmem:v15+s26+$0x0], $0xffff  }
0x429: {  	s11 =	sand.u32 $0x70, s8;
	s10 =	sadd.s32 $0xE000, s10;
	v16 =	vor.u32 v36, v16;
	v34 =	vor.u32 v36, v27;
	v27 =	vmul.f32 v52, v26;
	v18 =	vld.idx.msk [tilespmem:v7+s26+$0x0], $0xffff  }
0x42a: {  	s11 =	sor.u32 s11, s10;
	[tilespmem:s6+$0x180] =	vst v5;
	v26 =	vmul.f32 v4, v26;
	v24 =	vsub.f32 v8, v24;
	v8 =	vmul.f32 v33, v49  }
0x42b: {  	v54 =	vld.idx.msk [tilespmem:v53+s26+$0x0], $0xffff;
	[tilespmem:s11+$0x380] =	vst v6;
	v5 =	vmul.f32 v50, v30;
	v43 =	vmul.f32 v17, v30  }
0x42c: {  	s21 =	simm.s32 $0x20;
	v25 =	vadd.f32 v47, v10;
	v51 =	vld.idx.msk [tilespmem:v23+s26+$0x0], $0xffff;
	v7 =	vmul.f32 v55, v49;
	v49 =	vmul.f32 v12, v49  }
0x42d: {  	s12 =	sand.u32 $0x60, s21;
	v50 =	vld.idx.msk [tilespmem:v14+s26+$0x0], $0xffff;
	v6 =	vmul.f32 v30, v9;
	v9 =	vadd.f32 v48, v8;
	v8 =	vmul.f32 v38, v58  }
0x42e: {  	s12 =	sor.u32 s12, s10;
	s10 =	simm.s32 $0xC050;
	s9 =	simm.s32 $0x2;
	v52 =	vld.idx.msk [tilespmem:v16+s26+$0x0], $0xffff;
	v7 =	vadd.f32 v39, v7;
	v4 =	vmul.f32 v15, v30;
	v39 =	vmul.f32 v18, v30  }
.LBB2_14:
0x42f: {  	v11 =	vmul.f32 v38, v40  }
0x430: {  	v2 =	vadd.f32 v8, v2;
	v8 =	vmul.f32 v41, v38  }
0x431: {  	v10 =	vld [tilespmem:s10+$0x0];
	v12 =	vadd.f32 v37, v49;
	[tilespmem:s6+$0x200] =	vst v7;
	v37 =	vmul.f32 v3, v30;
	v3 =	vadd.f32 v11, v35  }
0x432: {  	v7 =	vld [tilespmem:s10+$0xFFFFFFF0];
	[tilespmem:s6+$0x280] =	vst v9;
	v11 =	vmul.f32 v42, v38;
	v1 =	vadd.f32 v1, v8;
	v8 =	vmul.f32 v45, v38  }
0x433: {  	v9 =	vld.idx.msk [tilespmem:v34+s26+$0x0], $0xffff;
	v48 =	vmul.f32 v57, v30;
	v47 =	vmul.f32 v54, v30  }
0x434: {  	v58 =	vlaneseq.u32;
	v49 =	vld.idx.msk [tilespmem:v32+s26+$0x0], $0xffff;
	[tilespmem:s11+$0x0] =	vst v2;
	v13 =	vmul.f32 v24, v50;
	v14 =	vmul.f32 v24, v51  }
0x435: {  	v50 =	vld.idx.msk [tilespmem:v56+s26+$0x0], $0xffff;
	v0 =	vadd.f32 v0, v11;
	v11 =	vmul.f32 v46, v38;
	v46 =	vmul.f32 v52, v24  }
0x436: {  	v51 =	vld.idx.msk [tilespmem:v31+s26+$0x0], $0xffff;
	[tilespmem:s6+$0x300] =	vst v25;
	v10 =	vmul.f32 $1.000000000e+01, v10;
	v6 =	vadd.f32 v13, v6;
	v5 =	vadd.f32 v14, v5  }
0x437: {  	v52 =	vld.idx.msk [tilespmem:v29+s26+$0x0], $0xffff;
	[tilespmem:s6+$0x380] =	vst v12;
	s6 =	smov.u32 s12;
	v4 =	vadd.f32 v4, v46;
	v54 =	vmul.f32 $1.000000000e+01, v7;
	v7 =	vmul.f32 v44, v38  }
0x438: {  	v19 =	vld [tilespmem:$0x1FF80];
	v53 =	vmovc v24;
	v56 =	vtrunc.f32 v10;
	v57 =	vadd.f32 $1.000000000e+00, v10;
	[tilespmem:s6+$0x0] =	vst v6;
	v6 =	vadd.f32 v28, v8  }
0x439: {  	v20 =	vld [tilespmem:$0x1FF90];
	v12 =	vcvt.f32.s32 v56;
	[tilespmem:s6+$0x80] =	vst v5;
	v24 =	vmul.f32 v9, v53;
	v8 =	vadd.f32 $1.000000000e+00, v54  }
0x43a: {  	v21 =	vld [tilespmem:$0x1FFA0];
	[tilespmem:s6+$0x100] =	vst v4;
	v4 =	vadd.f32 v27, v11;
	v5 =	vtrunc.f32 v54;
	v9 =	vtrunc.f32 v57  }
0x43b: {  	[tilespmem:s11+$0x80] =	vst v3;
	v2 =	vtrunc.f32 v8;
	v8 =	vcvt.f32.s32 v9;
	v9 =	vshll.u32 v12, $0x4  }
0x43c: {  	[tilespmem:s11+$0x100] =	vst v1;
	v7 =	vadd.f32 v26, v7;
	v26 =	vcvt.f32.s32 v2;
	v2 =	vor.u32 v58, v9  }
0x43d: {  	[tilespmem:s11+$0x180] =	vst v0;
	v11 =	vcvt.s32.f32 v12;
	v1 =	vcvt.s32.f32 v8;
	v3 =	vadd.s32 v19, v2  }
0x43e: {  	[tilespmem:s11+$0x280] =	vst v4;
	v9 =	vadd.s32 v20, v2;
	v4 =	vshll.u32 v8, $0x4;
	v0 =	vand.u32 $0xFFFFFFF8, v3  }
0x43f: {  	[tilespmem:s11+$0x200] =	vst v6;
	v3 =	vadd.s32 v21, v2;
	v6 =	vand.u32 $0xFFFFFFF8, v9;
	v0 =	vor.u32 v36, v0  }
0x440: {  	v9 =	vadd.s32 v63, v2;
	v6 =	vor.u32 v36, v6;
	v3 =	vand.u32 $0xFFFFFFF8, v3  }
0x441: {  	v4 =	vor.u32 v58, v4;
	v8 =	vand.u32 $0xFFFFFFF8, v9;
	v3 =	vor.u32 v36, v3  }
0x442: {  	v57 =	vadd.f32 v43, v24;
	v9 =	vadd.s32 v63, v4;
	v8 =	vor.u32 v36, v8  }
0x443: {  	[tilespmem:s11+$0x300] =	vst v7;
	v55 =	vsub.f32 v10, v11;
	v11 =	vadd.s32 v62, v2;
	v9 =	vand.u32 $0xFFFFFFF8, v9  }
0x444: {  	v7 =	vand.u32 $0xFFFFFFF8, v11;
	v11 =	vadd.s32 v61, v2;
	v9 =	vor.u32 v36, v9;
	v25 =	vld.idx.msk [tilespmem:v0+s26+$0x0], $0xffff  }
0x445: {  	v7 =	vor.u32 v36, v7;
	v0 =	vand.u32 $0xFFFFFFF8, v11;
	v11 =	vadd.s32 v59, v2;
	v40 =	vld.idx.msk [tilespmem:v6+s26+$0x0], $0xffff  }
0x446: {  	v2 =	vadd.s32 v60, v2;
	v0 =	vor.u32 v36, v0;
	v6 =	vand.u32 $0xFFFFFFF8, v11;
	v41 =	vld.idx.msk [tilespmem:v3+s26+$0x0], $0xffff  }
0x447: {  	v23 =	vadd.s32 v62, v4;
	v2 =	vand.u32 $0xFFFFFFF8, v2;
	v8 =	vld.idx.msk [tilespmem:v8+s26+$0x0], $0xffff;
	v3 =	vor.u32 v36, v6  }
0x448: {  	v38 =	vsub.f32 v1, v10;
	v11 =	vadd.s32 v19, v4;
	v2 =	vor.u32 v36, v2  }
0x449: {  	v12 =	vand.u32 $0xFFFFFFF8, v23;
	v6 =	vand.u32 $0xFFFFFFF8, v11;
	v11 =	vadd.s32 v20, v4;
	v9 =	vld.idx.msk [tilespmem:v9+s26+$0x0], $0xffff  }
0x44a: {  	v12 =	vor.u32 v36, v12;
	v42 =	vld.idx.msk [tilespmem:v7+s26+$0x0], $0xffff;
	v7 =	vand.u32 $0xFFFFFFF8, v11;
	v11 =	vadd.s32 v21, v4  }
0x44b: {  	v6 =	vor.u32 v36, v6;
	v7 =	vor.u32 v36, v7;
	v11 =	vand.u32 $0xFFFFFFF8, v11;
	v45 =	vld.idx.msk [tilespmem:v0+s26+$0x0], $0xffff  }
0x44c: {  	v11 =	vor.u32 v36, v11;
	v0 =	vadd.s32 v61, v4;
	v8 =	vmul.f32 v8, v38;
	v46 =	vld.idx.msk [tilespmem:v3+s26+$0x0], $0xffff  }
0x44d: {  	v0 =	vand.u32 $0xFFFFFFF8, v0;
	v3 =	vadd.s32 v59, v4;
	v44 =	vld.idx.msk [tilespmem:v2+s26+$0x0], $0xffff;
	v2 =	vadd.s32 v60, v4  }
0x44e: {  	v4 =	vcvt.f32.s32 v5;
	v5 =	vshll.u32 v26, $0x4;
	v9 =	vmul.f32 v9, v55  }
0x44f: {  	v0 =	vor.u32 v36, v0;
	v3 =	vand.u32 $0xFFFFFFF8, v3;
	v2 =	vand.u32 $0xFFFFFFF8, v2  }
0x450: {  	v5 =	vor.u32 v58, v5;
	v3 =	vor.u32 v36, v3;
	v2 =	vor.u32 v36, v2  }
0x451: {  	v1 =	vld.idx.msk [tilespmem:v6+s26+$0x0], $0xffff;
	v10 =	vshll.u32 v4, $0x4;
	v32 =	vadd.s32 v20, v5;
	v33 =	vadd.s32 v21, v5  }
0x452: {  	v6 =	vld.idx.msk [tilespmem:v7+s26+$0x0], $0xffff;
	v16 =	vadd.s32 v59, v5;
	v17 =	vadd.s32 v60, v5;
	v4 =	vcvt.s32.f32 v4  }
0x453: {  	v7 =	vld.idx.msk [tilespmem:v11+s26+$0x0], $0xffff;
	v11 =	vadd.s32 v19, v5;
	v10 =	vor.u32 v58, v10;
	v13 =	vand.u32 $0xFFFFFFF8, v32  }
0x454: {  	v14 =	vand.u32 $0xFFFFFFF8, v33;
	v16 =	vand.u32 $0xFFFFFFF8, v16;
	v17 =	vand.u32 $0xFFFFFFF8, v17  }
0x455: {  	v11 =	vand.u32 $0xFFFFFFF8, v11;
	v34 =	vadd.s32 v21, v10;
	v35 =	vadd.s32 v62, v10  }
0x456: {  	v56 =	vadd.s32 v61, v10;
	v22 =	vadd.s32 v59, v10;
	v23 =	vadd.s32 v60, v10  }
0x457: {  	v13 =	vor.u32 v36, v13;
	v14 =	vor.u32 v36, v14;
	v16 =	vor.u32 v36, v16  }
0x458: {  	v17 =	vor.u32 v36, v17;
	v30 =	vsub.f32 v54, v4;
	v21 =	vand.u32 $0xFFFFFFF8, v56  }
0x459: {  	s7 =	sadd.s32 $0x100, s7;
	v22 =	vand.u32 $0xFFFFFFF8, v22;
	v11 =	vor.u32 v36, v11;
	v15 =	vld.idx.msk [tilespmem:v0+s26+$0x0], $0xffff;
	v0 =	vadd.f32 v9, v8  }
0x45a: {  	s8 =	sadd.s32 $0x20, s8;
	s18 =	sand.u32 $0x7C00, s7;
	v12 =	vld.idx.msk [tilespmem:v12+s26+$0x0], $0xffff;
	v8 =	vadd.s32 v62, v5;
	v9 =	vadd.s32 v61, v5;
	v5 =	vadd.s32 v63, v5  }
0x45b: {  	s21 =	sand.u32 $0x70, s8;
	s17 =	sadd.s32 $0xE000, s18;
	v32 =	vor.u32 v36, v21;
	v18 =	vld.idx.msk [tilespmem:v2+s26+$0x0], $0xffff;
	v2 =	vadd.s32 v20, v10;
	v8 =	vand.u32 $0xFFFFFFF8, v8  }
0x45c: {  	s11 =	sor.u32 s21, s17;
	v3 =	vld.idx.msk [tilespmem:v3+s26+$0x0], $0xffff;
	v9 =	vand.u32 $0xFFFFFFF8, v9;
	v5 =	vand.u32 $0xFFFFFFF8, v5;
	v20 =	vand.u32 $0xFFFFFFF8, v35  }
0x45d: {  	v35 =	vmul.f32 v6, v55;
	[tilespmem:s11+$0x380] =	vst v0;
	v0 =	vadd.s32 v19, v10;
	v8 =	vor.u32 v36, v8  }
0x45e: {  	v10 =	vadd.s32 v63, v10;
	v2 =	vand.u32 $0xFFFFFFF8, v2;
	v9 =	vor.u32 v36, v9  }
0x45f: {  	v19 =	vand.u32 $0xFFFFFFF8, v34;
	v5 =	vor.u32 v36, v5;
	v34 =	vor.u32 v36, v20;
	v14 =	vld.idx.msk [tilespmem:v14+s26+$0x0], $0xffff  }
0x460: {  	v0 =	vand.u32 $0xFFFFFFF8, v0;
	v10 =	vand.u32 $0xFFFFFFF8, v10;
	v58 =	vor.u32 v36, v2;
	v11 =	vld.idx.msk [tilespmem:v11+s26+$0x0], $0xffff  }
0x461: {  	v19 =	vor.u32 v36, v19;
	v2 =	vmul.f32 v55, v1;
	v29 =	vor.u32 v36, v10;
	v10 =	vld.idx.msk [tilespmem:v13+s26+$0x0], $0xffff  }
0x462: {  	v1 =	vmul.f32 v7, v55;
	v33 =	vor.u32 v36, v0;
	v0 =	vcvt.s32.f32 v26;
	v8 =	vld.idx.msk [tilespmem:v8+s26+$0x0], $0xffff  }
0x463: {  	s9 =	sadd.s32 $0x2, s9;
	v23 =	vand.u32 $0xFFFFFFF8, v23;
	v7 =	vmul.f32 v49, v53;
	v49 =	vmul.f32 v52, v53;
	v20 =	vld.idx.msk [tilespmem:v9+s26+$0x0], $0xffff;
	[tilespmem:s6+$0x180] =	vst v57  }
0x464: {  	p0 =	slt.u32 s9, $0xFE;
	v28 =	vmul.f32 v15, v55;
	v24 =	vsub.f32 v0, v54;
	v0 =	vmul.f32 v12, v55;
	v57 =	vld.idx.msk [tilespmem:v16+s26+$0x0], $0xffff  }
.Ltmp6:
0x465: {  	v56 =	vor.u32 v36, v22;
	v27 =	vmul.f32 v3, v55;
	v26 =	vmul.f32 v18, v55;
	v54 =	vld.idx.msk [tilespmem:v17+s26+$0x0], $0xffff;
	(pc) =	sbr.rel @p0 .LBB2_14-.Ltmp6, $4  }
0x466: {  	v31 =	vor.u32 v36, v23;
	v9 =	vmul.f32 v50, v53;
	v3 =	vld.idx.msk [tilespmem:v5+s26+$0x0], $0xffff;
	v4 =	vmul.f32 v14, v30  }
0x467: {  	s19 =	sadd.s32 $0xFFFFFFF0, s8;
	v7 =	vadd.f32 v39, v7;
	v52 =	vld.idx.msk [tilespmem:v19+s26+$0x0], $0xffff;
	v5 =	vmul.f32 v10, v30;
	v10 =	vmul.f32 v51, v53  }
0x468: {  	s12 =	sand.u32 $0x60, s19;
	v6 =	vmul.f32 v30, v11;
	v50 =	vld.idx.msk [tilespmem:v33+s26+$0x0], $0xffff;
	v9 =	vadd.f32 v48, v9;
	v43 =	vmul.f32 v8, v30  }
0x469: {  	s10 =	sadd.s32 $0x20, s10;
	s12 =	sor.u32 s12, s17;
	v51 =	vld.idx.msk [tilespmem:v58+s26+$0x0], $0xffff;
	v39 =	vmul.f32 v20, v30;
	v8 =	vmul.f32 v38, v25;
	v25 =	vadd.f32 v47, v10  }
0x46a: {  	[tilespmem:s6+$0x200] =	vst v7  }
0x46b: {  	v12 =	vadd.f32 v37, v49;
	[tilespmem:s6+$0x280] =	vst v9;
	v47 =	vmul.f32 v41, v38  }
0x46c: {  	[tilespmem:s6+$0x300] =	vst v25;
	v2 =	vadd.f32 v8, v2;
	v8 =	vmul.f32 v42, v38  }
0x46d: {  	[tilespmem:s6+$0x380] =	vst v12;
	v12 =	vmul.f32 v38, v40;
	v1 =	vadd.f32 v1, v47  }
0x46e: {  	v10 =	vld.idx.msk [tilespmem:v34+s26+$0x0], $0xffff;
	v11 =	vmul.f32 v24, v50;
	[tilespmem:s11+$0x0] =	vst v2;
	v0 =	vadd.f32 v0, v8  }
0x46f: {  	v34 =	vld.idx.msk [tilespmem:v32+s26+$0x0], $0xffff;
	v50 =	vmul.f32 v46, v38;
	v48 =	vadd.f32 v12, v35;
	[tilespmem:s11+$0x100] =	vst v1  }
0x470: {  	v9 =	vld.idx.msk [tilespmem:v56+s26+$0x0], $0xffff;
	v13 =	vmul.f32 v24, v51;
	v6 =	vadd.f32 v11, v6;
	[tilespmem:s11+$0x180] =	vst v0  }
0x471: {  	v14 =	vld.idx.msk [tilespmem:v31+s26+$0x0], $0xffff;
	v51 =	vmul.f32 v44, v38;
	v2 =	vadd.f32 v27, v50;
	[tilespmem:s11+$0x80] =	vst v48  }
0x472: {  	v15 =	vld.idx.msk [tilespmem:v29+s26+$0x0], $0xffff;
	v11 =	vmul.f32 v52, v24;
	v5 =	vadd.f32 v13, v5;
	[tilespmem:s12+$0x0] =	vst v6  }
0x473: {  	v52 =	vmul.f32 v10, v24;
	v53 =	vadd.f32 v26, v51;
	[tilespmem:s11+$0x280] =	vst v2  }
0x474: {  	v55 =	vmul.f32 v34, v24;
	v4 =	vadd.f32 v4, v11;
	[tilespmem:s12+$0x80] =	vst v5  }
0x475: {  	v56 =	vmul.f32 v57, v30;
	v57 =	vmul.f32 v9, v24;
	v1 =	vadd.f32 v43, v52;
	[tilespmem:s11+$0x300] =	vst v53  }
0x476: {  	v49 =	vmul.f32 v45, v38;
	v59 =	vadd.f32 v39, v55;
	[tilespmem:s12+$0x100] =	vst v4  }
0x477: {  	v3 =	vmul.f32 v3, v30;
	v62 =	vmul.f32 v15, v24;
	v61 =	vadd.f32 v56, v57;
	[tilespmem:s12+$0x180] =	vst v1  }
0x478: {  	v58 =	vmul.f32 v54, v30;
	v60 =	vmul.f32 v14, v24;
	v4 =	vadd.f32 v28, v49;
	[tilespmem:s12+$0x200] =	vst v59  }
0x479: {  	v63 =	vadd.f32 v3, v62;
	[tilespmem:s12+$0x280] =	vst v61  }
0x47a: {  	[tilespmem:s11+$0x200] =	vst v4;
	v4 =	vadd.f32 v58, v60  }
0x47b: {  	[tilespmem:s12+$0x380] =	vst v63  }
0x47c: {  	[tilespmem:s12+$0x300] =	vst v4  }
0x47d: {  	s6 =	rddreg [dreg:$0xb]  }
0x47e: {  	[hbm4b:s6+s3] =	stream.linear.scatter [tilespmem:s28], [sflag:$0x1], $0x8000, $0x38;
	[tilespmem:$0x1E000] =	vst v63  }
0x47f: {  	s19 =	rddreg [dreg:$0xa]  }
0x480: {  	[tilespmem:s23], [sflag:$0x3] =	stream.linear.gather [hbm4b:s19+s3], $0x1000, $0x38;
	[tilespmem:$0x1E000] =	vst v63  }
0x481: {  	_ =	swait.ge [sflag:s25], $0x1000  }
0x482: {  	[sflag:s25] =	ssyncset.done $0x0  }
0x483: {  	[sflag:s25] =	ssyncadd.s32 $0xFFFFF000  }
0x484: {  	_ =	swait.ge [sflag:s29], $0x1000  }
0x485: {  	[sflag:s29] =	ssyncset.done $0x0  }
0x486: {  	[sflag:s29] =	ssyncadd.s32 $0xFFFFF000  }
0x487: {  	_ =	swait.ge [sflag:s31], $0x8000  }
0x488: {  	[sflag:s31] =	ssyncset.done $0x0  }
0x489: {  	[sflag:s31] =	ssyncadd.s32 $0xFFFF8000  }
0x48a: {  	_ =	swait.ge [sflag:s1], $0x8000  }
0x48b: {  	s0 =	sadd.s32 $0x1, s0;
	s21 =	rddreg [dreg:$0xc]  }
0x48c: {  	v15 =	vld [tilespmem:$0x1FED0];
	p0 =	sne.s32 s0, s21  }
.Ltmp7:
0x48d: {  	v21 =	vld [tilespmem:$0x1FEE0];
	(pc) =	sbr.rel @p0 .LBB2_1-.Ltmp7, $4  }
0x48e: {  	v17 =	vimm.s32 $0x4;
	v18 =	vimm.s32 $0x5;
	v16 =	vld [tilespmem:$0x1FEF0]  }
0x48f: {  	v19 =	vimm.s32 $0x6;
	v20 =	vimm.s32 $0x9;
	v25 =	vimm.s32 $0x8;
	v22 =	vld [tilespmem:$0x1FF00]  }
0x490: {  	v12 =	vimm.s32 $0x1;
	v14 =	vimm.s32 $0x3;
	v24 =	vimm.s32 $0x7;
	[sflag:s1] =	ssyncset.done $0x0;
	v23 =	vld [tilespmem:$0x1FF10]  }
0x491: {  	v13 =	vimm.s32 $0x2;
	v26 =	vimm.s32 $0xA;
	v11 =	vimm.s32 $0x0;
	v33 =	vld [tilespmem:$0x1FF20];
	[sflag:s1] =	ssyncadd.s32 $0xFFFF8000  }
0x492: {  	_ =	sfence.sel $0x180000  }
0x493: {  	[bflag:$0x0] =	sbarrier.arrive $0xFFFF  }
0x494: {  	_ =	strace $0x90000047  }
0x495: {  	s0 =	stileid.u32;
	[bflag:$0x2] =	sbarrier.arrive $0xFFFF  }
0x496: {  	p0 =	sne.s32 s0, $0x0;
	s0 =	rddreg [dreg:$0x2]  }
0x497: {  	s0 =	sadd.s32 @!p0 $0x100000, s0  }
0x498: {  	[sflag:s0] =	ssyncadd.tile.s32 @!p0 $0x1;
	_ =	shalt  }
.Lfunc_end2:
_tile_overlayer_lowered:
.L_overlay_start_2:
0x499: {  	(tag) =	ssettag $0x2  }
0x49a: {  	s0 =	rddreg [dreg:$0x0];
	s2 =	stileid.u32  }
0x49b: {  	s1 =	rddreg [dreg:$0x1];
	p0 =	sne.s32 s2, $0x0  }
0x49c: {  	s3 =	rddreg [dreg:$0x2];
	[bflag:$0x3] =	sbarrier.arrive $0xFFFF;
	s2 =	simm.s32 @!p0 $0x1C05  }
0x49d: {  	[timem:s3], [sflag:s2] =	dma.local @!p0 [hbm:s0], s1  }
0x49e: {  	s0 =	simm.s32 @!p0 $0x5  }
0x49f: {  	_ =	swait.ge @!p0 [sflag:s0], s1  }
0x4a0: {  	s1 =	ssub.s32 @!p0 $0x0, s1;
	[sflag:s0] =	ssyncset.done @!p0 $0x0  }
0x4a1: {  	[sflag:s0] =	ssyncadd.s32 @!p0 s1  }
0x4a2: {  	[bflag:$0x3] =	sbarrier.arrive $0xFFFF  }
0x4a3: {  	_ =	shalt  }

</sc_bundles>
